<compile_context>
chip_gen: v7x
topology: tpu7x:2x2x1
jax: 0.10.2.dev20260603
libtpu: 0.0.44.dev20260713+nightly
codegen_flags: <defaults>
</compile_context>

<pallas_src>
import functools

import jax
import jax.numpy as jnp
import numpy as np
from jax import lax
from jax.experimental import pallas as pl
from jax.experimental.pallas import tpu as pltpu
from jax.experimental.pallas import tpu_sc as plsc

_SA_CFG = [
    (1024, 0.1, 32, (32, 32, 64)),
    (256, 0.2, 32, (64, 64, 128)),
    (64, 0.4, 32, (128, 128, 256)),
    (16, 0.8, 32, (256, 256, 512)),
]
_NSAMPLE = 32
_BN_EPS = 1e-5


def _round_up(x, m):
    return (x + m - 1) // m * m


def _fps_body(x_ref, y_ref, z_ref, idx_ref, cx_ref, cy_ref, cz_ref, dist_ref):
    B, N = x_ref.shape
    S = idx_ref.shape[0]
    iotaf = lax.broadcasted_iota(jnp.int32, (B, N), 1).astype(jnp.float32)
    eye = jnp.eye(B, dtype=jnp.float32)
    x = x_ref[...]
    y = y_ref[...]
    z = z_ref[...]
    dist_ref[...] = jnp.full((B, N), 1e10, dtype=jnp.float32)

    def to_row(col):
        return jnp.sum(col * eye, axis=0, keepdims=True)

    def step(s, far):
        onehot = iotaf == far
        cx = jnp.sum(jnp.where(onehot, x, 0.0), axis=1, keepdims=True)
        cy = jnp.sum(jnp.where(onehot, y, 0.0), axis=1, keepdims=True)
        cz = jnp.sum(jnp.where(onehot, z, 0.0), axis=1, keepdims=True)
        dx = x - cx
        dy = y - cy
        dz = z - cz
        d = dx * dx + dy * dy + dz * dz
        dist = jnp.minimum(dist_ref[...], d)
        dist_ref[...] = dist
        mx = jnp.max(dist, axis=1, keepdims=True)
        new_far = jnp.min(jnp.where(dist == mx, iotaf, float(N)), axis=1,
                          keepdims=True)
        idx_ref[pl.ds(s, 1), :] = to_row(far)
        cx_ref[pl.ds(s, 1), :] = to_row(cx)
        cy_ref[pl.ds(s, 1), :] = to_row(cy)
        cz_ref[pl.ds(s, 1), :] = to_row(cz)
        return new_far

    lax.fori_loop(0, S, step, jnp.zeros((B, 1), jnp.float32))


def _fps(x, y, z, npoint):
    B, N = x.shape
    return pl.pallas_call(
        _fps_body,
        out_shape=[
            jax.ShapeDtypeStruct((npoint, B), jnp.float32),
            jax.ShapeDtypeStruct((npoint, B), jnp.float32),
            jax.ShapeDtypeStruct((npoint, B), jnp.float32),
            jax.ShapeDtypeStruct((npoint, B), jnp.float32),
        ],
        scratch_shapes=[pltpu.VMEM((B, N), jnp.float32)],
    )(x, y, z)


def _bq_body(rr, N, SB, K, xyzt_ref, nc_ref, idx_ref):
    b = pl.program_id(0)
    nc = nc_ref[...]
    xyzt = xyzt_ref[0]
    p = jnp.dot(nc, xyzt, preferred_element_type=jnp.float32)
    s2 = jnp.sum(nc * nc, axis=1, keepdims=True)
    t2 = jnp.sum(xyzt * xyzt, axis=0, keepdims=True)
    d = -2.0 * p
    d = d + s2
    d = d + t2
    valid = jnp.logical_not(d > rr)
    iotaf = lax.broadcasted_iota(jnp.int32, (SB, N), 1).astype(jnp.float32)
    vcount = jnp.sum(jnp.where(valid, 1.0, 0.0), axis=1, keepdims=True)
    kmax = jnp.minimum(jnp.max(vcount), float(K))
    masked_iota = jnp.where(valid, iotaf, float(N))

    kiof = lax.broadcasted_iota(jnp.int32, (SB, K), 1).astype(jnp.float32)

    def cond(c):
        return c[0] < kmax

    def body(c):
        k, prev, acc = c
        selk = jnp.min(jnp.where(masked_iota > prev, masked_iota, float(N)),
                       axis=1, keepdims=True)
        acc = jnp.where(kiof == k, selk, acc)
        return k + 1.0, selk, acc

    _, _, acc = lax.while_loop(
        cond, body,
        (jnp.float32(0.0), jnp.full((SB, 1), -1.0, jnp.float32),
         jnp.zeros((SB, K), jnp.float32)))
    sel0 = acc[:, 0:1]
    vc = jnp.minimum(vcount, float(K))
    res = jnp.where(kiof < vc, acc, jnp.broadcast_to(sel0, (SB, K)))
    res = jnp.minimum(res, float(N - 1))
    idx_ref[0, :, :] = res + jnp.float32(N) * b.astype(jnp.float32)


def _ball_query(radius, xyzT, ncflat):
    B, _, N = xyzT.shape
    S = ncflat.shape[0] // B
    SB = min(256, S)
    K = _NSAMPLE
    rr = radius * radius
    nsb = S // SB
    grid = (B, nsb)
    return pl.pallas_call(
        functools.partial(_bq_body, rr, N, SB, K),
        grid=grid,
        in_specs=[
            pl.BlockSpec((1, 3, N), lambda b, s: (b, 0, 0)),
            pl.BlockSpec((SB, 3), lambda b, s: (b * nsb + s, 0)),
        ],
        out_specs=pl.BlockSpec((1, SB, K), lambda b, s: (b, s, 0)),
        out_shape=jax.ShapeDtypeStruct((B, S, K), jnp.float32),
    )(xyzT, ncflat)


def _sc_gather(table, gidx, Dpad):
    R = gidx.shape[0]
    NW = 32
    per_w = R // NW
    chunk = per_w
    while 2 * chunk * (Dpad + 1) > 100000:
        chunk //= 2
    iters = per_w // chunk
    mesh = plsc.VectorSubcoreMesh(core_axis_name="c", subcore_axis_name="s")

    @functools.partial(
        pl.kernel,
        mesh=mesh,
        out_type=jax.ShapeDtypeStruct((R, Dpad), jnp.float32),
        compiler_params=pltpu.CompilerParams(use_tc_tiling_on_sc=False),
        scratch_types=[
            pltpu.VMEM((2, chunk), jnp.int32),
            pltpu.VMEM((2, chunk, Dpad), jnp.float32),
            pltpu.SemaphoreType.DMA,
            pltpu.SemaphoreType.DMA,
        ],
    )
    def gather_kernel(table_hbm, idx_hbm, out_hbm, idx_v, rows_v, gsem, wsem):
        wid = lax.axis_index("s") * 2 + lax.axis_index("c")
        base = wid * per_w

        gathers = [None] * iters
        wb = [None] * iters
        for j in range(iters):
            off = base + j * chunk
            sl = j % 2
            pltpu.sync_copy(idx_hbm.at[pl.ds(off, chunk)], idx_v.at[sl])
            if j >= 2:
                wb[j - 2].wait()
            gathers[j] = pltpu.async_copy(table_hbm.at[idx_v.at[sl]],
                                          rows_v.at[sl], gsem)
            if j > 0:
                gathers[j - 1].wait()
                poff = base + (j - 1) * chunk
                wb[j - 1] = pltpu.async_copy(
                    rows_v.at[(j - 1) % 2], out_hbm.at[pl.ds(poff, chunk)],
                    wsem)
        gathers[iters - 1].wait()
        loff = base + (iters - 1) * chunk
        wb[iters - 1] = pltpu.async_copy(
            rows_v.at[(iters - 1) % 2], out_hbm.at[pl.ds(loff, chunk)], wsem)
        wb[iters - 1].wait()
        if iters >= 2:
            wb[iters - 2].wait()

    return gather_kernel(table, gidx)


def _mlp_fused_body(M, P, K, C1, C2, C3, x_ref, nc_ref,
                    w1_ref, b1_ref, ga1_ref, be1_ref,
                    w2_ref, b2_ref, ga2_ref, be2_ref,
                    w3_ref, b3_ref, ga3_ref, be3_ref,
                    out_ref, st1_ref, st2_ref, st3_ref):
    r = pl.program_id(0)
    i = pl.program_id(1)
    SB, Dpad = nc_ref.shape
    KP = K // P

    def matmul(a, w_ref, b_ref):
        return jnp.dot(a, w_ref[...],
                       preferred_element_type=jnp.float32) + b_ref[0, :][None, :]

    def normrelu(u, st_ref, ga_ref, be_ref):
        mu = st_ref[0:1, :] / M
        var = st_ref[1:2, :] / M - mu * mu
        sc = ga_ref[0:1, :] * lax.rsqrt(var + _BN_EPS)
        sh = be_ref[0:1, :] - mu * sc
        if P > 1:
            sc = jnp.concatenate([sc] * P, axis=1)
            sh = jnp.concatenate([sh] * P, axis=1)
        return jnp.maximum(u * sc + sh, 0.0)

    def accum(st_ref, y, C):
        @pl.when(i == 0)
        def _():
            st_ref[...] = jnp.zeros_like(st_ref)

        su = jnp.sum(y, axis=0)[None, :]
        sq = jnp.sum(y * y, axis=0)[None, :]
        if P > 1:
            su = sum(su[:, j * C:(j + 1) * C] for j in range(P))
            sq = sum(sq[:, j * C:(j + 1) * C] for j in range(P))
        st_ref[0:1, :] = st_ref[0:1, :] + su
        st_ref[1:2, :] = st_ref[1:2, :] + sq

    nc = nc_ref[...]
    ncr = jnp.broadcast_to(nc[:, None, :], (SB, KP, Dpad)).reshape(SB * KP, Dpad)
    if P > 1:
        ncr = jnp.concatenate([ncr] * P, axis=1)
    g = x_ref[...] - ncr
    u1 = matmul(g, w1_ref, b1_ref)

    @pl.when(r == 0)
    def _():
        accum(st1_ref, u1, C1)

    @pl.when(r == 1)
    def _():
        u2 = matmul(normrelu(u1, st1_ref, ga1_ref, be1_ref), w2_ref, b2_ref)
        accum(st2_ref, u2, C2)

    @pl.when(r == 2)
    def _():
        u2 = matmul(normrelu(u1, st1_ref, ga1_ref, be1_ref), w2_ref, b2_ref)
        u3 = matmul(normrelu(u2, st2_ref, ga2_ref, be2_ref), w3_ref, b3_ref)
        accum(st3_ref, u3, C3)

    @pl.when(r == 3)
    def _():
        u2 = matmul(normrelu(u1, st1_ref, ga1_ref, be1_ref), w2_ref, b2_ref)
        u3 = matmul(normrelu(u2, st2_ref, ga2_ref, be2_ref), w3_ref, b3_ref)
        z3 = normrelu(u3, st3_ref, ga3_ref, be3_ref)
        zm = jnp.max(z3.reshape(SB, KP, P * C3), axis=1)
        if P > 1:
            zm = functools.reduce(
                jnp.maximum,
                [zm[:, j * C3:(j + 1) * C3] for j in range(P)])
        out_ref[...] = zm


def _blockdiag(W, P):
    if P == 1:
        return W
    a, b = W.shape
    out = jnp.zeros((P * a, P * b), jnp.float32)
    for j in range(P):
        out = out.at[j * a:(j + 1) * a, j * b:(j + 1) * b].set(W)
    return out


def _mlp_stack(grouped, newc_pad, layer_params, Dpad, BS):
    K = _NSAMPLE
    M = float(BS * K)
    P = {16: 4, 80: 2}.get(Dpad, 1)
    SB = min(512 if Dpad <= 16 else 256, BS)
    nb = BS // SB
    RB = SB * K // P
    x2 = grouped.reshape(BS * K // P, P * Dpad)

    (W1, b1, g1, be1), (W2, b2, g2, be2), (W3, b3, g3, be3) = layer_params
    W1p = jnp.zeros((Dpad, W1.shape[1]), jnp.float32).at[: W1.shape[0], :].set(W1)
    C1, C2, C3 = W1.shape[1], W2.shape[1], W3.shape[1]

    tile = lambda v: jnp.concatenate([v.reshape(1, -1)] * P, axis=1)
    row = lambda v: v.reshape(1, -1)
    whole = lambda a, b: pl.BlockSpec((a, b), lambda r, i: (0, 0))
    out = pl.pallas_call(
        functools.partial(_mlp_fused_body, M, P, K, C1, C2, C3),
        grid=(4, nb),
        in_specs=[
            pl.BlockSpec((RB, P * Dpad), lambda r, i: (i, 0)),
            pl.BlockSpec((SB, Dpad), lambda r, i: (i, 0)),
            whole(P * Dpad, P * C1), whole(1, P * C1),
            whole(1, C1), whole(1, C1),
            whole(P * C1, P * C2), whole(1, P * C2),
            whole(1, C2), whole(1, C2),
            whole(P * C2, P * C3), whole(1, P * C3),
            whole(1, C3), whole(1, C3),
        ],
        out_specs=pl.BlockSpec((SB, C3), lambda r, i: (i, 0)),
        out_shape=jax.ShapeDtypeStruct((BS, C3), jnp.float32),
        scratch_shapes=[
            pltpu.VMEM((8, C1), jnp.float32),
            pltpu.VMEM((8, C2), jnp.float32),
            pltpu.VMEM((8, C3), jnp.float32),
        ],
    )(x2, newc_pad, _blockdiag(W1p, P), tile(b1), row(g1), row(be1),
      _blockdiag(W2, P), tile(b2), row(g2), row(be2),
      _blockdiag(W3, P), tile(b3), row(g3), row(be3))
    return out


def kernel(input_data, params):
    B, N0, _ = input_data.shape
    x = input_data[:, :, 0]
    y = input_data[:, :, 1]
    z = input_data[:, :, 2]
    feats = input_data

    coords = [jnp.stack([x, y, z], axis=-1)]
    data = [input_data]

    plan = []
    for li, (S, radius, nsample, mlp) in enumerate(_SA_CFG):
        _, N = x.shape
        _idxf, cxT, cyT, czT = _fps(x, y, z, S)
        nx, ny, nz = cxT.T, cyT.T, czT.T
        newc = jnp.stack([nx, ny, nz], axis=-1).reshape(B * S, 3)
        xyzT = jnp.stack([x, y, z], axis=1)

        gidxf = _ball_query(radius, xyzT, newc)
        gidx = gidxf.astype(jnp.int32).reshape(-1)
        plan.append((S, N, gidx, newc))
        coords.append(jnp.stack([nx, ny, nz], axis=-1))
        x, y, z = nx, ny, nz

    for li, (S, N, gidx, newc) in enumerate(plan):
        C = feats.shape[-1]
        D = 3 + C
        Dpad = _round_up(D, 16)
        table = jnp.concatenate([coords[li], feats], axis=-1)
        table = jnp.pad(table, ((0, 0), (0, 0), (0, Dpad - D)))
        table_flat = table.reshape(B * N, Dpad)

        grouped = _sc_gather(table_flat, gidx, Dpad)

        newc_pad = jnp.pad(newc, ((0, 0), (0, Dpad - 3)))
        out = _mlp_stack(grouped, newc_pad, params[li], Dpad, B * S)

        feats = out.reshape(B, S, -1)
        data.append(feats)

    return tuple(coords), tuple(data)

# --- scband reference (transcript-rebuilt; emitter-appended) ---
"""Pipeline reference for scband-point-net-backbone-27290222199374 (READ-ONLY COPY).

The authoritative reference and input builder live on the scoring server;
editing this copy changes nothing except your own understanding.
"""

import jax, jax.numpy as jnp
import numpy as np

MIN_RADIUS = 0.1
SA_CONFIGS = [
    (1024, MIN_RADIUS, 32, [32, 32, 64]),
    (256, 2 * MIN_RADIUS, 32, [64, 64, 128]),
    (64, 4 * MIN_RADIUS, 32, [128, 128, 256]),
    (16, 8 * MIN_RADIUS, 32, [256, 256, 512]),
]
IN_CHANNELS = [9 + 3, 64 + 3, 128 + 3, 256 + 3]


def square_distance(src, dst):
    d = -2.0 * jnp.einsum('bnc,bmc->bnm', src, dst)
    d = d + jnp.sum(src ** 2, axis=-1)[:, :, None]
    d = d + jnp.sum(dst ** 2, axis=-1)[:, None, :]
    return d


def index_points(points, idx):
    B = points.shape[0]
    idx_shape = idx.shape
    idx_flat = idx.reshape(B, -1)
    out = jnp.take_along_axis(points, idx_flat[..., None], axis=1)
    return out.reshape(idx_shape + (points.shape[-1],))


def farthest_point_sample(xyz, npoint):
    B, N, _ = xyz.shape

    def body(carry, _):
        dist, farthest = carry
        centroid = jnp.take_along_axis(xyz, farthest[:, None, None], axis=1)
        d = jnp.sum((xyz - centroid) ** 2, axis=-1)
        dist = jnp.minimum(dist, d)
        new_far = jnp.argmax(dist, axis=-1).astype(jnp.int32)
        return (dist, new_far), farthest

    init = (jnp.full((B, N), 1e10, dtype=xyz.dtype), jnp.zeros((B,), dtype=jnp.int32))
    _, idx = jax.lax.scan(body, init, None, length=npoint)
    return jnp.transpose(idx)


def query_ball_point(radius, nsample, xyz, new_xyz):
    B, N, _ = xyz.shape
    S = new_xyz.shape[1]
    sqrdists = square_distance(new_xyz, xyz)
    group_idx = jnp.broadcast_to(jnp.arange(N, dtype=jnp.int32), (B, S, N))
    group_idx = jnp.where(sqrdists > radius * radius, N, group_idx)
    group_idx = jnp.sort(group_idx, axis=-1)[:, :, :nsample]
    group_first = group_idx[:, :, 0:1]
    group_idx = jnp.where(group_idx == N, jnp.broadcast_to(group_first, group_idx.shape), group_idx)
    return group_idx


def sample_and_group(npoint, radius, nsample, xyz, points):
    fps_idx = farthest_point_sample(jax.lax.stop_gradient(xyz), npoint)
    new_xyz = index_points(xyz, fps_idx)
    idx = query_ball_point(radius, nsample, xyz, new_xyz)
    grouped_xyz = index_points(xyz, idx)
    grouped_xyz_norm = grouped_xyz - new_xyz[:, :, None, :]
    grouped_points = index_points(points, idx)
    new_points = jnp.concatenate([grouped_xyz_norm, grouped_points], axis=-1)
    return new_xyz, new_points


def set_abstraction(xyz, points, npoint, radius, nsample, layer_params):
    new_xyz, new_points = sample_and_group(npoint, radius, nsample, xyz, points)
    x = new_points
    for (W, b, gamma, beta) in layer_params:
        x = jnp.einsum('bsnc,cd->bsnd', x, W) + b
        mean = jnp.mean(x, axis=(0, 1, 2), keepdims=True)
        var = jnp.var(x, axis=(0, 1, 2), keepdims=True)
        x = (x - mean) / jnp.sqrt(var + 1e-5) * gamma + beta
        x = jax.nn.relu(x)
    new_points_out = jnp.max(x, axis=2)
    return new_xyz, new_points_out


def backbone(input_data, params):
    coords = [input_data[:, :, :3]]
    data = [input_data]
    for i, (npoint, radius, nsample, _) in enumerate(SA_CONFIGS):
        new_xyz, new_data = set_abstraction(coords[-1], data[-1], npoint, radius, nsample, params[i])
        coords.append(new_xyz)
        data.append(new_data)
    return tuple(coords), tuple(data)


def setup_inputs(seed: int = 0):
    key = jax.random.key(seed)
    input_data = jax.random.normal(jax.random.fold_in(key, 0), (8, 4096, 9), dtype=jnp.float32)
    params = []
    for i in range(len(SA_CONFIGS)):
        cin = IN_CHANNELS[i]
        mlp = SA_CONFIGS[i][3]
        layers = []
        c = cin
        for j, cout in enumerate(mlp):
            k = jax.random.fold_in(key, 100 + i * 10 + j)
            W = jax.random.normal(k, (c, cout), dtype=jnp.float32) * (1.0 / np.sqrt(c))
            b = jnp.zeros((cout,), jnp.float32)
            gamma = jnp.ones((cout,), jnp.float32)
            beta = jnp.zeros((cout,), jnp.float32)
            layers.append((W, b, gamma, beta))
            c = cout
        params.append(tuple(layers))
    return {"input_data": input_data, "params": tuple(params)}


def reference(input_data, params):
    return backbone(input_data, params)

if __name__ == "__main__":
    import jax
    _d = setup_inputs()
    print(jax.jit(kernel)(*tuple(_d.values())))

</pallas_src>

<mosaic_0001>
#map = affine_map<(d0, d1) -> (0, 0)>
#map1 = affine_map<(d0, d1) -> (0)>
module attributes {stable_mosaic.version = 14 : i64} {
  func.func @gather_kernel(%arg0: i32, %arg1: i32, %arg2: memref<512x272xf32, #tpu.memory_space<hbm>>, %arg3: memref<4096xi32, #tpu.memory_space<hbm>>, %arg4: memref<4096x272xf32, #tpu.memory_space<hbm>>, %arg5: memref<2x128xi32, #tpu.memory_space<vmem>>, %arg6: memref<2x128x272xf32, #tpu.memory_space<vmem>>, %arg7: memref<!tpu.dma_semaphore, #tpu.memory_space<semaphore_mem>>, %arg8: memref<!tpu.dma_semaphore, #tpu.memory_space<semaphore_mem>>) attributes {dimension_semantics = [#tpu.dimension_semantics<core_parallel>, #tpu.dimension_semantics<subcore_parallel>], iteration_bounds = array<i64: 2, 16>, scalar_prefetch = 0 : i64, scratch_operands = 4 : i64, tpu.core_type = #tpu.core_type<sc_vector_subcore>, window_params = [{transform_indices = #map}, {transform_indices = #map1}, {transform_indices = #map}]} {
    %mul3A = arith.constant 2 : i32
    %mul3A_0 = arith.muli %arg1, %mul3A : i32
    %add3A = arith.addi %mul3A_0, %arg0 : i32
    %mul3A_1 = arith.constant 128 : i32
    %mul3A_2 = arith.muli %add3A, %mul3A_1 : i32
    %add3A_3 = arith.constant 0 : i32
    %add3A_4 = arith.addi %mul3A_2, %add3A_3 : i32
    %run_scoped3A = arith.constant 0 : i32
    "tpu.region"() ({
      %run_scoped3A_55 = tpu.sem_alloc : memref<!tpu.dma_semaphore, #tpu.memory_space<semaphore_mem>>
      %dma_start3A_56 = arith.constant 0 : i32
      %dma_start3A_57 = tpu.memref_slice %arg5[%run_scoped3A, %dma_start3A_56] : memref<2x128xi32, #tpu.memory_space<vmem>> -> memref<1x128xi32, #tpu.memory_space<vmem>>
      %dma_start3A_58 = tpu.memref_squeeze %dma_start3A_57 : memref<1x128xi32, #tpu.memory_space<vmem>> -> memref<128xi32, #tpu.memory_space<vmem>>
      %dma_start3A_59 = tpu.memref_slice %arg3[%add3A_4] : memref<4096xi32, #tpu.memory_space<hbm>> -> memref<128xi32, #tpu.memory_space<hbm>>
      %dma_start3A_60 = arith.constant 0 : i32
      %dma_start3A_61 = tpu.memref_slice %arg5[%run_scoped3A, %dma_start3A_60] : memref<2x128xi32, #tpu.memory_space<vmem>> -> memref<1x128xi32, #tpu.memory_space<vmem>>
      %dma_start3A_62 = tpu.memref_squeeze %dma_start3A_61 : memref<1x128xi32, #tpu.memory_space<vmem>> -> memref<128xi32, #tpu.memory_space<vmem>>
      %dma_start3A_63 = tpu.memref_slice %arg3[%add3A_4] : memref<4096xi32, #tpu.memory_space<hbm>> -> memref<128xi32, #tpu.memory_space<hbm>>
      tpu.enqueue_dma source(%dma_start3A_63 : memref<128xi32, #tpu.memory_space<hbm>>) target(%dma_start3A_62 : memref<128xi32, #tpu.memory_space<vmem>>) target_semaphore(%run_scoped3A_55 : memref<!tpu.dma_semaphore, #tpu.memory_space<semaphore_mem>>)
      %dma_wait3A_64 = arith.constant 0 : i32
      %dma_wait3A_65 = tpu.memref_slice %arg5[%run_scoped3A, %dma_wait3A_64] : memref<2x128xi32, #tpu.memory_space<vmem>> -> memref<1x128xi32, #tpu.memory_space<vmem>>
      %dma_wait3A_66 = tpu.memref_squeeze %dma_wait3A_65 : memref<1x128xi32, #tpu.memory_space<vmem>> -> memref<128xi32, #tpu.memory_space<vmem>>
      %dma_wait3A_67 = tpu.memref_slice %arg3[%add3A_4] : memref<4096xi32, #tpu.memory_space<hbm>> -> memref<128xi32, #tpu.memory_space<hbm>>
      %dma_wait3A_68 = arith.constant 0 : i32
      %dma_wait3A_69 = tpu.memref_slice %arg5[%run_scoped3A, %dma_wait3A_68] : memref<2x128xi32, #tpu.memory_space<vmem>> -> memref<1x128xi32, #tpu.memory_space<vmem>>
      %dma_wait3A_70 = tpu.memref_squeeze %dma_wait3A_69 : memref<1x128xi32, #tpu.memory_space<vmem>> -> memref<128xi32, #tpu.memory_space<vmem>>
      %dma_wait3A_71 = tpu.memref_slice %arg3[%add3A_4] : memref<4096xi32, #tpu.memory_space<hbm>> -> memref<128xi32, #tpu.memory_space<hbm>>
      tpu.wait_dma2 semaphore(%run_scoped3A_55 : memref<!tpu.dma_semaphore, #tpu.memory_space<semaphore_mem>>) src(%dma_wait3A_71 : memref<128xi32, #tpu.memory_space<hbm>>) dst(%dma_wait3A_70 : memref<128xi32, #tpu.memory_space<vmem>>)
      tpu.yield
    }) : () -> ()
    %dma_start3A = arith.constant 0 : i32
    %dma_start3A_5 = arith.constant 0 : i32
    %dma_start3A_6 = arith.constant 0 : i32
    %dma_start3A_7 = arith.constant 0 : i32
    %dma_start3A_8 = tpu.memref_slice %arg6[%dma_start3A_5, %dma_start3A_6, %dma_start3A_7] : memref<2x128x272xf32, #tpu.memory_space<vmem>> -> memref<1x128x272xf32, #tpu.memory_space<vmem>>
    %dma_start3A_9 = tpu.memref_squeeze %dma_start3A_8 : memref<1x128x272xf32, #tpu.memory_space<vmem>> -> memref<128x272xf32, #tpu.memory_space<vmem>>
    %dma_start3A_10 = arith.constant 0 : i32
    %dma_start3A_11 = tpu.memref_slice %arg5[%dma_start3A, %dma_start3A_10] : memref<2x128xi32, #tpu.memory_space<vmem>> -> memref<1x128xi32, #tpu.memory_space<vmem>>
    %dma_start3A_12 = tpu.memref_squeeze %dma_start3A_11 : memref<1x128xi32, #tpu.memory_space<vmem>> -> memref<128xi32, #tpu.memory_space<vmem>>
    %dma_start3A_13 = arith.constant 0 : i32
    %dma_start3A_14 = arith.constant 0 : i32
    %dma_start3A_15 = tpu.memref_slice %arg2[%dma_start3A_13, %dma_start3A_14] : memref<512x272xf32, #tpu.memory_space<hbm>> -> memref<512x272xf32, #tpu.memory_space<hbm>>
    tpu.enqueue_indirect_dma source(%dma_start3A_15 : memref<512x272xf32, #tpu.memory_space<hbm>>) target(%dma_start3A_9 : memref<128x272xf32, #tpu.memory_space<vmem>>) offsets(%dma_start3A_12 : memref<128xi32, #tpu.memory_space<vmem>>) semaphore(%arg7 : memref<!tpu.dma_semaphore, #tpu.memory_space<semaphore_mem>>)
    %dma_wait3A = arith.constant 0 : i32
    %dma_wait3A_16 = arith.constant 0 : i32
    %dma_wait3A_17 = arith.constant 0 : i32
    %dma_wait3A_18 = arith.constant 0 : i32
    %dma_wait3A_19 = tpu.memref_slice %arg6[%dma_wait3A_16, %dma_wait3A_17, %dma_wait3A_18] : memref<2x128x272xf32, #tpu.memory_space<vmem>> -> memref<1x128x272xf32, #tpu.memory_space<vmem>>
    %dma_wait3A_20 = tpu.memref_squeeze %dma_wait3A_19 : memref<1x128x272xf32, #tpu.memory_space<vmem>> -> memref<128x272xf32, #tpu.memory_space<vmem>>
    %dma_wait3A_21 = arith.constant 0 : i32
    %dma_wait3A_22 = tpu.memref_slice %arg5[%dma_wait3A, %dma_wait3A_21] : memref<2x128xi32, #tpu.memory_space<vmem>> -> memref<1x128xi32, #tpu.memory_space<vmem>>
    %dma_wait3A_23 = tpu.memref_squeeze %dma_wait3A_22 : memref<1x128xi32, #tpu.memory_space<vmem>> -> memref<128xi32, #tpu.memory_space<vmem>>
    %dma_wait3A_24 = arith.constant 0 : i32
    %dma_wait3A_25 = arith.constant 0 : i32
    %dma_wait3A_26 = tpu.memref_slice %arg2[%dma_wait3A_24, %dma_wait3A_25] : memref<512x272xf32, #tpu.memory_space<hbm>> -> memref<512x272xf32, #tpu.memory_space<hbm>>
    tpu.wait_indirect_dma semaphore(%arg7 : memref<!tpu.dma_semaphore, #tpu.memory_space<semaphore_mem>>) src(%dma_wait3A_26 : memref<512x272xf32, #tpu.memory_space<hbm>>) dst(%dma_wait3A_20 : memref<128x272xf32, #tpu.memory_space<vmem>>)
    %add3A_27 = arith.constant 0 : i32
    %add3A_28 = arith.addi %mul3A_2, %add3A_27 : i32
    %dma_start3A_29 = arith.constant 0 : i32
    %dma_start3A_30 = arith.constant 0 : i32
    %dma_start3A_31 = arith.constant 0 : i32
    %dma_start3A_32 = tpu.memref_slice %arg6[%dma_start3A_29, %dma_start3A_30, %dma_start3A_31] : memref<2x128x272xf32, #tpu.memory_space<vmem>> -> memref<1x128x272xf32, #tpu.memory_space<vmem>>
    %dma_start3A_33 = tpu.memref_squeeze %dma_start3A_32 : memref<1x128x272xf32, #tpu.memory_space<vmem>> -> memref<128x272xf32, #tpu.memory_space<vmem>>
    %dma_start3A_34 = arith.constant 0 : i32
    %dma_start3A_35 = tpu.memref_slice %arg4[%add3A_28, %dma_start3A_34] : memref<4096x272xf32, #tpu.memory_space<hbm>> -> memref<128x272xf32, #tpu.memory_space<hbm>>
    %dma_start3A_36 = arith.constant 0 : i32
    %dma_start3A_37 = tpu.memref_slice %arg4[%add3A_28, %dma_start3A_36] : memref<4096x272xf32, #tpu.memory_space<hbm>> -> memref<128x272xf32, #tpu.memory_space<hbm>>
    %dma_start3A_38 = arith.constant 0 : i32
    %dma_start3A_39 = arith.constant 0 : i32
    %dma_start3A_40 = tpu.memref_slice %arg6[%dma_start3A_29, %dma_start3A_38, %dma_start3A_39] : memref<2x128x272xf32, #tpu.memory_space<vmem>> -> memref<1x128x272xf32, #tpu.memory_space<vmem>>
    %dma_start3A_41 = tpu.memref_squeeze %dma_start3A_40 : memref<1x128x272xf32, #tpu.memory_space<vmem>> -> memref<128x272xf32, #tpu.memory_space<vmem>>
    tpu.enqueue_dma source(%dma_start3A_41 : memref<128x272xf32, #tpu.memory_space<vmem>>) target(%dma_start3A_37 : memref<128x272xf32, #tpu.memory_space<hbm>>) target_semaphore(%arg8 : memref<!tpu.dma_semaphore, #tpu.memory_space<semaphore_mem>>)
    %dma_wait3A_42 = arith.constant 0 : i32
    %dma_wait3A_43 = arith.constant 0 : i32
    %dma_wait3A_44 = arith.constant 0 : i32
    %dma_wait3A_45 = tpu.memref_slice %arg6[%dma_wait3A_42, %dma_wait3A_43, %dma_wait3A_44] : memref<2x128x272xf32, #tpu.memory_space<vmem>> -> memref<1x128x272xf32, #tpu.memory_space<vmem>>
    %dma_wait3A_46 = tpu.memref_squeeze %dma_wait3A_45 : memref<1x128x272xf32, #tpu.memory_space<vmem>> -> memref<128x272xf32, #tpu.memory_space<vmem>>
    %dma_wait3A_47 = arith.constant 0 : i32
    %dma_wait3A_48 = tpu.memref_slice %arg4[%add3A_28, %dma_wait3A_47] : memref<4096x272xf32, #tpu.memory_space<hbm>> -> memref<128x272xf32, #tpu.memory_space<hbm>>
    %dma_wait3A_49 = arith.constant 0 : i32
    %dma_wait3A_50 = tpu.memref_slice %arg4[%add3A_28, %dma_wait3A_49] : memref<4096x272xf32, #tpu.memory_space<hbm>> -> memref<128x272xf32, #tpu.memory_space<hbm>>
    %dma_wait3A_51 = arith.constant 0 : i32
    %dma_wait3A_52 = arith.constant 0 : i32
    %dma_wait3A_53 = tpu.memref_slice %arg6[%dma_wait3A_42, %dma_wait3A_51, %dma_wait3A_52] : memref<2x128x272xf32, #tpu.memory_space<vmem>> -> memref<1x128x272xf32, #tpu.memory_space<vmem>>
    %dma_wait3A_54 = tpu.memref_squeeze %dma_wait3A_53 : memref<1x128x272xf32, #tpu.memory_space<vmem>> -> memref<128x272xf32, #tpu.memory_space<vmem>>
    tpu.wait_dma2 semaphore(%arg8 : memref<!tpu.dma_semaphore, #tpu.memory_space<semaphore_mem>>) src(%dma_wait3A_54 : memref<128x272xf32, #tpu.memory_space<vmem>>) dst(%dma_wait3A_50 : memref<128x272xf32, #tpu.memory_space<hbm>>)
    return
  }
}

#map = affine_map<(d0, d1) -> (0, 0)>
#map1 = affine_map<(d0, d1) -> (0)>
module attributes {stable_mosaic.version = 14 : i64} {
  func.func @gather_kernel(%arg0: i32, %arg1: i32, %arg2: memref<32768x16xf32, #tpu.memory_space<hbm>>, %arg3: memref<262144xi32, #tpu.memory_space<hbm>>, %arg4: memref<262144x16xf32, #tpu.memory_space<hbm>>, %arg5: memref<2x2048xi32, #tpu.memory_space<vmem>>, %arg6: memref<2x2048x16xf32, #tpu.memory_space<vmem>>, %arg7: memref<!tpu.dma_semaphore, #tpu.memory_space<semaphore_mem>>, %arg8: memref<!tpu.dma_semaphore, #tpu.memory_space<semaphore_mem>>) attributes {dimension_semantics = [#tpu.dimension_semantics<core_parallel>, #tpu.dimension_semantics<subcore_parallel>], iteration_bounds = array<i64: 2, 16>, scalar_prefetch = 0 : i64, scratch_operands = 4 : i64, tpu.core_type = #tpu.core_type<sc_vector_subcore>, window_params = [{transform_indices = #map}, {transform_indices = #map1}, {transform_indices = #map}]} {
    %mul3A = arith.constant 2 : i32
    %mul3A_0 = arith.muli %arg1, %mul3A : i32
    %add3A = arith.addi %mul3A_0, %arg0 : i32
    %mul3A_1 = arith.constant 8192 : i32
    %mul3A_2 = arith.muli %add3A, %mul3A_1 : i32
    %add3A_3 = arith.constant 0 : i32
    %add3A_4 = arith.addi %mul3A_2, %add3A_3 : i32
    %run_scoped3A = arith.constant 0 : i32
    "tpu.region"() ({
      %run_scoped3A_220 = tpu.sem_alloc : memref<!tpu.dma_semaphore, #tpu.memory_space<semaphore_mem>>
      %dma_start3A_221 = arith.constant 0 : i32
      %dma_start3A_222 = tpu.memref_slice %arg5[%run_scoped3A, %dma_start3A_221] : memref<2x2048xi32, #tpu.memory_space<vmem>> -> memref<1x2048xi32, #tpu.memory_space<vmem>>
      %dma_start3A_223 = tpu.memref_squeeze %dma_start3A_222 : memref<1x2048xi32, #tpu.memory_space<vmem>> -> memref<2048xi32, #tpu.memory_space<vmem>>
      %dma_start3A_224 = tpu.memref_slice %arg3[%add3A_4] : memref<262144xi32, #tpu.memory_space<hbm>> -> memref<2048xi32, #tpu.memory_space<hbm>>
      %dma_start3A_225 = arith.constant 0 : i32
      %dma_start3A_226 = tpu.memref_slice %arg5[%run_scoped3A, %dma_start3A_225] : memref<2x2048xi32, #tpu.memory_space<vmem>> -> memref<1x2048xi32, #tpu.memory_space<vmem>>
      %dma_start3A_227 = tpu.memref_squeeze %dma_start3A_226 : memref<1x2048xi32, #tpu.memory_space<vmem>> -> memref<2048xi32, #tpu.memory_space<vmem>>
      %dma_start3A_228 = tpu.memref_slice %arg3[%add3A_4] : memref<262144xi32, #tpu.memory_space<hbm>> -> memref<2048xi32, #tpu.memory_space<hbm>>
      tpu.enqueue_dma source(%dma_start3A_228 : memref<2048xi32, #tpu.memory_space<hbm>>) target(%dma_start3A_227 : memref<2048xi32, #tpu.memory_space<vmem>>) target_semaphore(%run_scoped3A_220 : memref<!tpu.dma_semaphore, #tpu.memory_space<semaphore_mem>>)
      %dma_wait3A_229 = arith.constant 0 : i32
      %dma_wait3A_230 = tpu.memref_slice %arg5[%run_scoped3A, %dma_wait3A_229] : memref<2x2048xi32, #tpu.memory_space<vmem>> -> memref<1x2048xi32, #tpu.memory_space<vmem>>
      %dma_wait3A_231 = tpu.memref_squeeze %dma_wait3A_230 : memref<1x2048xi32, #tpu.memory_space<vmem>> -> memref<2048xi32, #tpu.memory_space<vmem>>
      %dma_wait3A_232 = tpu.memref_slice %arg3[%add3A_4] : memref<262144xi32, #tpu.memory_space<hbm>> -> memref<2048xi32, #tpu.memory_space<hbm>>
      %dma_wait3A_233 = arith.constant 0 : i32
      %dma_wait3A_234 = tpu.memref_slice %arg5[%run_scoped3A, %dma_wait3A_233] : memref<2x2048xi32, #tpu.memory_space<vmem>> -> memref<1x2048xi32, #tpu.memory_space<vmem>>
      %dma_wait3A_235 = tpu.memref_squeeze %dma_wait3A_234 : memref<1x2048xi32, #tpu.memory_space<vmem>> -> memref<2048xi32, #tpu.memory_space<vmem>>
      %dma_wait3A_236 = tpu.memref_slice %arg3[%add3A_4] : memref<262144xi32, #tpu.memory_space<hbm>> -> memref<2048xi32, #tpu.memory_space<hbm>>
      tpu.wait_dma2 semaphore(%run_scoped3A_220 : memref<!tpu.dma_semaphore, #tpu.memory_space<semaphore_mem>>) src(%dma_wait3A_236 : memref<2048xi32, #tpu.memory_space<hbm>>) dst(%dma_wait3A_235 : memref<2048xi32, #tpu.memory_space<vmem>>)
      tpu.yield
    }) : () -> ()
    %dma_start3A = arith.constant 0 : i32
    %dma_start3A_5 = arith.constant 0 : i32
    %dma_start3A_6 = arith.constant 0 : i32
    %dma_start3A_7 = arith.constant 0 : i32
    %dma_start3A_8 = tpu.memref_slice %arg6[%dma_start3A_5, %dma_start3A_6, %dma_start3A_7] : memref<2x2048x16xf32, #tpu.memory_space<vmem>> -> memref<1x2048x16xf32, #tpu.memory_space<vmem>>
    %dma_start3A_9 = tpu.memref_squeeze %dma_start3A_8 : memref<1x2048x16xf32, #tpu.memory_space<vmem>> -> memref<2048x16xf32, #tpu.memory_space<vmem>>
    %dma_start3A_10 = arith.constant 0 : i32
    %dma_start3A_11 = tpu.memref_slice %arg5[%dma_start3A, %dma_start3A_10] : memref<2x2048xi32, #tpu.memory_space<vmem>> -> memref<1x2048xi32, #tpu.memory_space<vmem>>
    %dma_start3A_12 = tpu.memref_squeeze %dma_start3A_11 : memref<1x2048xi32, #tpu.memory_space<vmem>> -> memref<2048xi32, #tpu.memory_space<vmem>>
    %dma_start3A_13 = arith.constant 0 : i32
    %dma_start3A_14 = arith.constant 0 : i32
    %dma_start3A_15 = tpu.memref_slice %arg2[%dma_start3A_13, %dma_start3A_14] : memref<32768x16xf32, #tpu.memory_space<hbm>> -> memref<32768x16xf32, #tpu.memory_space<hbm>>
    tpu.enqueue_indirect_dma source(%dma_start3A_15 : memref<32768x16xf32, #tpu.memory_space<hbm>>) target(%dma_start3A_9 : memref<2048x16xf32, #tpu.memory_space<vmem>>) offsets(%dma_start3A_12 : memref<2048xi32, #tpu.memory_space<vmem>>) semaphore(%arg7 : memref<!tpu.dma_semaphore, #tpu.memory_space<semaphore_mem>>)
    %add3A_16 = arith.constant 2048 : i32
    %add3A_17 = arith.addi %mul3A_2, %add3A_16 : i32
    %run_scoped3A_18 = arith.constant 1 : i32
    "tpu.region"() ({
      %run_scoped3A_220 = tpu.sem_alloc : memref<!tpu.dma_semaphore, #tpu.memory_space<semaphore_mem>>
      %dma_start3A_221 = arith.constant 0 : i32
      %dma_start3A_222 = tpu.memref_slice %arg5[%run_scoped3A_18, %dma_start3A_221] : memref<2x2048xi32, #tpu.memory_space<vmem>> -> memref<1x2048xi32, #tpu.memory_space<vmem>>
      %dma_start3A_223 = tpu.memref_squeeze %dma_start3A_222 : memref<1x2048xi32, #tpu.memory_space<vmem>> -> memref<2048xi32, #tpu.memory_space<vmem>>
      %dma_start3A_224 = tpu.memref_slice %arg3[%add3A_17] : memref<262144xi32, #tpu.memory_space<hbm>> -> memref<2048xi32, #tpu.memory_space<hbm>>
      %dma_start3A_225 = arith.constant 0 : i32
      %dma_start3A_226 = tpu.memref_slice %arg5[%run_scoped3A_18, %dma_start3A_225] : memref<2x2048xi32, #tpu.memory_space<vmem>> -> memref<1x2048xi32, #tpu.memory_space<vmem>>
      %dma_start3A_227 = tpu.memref_squeeze %dma_start3A_226 : memref<1x2048xi32, #tpu.memory_space<vmem>> -> memref<2048xi32, #tpu.memory_space<vmem>>
      %dma_start3A_228 = tpu.memref_slice %arg3[%add3A_17] : memref<262144xi32, #tpu.memory_space<hbm>> -> memref<2048xi32, #tpu.memory_space<hbm>>
      tpu.enqueue_dma source(%dma_start3A_228 : memref<2048xi32, #tpu.memory_space<hbm>>) target(%dma_start3A_227 : memref<2048xi32, #tpu.memory_space<vmem>>) target_semaphore(%run_scoped3A_220 : memref<!tpu.dma_semaphore, #tpu.memory_space<semaphore_mem>>)
      %dma_wait3A_229 = arith.constant 0 : i32
      %dma_wait3A_230 = tpu.memref_slice %arg5[%run_scoped3A_18, %dma_wait3A_229] : memref<2x2048xi32, #tpu.memory_space<vmem>> -> memref<1x2048xi32, #tpu.memory_space<vmem>>
      %dma_wait3A_231 = tpu.memref_squeeze %dma_wait3A_230 : memref<1x2048xi32, #tpu.memory_space<vmem>> -> memref<2048xi32, #tpu.memory_space<vmem>>
      %dma_wait3A_232 = tpu.memref_slice %arg3[%add3A_17] : memref<262144xi32, #tpu.memory_space<hbm>> -> memref<2048xi32, #tpu.memory_space<hbm>>
      %dma_wait3A_233 = arith.constant 0 : i32
      %dma_wait3A_234 = tpu.memref_slice %arg5[%run_scoped3A_18, %dma_wait3A_233] : memref<2x2048xi32, #tpu.memory_space<vmem>> -> memref<1x2048xi32, #tpu.memory_space<vmem>>
      %dma_wait3A_235 = tpu.memref_squeeze %dma_wait3A_234 : memref<1x2048xi32, #tpu.memory_space<vmem>> -> memref<2048xi32, #tpu.memory_space<vmem>>
      %dma_wait3A_236 = tpu.memref_slice %arg3[%add3A_17] : memref<262144xi32, #tpu.memory_space<hbm>> -> memref<2048xi32, #tpu.memory_space<hbm>>
      tpu.wait_dma2 semaphore(%run_scoped3A_220 : memref<!tpu.dma_semaphore, #tpu.memory_space<semaphore_mem>>) src(%dma_wait3A_236 : memref<2048xi32, #tpu.memory_space<hbm>>) dst(%dma_wait3A_235 : memref<2048xi32, #tpu.memory_space<vmem>>)
      tpu.yield
    }) : () -> ()
    %dma_start3A_19 = arith.constant 1 : i32
    %dma_start3A_20 = arith.constant 1 : i32
    %dma_start3A_21 = arith.constant 0 : i32
    %dma_start3A_22 = arith.constant 0 : i32
    %dma_start3A_23 = tpu.memref_slice %arg6[%dma_start3A_20, %dma_start3A_21, %dma_start3A_22] : memref<2x2048x16xf32, #tpu.memory_space<vmem>> -> memref<1x2048x16xf32, #tpu.memory_space<vmem>>
    %dma_start3A_24 = tpu.memref_squeeze %dma_start3A_23 : memref<1x2048x16xf32, #tpu.memory_space<vmem>> -> memref<2048x16xf32, #tpu.memory_space<vmem>>
    %dma_start3A_25 = arith.constant 0 : i32
    %dma_start3A_26 = tpu.memref_slice %arg5[%dma_start3A_19, %dma_start3A_25] : memref<2x2048xi32, #tpu.memory_space<vmem>> -> memref<1x2048xi32, #tpu.memory_space<vmem>>
    %dma_start3A_27 = tpu.memref_squeeze %dma_start3A_26 : memref<1x2048xi32, #tpu.memory_space<vmem>> -> memref<2048xi32, #tpu.memory_space<vmem>>
    %dma_start3A_28 = arith.constant 0 : i32
    %dma_start3A_29 = arith.constant 0 : i32
    %dma_start3A_30 = tpu.memref_slice %arg2[%dma_start3A_28, %dma_start3A_29] : memref<32768x16xf32, #tpu.memory_space<hbm>> -> memref<32768x16xf32, #tpu.memory_space<hbm>>
    tpu.enqueue_indirect_dma source(%dma_start3A_30 : memref<32768x16xf32, #tpu.memory_space<hbm>>) target(%dma_start3A_24 : memref<2048x16xf32, #tpu.memory_space<vmem>>) offsets(%dma_start3A_27 : memref<2048xi32, #tpu.memory_space<vmem>>) semaphore(%arg7 : memref<!tpu.dma_semaphore, #tpu.memory_space<semaphore_mem>>)
    %dma_wait3A = arith.constant 0 : i32
    %dma_wait3A_31 = arith.constant 0 : i32
    %dma_wait3A_32 = arith.constant 0 : i32
    %dma_wait3A_33 = arith.constant 0 : i32
    %dma_wait3A_34 = tpu.memref_slice %arg6[%dma_wait3A_31, %dma_wait3A_32, %dma_wait3A_33] : memref<2x2048x16xf32, #tpu.memory_space<vmem>> -> memref<1x2048x16xf32, #tpu.memory_space<vmem>>
    %dma_wait3A_35 = tpu.memref_squeeze %dma_wait3A_34 : memref<1x2048x16xf32, #tpu.memory_space<vmem>> -> memref<2048x16xf32, #tpu.memory_space<vmem>>
    %dma_wait3A_36 = arith.constant 0 : i32
    %dma_wait3A_37 = tpu.memref_slice %arg5[%dma_wait3A, %dma_wait3A_36] : memref<2x2048xi32, #tpu.memory_space<vmem>> -> memref<1x2048xi32, #tpu.memory_space<vmem>>
    %dma_wait3A_38 = tpu.memref_squeeze %dma_wait3A_37 : memref<1x2048xi32, #tpu.memory_space<vmem>> -> memref<2048xi32, #tpu.memory_space<vmem>>
    %dma_wait3A_39 = arith.constant 0 : i32
    %dma_wait3A_40 = arith.constant 0 : i32
    %dma_wait3A_41 = tpu.memref_slice %arg2[%dma_wait3A_39, %dma_wait3A_40] : memref<32768x16xf32, #tpu.memory_space<hbm>> -> memref<32768x16xf32, #tpu.memory_space<hbm>>
    tpu.wait_indirect_dma semaphore(%arg7 : memref<!tpu.dma_semaphore, #tpu.memory_space<semaphore_mem>>) src(%dma_wait3A_41 : memref<32768x16xf32, #tpu.memory_space<hbm>>) dst(%dma_wait3A_35 : memref<2048x16xf32, #tpu.memory_space<vmem>>)
    %add3A_42 = arith.constant 0 : i32
    %add3A_43 = arith.addi %mul3A_2, %add3A_42 : i32
    %dma_start3A_44 = arith.constant 0 : i32
    %dma_start3A_45 = arith.constant 0 : i32
    %dma_start3A_46 = arith.constant 0 : i32
    %dma_start3A_47 = tpu.memref_slice %arg6[%dma_start3A_44, %dma_start3A_45, %dma_start3A_46] : memref<2x2048x16xf32, #tpu.memory_space<vmem>> -> memref<1x2048x16xf32, #tpu.memory_space<vmem>>
    %dma_start3A_48 = tpu.memref_squeeze %dma_start3A_47 : memref<1x2048x16xf32, #tpu.memory_space<vmem>> -> memref<2048x16xf32, #tpu.memory_space<vmem>>
    %dma_start3A_49 = arith.constant 0 : i32
    %dma_start3A_50 = tpu.memref_slice %arg4[%add3A_43, %dma_start3A_49] : memref<262144x16xf32, #tpu.memory_space<hbm>> -> memref<2048x16xf32, #tpu.memory_space<hbm>>
    %dma_start3A_51 = arith.constant 0 : i32
    %dma_start3A_52 = tpu.memref_slice %arg4[%add3A_43, %dma_start3A_51] : memref<262144x16xf32, #tpu.memory_space<hbm>> -> memref<2048x16xf32, #tpu.memory_space<hbm>>
    %dma_start3A_53 = arith.constant 0 : i32
    %dma_start3A_54 = arith.constant 0 : i32
    %dma_start3A_55 = tpu.memref_slice %arg6[%dma_start3A_44, %dma_start3A_53, %dma_start3A_54] : memref<2x2048x16xf32, #tpu.memory_space<vmem>> -> memref<1x2048x16xf32, #tpu.memory_space<vmem>>
    %dma_start3A_56 = tpu.memref_squeeze %dma_start3A_55 : memref<1x2048x16xf32, #tpu.memory_space<vmem>> -> memref<2048x16xf32, #tpu.memory_space<vmem>>
    tpu.enqueue_dma source(%dma_start3A_56 : memref<2048x16xf32, #tpu.memory_space<vmem>>) target(%dma_start3A_52 : memref<2048x16xf32, #tpu.memory_space<hbm>>) target_semaphore(%arg8 : memref<!tpu.dma_semaphore, #tpu.memory_space<semaphore_mem>>)
    %add3A_57 = arith.constant 4096 : i32
    %add3A_58 = arith.addi %mul3A_2, %add3A_57 : i32
    %run_scoped3A_59 = arith.constant 0 : i32
    "tpu.region"() ({
      %run_scoped3A_220 = tpu.sem_alloc : memref<!tpu.dma_semaphore, #tpu.memory_space<semaphore_mem>>
      %dma_start3A_221 = arith.constant 0 : i32
      %dma_start3A_222 = tpu.memref_slice %arg5[%run_scoped3A_59, %dma_start3A_221] : memref<2x2048xi32, #tpu.memory_space<vmem>> -> memref<1x2048xi32, #tpu.memory_space<vmem>>
      %dma_start3A_223 = tpu.memref_squeeze %dma_start3A_222 : memref<1x2048xi32, #tpu.memory_space<vmem>> -> memref<2048xi32, #tpu.memory_space<vmem>>
      %dma_start3A_224 = tpu.memref_slice %arg3[%add3A_58] : memref<262144xi32, #tpu.memory_space<hbm>> -> memref<2048xi32, #tpu.memory_space<hbm>>
      %dma_start3A_225 = arith.constant 0 : i32
      %dma_start3A_226 = tpu.memref_slice %arg5[%run_scoped3A_59, %dma_start3A_225] : memref<2x2048xi32, #tpu.memory_space<vmem>> -> memref<1x2048xi32, #tpu.memory_space<vmem>>
      %dma_start3A_227 = tpu.memref_squeeze %dma_start3A_226 : memref<1x2048xi32, #tpu.memory_space<vmem>> -> memref<2048xi32, #tpu.memory_space<vmem>>
      %dma_start3A_228 = tpu.memref_slice %arg3[%add3A_58] : memref<262144xi32, #tpu.memory_space<hbm>> -> memref<2048xi32, #tpu.memory_space<hbm>>
      tpu.enqueue_dma source(%dma_start3A_228 : memref<2048xi32, #tpu.memory_space<hbm>>) target(%dma_start3A_227 : memref<2048xi32, #tpu.memory_space<vmem>>) target_semaphore(%run_scoped3A_220 : memref<!tpu.dma_semaphore, #tpu.memory_space<semaphore_mem>>)
      %dma_wait3A_229 = arith.constant 0 : i32
      %dma_wait3A_230 = tpu.memref_slice %arg5[%run_scoped3A_59, %dma_wait3A_229] : memref<2x2048xi32, #tpu.memory_space<vmem>> -> memref<1x2048xi32, #tpu.memory_space<vmem>>
      %dma_wait3A_231 = tpu.memref_squeeze %dma_wait3A_230 : memref<1x2048xi32, #tpu.memory_space<vmem>> -> memref<2048xi32, #tpu.memory_space<vmem>>
      %dma_wait3A_232 = tpu.memref_slice %arg3[%add3A_58] : memref<262144xi32, #tpu.memory_space<hbm>> -> memref<2048xi32, #tpu.memory_space<hbm>>
      %dma_wait3A_233 = arith.constant 0 : i32
      %dma_wait3A_234 = tpu.memref_slice %arg5[%run_scoped3A_59, %dma_wait3A_233] : memref<2x2048xi32, #tpu.memory_space<vmem>> -> memref<1x2048xi32, #tpu.memory_space<vmem>>
      %dma_wait3A_235 = tpu.memref_squeeze %dma_wait3A_234 : memref<1x2048xi32, #tpu.memory_space<vmem>> -> memref<2048xi32, #tpu.memory_space<vmem>>
      %dma_wait3A_236 = tpu.memref_slice %arg3[%add3A_58] : memref<262144xi32, #tpu.memory_space<hbm>> -> memref<2048xi32, #tpu.memory_space<hbm>>
      tpu.wait_dma2 semaphore(%run_scoped3A_220 : memref<!tpu.dma_semaphore, #tpu.memory_space<semaphore_mem>>) src(%dma_wait3A_236 : memref<2048xi32, #tpu.memory_space<hbm>>) dst(%dma_wait3A_235 : memref<2048xi32, #tpu.memory_space<vmem>>)
      tpu.yield
    }) : () -> ()
    %dma_wait3A_60 = arith.constant 0 : i32
    %dma_wait3A_61 = arith.constant 0 : i32
    %dma_wait3A_62 = arith.constant 0 : i32
    %dma_wait3A_63 = tpu.memref_slice %arg6[%dma_wait3A_60, %dma_wait3A_61, %dma_wait3A_62] : memref<2x2048x16xf32, #tpu.memory_space<vmem>> -> memref<1x2048x16xf32, #tpu.memory_space<vmem>>
    %dma_wait3A_64 = tpu.memref_squeeze %dma_wait3A_63 : memref<1x2048x16xf32, #tpu.memory_space<vmem>> -> memref<2048x16xf32, #tpu.memory_space<vmem>>
    %dma_wait3A_65 = arith.constant 0 : i32
    %dma_wait3A_66 = tpu.memref_slice %arg4[%add3A_43, %dma_wait3A_65] : memref<262144x16xf32, #tpu.memory_space<hbm>> -> memref<2048x16xf32, #tpu.memory_space<hbm>>
    %dma_wait3A_67 = arith.constant 0 : i32
    %dma_wait3A_68 = tpu.memref_slice %arg4[%add3A_43, %dma_wait3A_67] : memref<262144x16xf32, #tpu.memory_space<hbm>> -> memref<2048x16xf32, #tpu.memory_space<hbm>>
    %dma_wait3A_69 = arith.constant 0 : i32
    %dma_wait3A_70 = arith.constant 0 : i32
    %dma_wait3A_71 = tpu.memref_slice %arg6[%dma_wait3A_60, %dma_wait3A_69, %dma_wait3A_70] : memref<2x2048x16xf32, #tpu.memory_space<vmem>> -> memref<1x2048x16xf32, #tpu.memory_space<vmem>>
    %dma_wait3A_72 = tpu.memref_squeeze %dma_wait3A_71 : memref<1x2048x16xf32, #tpu.memory_space<vmem>> -> memref<2048x16xf32, #tpu.memory_space<vmem>>
    tpu.wait_dma2 semaphore(%arg8 : memref<!tpu.dma_semaphore, #tpu.memory_space<semaphore_mem>>) src(%dma_wait3A_72 : memref<2048x16xf32, #tpu.memory_space<vmem>>) dst(%dma_wait3A_68 : memref<2048x16xf32, #tpu.memory_space<hbm>>)
    %dma_start3A_73 = arith.constant 0 : i32
    %dma_start3A_74 = arith.constant 0 : i32
    %dma_start3A_75 = arith.constant 0 : i32
    %dma_start3A_76 = arith.constant 0 : i32
    %dma_start3A_77 = tpu.memref_slice %arg6[%dma_start3A_74, %dma_start3A_75, %dma_start3A_76] : memref<2x2048x16xf32, #tpu.memory_space<vmem>> -> memref<1x2048x16xf32, #tpu.memory_space<vmem>>
    %dma_start3A_78 = tpu.memref_squeeze %dma_start3A_77 : memref<1x2048x16xf32, #tpu.memory_space<vmem>> -> memref<2048x16xf32, #tpu.memory_space<vmem>>
    %dma_start3A_79 = arith.constant 0 : i32
    %dma_start3A_80 = tpu.memref_slice %arg5[%dma_start3A_73, %dma_start3A_79] : memref<2x2048xi32, #tpu.memory_space<vmem>> -> memref<1x2048xi32, #tpu.memory_space<vmem>>
    %dma_start3A_81 = tpu.memref_squeeze %dma_start3A_80 : memref<1x2048xi32, #tpu.memory_space<vmem>> -> memref<2048xi32, #tpu.memory_space<vmem>>
    %dma_start3A_82 = arith.constant 0 : i32
    %dma_start3A_83 = arith.constant 0 : i32
    %dma_start3A_84 = tpu.memref_slice %arg2[%dma_start3A_82, %dma_start3A_83] : memref<32768x16xf32, #tpu.memory_space<hbm>> -> memref<32768x16xf32, #tpu.memory_space<hbm>>
    tpu.enqueue_indirect_dma source(%dma_start3A_84 : memref<32768x16xf32, #tpu.memory_space<hbm>>) target(%dma_start3A_78 : memref<2048x16xf32, #tpu.memory_space<vmem>>) offsets(%dma_start3A_81 : memref<2048xi32, #tpu.memory_space<vmem>>) semaphore(%arg7 : memref<!tpu.dma_semaphore, #tpu.memory_space<semaphore_mem>>)
    %dma_wait3A_85 = arith.constant 1 : i32
    %dma_wait3A_86 = arith.constant 1 : i32
    %dma_wait3A_87 = arith.constant 0 : i32
    %dma_wait3A_88 = arith.constant 0 : i32
    %dma_wait3A_89 = tpu.memref_slice %arg6[%dma_wait3A_86, %dma_wait3A_87, %dma_wait3A_88] : memref<2x2048x16xf32, #tpu.memory_space<vmem>> -> memref<1x2048x16xf32, #tpu.memory_space<vmem>>
    %dma_wait3A_90 = tpu.memref_squeeze %dma_wait3A_89 : memref<1x2048x16xf32, #tpu.memory_space<vmem>> -> memref<2048x16xf32, #tpu.memory_space<vmem>>
    %dma_wait3A_91 = arith.constant 0 : i32
    %dma_wait3A_92 = tpu.memref_slice %arg5[%dma_wait3A_85, %dma_wait3A_91] : memref<2x2048xi32, #tpu.memory_space<vmem>> -> memref<1x2048xi32, #tpu.memory_space<vmem>>
    %dma_wait3A_93 = tpu.memref_squeeze %dma_wait3A_92 : memref<1x2048xi32, #tpu.memory_space<vmem>> -> memref<2048xi32, #tpu.memory_space<vmem>>
    %dma_wait3A_94 = arith.constant 0 : i32
    %dma_wait3A_95 = arith.constant 0 : i32
    %dma_wait3A_96 = tpu.memref_slice %arg2[%dma_wait3A_94, %dma_wait3A_95] : memref<32768x16xf32, #tpu.memory_space<hbm>> -> memref<32768x16xf32, #tpu.memory_space<hbm>>
    tpu.wait_indirect_dma semaphore(%arg7 : memref<!tpu.dma_semaphore, #tpu.memory_space<semaphore_mem>>) src(%dma_wait3A_96 : memref<32768x16xf32, #tpu.memory_space<hbm>>) dst(%dma_wait3A_90 : memref<2048x16xf32, #tpu.memory_space<vmem>>)
    %add3A_97 = arith.constant 2048 : i32
    %add3A_98 = arith.addi %mul3A_2, %add3A_97 : i32
    %dma_start3A_99 = arith.constant 1 : i32
    %dma_start3A_100 = arith.constant 0 : i32
    %dma_start3A_101 = arith.constant 0 : i32
    %dma_start3A_102 = tpu.memref_slice %arg6[%dma_start3A_99, %dma_start3A_100, %dma_start3A_101] : memref<2x2048x16xf32, #tpu.memory_space<vmem>> -> memref<1x2048x16xf32, #tpu.memory_space<vmem>>
    %dma_start3A_103 = tpu.memref_squeeze %dma_start3A_102 : memref<1x2048x16xf32, #tpu.memory_space<vmem>> -> memref<2048x16xf32, #tpu.memory_space<vmem>>
    %dma_start3A_104 = arith.constant 0 : i32
    %dma_start3A_105 = tpu.memref_slice %arg4[%add3A_98, %dma_start3A_104] : memref<262144x16xf32, #tpu.memory_space<hbm>> -> memref<2048x16xf32, #tpu.memory_space<hbm>>
    %dma_start3A_106 = arith.constant 0 : i32
    %dma_start3A_107 = tpu.memref_slice %arg4[%add3A_98, %dma_start3A_106] : memref<262144x16xf32, #tpu.memory_space<hbm>> -> memref<2048x16xf32, #tpu.memory_space<hbm>>
    %dma_start3A_108 = arith.constant 0 : i32
    %dma_start3A_109 = arith.constant 0 : i32
    %dma_start3A_110 = tpu.memref_slice %arg6[%dma_start3A_99, %dma_start3A_108, %dma_start3A_109] : memref<2x2048x16xf32, #tpu.memory_space<vmem>> -> memref<1x2048x16xf32, #tpu.memory_space<vmem>>
    %dma_start3A_111 = tpu.memref_squeeze %dma_start3A_110 : memref<1x2048x16xf32, #tpu.memory_space<vmem>> -> memref<2048x16xf32, #tpu.memory_space<vmem>>
    tpu.enqueue_dma source(%dma_start3A_111 : memref<2048x16xf32, #tpu.memory_space<vmem>>) target(%dma_start3A_107 : memref<2048x16xf32, #tpu.memory_space<hbm>>) target_semaphore(%arg8 : memref<!tpu.dma_semaphore, #tpu.memory_space<semaphore_mem>>)
    %add3A_112 = arith.constant 6144 : i32
    %add3A_113 = arith.addi %mul3A_2, %add3A_112 : i32
    %run_scoped3A_114 = arith.constant 1 : i32
    "tpu.region"() ({
      %run_scoped3A_220 = tpu.sem_alloc : memref<!tpu.dma_semaphore, #tpu.memory_space<semaphore_mem>>
      %dma_start3A_221 = arith.constant 0 : i32
      %dma_start3A_222 = tpu.memref_slice %arg5[%run_scoped3A_114, %dma_start3A_221] : memref<2x2048xi32, #tpu.memory_space<vmem>> -> memref<1x2048xi32, #tpu.memory_space<vmem>>
      %dma_start3A_223 = tpu.memref_squeeze %dma_start3A_222 : memref<1x2048xi32, #tpu.memory_space<vmem>> -> memref<2048xi32, #tpu.memory_space<vmem>>
      %dma_start3A_224 = tpu.memref_slice %arg3[%add3A_113] : memref<262144xi32, #tpu.memory_space<hbm>> -> memref<2048xi32, #tpu.memory_space<hbm>>
      %dma_start3A_225 = arith.constant 0 : i32
      %dma_start3A_226 = tpu.memref_slice %arg5[%run_scoped3A_114, %dma_start3A_225] : memref<2x2048xi32, #tpu.memory_space<vmem>> -> memref<1x2048xi32, #tpu.memory_space<vmem>>
      %dma_start3A_227 = tpu.memref_squeeze %dma_start3A_226 : memref<1x2048xi32, #tpu.memory_space<vmem>> -> memref<2048xi32, #tpu.memory_space<vmem>>
      %dma_start3A_228 = tpu.memref_slice %arg3[%add3A_113] : memref<262144xi32, #tpu.memory_space<hbm>> -> memref<2048xi32, #tpu.memory_space<hbm>>
      tpu.enqueue_dma source(%dma_start3A_228 : memref<2048xi32, #tpu.memory_space<hbm>>) target(%dma_start3A_227 : memref<2048xi32, #tpu.memory_space<vmem>>) target_semaphore(%run_scoped3A_220 : memref<!tpu.dma_semaphore, #tpu.memory_space<semaphore_mem>>)
      %dma_wait3A_229 = arith.constant 0 : i32
      %dma_wait3A_230 = tpu.memref_slice %arg5[%run_scoped3A_114, %dma_wait3A_229] : memref<2x2048xi32, #tpu.memory_space<vmem>> -> memref<1x2048xi32, #tpu.memory_space<vmem>>
      %dma_wait3A_231 = tpu.memref_squeeze %dma_wait3A_230 : memref<1x2048xi32, #tpu.memory_space<vmem>> -> memref<2048xi32, #tpu.memory_space<vmem>>
      %dma_wait3A_232 = tpu.memref_slice %arg3[%add3A_113] : memref<262144xi32, #tpu.memory_space<hbm>> -> memref<2048xi32, #tpu.memory_space<hbm>>
      %dma_wait3A_233 = arith.constant 0 : i32
      %dma_wait3A_234 = tpu.memref_slice %arg5[%run_scoped3A_114, %dma_wait3A_233] : memref<2x2048xi32, #tpu.memory_space<vmem>> -> memref<1x2048xi32, #tpu.memory_space<vmem>>
      %dma_wait3A_235 = tpu.memref_squeeze %dma_wait3A_234 : memref<1x2048xi32, #tpu.memory_space<vmem>> -> memref<2048xi32, #tpu.memory_space<vmem>>
      %dma_wait3A_236 = tpu.memref_slice %arg3[%add3A_113] : memref<262144xi32, #tpu.memory_space<hbm>> -> memref<2048xi32, #tpu.memory_space<hbm>>
      tpu.wait_dma2 semaphore(%run_scoped3A_220 : memref<!tpu.dma_semaphore, #tpu.memory_space<semaphore_mem>>) src(%dma_wait3A_236 : memref<2048xi32, #tpu.memory_space<hbm>>) dst(%dma_wait3A_235 : memref<2048xi32, #tpu.memory_space<vmem>>)
      tpu.yield
    }) : () -> ()
    %dma_wait3A_115 = arith.constant 1 : i32
    %dma_wait3A_116 = arith.constant 0 : i32
    %dma_wait3A_117 = arith.constant 0 : i32
    %dma_wait3A_118 = tpu.memref_slice %arg6[%dma_wait3A_115, %dma_wait3A_116, %dma_wait3A_117] : memref<2x2048x16xf32, #tpu.memory_space<vmem>> -> memref<1x2048x16xf32, #tpu.memory_space<vmem>>
    %dma_wait3A_119 = tpu.memref_squeeze %dma_wait3A_118 : memref<1x2048x16xf32, #tpu.memory_space<vmem>> -> memref<2048x16xf32, #tpu.memory_space<vmem>>
    %dma_wait3A_120 = arith.constant 0 : i32
    %dma_wait3A_121 = tpu.memref_slice %arg4[%add3A_98, %dma_wait3A_120] : memref<262144x16xf32, #tpu.memory_space<hbm>> -> memref<2048x16xf32, #tpu.memory_space<hbm>>
    %dma_wait3A_122 = arith.constant 0 : i32
    %dma_wait3A_123 = tpu.memref_slice %arg4[%add3A_98, %dma_wait3A_122] : memref<262144x16xf32, #tpu.memory_space<hbm>> -> memref<2048x16xf32, #tpu.memory_space<hbm>>
    %dma_wait3A_124 = arith.constant 0 : i32
    %dma_wait3A_125 = arith.constant 0 : i32
    %dma_wait3A_126 = tpu.memref_slice %arg6[%dma_wait3A_115, %dma_wait3A_124, %dma_wait3A_125] : memref<2x2048x16xf32, #tpu.memory_space<vmem>> -> memref<1x2048x16xf32, #tpu.memory_space<vmem>>
    %dma_wait3A_127 = tpu.memref_squeeze %dma_wait3A_126 : memref<1x2048x16xf32, #tpu.memory_space<vmem>> -> memref<2048x16xf32, #tpu.memory_space<vmem>>
    tpu.wait_dma2 semaphore(%arg8 : memref<!tpu.dma_semaphore, #tpu.memory_space<semaphore_mem>>) src(%dma_wait3A_127 : memref<2048x16xf32, #tpu.memory_space<vmem>>) dst(%dma_wait3A_123 : memref<2048x16xf32, #tpu.memory_space<hbm>>)
    %dma_start3A_128 = arith.constant 1 : i32
    %dma_start3A_129 = arith.constant 1 : i32
    %dma_start3A_130 = arith.constant 0 : i32
    %dma_start3A_131 = arith.constant 0 : i32
    %dma_start3A_132 = tpu.memref_slice %arg6[%dma_start3A_129, %dma_start3A_130, %dma_start3A_131] : memref<2x2048x16xf32, #tpu.memory_space<vmem>> -> memref<1x2048x16xf32, #tpu.memory_space<vmem>>
    %dma_start3A_133 = tpu.memref_squeeze %dma_start3A_132 : memref<1x2048x16xf32, #tpu.memory_space<vmem>> -> memref<2048x16xf32, #tpu.memory_space<vmem>>
    %dma_start3A_134 = arith.constant 0 : i32
    %dma_start3A_135 = tpu.memref_slice %arg5[%dma_start3A_128, %dma_start3A_134] : memref<2x2048xi32, #tpu.memory_space<vmem>> -> memref<1x2048xi32, #tpu.memory_space<vmem>>
    %dma_start3A_136 = tpu.memref_squeeze %dma_start3A_135 : memref<1x2048xi32, #tpu.memory_space<vmem>> -> memref<2048xi32, #tpu.memory_space<vmem>>
    %dma_start3A_137 = arith.constant 0 : i32
    %dma_start3A_138 = arith.constant 0 : i32
    %dma_start3A_139 = tpu.memref_slice %arg2[%dma_start3A_137, %dma_start3A_138] : memref<32768x16xf32, #tpu.memory_space<hbm>> -> memref<32768x16xf32, #tpu.memory_space<hbm>>
    tpu.enqueue_indirect_dma source(%dma_start3A_139 : memref<32768x16xf32, #tpu.memory_space<hbm>>) target(%dma_start3A_133 : memref<2048x16xf32, #tpu.memory_space<vmem>>) offsets(%dma_start3A_136 : memref<2048xi32, #tpu.memory_space<vmem>>) semaphore(%arg7 : memref<!tpu.dma_semaphore, #tpu.memory_space<semaphore_mem>>)
    %dma_wait3A_140 = arith.constant 0 : i32
    %dma_wait3A_141 = arith.constant 0 : i32
    %dma_wait3A_142 = arith.constant 0 : i32
    %dma_wait3A_143 = arith.constant 0 : i32
    %dma_wait3A_144 = tpu.memref_slice %arg6[%dma_wait3A_141, %dma_wait3A_142, %dma_wait3A_143] : memref<2x2048x16xf32, #tpu.memory_space<vmem>> -> memref<1x2048x16xf32, #tpu.memory_space<vmem>>
    %dma_wait3A_145 = tpu.memref_squeeze %dma_wait3A_144 : memref<1x2048x16xf32, #tpu.memory_space<vmem>> -> memref<2048x16xf32, #tpu.memory_space<vmem>>
    %dma_wait3A_146 = arith.constant 0 : i32
    %dma_wait3A_147 = tpu.memref_slice %arg5[%dma_wait3A_140, %dma_wait3A_146] : memref<2x2048xi32, #tpu.memory_space<vmem>> -> memref<1x2048xi32, #tpu.memory_space<vmem>>
    %dma_wait3A_148 = tpu.memref_squeeze %dma_wait3A_147 : memref<1x2048xi32, #tpu.memory_space<vmem>> -> memref<2048xi32, #tpu.memory_space<vmem>>
    %dma_wait3A_149 = arith.constant 0 : i32
    %dma_wait3A_150 = arith.constant 0 : i32
    %dma_wait3A_151 = tpu.memref_slice %arg2[%dma_wait3A_149, %dma_wait3A_150] : memref<32768x16xf32, #tpu.memory_space<hbm>> -> memref<32768x16xf32, #tpu.memory_space<hbm>>
    tpu.wait_indirect_dma semaphore(%arg7 : memref<!tpu.dma_semaphore, #tpu.memory_space<semaphore_mem>>) src(%dma_wait3A_151 : memref<32768x16xf32, #tpu.memory_space<hbm>>) dst(%dma_wait3A_145 : memref<2048x16xf32, #tpu.memory_space<vmem>>)
    %add3A_152 = arith.constant 4096 : i32
    %add3A_153 = arith.addi %mul3A_2, %add3A_152 : i32
    %dma_start3A_154 = arith.constant 0 : i32
    %dma_start3A_155 = arith.constant 0 : i32
    %dma_start3A_156 = arith.constant 0 : i32
    %dma_start3A_157 = tpu.memref_slice %arg6[%dma_start3A_154, %dma_start3A_155, %dma_start3A_156] : memref<2x2048x16xf32, #tpu.memory_space<vmem>> -> memref<1x2048x16xf32, #tpu.memory_space<vmem>>
    %dma_start3A_158 = tpu.memref_squeeze %dma_start3A_157 : memref<1x2048x16xf32, #tpu.memory_space<vmem>> -> memref<2048x16xf32, #tpu.memory_space<vmem>>
    %dma_start3A_159 = arith.constant 0 : i32
    %dma_start3A_160 = tpu.memref_slice %arg4[%add3A_153, %dma_start3A_159] : memref<262144x16xf32, #tpu.memory_space<hbm>> -> memref<2048x16xf32, #tpu.memory_space<hbm>>
    %dma_start3A_161 = arith.constant 0 : i32
    %dma_start3A_162 = tpu.memref_slice %arg4[%add3A_153, %dma_start3A_161] : memref<262144x16xf32, #tpu.memory_space<hbm>> -> memref<2048x16xf32, #tpu.memory_space<hbm>>
    %dma_start3A_163 = arith.constant 0 : i32
    %dma_start3A_164 = arith.constant 0 : i32
    %dma_start3A_165 = tpu.memref_slice %arg6[%dma_start3A_154, %dma_start3A_163, %dma_start3A_164] : memref<2x2048x16xf32, #tpu.memory_space<vmem>> -> memref<1x2048x16xf32, #tpu.memory_space<vmem>>
    %dma_start3A_166 = tpu.memref_squeeze %dma_start3A_165 : memref<1x2048x16xf32, #tpu.memory_space<vmem>> -> memref<2048x16xf32, #tpu.memory_space<vmem>>
    tpu.enqueue_dma source(%dma_start3A_166 : memref<2048x16xf32, #tpu.memory_space<vmem>>) target(%dma_start3A_162 : memref<2048x16xf32, #tpu.memory_space<hbm>>) target_semaphore(%arg8 : memref<!tpu.dma_semaphore, #tpu.memory_space<semaphore_mem>>)
    %dma_wait3A_167 = arith.constant 1 : i32
    %dma_wait3A_168 = arith.constant 1 : i32
    %dma_wait3A_169 = arith.constant 0 : i32
    %dma_wait3A_170 = arith.constant 0 : i32
    %dma_wait3A_171 = tpu.memref_slice %arg6[%dma_wait3A_168, %dma_wait3A_169, %dma_wait3A_170] : memref<2x2048x16xf32, #tpu.memory_space<vmem>> -> memref<1x2048x16xf32, #tpu.memory_space<vmem>>
    %dma_wait3A_172 = tpu.memref_squeeze %dma_wait3A_171 : memref<1x2048x16xf32, #tpu.memory_space<vmem>> -> memref<2048x16xf32, #tpu.memory_space<vmem>>
    %dma_wait3A_173 = arith.constant 0 : i32
    %dma_wait3A_174 = tpu.memref_slice %arg5[%dma_wait3A_167, %dma_wait3A_173] : memref<2x2048xi32, #tpu.memory_space<vmem>> -> memref<1x2048xi32, #tpu.memory_space<vmem>>
    %dma_wait3A_175 = tpu.memref_squeeze %dma_wait3A_174 : memref<1x2048xi32, #tpu.memory_space<vmem>> -> memref<2048xi32, #tpu.memory_space<vmem>>
    %dma_wait3A_176 = arith.constant 0 : i32
    %dma_wait3A_177 = arith.constant 0 : i32
    %dma_wait3A_178 = tpu.memref_slice %arg2[%dma_wait3A_176, %dma_wait3A_177] : memref<32768x16xf32, #tpu.memory_space<hbm>> -> memref<32768x16xf32, #tpu.memory_space<hbm>>
    tpu.wait_indirect_dma semaphore(%arg7 : memref<!tpu.dma_semaphore, #tpu.memory_space<semaphore_mem>>) src(%dma_wait3A_178 : memref<32768x16xf32, #tpu.memory_space<hbm>>) dst(%dma_wait3A_172 : memref<2048x16xf32, #tpu.memory_space<vmem>>)
    %add3A_179 = arith.constant 6144 : i32
    %add3A_180 = arith.addi %mul3A_2, %add3A_179 : i32
    %dma_start3A_181 = arith.constant 1 : i32
    %dma_start3A_182 = arith.constant 0 : i32
    %dma_start3A_183 = arith.constant 0 : i32
    %dma_start3A_184 = tpu.memref_slice %arg6[%dma_start3A_181, %dma_start3A_182, %dma_start3A_183] : memref<2x2048x16xf32, #tpu.memory_space<vmem>> -> memref<1x2048x16xf32, #tpu.memory_space<vmem>>
    %dma_start3A_185 = tpu.memref_squeeze %dma_start3A_184 : memref<1x2048x16xf32, #tpu.memory_space<vmem>> -> memref<2048x16xf32, #tpu.memory_space<vmem>>
    %dma_start3A_186 = arith.constant 0 : i32
    %dma_start3A_187 = tpu.memref_slice %arg4[%add3A_180, %dma_start3A_186] : memref<262144x16xf32, #tpu.memory_space<hbm>> -> memref<2048x16xf32, #tpu.memory_space<hbm>>
    %dma_start3A_188 = arith.constant 0 : i32
    %dma_start3A_189 = tpu.memref_slice %arg4[%add3A_180, %dma_start3A_188] : memref<262144x16xf32, #tpu.memory_space<hbm>> -> memref<2048x16xf32, #tpu.memory_space<hbm>>
    %dma_start3A_190 = arith.constant 0 : i32
    %dma_start3A_191 = arith.constant 0 : i32
    %dma_start3A_192 = tpu.memref_slice %arg6[%dma_start3A_181, %dma_start3A_190, %dma_start3A_191] : memref<2x2048x16xf32, #tpu.memory_space<vmem>> -> memref<1x2048x16xf32, #tpu.memory_space<vmem>>
    %dma_start3A_193 = tpu.memref_squeeze %dma_start3A_192 : memref<1x2048x16xf32, #tpu.memory_space<vmem>> -> memref<2048x16xf32, #tpu.memory_space<vmem>>
    tpu.enqueue_dma source(%dma_start3A_193 : memref<2048x16xf32, #tpu.memory_space<vmem>>) target(%dma_start3A_189 : memref<2048x16xf32, #tpu.memory_space<hbm>>) target_semaphore(%arg8 : memref<!tpu.dma_semaphore, #tpu.memory_space<semaphore_mem>>)
    %dma_wait3A_194 = arith.constant 1 : i32
    %dma_wait3A_195 = arith.constant 0 : i32
    %dma_wait3A_196 = arith.constant 0 : i32
    %dma_wait3A_197 = tpu.memref_slice %arg6[%dma_wait3A_194, %dma_wait3A_195, %dma_wait3A_196] : memref<2x2048x16xf32, #tpu.memory_space<vmem>> -> memref<1x2048x16xf32, #tpu.memory_space<vmem>>
    %dma_wait3A_198 = tpu.memref_squeeze %dma_wait3A_197 : memref<1x2048x16xf32, #tpu.memory_space<vmem>> -> memref<2048x16xf32, #tpu.memory_space<vmem>>
    %dma_wait3A_199 = arith.constant 0 : i32
    %dma_wait3A_200 = tpu.memref_slice %arg4[%add3A_180, %dma_wait3A_199] : memref<262144x16xf32, #tpu.memory_space<hbm>> -> memref<2048x16xf32, #tpu.memory_space<hbm>>
    %dma_wait3A_201 = arith.constant 0 : i32
    %dma_wait3A_202 = tpu.memref_slice %arg4[%add3A_180, %dma_wait3A_201] : memref<262144x16xf32, #tpu.memory_space<hbm>> -> memref<2048x16xf32, #tpu.memory_space<hbm>>
    %dma_wait3A_203 = arith.constant 0 : i32
    %dma_wait3A_204 = arith.constant 0 : i32
    %dma_wait3A_205 = tpu.memref_slice %arg6[%dma_wait3A_194, %dma_wait3A_203, %dma_wait3A_204] : memref<2x2048x16xf32, #tpu.memory_space<vmem>> -> memref<1x2048x16xf32, #tpu.memory_space<vmem>>
    %dma_wait3A_206 = tpu.memref_squeeze %dma_wait3A_205 : memref<1x2048x16xf32, #tpu.memory_space<vmem>> -> memref<2048x16xf32, #tpu.memory_space<vmem>>
    tpu.wait_dma2 semaphore(%arg8 : memref<!tpu.dma_semaphore, #tpu.memory_space<semaphore_mem>>) src(%dma_wait3A_206 : memref<2048x16xf32, #tpu.memory_space<vmem>>) dst(%dma_wait3A_202 : memref<2048x16xf32, #tpu.memory_space<hbm>>)
    %dma_wait3A_207 = arith.constant 0 : i32
    %dma_wait3A_208 = arith.constant 0 : i32
    %dma_wait3A_209 = arith.constant 0 : i32
    %dma_wait3A_210 = tpu.memref_slice %arg6[%dma_wait3A_207, %dma_wait3A_208, %dma_wait3A_209] : memref<2x2048x16xf32, #tpu.memory_space<vmem>> -> memref<1x2048x16xf32, #tpu.memory_space<vmem>>
    %dma_wait3A_211 = tpu.memref_squeeze %dma_wait3A_210 : memref<1x2048x16xf32, #tpu.memory_space<vmem>> -> memref<2048x16xf32, #tpu.memory_space<vmem>>
    %dma_wait3A_212 = arith.constant 0 : i32
    %dma_wait3A_213 = tpu.memref_slice %arg4[%add3A_153, %dma_wait3A_212] : memref<262144x16xf32, #tpu.memory_space<hbm>> -> memref<2048x16xf32, #tpu.memory_space<hbm>>
    %dma_wait3A_214 = arith.constant 0 : i32
    %dma_wait3A_215 = tpu.memref_slice %arg4[%add3A_153, %dma_wait3A_214] : memref<262144x16xf32, #tpu.memory_space<hbm>> -> memref<2048x16xf32, #tpu.memory_space<hbm>>
    %dma_wait3A_216 = arith.constant 0 : i32
    %dma_wait3A_217 = arith.constant 0 : i32
    %dma_wait3A_218 = tpu.memref_slice %arg6[%dma_wait3A_207, %dma_wait3A_216, %dma_wait3A_217] : memref<2x2048x16xf32, #tpu.memory_space<vmem>> -> memref<1x2048x16xf32, #tpu.memory_space<vmem>>
    %dma_wait3A_219 = tpu.memref_squeeze %dma_wait3A_218 : memref<1x2048x16xf32, #tpu.memory_space<vmem>> -> memref<2048x16xf32, #tpu.memory_space<vmem>>
    tpu.wait_dma2 semaphore(%arg8 : memref<!tpu.dma_semaphore, #tpu.memory_space<semaphore_mem>>) src(%dma_wait3A_219 : memref<2048x16xf32, #tpu.memory_space<vmem>>) dst(%dma_wait3A_215 : memref<2048x16xf32, #tpu.memory_space<hbm>>)
    return
  }
}

#map = affine_map<(d0, d1) -> (0, 0)>
#map1 = affine_map<(d0, d1) -> (0)>
module attributes {stable_mosaic.version = 14 : i64} {
  func.func @gather_kernel(%arg0: i32, %arg1: i32, %arg2: memref<8192x80xf32, #tpu.memory_space<hbm>>, %arg3: memref<65536xi32, #tpu.memory_space<hbm>>, %arg4: memref<65536x80xf32, #tpu.memory_space<hbm>>, %arg5: memref<2x512xi32, #tpu.memory_space<vmem>>, %arg6: memref<2x512x80xf32, #tpu.memory_space<vmem>>, %arg7: memref<!tpu.dma_semaphore, #tpu.memory_space<semaphore_mem>>, %arg8: memref<!tpu.dma_semaphore, #tpu.memory_space<semaphore_mem>>) attributes {dimension_semantics = [#tpu.dimension_semantics<core_parallel>, #tpu.dimension_semantics<subcore_parallel>], iteration_bounds = array<i64: 2, 16>, scalar_prefetch = 0 : i64, scratch_operands = 4 : i64, tpu.core_type = #tpu.core_type<sc_vector_subcore>, window_params = [{transform_indices = #map}, {transform_indices = #map1}, {transform_indices = #map}]} {
    %mul3A = arith.constant 2 : i32
    %mul3A_0 = arith.muli %arg1, %mul3A : i32
    %add3A = arith.addi %mul3A_0, %arg0 : i32
    %mul3A_1 = arith.constant 2048 : i32
    %mul3A_2 = arith.muli %add3A, %mul3A_1 : i32
    %add3A_3 = arith.constant 0 : i32
    %add3A_4 = arith.addi %mul3A_2, %add3A_3 : i32
    %run_scoped3A = arith.constant 0 : i32
    "tpu.region"() ({
      %run_scoped3A_220 = tpu.sem_alloc : memref<!tpu.dma_semaphore, #tpu.memory_space<semaphore_mem>>
      %dma_start3A_221 = arith.constant 0 : i32
      %dma_start3A_222 = tpu.memref_slice %arg5[%run_scoped3A, %dma_start3A_221] : memref<2x512xi32, #tpu.memory_space<vmem>> -> memref<1x512xi32, #tpu.memory_space<vmem>>
      %dma_start3A_223 = tpu.memref_squeeze %dma_start3A_222 : memref<1x512xi32, #tpu.memory_space<vmem>> -> memref<512xi32, #tpu.memory_space<vmem>>
      %dma_start3A_224 = tpu.memref_slice %arg3[%add3A_4] : memref<65536xi32, #tpu.memory_space<hbm>> -> memref<512xi32, #tpu.memory_space<hbm>>
      %dma_start3A_225 = arith.constant 0 : i32
      %dma_start3A_226 = tpu.memref_slice %arg5[%run_scoped3A, %dma_start3A_225] : memref<2x512xi32, #tpu.memory_space<vmem>> -> memref<1x512xi32, #tpu.memory_space<vmem>>
      %dma_start3A_227 = tpu.memref_squeeze %dma_start3A_226 : memref<1x512xi32, #tpu.memory_space<vmem>> -> memref<512xi32, #tpu.memory_space<vmem>>
      %dma_start3A_228 = tpu.memref_slice %arg3[%add3A_4] : memref<65536xi32, #tpu.memory_space<hbm>> -> memref<512xi32, #tpu.memory_space<hbm>>
      tpu.enqueue_dma source(%dma_start3A_228 : memref<512xi32, #tpu.memory_space<hbm>>) target(%dma_start3A_227 : memref<512xi32, #tpu.memory_space<vmem>>) target_semaphore(%run_scoped3A_220 : memref<!tpu.dma_semaphore, #tpu.memory_space<semaphore_mem>>)
      %dma_wait3A_229 = arith.constant 0 : i32
      %dma_wait3A_230 = tpu.memref_slice %arg5[%run_scoped3A, %dma_wait3A_229] : memref<2x512xi32, #tpu.memory_space<vmem>> -> memref<1x512xi32, #tpu.memory_space<vmem>>
      %dma_wait3A_231 = tpu.memref_squeeze %dma_wait3A_230 : memref<1x512xi32, #tpu.memory_space<vmem>> -> memref<512xi32, #tpu.memory_space<vmem>>
      %dma_wait3A_232 = tpu.memref_slice %arg3[%add3A_4] : memref<65536xi32, #tpu.memory_space<hbm>> -> memref<512xi32, #tpu.memory_space<hbm>>
      %dma_wait3A_233 = arith.constant 0 : i32
      %dma_wait3A_234 = tpu.memref_slice %arg5[%run_scoped3A, %dma_wait3A_233] : memref<2x512xi32, #tpu.memory_space<vmem>> -> memref<1x512xi32, #tpu.memory_space<vmem>>
      %dma_wait3A_235 = tpu.memref_squeeze %dma_wait3A_234 : memref<1x512xi32, #tpu.memory_space<vmem>> -> memref<512xi32, #tpu.memory_space<vmem>>
      %dma_wait3A_236 = tpu.memref_slice %arg3[%add3A_4] : memref<65536xi32, #tpu.memory_space<hbm>> -> memref<512xi32, #tpu.memory_space<hbm>>
      tpu.wait_dma2 semaphore(%run_scoped3A_220 : memref<!tpu.dma_semaphore, #tpu.memory_space<semaphore_mem>>) src(%dma_wait3A_236 : memref<512xi32, #tpu.memory_space<hbm>>) dst(%dma_wait3A_235 : memref<512xi32, #tpu.memory_space<vmem>>)
      tpu.yield
    }) : () -> ()
    %dma_start3A = arith.constant 0 : i32
    %dma_start3A_5 = arith.constant 0 : i32
    %dma_start3A_6 = arith.constant 0 : i32
    %dma_start3A_7 = arith.constant 0 : i32
    %dma_start3A_8 = tpu.memref_slice %arg6[%dma_start3A_5, %dma_start3A_6, %dma_start3A_7] : memref<2x512x80xf32, #tpu.memory_space<vmem>> -> memref<1x512x80xf32, #tpu.memory_space<vmem>>
    %dma_start3A_9 = tpu.memref_squeeze %dma_start3A_8 : memref<1x512x80xf32, #tpu.memory_space<vmem>> -> memref<512x80xf32, #tpu.memory_space<vmem>>
    %dma_start3A_10 = arith.constant 0 : i32
    %dma_start3A_11 = tpu.memref_slice %arg5[%dma_start3A, %dma_start3A_10] : memref<2x512xi32, #tpu.memory_space<vmem>> -> memref<1x512xi32, #tpu.memory_space<vmem>>
    %dma_start3A_12 = tpu.memref_squeeze %dma_start3A_11 : memref<1x512xi32, #tpu.memory_space<vmem>> -> memref<512xi32, #tpu.memory_space<vmem>>
    %dma_start3A_13 = arith.constant 0 : i32
    %dma_start3A_14 = arith.constant 0 : i32
    %dma_start3A_15 = tpu.memref_slice %arg2[%dma_start3A_13, %dma_start3A_14] : memref<8192x80xf32, #tpu.memory_space<hbm>> -> memref<8192x80xf32, #tpu.memory_space<hbm>>
    tpu.enqueue_indirect_dma source(%dma_start3A_15 : memref<8192x80xf32, #tpu.memory_space<hbm>>) target(%dma_start3A_9 : memref<512x80xf32, #tpu.memory_space<vmem>>) offsets(%dma_start3A_12 : memref<512xi32, #tpu.memory_space<vmem>>) semaphore(%arg7 : memref<!tpu.dma_semaphore, #tpu.memory_space<semaphore_mem>>)
    %add3A_16 = arith.constant 512 : i32
    %add3A_17 = arith.addi %mul3A_2, %add3A_16 : i32
    %run_scoped3A_18 = arith.constant 1 : i32
    "tpu.region"() ({
      %run_scoped3A_220 = tpu.sem_alloc : memref<!tpu.dma_semaphore, #tpu.memory_space<semaphore_mem>>
      %dma_start3A_221 = arith.constant 0 : i32
      %dma_start3A_222 = tpu.memref_slice %arg5[%run_scoped3A_18, %dma_start3A_221] : memref<2x512xi32, #tpu.memory_space<vmem>> -> memref<1x512xi32, #tpu.memory_space<vmem>>
      %dma_start3A_223 = tpu.memref_squeeze %dma_start3A_222 : memref<1x512xi32, #tpu.memory_space<vmem>> -> memref<512xi32, #tpu.memory_space<vmem>>
      %dma_start3A_224 = tpu.memref_slice %arg3[%add3A_17] : memref<65536xi32, #tpu.memory_space<hbm>> -> memref<512xi32, #tpu.memory_space<hbm>>
      %dma_start3A_225 = arith.constant 0 : i32
      %dma_start3A_226 = tpu.memref_slice %arg5[%run_scoped3A_18, %dma_start3A_225] : memref<2x512xi32, #tpu.memory_space<vmem>> -> memref<1x512xi32, #tpu.memory_space<vmem>>
      %dma_start3A_227 = tpu.memref_squeeze %dma_start3A_226 : memref<1x512xi32, #tpu.memory_space<vmem>> -> memref<512xi32, #tpu.memory_space<vmem>>
      %dma_start3A_228 = tpu.memref_slice %arg3[%add3A_17] : memref<65536xi32, #tpu.memory_space<hbm>> -> memref<512xi32, #tpu.memory_space<hbm>>
      tpu.enqueue_dma source(%dma_start3A_228 : memref<512xi32, #tpu.memory_space<hbm>>) target(%dma_start3A_227 : memref<512xi32, #tpu.memory_space<vmem>>) target_semaphore(%run_scoped3A_220 : memref<!tpu.dma_semaphore, #tpu.memory_space<semaphore_mem>>)
      %dma_wait3A_229 = arith.constant 0 : i32
      %dma_wait3A_230 = tpu.memref_slice %arg5[%run_scoped3A_18, %dma_wait3A_229] : memref<2x512xi32, #tpu.memory_space<vmem>> -> memref<1x512xi32, #tpu.memory_space<vmem>>
      %dma_wait3A_231 = tpu.memref_squeeze %dma_wait3A_230 : memref<1x512xi32, #tpu.memory_space<vmem>> -> memref<512xi32, #tpu.memory_space<vmem>>
      %dma_wait3A_232 = tpu.memref_slice %arg3[%add3A_17] : memref<65536xi32, #tpu.memory_space<hbm>> -> memref<512xi32, #tpu.memory_space<hbm>>
      %dma_wait3A_233 = arith.constant 0 : i32
      %dma_wait3A_234 = tpu.memref_slice %arg5[%run_scoped3A_18, %dma_wait3A_233] : memref<2x512xi32, #tpu.memory_space<vmem>> -> memref<1x512xi32, #tpu.memory_space<vmem>>
      %dma_wait3A_235 = tpu.memref_squeeze %dma_wait3A_234 : memref<1x512xi32, #tpu.memory_space<vmem>> -> memref<512xi32, #tpu.memory_space<vmem>>
      %dma_wait3A_236 = tpu.memref_slice %arg3[%add3A_17] : memref<65536xi32, #tpu.memory_space<hbm>> -> memref<512xi32, #tpu.memory_space<hbm>>
      tpu.wait_dma2 semaphore(%run_scoped3A_220 : memref<!tpu.dma_semaphore, #tpu.memory_space<semaphore_mem>>) src(%dma_wait3A_236 : memref<512xi32, #tpu.memory_space<hbm>>) dst(%dma_wait3A_235 : memref<512xi32, #tpu.memory_space<vmem>>)
      tpu.yield
    }) : () -> ()
    %dma_start3A_19 = arith.constant 1 : i32
    %dma_start3A_20 = arith.constant 1 : i32
    %dma_start3A_21 = arith.constant 0 : i32
    %dma_start3A_22 = arith.constant 0 : i32
    %dma_start3A_23 = tpu.memref_slice %arg6[%dma_start3A_20, %dma_start3A_21, %dma_start3A_22] : memref<2x512x80xf32, #tpu.memory_space<vmem>> -> memref<1x512x80xf32, #tpu.memory_space<vmem>>
    %dma_start3A_24 = tpu.memref_squeeze %dma_start3A_23 : memref<1x512x80xf32, #tpu.memory_space<vmem>> -> memref<512x80xf32, #tpu.memory_space<vmem>>
    %dma_start3A_25 = arith.constant 0 : i32
    %dma_start3A_26 = tpu.memref_slice %arg5[%dma_start3A_19, %dma_start3A_25] : memref<2x512xi32, #tpu.memory_space<vmem>> -> memref<1x512xi32, #tpu.memory_space<vmem>>
    %dma_start3A_27 = tpu.memref_squeeze %dma_start3A_26 : memref<1x512xi32, #tpu.memory_space<vmem>> -> memref<512xi32, #tpu.memory_space<vmem>>
    %dma_start3A_28 = arith.constant 0 : i32
    %dma_start3A_29 = arith.constant 0 : i32
    %dma_start3A_30 = tpu.memref_slice %arg2[%dma_start3A_28, %dma_start3A_29] : memref<8192x80xf32, #tpu.memory_space<hbm>> -> memref<8192x80xf32, #tpu.memory_space<hbm>>
    tpu.enqueue_indirect_dma source(%dma_start3A_30 : memref<8192x80xf32, #tpu.memory_space<hbm>>) target(%dma_start3A_24 : memref<512x80xf32, #tpu.memory_space<vmem>>) offsets(%dma_start3A_27 : memref<512xi32, #tpu.memory_space<vmem>>) semaphore(%arg7 : memref<!tpu.dma_semaphore, #tpu.memory_space<semaphore_mem>>)
    %dma_wait3A = arith.constant 0 : i32
    %dma_wait3A_31 = arith.constant 0 : i32
    %dma_wait3A_32 = arith.constant 0 : i32
    %dma_wait3A_33 = arith.constant 0 : i32
    %dma_wait3A_34 = tpu.memref_slice %arg6[%dma_wait3A_31, %dma_wait3A_32, %dma_wait3A_33] : memref<2x512x80xf32, #tpu.memory_space<vmem>> -> memref<1x512x80xf32, #tpu.memory_space<vmem>>
    %dma_wait3A_35 = tpu.memref_squeeze %dma_wait3A_34 : memref<1x512x80xf32, #tpu.memory_space<vmem>> -> memref<512x80xf32, #tpu.memory_space<vmem>>
    %dma_wait3A_36 = arith.constant 0 : i32
    %dma_wait3A_37 = tpu.memref_slice %arg5[%dma_wait3A, %dma_wait3A_36] : memref<2x512xi32, #tpu.memory_space<vmem>> -> memref<1x512xi32, #tpu.memory_space<vmem>>
    %dma_wait3A_38 = tpu.memref_squeeze %dma_wait3A_37 : memref<1x512xi32, #tpu.memory_space<vmem>> -> memref<512xi32, #tpu.memory_space<vmem>>
    %dma_wait3A_39 = arith.constant 0 : i32
    %dma_wait3A_40 = arith.constant 0 : i32
    %dma_wait3A_41 = tpu.memref_slice %arg2[%dma_wait3A_39, %dma_wait3A_40] : memref<8192x80xf32, #tpu.memory_space<hbm>> -> memref<8192x80xf32, #tpu.memory_space<hbm>>
    tpu.wait_indirect_dma semaphore(%arg7 : memref<!tpu.dma_semaphore, #tpu.memory_space<semaphore_mem>>) src(%dma_wait3A_41 : memref<8192x80xf32, #tpu.memory_space<hbm>>) dst(%dma_wait3A_35 : memref<512x80xf32, #tpu.memory_space<vmem>>)
    %add3A_42 = arith.constant 0 : i32
    %add3A_43 = arith.addi %mul3A_2, %add3A_42 : i32
    %dma_start3A_44 = arith.constant 0 : i32
    %dma_start3A_45 = arith.constant 0 : i32
    %dma_start3A_46 = arith.constant 0 : i32
    %dma_start3A_47 = tpu.memref_slice %arg6[%dma_start3A_44, %dma_start3A_45, %dma_start3A_46] : memref<2x512x80xf32, #tpu.memory_space<vmem>> -> memref<1x512x80xf32, #tpu.memory_space<vmem>>
    %dma_start3A_48 = tpu.memref_squeeze %dma_start3A_47 : memref<1x512x80xf32, #tpu.memory_space<vmem>> -> memref<512x80xf32, #tpu.memory_space<vmem>>
    %dma_start3A_49 = arith.constant 0 : i32
    %dma_start3A_50 = tpu.memref_slice %arg4[%add3A_43, %dma_start3A_49] : memref<65536x80xf32, #tpu.memory_space<hbm>> -> memref<512x80xf32, #tpu.memory_space<hbm>>
    %dma_start3A_51 = arith.constant 0 : i32
    %dma_start3A_52 = tpu.memref_slice %arg4[%add3A_43, %dma_start3A_51] : memref<65536x80xf32, #tpu.memory_space<hbm>> -> memref<512x80xf32, #tpu.memory_space<hbm>>
    %dma_start3A_53 = arith.constant 0 : i32
    %dma_start3A_54 = arith.constant 0 : i32
    %dma_start3A_55 = tpu.memref_slice %arg6[%dma_start3A_44, %dma_start3A_53, %dma_start3A_54] : memref<2x512x80xf32, #tpu.memory_space<vmem>> -> memref<1x512x80xf32, #tpu.memory_space<vmem>>
    %dma_start3A_56 = tpu.memref_squeeze %dma_start3A_55 : memref<1x512x80xf32, #tpu.memory_space<vmem>> -> memref<512x80xf32, #tpu.memory_space<vmem>>
    tpu.enqueue_dma source(%dma_start3A_56 : memref<512x80xf32, #tpu.memory_space<vmem>>) target(%dma_start3A_52 : memref<512x80xf32, #tpu.memory_space<hbm>>) target_semaphore(%arg8 : memref<!tpu.dma_semaphore, #tpu.memory_space<semaphore_mem>>)
    %add3A_57 = arith.constant 1024 : i32
    %add3A_58 = arith.addi %mul3A_2, %add3A_57 : i32
    %run_scoped3A_59 = arith.constant 0 : i32
    "tpu.region"() ({
      %run_scoped3A_220 = tpu.sem_alloc : memref<!tpu.dma_semaphore, #tpu.memory_space<semaphore_mem>>
      %dma_start3A_221 = arith.constant 0 : i32
      %dma_start3A_222 = tpu.memref_slice %arg5[%run_scoped3A_59, %dma_start3A_221] : memref<2x512xi32, #tpu.memory_space<vmem>> -> memref<1x512xi32, #tpu.memory_space<vmem>>
      %dma_start3A_223 = tpu.memref_squeeze %dma_start3A_222 : memref<1x512xi32, #tpu.memory_space<vmem>> -> memref<512xi32, #tpu.memory_space<vmem>>
      %dma_start3A_224 = tpu.memref_slice %arg3[%add3A_58] : memref<65536xi32, #tpu.memory_space<hbm>> -> memref<512xi32, #tpu.memory_space<hbm>>
      %dma_start3A_225 = arith.constant 0 : i32
      %dma_start3A_226 = tpu.memref_slice %arg5[%run_scoped3A_59, %dma_start3A_225] : memref<2x512xi32, #tpu.memory_space<vmem>> -> memref<1x512xi32, #tpu.memory_space<vmem>>
      %dma_start3A_227 = tpu.memref_squeeze %dma_start3A_226 : memref<1x512xi32, #tpu.memory_space<vmem>> -> memref<512xi32, #tpu.memory_space<vmem>>
      %dma_start3A_228 = tpu.memref_slice %arg3[%add3A_58] : memref<65536xi32, #tpu.memory_space<hbm>> -> memref<512xi32, #tpu.memory_space<hbm>>
      tpu.enqueue_dma source(%dma_start3A_228 : memref<512xi32, #tpu.memory_space<hbm>>) target(%dma_start3A_227 : memref<512xi32, #tpu.memory_space<vmem>>) target_semaphore(%run_scoped3A_220 : memref<!tpu.dma_semaphore, #tpu.memory_space<semaphore_mem>>)
      %dma_wait3A_229 = arith.constant 0 : i32
      %dma_wait3A_230 = tpu.memref_slice %arg5[%run_scoped3A_59, %dma_wait3A_229] : memref<2x512xi32, #tpu.memory_space<vmem>> -> memref<1x512xi32, #tpu.memory_space<vmem>>
      %dma_wait3A_231 = tpu.memref_squeeze %dma_wait3A_230 : memref<1x512xi32, #tpu.memory_space<vmem>> -> memref<512xi32, #tpu.memory_space<vmem>>
      %dma_wait3A_232 = tpu.memref_slice %arg3[%add3A_58] : memref<65536xi32, #tpu.memory_space<hbm>> -> memref<512xi32, #tpu.memory_space<hbm>>
      %dma_wait3A_233 = arith.constant 0 : i32
      %dma_wait3A_234 = tpu.memref_slice %arg5[%run_scoped3A_59, %dma_wait3A_233] : memref<2x512xi32, #tpu.memory_space<vmem>> -> memref<1x512xi32, #tpu.memory_space<vmem>>
      %dma_wait3A_235 = tpu.memref_squeeze %dma_wait3A_234 : memref<1x512xi32, #tpu.memory_space<vmem>> -> memref<512xi32, #tpu.memory_space<vmem>>
      %dma_wait3A_236 = tpu.memref_slice %arg3[%add3A_58] : memref<65536xi32, #tpu.memory_space<hbm>> -> memref<512xi32, #tpu.memory_space<hbm>>
      tpu.wait_dma2 semaphore(%run_scoped3A_220 : memref<!tpu.dma_semaphore, #tpu.memory_space<semaphore_mem>>) src(%dma_wait3A_236 : memref<512xi32, #tpu.memory_space<hbm>>) dst(%dma_wait3A_235 : memref<512xi32, #tpu.memory_space<vmem>>)
      tpu.yield
    }) : () -> ()
    %dma_wait3A_60 = arith.constant 0 : i32
    %dma_wait3A_61 = arith.constant 0 : i32
    %dma_wait3A_62 = arith.constant 0 : i32
    %dma_wait3A_63 = tpu.memref_slice %arg6[%dma_wait3A_60, %dma_wait3A_61, %dma_wait3A_62] : memref<2x512x80xf32, #tpu.memory_space<vmem>> -> memref<1x512x80xf32, #tpu.memory_space<vmem>>
    %dma_wait3A_64 = tpu.memref_squeeze %dma_wait3A_63 : memref<1x512x80xf32, #tpu.memory_space<vmem>> -> memref<512x80xf32, #tpu.memory_space<vmem>>
    %dma_wait3A_65 = arith.constant 0 : i32
    %dma_wait3A_66 = tpu.memref_slice %arg4[%add3A_43, %dma_wait3A_65] : memref<65536x80xf32, #tpu.memory_space<hbm>> -> memref<512x80xf32, #tpu.memory_space<hbm>>
    %dma_wait3A_67 = arith.constant 0 : i32
    %dma_wait3A_68 = tpu.memref_slice %arg4[%add3A_43, %dma_wait3A_67] : memref<65536x80xf32, #tpu.memory_space<hbm>> -> memref<512x80xf32, #tpu.memory_space<hbm>>
    %dma_wait3A_69 = arith.constant 0 : i32
    %dma_wait3A_70 = arith.constant 0 : i32
    %dma_wait3A_71 = tpu.memref_slice %arg6[%dma_wait3A_60, %dma_wait3A_69, %dma_wait3A_70] : memref<2x512x80xf32, #tpu.memory_space<vmem>> -> memref<1x512x80xf32, #tpu.memory_space<vmem>>
    %dma_wait3A_72 = tpu.memref_squeeze %dma_wait3A_71 : memref<1x512x80xf32, #tpu.memory_space<vmem>> -> memref<512x80xf32, #tpu.memory_space<vmem>>
    tpu.wait_dma2 semaphore(%arg8 : memref<!tpu.dma_semaphore, #tpu.memory_space<semaphore_mem>>) src(%dma_wait3A_72 : memref<512x80xf32, #tpu.memory_space<vmem>>) dst(%dma_wait3A_68 : memref<512x80xf32, #tpu.memory_space<hbm>>)
    %dma_start3A_73 = arith.constant 0 : i32
    %dma_start3A_74 = arith.constant 0 : i32
    %dma_start3A_75 = arith.constant 0 : i32
    %dma_start3A_76 = arith.constant 0 : i32
    %dma_start3A_77 = tpu.memref_slice %arg6[%dma_start3A_74, %dma_start3A_75, %dma_start3A_76] : memref<2x512x80xf32, #tpu.memory_space<vmem>> -> memref<1x512x80xf32, #tpu.memory_space<vmem>>
    %dma_start3A_78 = tpu.memref_squeeze %dma_start3A_77 : memref<1x512x80xf32, #tpu.memory_space<vmem>> -> memref<512x80xf32, #tpu.memory_space<vmem>>
    %dma_start3A_79 = arith.constant 0 : i32
    %dma_start3A_80 = tpu.memref_slice %arg5[%dma_start3A_73, %dma_start3A_79] : memref<2x512xi32, #tpu.memory_space<vmem>> -> memref<1x512xi32, #tpu.memory_space<vmem>>
    %dma_start3A_81 = tpu.memref_squeeze %dma_start3A_80 : memref<1x512xi32, #tpu.memory_space<vmem>> -> memref<512xi32, #tpu.memory_space<vmem>>
    %dma_start3A_82 = arith.constant 0 : i32
    %dma_start3A_83 = arith.constant 0 : i32
    %dma_start3A_84 = tpu.memref_slice %arg2[%dma_start3A_82, %dma_start3A_83] : memref<8192x80xf32, #tpu.memory_space<hbm>> -> memref<8192x80xf32, #tpu.memory_space<hbm>>
    tpu.enqueue_indirect_dma source(%dma_start3A_84 : memref<8192x80xf32, #tpu.memory_space<hbm>>) target(%dma_start3A_78 : memref<512x80xf32, #tpu.memory_space<vmem>>) offsets(%dma_start3A_81 : memref<512xi32, #tpu.memory_space<vmem>>) semaphore(%arg7 : memref<!tpu.dma_semaphore, #tpu.memory_space<semaphore_mem>>)
    %dma_wait3A_85 = arith.constant 1 : i32
    %dma_wait3A_86 = arith.constant 1 : i32
    %dma_wait3A_87 = arith.constant 0 : i32
    %dma_wait3A_88 = arith.constant 0 : i32
    %dma_wait3A_89 = tpu.memref_slice %arg6[%dma_wait3A_86, %dma_wait3A_87, %dma_wait3A_88] : memref<2x512x80xf32, #tpu.memory_space<vmem>> -> memref<1x512x80xf32, #tpu.memory_space<vmem>>
    %dma_wait3A_90 = tpu.memref_squeeze %dma_wait3A_89 : memref<1x512x80xf32, #tpu.memory_space<vmem>> -> memref<512x80xf32, #tpu.memory_space<vmem>>
    %dma_wait3A_91 = arith.constant 0 : i32
    %dma_wait3A_92 = tpu.memref_slice %arg5[%dma_wait3A_85, %dma_wait3A_91] : memref<2x512xi32, #tpu.memory_space<vmem>> -> memref<1x512xi32, #tpu.memory_space<vmem>>
    %dma_wait3A_93 = tpu.memref_squeeze %dma_wait3A_92 : memref<1x512xi32, #tpu.memory_space<vmem>> -> memref<512xi32, #tpu.memory_space<vmem>>
    %dma_wait3A_94 = arith.constant 0 : i32
    %dma_wait3A_95 = arith.constant 0 : i32
    %dma_wait3A_96 = tpu.memref_slice %arg2[%dma_wait3A_94, %dma_wait3A_95] : memref<8192x80xf32, #tpu.memory_space<hbm>> -> memref<8192x80xf32, #tpu.memory_space<hbm>>
    tpu.wait_indirect_dma semaphore(%arg7 : memref<!tpu.dma_semaphore, #tpu.memory_space<semaphore_mem>>) src(%dma_wait3A_96 : memref<8192x80xf32, #tpu.memory_space<hbm>>) dst(%dma_wait3A_90 : memref<512x80xf32, #tpu.memory_space<vmem>>)
    %add3A_97 = arith.constant 512 : i32
    %add3A_98 = arith.addi %mul3A_2, %add3A_97 : i32
    %dma_start3A_99 = arith.constant 1 : i32
    %dma_start3A_100 = arith.constant 0 : i32
    %dma_start3A_101 = arith.constant 0 : i32
    %dma_start3A_102 = tpu.memref_slice %arg6[%dma_start3A_99, %dma_start3A_100, %dma_start3A_101] : memref<2x512x80xf32, #tpu.memory_space<vmem>> -> memref<1x512x80xf32, #tpu.memory_space<vmem>>
    %dma_start3A_103 = tpu.memref_squeeze %dma_start3A_102 : memref<1x512x80xf32, #tpu.memory_space<vmem>> -> memref<512x80xf32, #tpu.memory_space<vmem>>
    %dma_start3A_104 = arith.constant 0 : i32
    %dma_start3A_105 = tpu.memref_slice %arg4[%add3A_98, %dma_start3A_104] : memref<65536x80xf32, #tpu.memory_space<hbm>> -> memref<512x80xf32, #tpu.memory_space<hbm>>
    %dma_start3A_106 = arith.constant 0 : i32
    %dma_start3A_107 = tpu.memref_slice %arg4[%add3A_98, %dma_start3A_106] : memref<65536x80xf32, #tpu.memory_space<hbm>> -> memref<512x80xf32, #tpu.memory_space<hbm>>
    %dma_start3A_108 = arith.constant 0 : i32
    %dma_start3A_109 = arith.constant 0 : i32
    %dma_start3A_110 = tpu.memref_slice %arg6[%dma_start3A_99, %dma_start3A_108, %dma_start3A_109] : memref<2x512x80xf32, #tpu.memory_space<vmem>> -> memref<1x512x80xf32, #tpu.memory_space<vmem>>
    %dma_start3A_111 = tpu.memref_squeeze %dma_start3A_110 : memref<1x512x80xf32, #tpu.memory_space<vmem>> -> memref<512x80xf32, #tpu.memory_space<vmem>>
    tpu.enqueue_dma source(%dma_start3A_111 : memref<512x80xf32, #tpu.memory_space<vmem>>) target(%dma_start3A_107 : memref<512x80xf32, #tpu.memory_space<hbm>>) target_semaphore(%arg8 : memref<!tpu.dma_semaphore, #tpu.memory_space<semaphore_mem>>)
    %add3A_112 = arith.constant 1536 : i32
    %add3A_113 = arith.addi %mul3A_2, %add3A_112 : i32
    %run_scoped3A_114 = arith.constant 1 : i32
    "tpu.region"() ({
      %run_scoped3A_220 = tpu.sem_alloc : memref<!tpu.dma_semaphore, #tpu.memory_space<semaphore_mem>>
      %dma_start3A_221 = arith.constant 0 : i32
      %dma_start3A_222 = tpu.memref_slice %arg5[%run_scoped3A_114, %dma_start3A_221] : memref<2x512xi32, #tpu.memory_space<vmem>> -> memref<1x512xi32, #tpu.memory_space<vmem>>
      %dma_start3A_223 = tpu.memref_squeeze %dma_start3A_222 : memref<1x512xi32, #tpu.memory_space<vmem>> -> memref<512xi32, #tpu.memory_space<vmem>>
      %dma_start3A_224 = tpu.memref_slice %arg3[%add3A_113] : memref<65536xi32, #tpu.memory_space<hbm>> -> memref<512xi32, #tpu.memory_space<hbm>>
      %dma_start3A_225 = arith.constant 0 : i32
      %dma_start3A_226 = tpu.memref_slice %arg5[%run_scoped3A_114, %dma_start3A_225] : memref<2x512xi32, #tpu.memory_space<vmem>> -> memref<1x512xi32, #tpu.memory_space<vmem>>
      %dma_start3A_227 = tpu.memref_squeeze %dma_start3A_226 : memref<1x512xi32, #tpu.memory_space<vmem>> -> memref<512xi32, #tpu.memory_space<vmem>>
      %dma_start3A_228 = tpu.memref_slice %arg3[%add3A_113] : memref<65536xi32, #tpu.memory_space<hbm>> -> memref<512xi32, #tpu.memory_space<hbm>>
      tpu.enqueue_dma source(%dma_start3A_228 : memref<512xi32, #tpu.memory_space<hbm>>) target(%dma_start3A_227 : memref<512xi32, #tpu.memory_space<vmem>>) target_semaphore(%run_scoped3A_220 : memref<!tpu.dma_semaphore, #tpu.memory_space<semaphore_mem>>)
      %dma_wait3A_229 = arith.constant 0 : i32
      %dma_wait3A_230 = tpu.memref_slice %arg5[%run_scoped3A_114, %dma_wait3A_229] : memref<2x512xi32, #tpu.memory_space<vmem>> -> memref<1x512xi32, #tpu.memory_space<vmem>>
      %dma_wait3A_231 = tpu.memref_squeeze %dma_wait3A_230 : memref<1x512xi32, #tpu.memory_space<vmem>> -> memref<512xi32, #tpu.memory_space<vmem>>
      %dma_wait3A_232 = tpu.memref_slice %arg3[%add3A_113] : memref<65536xi32, #tpu.memory_space<hbm>> -> memref<512xi32, #tpu.memory_space<hbm>>
      %dma_wait3A_233 = arith.constant 0 : i32
      %dma_wait3A_234 = tpu.memref_slice %arg5[%run_scoped3A_114, %dma_wait3A_233] : memref<2x512xi32, #tpu.memory_space<vmem>> -> memref<1x512xi32, #tpu.memory_space<vmem>>
      %dma_wait3A_235 = tpu.memref_squeeze %dma_wait3A_234 : memref<1x512xi32, #tpu.memory_space<vmem>> -> memref<512xi32, #tpu.memory_space<vmem>>
      %dma_wait3A_236 = tpu.memref_slice %arg3[%add3A_113] : memref<65536xi32, #tpu.memory_space<hbm>> -> memref<512xi32, #tpu.memory_space<hbm>>
      tpu.wait_dma2 semaphore(%run_scoped3A_220 : memref<!tpu.dma_semaphore, #tpu.memory_space<semaphore_mem>>) src(%dma_wait3A_236 : memref<512xi32, #tpu.memory_space<hbm>>) dst(%dma_wait3A_235 : memref<512xi32, #tpu.memory_space<vmem>>)
      tpu.yield
    }) : () -> ()
    %dma_wait3A_115 = arith.constant 1 : i32
    %dma_wait3A_116 = arith.constant 0 : i32
    %dma_wait3A_117 = arith.constant 0 : i32
    %dma_wait3A_118 = tpu.memref_slice %arg6[%dma_wait3A_115, %dma_wait3A_116, %dma_wait3A_117] : memref<2x512x80xf32, #tpu.memory_space<vmem>> -> memref<1x512x80xf32, #tpu.memory_space<vmem>>
    %dma_wait3A_119 = tpu.memref_squeeze %dma_wait3A_118 : memref<1x512x80xf32, #tpu.memory_space<vmem>> -> memref<512x80xf32, #tpu.memory_space<vmem>>
    %dma_wait3A_120 = arith.constant 0 : i32
    %dma_wait3A_121 = tpu.memref_slice %arg4[%add3A_98, %dma_wait3A_120] : memref<65536x80xf32, #tpu.memory_space<hbm>> -> memref<512x80xf32, #tpu.memory_space<hbm>>
    %dma_wait3A_122 = arith.constant 0 : i32
    %dma_wait3A_123 = tpu.memref_slice %arg4[%add3A_98, %dma_wait3A_122] : memref<65536x80xf32, #tpu.memory_space<hbm>> -> memref<512x80xf32, #tpu.memory_space<hbm>>
    %dma_wait3A_124 = arith.constant 0 : i32
    %dma_wait3A_125 = arith.constant 0 : i32
    %dma_wait3A_126 = tpu.memref_slice %arg6[%dma_wait3A_115, %dma_wait3A_124, %dma_wait3A_125] : memref<2x512x80xf32, #tpu.memory_space<vmem>> -> memref<1x512x80xf32, #tpu.memory_space<vmem>>
    %dma_wait3A_127 = tpu.memref_squeeze %dma_wait3A_126 : memref<1x512x80xf32, #tpu.memory_space<vmem>> -> memref<512x80xf32, #tpu.memory_space<vmem>>
    tpu.wait_dma2 semaphore(%arg8 : memref<!tpu.dma_semaphore, #tpu.memory_space<semaphore_mem>>) src(%dma_wait3A_127 : memref<512x80xf32, #tpu.memory_space<vmem>>) dst(%dma_wait3A_123 : memref<512x80xf32, #tpu.memory_space<hbm>>)
    %dma_start3A_128 = arith.constant 1 : i32
    %dma_start3A_129 = arith.constant 1 : i32
    %dma_start3A_130 = arith.constant 0 : i32
    %dma_start3A_131 = arith.constant 0 : i32
    %dma_start3A_132 = tpu.memref_slice %arg6[%dma_start3A_129, %dma_start3A_130, %dma_start3A_131] : memref<2x512x80xf32, #tpu.memory_space<vmem>> -> memref<1x512x80xf32, #tpu.memory_space<vmem>>
    %dma_start3A_133 = tpu.memref_squeeze %dma_start3A_132 : memref<1x512x80xf32, #tpu.memory_space<vmem>> -> memref<512x80xf32, #tpu.memory_space<vmem>>
    %dma_start3A_134 = arith.constant 0 : i32
    %dma_start3A_135 = tpu.memref_slice %arg5[%dma_start3A_128, %dma_start3A_134] : memref<2x512xi32, #tpu.memory_space<vmem>> -> memref<1x512xi32, #tpu.memory_space<vmem>>
    %dma_start3A_136 = tpu.memref_squeeze %dma_start3A_135 : memref<1x512xi32, #tpu.memory_space<vmem>> -> memref<512xi32, #tpu.memory_space<vmem>>
    %dma_start3A_137 = arith.constant 0 : i32
    %dma_start3A_138 = arith.constant 0 : i32
    %dma_start3A_139 = tpu.memref_slice %arg2[%dma_start3A_137, %dma_start3A_138] : memref<8192x80xf32, #tpu.memory_space<hbm>> -> memref<8192x80xf32, #tpu.memory_space<hbm>>
    tpu.enqueue_indirect_dma source(%dma_start3A_139 : memref<8192x80xf32, #tpu.memory_space<hbm>>) target(%dma_start3A_133 : memref<512x80xf32, #tpu.memory_space<vmem>>) offsets(%dma_start3A_136 : memref<512xi32, #tpu.memory_space<vmem>>) semaphore(%arg7 : memref<!tpu.dma_semaphore, #tpu.memory_space<semaphore_mem>>)
    %dma_wait3A_140 = arith.constant 0 : i32
    %dma_wait3A_141 = arith.constant 0 : i32
    %dma_wait3A_142 = arith.constant 0 : i32
    %dma_wait3A_143 = arith.constant 0 : i32
    %dma_wait3A_144 = tpu.memref_slice %arg6[%dma_wait3A_141, %dma_wait3A_142, %dma_wait3A_143] : memref<2x512x80xf32, #tpu.memory_space<vmem>> -> memref<1x512x80xf32, #tpu.memory_space<vmem>>
    %dma_wait3A_145 = tpu.memref_squeeze %dma_wait3A_144 : memref<1x512x80xf32, #tpu.memory_space<vmem>> -> memref<512x80xf32, #tpu.memory_space<vmem>>
    %dma_wait3A_146 = arith.constant 0 : i32
    %dma_wait3A_147 = tpu.memref_slice %arg5[%dma_wait3A_140, %dma_wait3A_146] : memref<2x512xi32, #tpu.memory_space<vmem>> -> memref<1x512xi32, #tpu.memory_space<vmem>>
    %dma_wait3A_148 = tpu.memref_squeeze %dma_wait3A_147 : memref<1x512xi32, #tpu.memory_space<vmem>> -> memref<512xi32, #tpu.memory_space<vmem>>
    %dma_wait3A_149 = arith.constant 0 : i32
    %dma_wait3A_150 = arith.constant 0 : i32
    %dma_wait3A_151 = tpu.memref_slice %arg2[%dma_wait3A_149, %dma_wait3A_150] : memref<8192x80xf32, #tpu.memory_space<hbm>> -> memref<8192x80xf32, #tpu.memory_space<hbm>>
    tpu.wait_indirect_dma semaphore(%arg7 : memref<!tpu.dma_semaphore, #tpu.memory_space<semaphore_mem>>) src(%dma_wait3A_151 : memref<8192x80xf32, #tpu.memory_space<hbm>>) dst(%dma_wait3A_145 : memref<512x80xf32, #tpu.memory_space<vmem>>)
    %add3A_152 = arith.constant 1024 : i32
    %add3A_153 = arith.addi %mul3A_2, %add3A_152 : i32
    %dma_start3A_154 = arith.constant 0 : i32
    %dma_start3A_155 = arith.constant 0 : i32
    %dma_start3A_156 = arith.constant 0 : i32
    %dma_start3A_157 = tpu.memref_slice %arg6[%dma_start3A_154, %dma_start3A_155, %dma_start3A_156] : memref<2x512x80xf32, #tpu.memory_space<vmem>> -> memref<1x512x80xf32, #tpu.memory_space<vmem>>
    %dma_start3A_158 = tpu.memref_squeeze %dma_start3A_157 : memref<1x512x80xf32, #tpu.memory_space<vmem>> -> memref<512x80xf32, #tpu.memory_space<vmem>>
    %dma_start3A_159 = arith.constant 0 : i32
    %dma_start3A_160 = tpu.memref_slice %arg4[%add3A_153, %dma_start3A_159] : memref<65536x80xf32, #tpu.memory_space<hbm>> -> memref<512x80xf32, #tpu.memory_space<hbm>>
    %dma_start3A_161 = arith.constant 0 : i32
    %dma_start3A_162 = tpu.memref_slice %arg4[%add3A_153, %dma_start3A_161] : memref<65536x80xf32, #tpu.memory_space<hbm>> -> memref<512x80xf32, #tpu.memory_space<hbm>>
    %dma_start3A_163 = arith.constant 0 : i32
    %dma_start3A_164 = arith.constant 0 : i32
    %dma_start3A_165 = tpu.memref_slice %arg6[%dma_start3A_154, %dma_start3A_163, %dma_start3A_164] : memref<2x512x80xf32, #tpu.memory_space<vmem>> -> memref<1x512x80xf32, #tpu.memory_space<vmem>>
    %dma_start3A_166 = tpu.memref_squeeze %dma_start3A_165 : memref<1x512x80xf32, #tpu.memory_space<vmem>> -> memref<512x80xf32, #tpu.memory_space<vmem>>
    tpu.enqueue_dma source(%dma_start3A_166 : memref<512x80xf32, #tpu.memory_space<vmem>>) target(%dma_start3A_162 : memref<512x80xf32, #tpu.memory_space<hbm>>) target_semaphore(%arg8 : memref<!tpu.dma_semaphore, #tpu.memory_space<semaphore_mem>>)
    %dma_wait3A_167 = arith.constant 1 : i32
    %dma_wait3A_168 = arith.constant 1 : i32
    %dma_wait3A_169 = arith.constant 0 : i32
    %dma_wait3A_170 = arith.constant 0 : i32
    %dma_wait3A_171 = tpu.memref_slice %arg6[%dma_wait3A_168, %dma_wait3A_169, %dma_wait3A_170] : memref<2x512x80xf32, #tpu.memory_space<vmem>> -> memref<1x512x80xf32, #tpu.memory_space<vmem>>
    %dma_wait3A_172 = tpu.memref_squeeze %dma_wait3A_171 : memref<1x512x80xf32, #tpu.memory_space<vmem>> -> memref<512x80xf32, #tpu.memory_space<vmem>>
    %dma_wait3A_173 = arith.constant 0 : i32
    %dma_wait3A_174 = tpu.memref_slice %arg5[%dma_wait3A_167, %dma_wait3A_173] : memref<2x512xi32, #tpu.memory_space<vmem>> -> memref<1x512xi32, #tpu.memory_space<vmem>>
    %dma_wait3A_175 = tpu.memref_squeeze %dma_wait3A_174 : memref<1x512xi32, #tpu.memory_space<vmem>> -> memref<512xi32, #tpu.memory_space<vmem>>
    %dma_wait3A_176 = arith.constant 0 : i32
    %dma_wait3A_177 = arith.constant 0 : i32
    %dma_wait3A_178 = tpu.memref_slice %arg2[%dma_wait3A_176, %dma_wait3A_177] : memref<8192x80xf32, #tpu.memory_space<hbm>> -> memref<8192x80xf32, #tpu.memory_space<hbm>>
    tpu.wait_indirect_dma semaphore(%arg7 : memref<!tpu.dma_semaphore, #tpu.memory_space<semaphore_mem>>) src(%dma_wait3A_178 : memref<8192x80xf32, #tpu.memory_space<hbm>>) dst(%dma_wait3A_172 : memref<512x80xf32, #tpu.memory_space<vmem>>)
    %add3A_179 = arith.constant 1536 : i32
    %add3A_180 = arith.addi %mul3A_2, %add3A_179 : i32
    %dma_start3A_181 = arith.constant 1 : i32
    %dma_start3A_182 = arith.constant 0 : i32
    %dma_start3A_183 = arith.constant 0 : i32
    %dma_start3A_184 = tpu.memref_slice %arg6[%dma_start3A_181, %dma_start3A_182, %dma_start3A_183] : memref<2x512x80xf32, #tpu.memory_space<vmem>> -> memref<1x512x80xf32, #tpu.memory_space<vmem>>
    %dma_start3A_185 = tpu.memref_squeeze %dma_start3A_184 : memref<1x512x80xf32, #tpu.memory_space<vmem>> -> memref<512x80xf32, #tpu.memory_space<vmem>>
    %dma_start3A_186 = arith.constant 0 : i32
    %dma_start3A_187 = tpu.memref_slice %arg4[%add3A_180, %dma_start3A_186] : memref<65536x80xf32, #tpu.memory_space<hbm>> -> memref<512x80xf32, #tpu.memory_space<hbm>>
    %dma_start3A_188 = arith.constant 0 : i32
    %dma_start3A_189 = tpu.memref_slice %arg4[%add3A_180, %dma_start3A_188] : memref<65536x80xf32, #tpu.memory_space<hbm>> -> memref<512x80xf32, #tpu.memory_space<hbm>>
    %dma_start3A_190 = arith.constant 0 : i32
    %dma_start3A_191 = arith.constant 0 : i32
    %dma_start3A_192 = tpu.memref_slice %arg6[%dma_start3A_181, %dma_start3A_190, %dma_start3A_191] : memref<2x512x80xf32, #tpu.memory_space<vmem>> -> memref<1x512x80xf32, #tpu.memory_space<vmem>>
    %dma_start3A_193 = tpu.memref_squeeze %dma_start3A_192 : memref<1x512x80xf32, #tpu.memory_space<vmem>> -> memref<512x80xf32, #tpu.memory_space<vmem>>
    tpu.enqueue_dma source(%dma_start3A_193 : memref<512x80xf32, #tpu.memory_space<vmem>>) target(%dma_start3A_189 : memref<512x80xf32, #tpu.memory_space<hbm>>) target_semaphore(%arg8 : memref<!tpu.dma_semaphore, #tpu.memory_space<semaphore_mem>>)
    %dma_wait3A_194 = arith.constant 1 : i32
    %dma_wait3A_195 = arith.constant 0 : i32
    %dma_wait3A_196 = arith.constant 0 : i32
    %dma_wait3A_197 = tpu.memref_slice %arg6[%dma_wait3A_194, %dma_wait3A_195, %dma_wait3A_196] : memref<2x512x80xf32, #tpu.memory_space<vmem>> -> memref<1x512x80xf32, #tpu.memory_space<vmem>>
    %dma_wait3A_198 = tpu.memref_squeeze %dma_wait3A_197 : memref<1x512x80xf32, #tpu.memory_space<vmem>> -> memref<512x80xf32, #tpu.memory_space<vmem>>
    %dma_wait3A_199 = arith.constant 0 : i32
    %dma_wait3A_200 = tpu.memref_slice %arg4[%add3A_180, %dma_wait3A_199] : memref<65536x80xf32, #tpu.memory_space<hbm>> -> memref<512x80xf32, #tpu.memory_space<hbm>>
    %dma_wait3A_201 = arith.constant 0 : i32
    %dma_wait3A_202 = tpu.memref_slice %arg4[%add3A_180, %dma_wait3A_201] : memref<65536x80xf32, #tpu.memory_space<hbm>> -> memref<512x80xf32, #tpu.memory_space<hbm>>
    %dma_wait3A_203 = arith.constant 0 : i32
    %dma_wait3A_204 = arith.constant 0 : i32
    %dma_wait3A_205 = tpu.memref_slice %arg6[%dma_wait3A_194, %dma_wait3A_203, %dma_wait3A_204] : memref<2x512x80xf32, #tpu.memory_space<vmem>> -> memref<1x512x80xf32, #tpu.memory_space<vmem>>
    %dma_wait3A_206 = tpu.memref_squeeze %dma_wait3A_205 : memref<1x512x80xf32, #tpu.memory_space<vmem>> -> memref<512x80xf32, #tpu.memory_space<vmem>>
    tpu.wait_dma2 semaphore(%arg8 : memref<!tpu.dma_semaphore, #tpu.memory_space<semaphore_mem>>) src(%dma_wait3A_206 : memref<512x80xf32, #tpu.memory_space<vmem>>) dst(%dma_wait3A_202 : memref<512x80xf32, #tpu.memory_space<hbm>>)
    %dma_wait3A_207 = arith.constant 0 : i32
    %dma_wait3A_208 = arith.constant 0 : i32
    %dma_wait3A_209 = arith.constant 0 : i32
    %dma_wait3A_210 = tpu.memref_slice %arg6[%dma_wait3A_207, %dma_wait3A_208, %dma_wait3A_209] : memref<2x512x80xf32, #tpu.memory_space<vmem>> -> memref<1x512x80xf32, #tpu.memory_space<vmem>>
    %dma_wait3A_211 = tpu.memref_squeeze %dma_wait3A_210 : memref<1x512x80xf32, #tpu.memory_space<vmem>> -> memref<512x80xf32, #tpu.memory_space<vmem>>
    %dma_wait3A_212 = arith.constant 0 : i32
    %dma_wait3A_213 = tpu.memref_slice %arg4[%add3A_153, %dma_wait3A_212] : memref<65536x80xf32, #tpu.memory_space<hbm>> -> memref<512x80xf32, #tpu.memory_space<hbm>>
    %dma_wait3A_214 = arith.constant 0 : i32
    %dma_wait3A_215 = tpu.memref_slice %arg4[%add3A_153, %dma_wait3A_214] : memref<65536x80xf32, #tpu.memory_space<hbm>> -> memref<512x80xf32, #tpu.memory_space<hbm>>
    %dma_wait3A_216 = arith.constant 0 : i32
    %dma_wait3A_217 = arith.constant 0 : i32
    %dma_wait3A_218 = tpu.memref_slice %arg6[%dma_wait3A_207, %dma_wait3A_216, %dma_wait3A_217] : memref<2x512x80xf32, #tpu.memory_space<vmem>> -> memref<1x512x80xf32, #tpu.memory_space<vmem>>
    %dma_wait3A_219 = tpu.memref_squeeze %dma_wait3A_218 : memref<1x512x80xf32, #tpu.memory_space<vmem>> -> memref<512x80xf32, #tpu.memory_space<vmem>>
    tpu.wait_dma2 semaphore(%arg8 : memref<!tpu.dma_semaphore, #tpu.memory_space<semaphore_mem>>) src(%dma_wait3A_219 : memref<512x80xf32, #tpu.memory_space<vmem>>) dst(%dma_wait3A_215 : memref<512x80xf32, #tpu.memory_space<hbm>>)
    return
  }
}

#map = affine_map<(d0, d1) -> (0, 0)>
#map1 = affine_map<(d0, d1) -> (0)>
module attributes {stable_mosaic.version = 14 : i64} {
  func.func @gather_kernel(%arg0: i32, %arg1: i32, %arg2: memref<2048x144xf32, #tpu.memory_space<hbm>>, %arg3: memref<16384xi32, #tpu.memory_space<hbm>>, %arg4: memref<16384x144xf32, #tpu.memory_space<hbm>>, %arg5: memref<2x256xi32, #tpu.memory_space<vmem>>, %arg6: memref<2x256x144xf32, #tpu.memory_space<vmem>>, %arg7: memref<!tpu.dma_semaphore, #tpu.memory_space<semaphore_mem>>, %arg8: memref<!tpu.dma_semaphore, #tpu.memory_space<semaphore_mem>>) attributes {dimension_semantics = [#tpu.dimension_semantics<core_parallel>, #tpu.dimension_semantics<subcore_parallel>], iteration_bounds = array<i64: 2, 16>, scalar_prefetch = 0 : i64, scratch_operands = 4 : i64, tpu.core_type = #tpu.core_type<sc_vector_subcore>, window_params = [{transform_indices = #map}, {transform_indices = #map1}, {transform_indices = #map}]} {
    %mul3A = arith.constant 2 : i32
    %mul3A_0 = arith.muli %arg1, %mul3A : i32
    %add3A = arith.addi %mul3A_0, %arg0 : i32
    %mul3A_1 = arith.constant 512 : i32
    %mul3A_2 = arith.muli %add3A, %mul3A_1 : i32
    %add3A_3 = arith.constant 0 : i32
    %add3A_4 = arith.addi %mul3A_2, %add3A_3 : i32
    %run_scoped3A = arith.constant 0 : i32
    "tpu.region"() ({
      %run_scoped3A_110 = tpu.sem_alloc : memref<!tpu.dma_semaphore, #tpu.memory_space<semaphore_mem>>
      %dma_start3A_111 = arith.constant 0 : i32
      %dma_start3A_112 = tpu.memref_slice %arg5[%run_scoped3A, %dma_start3A_111] : memref<2x256xi32, #tpu.memory_space<vmem>> -> memref<1x256xi32, #tpu.memory_space<vmem>>
      %dma_start3A_113 = tpu.memref_squeeze %dma_start3A_112 : memref<1x256xi32, #tpu.memory_space<vmem>> -> memref<256xi32, #tpu.memory_space<vmem>>
      %dma_start3A_114 = tpu.memref_slice %arg3[%add3A_4] : memref<16384xi32, #tpu.memory_space<hbm>> -> memref<256xi32, #tpu.memory_space<hbm>>
      %dma_start3A_115 = arith.constant 0 : i32
      %dma_start3A_116 = tpu.memref_slice %arg5[%run_scoped3A, %dma_start3A_115] : memref<2x256xi32, #tpu.memory_space<vmem>> -> memref<1x256xi32, #tpu.memory_space<vmem>>
      %dma_start3A_117 = tpu.memref_squeeze %dma_start3A_116 : memref<1x256xi32, #tpu.memory_space<vmem>> -> memref<256xi32, #tpu.memory_space<vmem>>
      %dma_start3A_118 = tpu.memref_slice %arg3[%add3A_4] : memref<16384xi32, #tpu.memory_space<hbm>> -> memref<256xi32, #tpu.memory_space<hbm>>
      tpu.enqueue_dma source(%dma_start3A_118 : memref<256xi32, #tpu.memory_space<hbm>>) target(%dma_start3A_117 : memref<256xi32, #tpu.memory_space<vmem>>) target_semaphore(%run_scoped3A_110 : memref<!tpu.dma_semaphore, #tpu.memory_space<semaphore_mem>>)
      %dma_wait3A_119 = arith.constant 0 : i32
      %dma_wait3A_120 = tpu.memref_slice %arg5[%run_scoped3A, %dma_wait3A_119] : memref<2x256xi32, #tpu.memory_space<vmem>> -> memref<1x256xi32, #tpu.memory_space<vmem>>
      %dma_wait3A_121 = tpu.memref_squeeze %dma_wait3A_120 : memref<1x256xi32, #tpu.memory_space<vmem>> -> memref<256xi32, #tpu.memory_space<vmem>>
      %dma_wait3A_122 = tpu.memref_slice %arg3[%add3A_4] : memref<16384xi32, #tpu.memory_space<hbm>> -> memref<256xi32, #tpu.memory_space<hbm>>
      %dma_wait3A_123 = arith.constant 0 : i32
      %dma_wait3A_124 = tpu.memref_slice %arg5[%run_scoped3A, %dma_wait3A_123] : memref<2x256xi32, #tpu.memory_space<vmem>> -> memref<1x256xi32, #tpu.memory_space<vmem>>
      %dma_wait3A_125 = tpu.memref_squeeze %dma_wait3A_124 : memref<1x256xi32, #tpu.memory_space<vmem>> -> memref<256xi32, #tpu.memory_space<vmem>>
      %dma_wait3A_126 = tpu.memref_slice %arg3[%add3A_4] : memref<16384xi32, #tpu.memory_space<hbm>> -> memref<256xi32, #tpu.memory_space<hbm>>
      tpu.wait_dma2 semaphore(%run_scoped3A_110 : memref<!tpu.dma_semaphore, #tpu.memory_space<semaphore_mem>>) src(%dma_wait3A_126 : memref<256xi32, #tpu.memory_space<hbm>>) dst(%dma_wait3A_125 : memref<256xi32, #tpu.memory_space<vmem>>)
      tpu.yield
    }) : () -> ()
    %dma_start3A = arith.constant 0 : i32
    %dma_start3A_5 = arith.constant 0 : i32
    %dma_start3A_6 = arith.constant 0 : i32
    %dma_start3A_7 = arith.constant 0 : i32
    %dma_start3A_8 = tpu.memref_slice %arg6[%dma_start3A_5, %dma_start3A_6, %dma_start3A_7] : memref<2x256x144xf32, #tpu.memory_space<vmem>> -> memref<1x256x144xf32, #tpu.memory_space<vmem>>
    %dma_start3A_9 = tpu.memref_squeeze %dma_start3A_8 : memref<1x256x144xf32, #tpu.memory_space<vmem>> -> memref<256x144xf32, #tpu.memory_space<vmem>>
    %dma_start3A_10 = arith.constant 0 : i32
    %dma_start3A_11 = tpu.memref_slice %arg5[%dma_start3A, %dma_start3A_10] : memref<2x256xi32, #tpu.memory_space<vmem>> -> memref<1x256xi32, #tpu.memory_space<vmem>>
    %dma_start3A_12 = tpu.memref_squeeze %dma_start3A_11 : memref<1x256xi32, #tpu.memory_space<vmem>> -> memref<256xi32, #tpu.memory_space<vmem>>
    %dma_start3A_13 = arith.constant 0 : i32
    %dma_start3A_14 = arith.constant 0 : i32
    %dma_start3A_15 = tpu.memref_slice %arg2[%dma_start3A_13, %dma_start3A_14] : memref<2048x144xf32, #tpu.memory_space<hbm>> -> memref<2048x144xf32, #tpu.memory_space<hbm>>
    tpu.enqueue_indirect_dma source(%dma_start3A_15 : memref<2048x144xf32, #tpu.memory_space<hbm>>) target(%dma_start3A_9 : memref<256x144xf32, #tpu.memory_space<vmem>>) offsets(%dma_start3A_12 : memref<256xi32, #tpu.memory_space<vmem>>) semaphore(%arg7 : memref<!tpu.dma_semaphore, #tpu.memory_space<semaphore_mem>>)
    %add3A_16 = arith.constant 256 : i32
    %add3A_17 = arith.addi %mul3A_2, %add3A_16 : i32
    %run_scoped3A_18 = arith.constant 1 : i32
    "tpu.region"() ({
      %run_scoped3A_110 = tpu.sem_alloc : memref<!tpu.dma_semaphore, #tpu.memory_space<semaphore_mem>>
      %dma_start3A_111 = arith.constant 0 : i32
      %dma_start3A_112 = tpu.memref_slice %arg5[%run_scoped3A_18, %dma_start3A_111] : memref<2x256xi32, #tpu.memory_space<vmem>> -> memref<1x256xi32, #tpu.memory_space<vmem>>
      %dma_start3A_113 = tpu.memref_squeeze %dma_start3A_112 : memref<1x256xi32, #tpu.memory_space<vmem>> -> memref<256xi32, #tpu.memory_space<vmem>>
      %dma_start3A_114 = tpu.memref_slice %arg3[%add3A_17] : memref<16384xi32, #tpu.memory_space<hbm>> -> memref<256xi32, #tpu.memory_space<hbm>>
      %dma_start3A_115 = arith.constant 0 : i32
      %dma_start3A_116 = tpu.memref_slice %arg5[%run_scoped3A_18, %dma_start3A_115] : memref<2x256xi32, #tpu.memory_space<vmem>> -> memref<1x256xi32, #tpu.memory_space<vmem>>
      %dma_start3A_117 = tpu.memref_squeeze %dma_start3A_116 : memref<1x256xi32, #tpu.memory_space<vmem>> -> memref<256xi32, #tpu.memory_space<vmem>>
      %dma_start3A_118 = tpu.memref_slice %arg3[%add3A_17] : memref<16384xi32, #tpu.memory_space<hbm>> -> memref<256xi32, #tpu.memory_space<hbm>>
      tpu.enqueue_dma source(%dma_start3A_118 : memref<256xi32, #tpu.memory_space<hbm>>) target(%dma_start3A_117 : memref<256xi32, #tpu.memory_space<vmem>>) target_semaphore(%run_scoped3A_110 : memref<!tpu.dma_semaphore, #tpu.memory_space<semaphore_mem>>)
      %dma_wait3A_119 = arith.constant 0 : i32
      %dma_wait3A_120 = tpu.memref_slice %arg5[%run_scoped3A_18, %dma_wait3A_119] : memref<2x256xi32, #tpu.memory_space<vmem>> -> memref<1x256xi32, #tpu.memory_space<vmem>>
      %dma_wait3A_121 = tpu.memref_squeeze %dma_wait3A_120 : memref<1x256xi32, #tpu.memory_space<vmem>> -> memref<256xi32, #tpu.memory_space<vmem>>
      %dma_wait3A_122 = tpu.memref_slice %arg3[%add3A_17] : memref<16384xi32, #tpu.memory_space<hbm>> -> memref<256xi32, #tpu.memory_space<hbm>>
      %dma_wait3A_123 = arith.constant 0 : i32
      %dma_wait3A_124 = tpu.memref_slice %arg5[%run_scoped3A_18, %dma_wait3A_123] : memref<2x256xi32, #tpu.memory_space<vmem>> -> memref<1x256xi32, #tpu.memory_space<vmem>>
      %dma_wait3A_125 = tpu.memref_squeeze %dma_wait3A_124 : memref<1x256xi32, #tpu.memory_space<vmem>> -> memref<256xi32, #tpu.memory_space<vmem>>
      %dma_wait3A_126 = tpu.memref_slice %arg3[%add3A_17] : memref<16384xi32, #tpu.memory_space<hbm>> -> memref<256xi32, #tpu.memory_space<hbm>>
      tpu.wait_dma2 semaphore(%run_scoped3A_110 : memref<!tpu.dma_semaphore, #tpu.memory_space<semaphore_mem>>) src(%dma_wait3A_126 : memref<256xi32, #tpu.memory_space<hbm>>) dst(%dma_wait3A_125 : memref<256xi32, #tpu.memory_space<vmem>>)
      tpu.yield
    }) : () -> ()
    %dma_start3A_19 = arith.constant 1 : i32
    %dma_start3A_20 = arith.constant 1 : i32
    %dma_start3A_21 = arith.constant 0 : i32
    %dma_start3A_22 = arith.constant 0 : i32
    %dma_start3A_23 = tpu.memref_slice %arg6[%dma_start3A_20, %dma_start3A_21, %dma_start3A_22] : memref<2x256x144xf32, #tpu.memory_space<vmem>> -> memref<1x256x144xf32, #tpu.memory_space<vmem>>
    %dma_start3A_24 = tpu.memref_squeeze %dma_start3A_23 : memref<1x256x144xf32, #tpu.memory_space<vmem>> -> memref<256x144xf32, #tpu.memory_space<vmem>>
    %dma_start3A_25 = arith.constant 0 : i32
    %dma_start3A_26 = tpu.memref_slice %arg5[%dma_start3A_19, %dma_start3A_25] : memref<2x256xi32, #tpu.memory_space<vmem>> -> memref<1x256xi32, #tpu.memory_space<vmem>>
    %dma_start3A_27 = tpu.memref_squeeze %dma_start3A_26 : memref<1x256xi32, #tpu.memory_space<vmem>> -> memref<256xi32, #tpu.memory_space<vmem>>
    %dma_start3A_28 = arith.constant 0 : i32
    %dma_start3A_29 = arith.constant 0 : i32
    %dma_start3A_30 = tpu.memref_slice %arg2[%dma_start3A_28, %dma_start3A_29] : memref<2048x144xf32, #tpu.memory_space<hbm>> -> memref<2048x144xf32, #tpu.memory_space<hbm>>
    tpu.enqueue_indirect_dma source(%dma_start3A_30 : memref<2048x144xf32, #tpu.memory_space<hbm>>) target(%dma_start3A_24 : memref<256x144xf32, #tpu.memory_space<vmem>>) offsets(%dma_start3A_27 : memref<256xi32, #tpu.memory_space<vmem>>) semaphore(%arg7 : memref<!tpu.dma_semaphore, #tpu.memory_space<semaphore_mem>>)
    %dma_wait3A = arith.constant 0 : i32
    %dma_wait3A_31 = arith.constant 0 : i32
    %dma_wait3A_32 = arith.constant 0 : i32
    %dma_wait3A_33 = arith.constant 0 : i32
    %dma_wait3A_34 = tpu.memref_slice %arg6[%dma_wait3A_31, %dma_wait3A_32, %dma_wait3A_33] : memref<2x256x144xf32, #tpu.memory_space<vmem>> -> memref<1x256x144xf32, #tpu.memory_space<vmem>>
    %dma_wait3A_35 = tpu.memref_squeeze %dma_wait3A_34 : memref<1x256x144xf32, #tpu.memory_space<vmem>> -> memref<256x144xf32, #tpu.memory_space<vmem>>
    %dma_wait3A_36 = arith.constant 0 : i32
    %dma_wait3A_37 = tpu.memref_slice %arg5[%dma_wait3A, %dma_wait3A_36] : memref<2x256xi32, #tpu.memory_space<vmem>> -> memref<1x256xi32, #tpu.memory_space<vmem>>
    %dma_wait3A_38 = tpu.memref_squeeze %dma_wait3A_37 : memref<1x256xi32, #tpu.memory_space<vmem>> -> memref<256xi32, #tpu.memory_space<vmem>>
    %dma_wait3A_39 = arith.constant 0 : i32
    %dma_wait3A_40 = arith.constant 0 : i32
    %dma_wait3A_41 = tpu.memref_slice %arg2[%dma_wait3A_39, %dma_wait3A_40] : memref<2048x144xf32, #tpu.memory_space<hbm>> -> memref<2048x144xf32, #tpu.memory_space<hbm>>
    tpu.wait_indirect_dma semaphore(%arg7 : memref<!tpu.dma_semaphore, #tpu.memory_space<semaphore_mem>>) src(%dma_wait3A_41 : memref<2048x144xf32, #tpu.memory_space<hbm>>) dst(%dma_wait3A_35 : memref<256x144xf32, #tpu.memory_space<vmem>>)
    %add3A_42 = arith.constant 0 : i32
    %add3A_43 = arith.addi %mul3A_2, %add3A_42 : i32
    %dma_start3A_44 = arith.constant 0 : i32
    %dma_start3A_45 = arith.constant 0 : i32
    %dma_start3A_46 = arith.constant 0 : i32
    %dma_start3A_47 = tpu.memref_slice %arg6[%dma_start3A_44, %dma_start3A_45, %dma_start3A_46] : memref<2x256x144xf32, #tpu.memory_space<vmem>> -> memref<1x256x144xf32, #tpu.memory_space<vmem>>
    %dma_start3A_48 = tpu.memref_squeeze %dma_start3A_47 : memref<1x256x144xf32, #tpu.memory_space<vmem>> -> memref<256x144xf32, #tpu.memory_space<vmem>>
    %dma_start3A_49 = arith.constant 0 : i32
    %dma_start3A_50 = tpu.memref_slice %arg4[%add3A_43, %dma_start3A_49] : memref<16384x144xf32, #tpu.memory_space<hbm>> -> memref<256x144xf32, #tpu.memory_space<hbm>>
    %dma_start3A_51 = arith.constant 0 : i32
    %dma_start3A_52 = tpu.memref_slice %arg4[%add3A_43, %dma_start3A_51] : memref<16384x144xf32, #tpu.memory_space<hbm>> -> memref<256x144xf32, #tpu.memory_space<hbm>>
    %dma_start3A_53 = arith.constant 0 : i32
    %dma_start3A_54 = arith.constant 0 : i32
    %dma_start3A_55 = tpu.memref_slice %arg6[%dma_start3A_44, %dma_start3A_53, %dma_start3A_54] : memref<2x256x144xf32, #tpu.memory_space<vmem>> -> memref<1x256x144xf32, #tpu.memory_space<vmem>>
    %dma_start3A_56 = tpu.memref_squeeze %dma_start3A_55 : memref<1x256x144xf32, #tpu.memory_space<vmem>> -> memref<256x144xf32, #tpu.memory_space<vmem>>
    tpu.enqueue_dma source(%dma_start3A_56 : memref<256x144xf32, #tpu.memory_space<vmem>>) target(%dma_start3A_52 : memref<256x144xf32, #tpu.memory_space<hbm>>) target_semaphore(%arg8 : memref<!tpu.dma_semaphore, #tpu.memory_space<semaphore_mem>>)
    %dma_wait3A_57 = arith.constant 1 : i32
    %dma_wait3A_58 = arith.constant 1 : i32
    %dma_wait3A_59 = arith.constant 0 : i32
    %dma_wait3A_60 = arith.constant 0 : i32
    %dma_wait3A_61 = tpu.memref_slice %arg6[%dma_wait3A_58, %dma_wait3A_59, %dma_wait3A_60] : memref<2x256x144xf32, #tpu.memory_space<vmem>> -> memref<1x256x144xf32, #tpu.memory_space<vmem>>
    %dma_wait3A_62 = tpu.memref_squeeze %dma_wait3A_61 : memref<1x256x144xf32, #tpu.memory_space<vmem>> -> memref<256x144xf32, #tpu.memory_space<vmem>>
    %dma_wait3A_63 = arith.constant 0 : i32
    %dma_wait3A_64 = tpu.memref_slice %arg5[%dma_wait3A_57, %dma_wait3A_63] : memref<2x256xi32, #tpu.memory_space<vmem>> -> memref<1x256xi32, #tpu.memory_space<vmem>>
    %dma_wait3A_65 = tpu.memref_squeeze %dma_wait3A_64 : memref<1x256xi32, #tpu.memory_space<vmem>> -> memref<256xi32, #tpu.memory_space<vmem>>
    %dma_wait3A_66 = arith.constant 0 : i32
    %dma_wait3A_67 = arith.constant 0 : i32
    %dma_wait3A_68 = tpu.memref_slice %arg2[%dma_wait3A_66, %dma_wait3A_67] : memref<2048x144xf32, #tpu.memory_space<hbm>> -> memref<2048x144xf32, #tpu.memory_space<hbm>>
    tpu.wait_indirect_dma semaphore(%arg7 : memref<!tpu.dma_semaphore, #tpu.memory_space<semaphore_mem>>) src(%dma_wait3A_68 : memref<2048x144xf32, #tpu.memory_space<hbm>>) dst(%dma_wait3A_62 : memref<256x144xf32, #tpu.memory_space<vmem>>)
    %add3A_69 = arith.constant 256 : i32
    %add3A_70 = arith.addi %mul3A_2, %add3A_69 : i32
    %dma_start3A_71 = arith.constant 1 : i32
    %dma_start3A_72 = arith.constant 0 : i32
    %dma_start3A_73 = arith.constant 0 : i32
    %dma_start3A_74 = tpu.memref_slice %arg6[%dma_start3A_71, %dma_start3A_72, %dma_start3A_73] : memref<2x256x144xf32, #tpu.memory_space<vmem>> -> memref<1x256x144xf32, #tpu.memory_space<vmem>>
    %dma_start3A_75 = tpu.memref_squeeze %dma_start3A_74 : memref<1x256x144xf32, #tpu.memory_space<vmem>> -> memref<256x144xf32, #tpu.memory_space<vmem>>
    %dma_start3A_76 = arith.constant 0 : i32
    %dma_start3A_77 = tpu.memref_slice %arg4[%add3A_70, %dma_start3A_76] : memref<16384x144xf32, #tpu.memory_space<hbm>> -> memref<256x144xf32, #tpu.memory_space<hbm>>
    %dma_start3A_78 = arith.constant 0 : i32
    %dma_start3A_79 = tpu.memref_slice %arg4[%add3A_70, %dma_start3A_78] : memref<16384x144xf32, #tpu.memory_space<hbm>> -> memref<256x144xf32, #tpu.memory_space<hbm>>
    %dma_start3A_80 = arith.constant 0 : i32
    %dma_start3A_81 = arith.constant 0 : i32
    %dma_start3A_82 = tpu.memref_slice %arg6[%dma_start3A_71, %dma_start3A_80, %dma_start3A_81] : memref<2x256x144xf32, #tpu.memory_space<vmem>> -> memref<1x256x144xf32, #tpu.memory_space<vmem>>
    %dma_start3A_83 = tpu.memref_squeeze %dma_start3A_82 : memref<1x256x144xf32, #tpu.memory_space<vmem>> -> memref<256x144xf32, #tpu.memory_space<vmem>>
    tpu.enqueue_dma source(%dma_start3A_83 : memref<256x144xf32, #tpu.memory_space<vmem>>) target(%dma_start3A_79 : memref<256x144xf32, #tpu.memory_space<hbm>>) target_semaphore(%arg8 : memref<!tpu.dma_semaphore, #tpu.memory_space<semaphore_mem>>)
    %dma_wait3A_84 = arith.constant 1 : i32
    %dma_wait3A_85 = arith.constant 0 : i32
    %dma_wait3A_86 = arith.constant 0 : i32
    %dma_wait3A_87 = tpu.memref_slice %arg6[%dma_wait3A_84, %dma_wait3A_85, %dma_wait3A_86] : memref<2x256x144xf32, #tpu.memory_space<vmem>> -> memref<1x256x144xf32, #tpu.memory_space<vmem>>
    %dma_wait3A_88 = tpu.memref_squeeze %dma_wait3A_87 : memref<1x256x144xf32, #tpu.memory_space<vmem>> -> memref<256x144xf32, #tpu.memory_space<vmem>>
    %dma_wait3A_89 = arith.constant 0 : i32
    %dma_wait3A_90 = tpu.memref_slice %arg4[%add3A_70, %dma_wait3A_89] : memref<16384x144xf32, #tpu.memory_space<hbm>> -> memref<256x144xf32, #tpu.memory_space<hbm>>
    %dma_wait3A_91 = arith.constant 0 : i32
    %dma_wait3A_92 = tpu.memref_slice %arg4[%add3A_70, %dma_wait3A_91] : memref<16384x144xf32, #tpu.memory_space<hbm>> -> memref<256x144xf32, #tpu.memory_space<hbm>>
    %dma_wait3A_93 = arith.constant 0 : i32
    %dma_wait3A_94 = arith.constant 0 : i32
    %dma_wait3A_95 = tpu.memref_slice %arg6[%dma_wait3A_84, %dma_wait3A_93, %dma_wait3A_94] : memref<2x256x144xf32, #tpu.memory_space<vmem>> -> memref<1x256x144xf32, #tpu.memory_space<vmem>>
    %dma_wait3A_96 = tpu.memref_squeeze %dma_wait3A_95 : memref<1x256x144xf32, #tpu.memory_space<vmem>> -> memref<256x144xf32, #tpu.memory_space<vmem>>
    tpu.wait_dma2 semaphore(%arg8 : memref<!tpu.dma_semaphore, #tpu.memory_space<semaphore_mem>>) src(%dma_wait3A_96 : memref<256x144xf32, #tpu.memory_space<vmem>>) dst(%dma_wait3A_92 : memref<256x144xf32, #tpu.memory_space<hbm>>)
    %dma_wait3A_97 = arith.constant 0 : i32
    %dma_wait3A_98 = arith.constant 0 : i32
    %dma_wait3A_99 = arith.constant 0 : i32
    %dma_wait3A_100 = tpu.memref_slice %arg6[%dma_wait3A_97, %dma_wait3A_98, %dma_wait3A_99] : memref<2x256x144xf32, #tpu.memory_space<vmem>> -> memref<1x256x144xf32, #tpu.memory_space<vmem>>
    %dma_wait3A_101 = tpu.memref_squeeze %dma_wait3A_100 : memref<1x256x144xf32, #tpu.memory_space<vmem>> -> memref<256x144xf32, #tpu.memory_space<vmem>>
    %dma_wait3A_102 = arith.constant 0 : i32
    %dma_wait3A_103 = tpu.memref_slice %arg4[%add3A_43, %dma_wait3A_102] : memref<16384x144xf32, #tpu.memory_space<hbm>> -> memref<256x144xf32, #tpu.memory_space<hbm>>
    %dma_wait3A_104 = arith.constant 0 : i32
    %dma_wait3A_105 = tpu.memref_slice %arg4[%add3A_43, %dma_wait3A_104] : memref<16384x144xf32, #tpu.memory_space<hbm>> -> memref<256x144xf32, #tpu.memory_space<hbm>>
    %dma_wait3A_106 = arith.constant 0 : i32
    %dma_wait3A_107 = arith.constant 0 : i32
    %dma_wait3A_108 = tpu.memref_slice %arg6[%dma_wait3A_97, %dma_wait3A_106, %dma_wait3A_107] : memref<2x256x144xf32, #tpu.memory_space<vmem>> -> memref<1x256x144xf32, #tpu.memory_space<vmem>>
    %dma_wait3A_109 = tpu.memref_squeeze %dma_wait3A_108 : memref<1x256x144xf32, #tpu.memory_space<vmem>> -> memref<256x144xf32, #tpu.memory_space<vmem>>
    tpu.wait_dma2 semaphore(%arg8 : memref<!tpu.dma_semaphore, #tpu.memory_space<semaphore_mem>>) src(%dma_wait3A_109 : memref<256x144xf32, #tpu.memory_space<vmem>>) dst(%dma_wait3A_105 : memref<256x144xf32, #tpu.memory_space<hbm>>)
    return
  }
}

module attributes {stable_mosaic.version = 14 : i64} {
  func.func @_fps_body(%arg0: memref<8x4096xf32, #tpu.memory_space<vmem>>, %arg1: memref<8x4096xf32, #tpu.memory_space<vmem>>, %arg2: memref<8x4096xf32, #tpu.memory_space<vmem>>, %arg3: memref<1024x8xf32, #tpu.memory_space<vmem>>, %arg4: memref<1024x8xf32, #tpu.memory_space<vmem>>, %arg5: memref<1024x8xf32, #tpu.memory_space<vmem>>, %arg6: memref<1024x8xf32, #tpu.memory_space<vmem>>, %arg7: memref<8x4096xf32, #tpu.memory_space<vmem>>) attributes {dimension_semantics = [], scalar_prefetch = 0 : i64, scratch_operands = 1 : i64, tpu.core_type = #tpu.core_type<tc>} {
    %iota3A = tpu.iota {dimensions = array<i32: 1>} : vector<8x4096xi32>
    %convert_element_type3A = arith.sitofp %iota3A : vector<8x4096xi32> to vector<8x4096xf32>
    %iota3A_0 = tpu.iota {dimensions = array<i32: 0>} : vector<8x8xi32>
    %iota3A_1 = tpu.iota {dimensions = array<i32: 1>} : vector<8x8xi32>
    %add3A = arith.constant 0 : i32
    %add3A_2 = vector.broadcast %add3A : i32 to vector<8x8xi32>
    %add3A_3 = arith.addi %iota3A_0, %add3A_2 : vector<8x8xi32>
    %eq3A = arith.cmpi eq, %add3A_3, %iota3A_1 : vector<8x8xi32>
    %convert_element_type3A_4 = arith.extui %eq3A : vector<8x8xi1> to vector<8x8xi32>
    %convert_element_type3A_5 = arith.sitofp %convert_element_type3A_4 : vector<8x8xi32> to vector<8x8xf32>
    %get3A = arith.constant 0 : index
    %get3A_6 = arith.constant 0 : index
    %get3A_7 = vector.load %arg0[%get3A, %get3A_6] : memref<8x4096xf32, #tpu.memory_space<vmem>>, vector<8x4096xf32>
    %get3A_8 = arith.constant 0 : index
    %get3A_9 = arith.constant 0 : index
    %get3A_10 = vector.load %arg1[%get3A_8, %get3A_9] : memref<8x4096xf32, #tpu.memory_space<vmem>>, vector<8x4096xf32>
    %get3A_11 = arith.constant 0 : index
    %get3A_12 = arith.constant 0 : index
    %get3A_13 = vector.load %arg2[%get3A_11, %get3A_12] : memref<8x4096xf32, #tpu.memory_space<vmem>>, vector<8x4096xf32>
    %broadcast_in_dim3A = arith.constant 1.000000e+10 : f32
    %broadcast_in_dim3A_14 = vector.broadcast %broadcast_in_dim3A : f32 to vector<8x4096xf32>
    %swap3A = arith.constant 0 : index
    %swap3A_15 = arith.constant 0 : index
    %swap3A_16 = vector.load %arg7[%swap3A, %swap3A_15] : memref<8x4096xf32, #tpu.memory_space<vmem>>, vector<8x4096xf32>
    tpu.vector_store %arg7[%swap3A, %swap3A_15], %broadcast_in_dim3A_14 {strides = array<i32>} : memref<8x4096xf32, #tpu.memory_space<vmem>>, vector<8x4096xf32>,
    %broadcast_in_dim3A_17 = arith.constant 0.000000e+00 : f32
    %broadcast_in_dim3A_18 = vector.broadcast %broadcast_in_dim3A_17 : f32 to vector<8x1xf32>
    %scan3A = arith.constant 0 : i32
    %scan3A_19 = arith.constant 1024 : i32
    %scan3A_20 = arith.addi %scan3A, %scan3A_19 : i32
    %scan3A_21 = arith.constant 1 : i32
    %scan3A_22 = scf.for %scan3A_24 = %scan3A to %scan3A_20 step %scan3A_21 iter_args(%scan3A_25 = %broadcast_in_dim3A_18) -> (vector<8x1xf32>)  : i32 {
      %eq3A_26 = vector.broadcast %scan3A_25 : vector<8x1xf32> to vector<8x4096xf32>
      %eq3A_27 = arith.cmpf oeq, %convert_element_type3A, %eq3A_26 : vector<8x4096xf32>
      %jit3A = arith.constant 0.000000e+00 : f32
      %broadcast_in_dim3A_28 = vector.broadcast %jit3A : f32 to vector<8x4096xf32>
      %select_n3A = arith.select %eq3A_27, %get3A_7, %broadcast_in_dim3A_28 : vector<8x4096xi1>, vector<8x4096xf32>
      %reduce_sum3A = arith.constant dense<0.000000e+00> : vector<8xf32>
      %reduce_sum3A_29 = vector.multi_reduction <add>, %select_n3A, %reduce_sum3A [1] : vector<8x4096xf32> to vector<8xf32>
      %broadcast_in_dim3A_30 = vector.shape_cast %reduce_sum3A_29 : vector<8xf32> to vector<8x1xf32>
      %jit3A_31 = arith.constant 0.000000e+00 : f32
      %broadcast_in_dim3A_32 = vector.broadcast %jit3A_31 : f32 to vector<8x4096xf32>
      %select_n3A_33 = arith.select %eq3A_27, %get3A_10, %broadcast_in_dim3A_32 : vector<8x4096xi1>, vector<8x4096xf32>
      %reduce_sum3A_34 = arith.constant dense<0.000000e+00> : vector<8xf32>
      %reduce_sum3A_35 = vector.multi_reduction <add>, %select_n3A_33, %reduce_sum3A_34 [1] : vector<8x4096xf32> to vector<8xf32>
      %broadcast_in_dim3A_36 = vector.shape_cast %reduce_sum3A_35 : vector<8xf32> to vector<8x1xf32>
      %jit3A_37 = arith.constant 0.000000e+00 : f32
      %broadcast_in_dim3A_38 = vector.broadcast %jit3A_37 : f32 to vector<8x4096xf32>
      %select_n3A_39 = arith.select %eq3A_27, %get3A_13, %broadcast_in_dim3A_38 : vector<8x4096xi1>, vector<8x4096xf32>
      %reduce_sum3A_40 = arith.constant dense<0.000000e+00> : vector<8xf32>
      %reduce_sum3A_41 = vector.multi_reduction <add>, %select_n3A_39, %reduce_sum3A_40 [1] : vector<8x4096xf32> to vector<8xf32>
      %broadcast_in_dim3A_42 = vector.shape_cast %reduce_sum3A_41 : vector<8xf32> to vector<8x1xf32>
      %sub3A = vector.broadcast %broadcast_in_dim3A_30 : vector<8x1xf32> to vector<8x4096xf32>
      %sub3A_43 = arith.subf %get3A_7, %sub3A : vector<8x4096xf32>
      %sub3A_44 = vector.broadcast %broadcast_in_dim3A_36 : vector<8x1xf32> to vector<8x4096xf32>
      %sub3A_45 = arith.subf %get3A_10, %sub3A_44 : vector<8x4096xf32>
      %sub3A_46 = vector.broadcast %broadcast_in_dim3A_42 : vector<8x1xf32> to vector<8x4096xf32>
      %sub3A_47 = arith.subf %get3A_13, %sub3A_46 : vector<8x4096xf32>
      %mul3A = arith.mulf %sub3A_43, %sub3A_43 : vector<8x4096xf32>
      %mul3A_48 = arith.mulf %sub3A_45, %sub3A_45 : vector<8x4096xf32>
      %add3A_49 = arith.addf %mul3A, %mul3A_48 : vector<8x4096xf32>
      %mul3A_50 = arith.mulf %sub3A_47, %sub3A_47 : vector<8x4096xf32>
      %add3A_51 = arith.addf %add3A_49, %mul3A_50 : vector<8x4096xf32>
      %get3A_52 = arith.constant 0 : index
      %get3A_53 = arith.constant 0 : index
      %get3A_54 = vector.load %arg7[%get3A_52, %get3A_53] : memref<8x4096xf32, #tpu.memory_space<vmem>>, vector<8x4096xf32>
      %min3A = arith.minimumf %get3A_54, %add3A_51 : vector<8x4096xf32>
      %swap3A_55 = arith.constant 0 : index
      %swap3A_56 = arith.constant 0 : index
      %swap3A_57 = vector.load %arg7[%swap3A_55, %swap3A_56] : memref<8x4096xf32, #tpu.memory_space<vmem>>, vector<8x4096xf32>
      tpu.vector_store %arg7[%swap3A_55, %swap3A_56], %min3A {strides = array<i32>} : memref<8x4096xf32, #tpu.memory_space<vmem>>, vector<8x4096xf32>,
      %reduce_max3A = arith.constant dense<0xFF800000> : vector<8xf32>
      %reduce_max3A_58 = vector.multi_reduction <maximumf>, %min3A, %reduce_max3A [1] : vector<8x4096xf32> to vector<8xf32>
      %broadcast_in_dim3A_59 = vector.shape_cast %reduce_max3A_58 : vector<8xf32> to vector<8x1xf32>
      %eq3A_60 = vector.broadcast %broadcast_in_dim3A_59 : vector<8x1xf32> to vector<8x4096xf32>
      %eq3A_61 = arith.cmpf oeq, %min3A, %eq3A_60 : vector<8x4096xf32>
      %jit3A_62 = arith.constant 4.096000e+03 : f32
      %broadcast_in_dim3A_63 = vector.broadcast %jit3A_62 : f32 to vector<8x4096xf32>
      %select_n3A_64 = arith.select %eq3A_61, %convert_element_type3A, %broadcast_in_dim3A_63 : vector<8x4096xi1>, vector<8x4096xf32>
      %reduce_min3A = arith.constant dense<0x7F800000> : vector<8xf32>
      %reduce_min3A_65 = vector.multi_reduction <minimumf>, %select_n3A_64, %reduce_min3A [1] : vector<8x4096xf32> to vector<8xf32>
      %broadcast_in_dim3A_66 = vector.shape_cast %reduce_min3A_65 : vector<8xf32> to vector<8x1xf32>
      %mul3A_67 = vector.broadcast %scan3A_25 : vector<8x1xf32> to vector<8x8xf32>
      %mul3A_68 = arith.mulf %mul3A_67, %convert_element_type3A_5 : vector<8x8xf32>
      %reduce_sum3A_69 = arith.constant dense<0.000000e+00> : vector<8xf32>
      %reduce_sum3A_70 = vector.multi_reduction <add>, %mul3A_68, %reduce_sum3A_69 [0] : vector<8x8xf32> to vector<8xf32>
      %broadcast_in_dim3A_71 = vector.shape_cast %reduce_sum3A_70 : vector<8xf32> to vector<1x8xf32>
      %swap3A_72 = arith.index_cast %scan3A_24 : i32 to index
      %swap3A_73 = arith.constant 0 : index
      %swap3A_74 = vector.load %arg3[%swap3A_72, %swap3A_73] : memref<1024x8xf32, #tpu.memory_space<vmem>>, vector<1x8xf32>
      tpu.vector_store %arg3[%swap3A_72, %swap3A_73], %broadcast_in_dim3A_71 {strides = array<i32>} : memref<1024x8xf32, #tpu.memory_space<vmem>>, vector<1x8xf32>,
      %mul3A_75 = vector.broadcast %broadcast_in_dim3A_30 : vector<8x1xf32> to vector<8x8xf32>
      %mul3A_76 = arith.mulf %mul3A_75, %convert_element_type3A_5 : vector<8x8xf32>
      %reduce_sum3A_77 = arith.constant dense<0.000000e+00> : vector<8xf32>
      %reduce_sum3A_78 = vector.multi_reduction <add>, %mul3A_76, %reduce_sum3A_77 [0] : vector<8x8xf32> to vector<8xf32>
      %broadcast_in_dim3A_79 = vector.shape_cast %reduce_sum3A_78 : vector<8xf32> to vector<1x8xf32>
      %swap3A_80 = arith.index_cast %scan3A_24 : i32 to index
      %swap3A_81 = arith.constant 0 : index
      %swap3A_82 = vector.load %arg4[%swap3A_80, %swap3A_81] : memref<1024x8xf32, #tpu.memory_space<vmem>>, vector<1x8xf32>
      tpu.vector_store %arg4[%swap3A_80, %swap3A_81], %broadcast_in_dim3A_79 {strides = array<i32>} : memref<1024x8xf32, #tpu.memory_space<vmem>>, vector<1x8xf32>,
      %mul3A_83 = vector.broadcast %broadcast_in_dim3A_36 : vector<8x1xf32> to vector<8x8xf32>
      %mul3A_84 = arith.mulf %mul3A_83, %convert_element_type3A_5 : vector<8x8xf32>
      %reduce_sum3A_85 = arith.constant dense<0.000000e+00> : vector<8xf32>
      %reduce_sum3A_86 = vector.multi_reduction <add>, %mul3A_84, %reduce_sum3A_85 [0] : vector<8x8xf32> to vector<8xf32>
      %broadcast_in_dim3A_87 = vector.shape_cast %reduce_sum3A_86 : vector<8xf32> to vector<1x8xf32>
      %swap3A_88 = arith.index_cast %scan3A_24 : i32 to index
      %swap3A_89 = arith.constant 0 : index
      %swap3A_90 = vector.load %arg5[%swap3A_88, %swap3A_89] : memref<1024x8xf32, #tpu.memory_space<vmem>>, vector<1x8xf32>
      tpu.vector_store %arg5[%swap3A_88, %swap3A_89], %broadcast_in_dim3A_87 {strides = array<i32>} : memref<1024x8xf32, #tpu.memory_space<vmem>>, vector<1x8xf32>,
      %mul3A_91 = vector.broadcast %broadcast_in_dim3A_42 : vector<8x1xf32> to vector<8x8xf32>
      %mul3A_92 = arith.mulf %mul3A_91, %convert_element_type3A_5 : vector<8x8xf32>
      %reduce_sum3A_93 = arith.constant dense<0.000000e+00> : vector<8xf32>
      %reduce_sum3A_94 = vector.multi_reduction <add>, %mul3A_92, %reduce_sum3A_93 [0] : vector<8x8xf32> to vector<8xf32>
      %broadcast_in_dim3A_95 = vector.shape_cast %reduce_sum3A_94 : vector<8xf32> to vector<1x8xf32>
      %swap3A_96 = arith.index_cast %scan3A_24 : i32 to index
      %swap3A_97 = arith.constant 0 : index
      %swap3A_98 = vector.load %arg6[%swap3A_96, %swap3A_97] : memref<1024x8xf32, #tpu.memory_space<vmem>>, vector<1x8xf32>
      tpu.vector_store %arg6[%swap3A_96, %swap3A_97], %broadcast_in_dim3A_95 {strides = array<i32>} : memref<1024x8xf32, #tpu.memory_space<vmem>>, vector<1x8xf32>,
      scf.yield %broadcast_in_dim3A_66 : vector<8x1xf32>
    }
    %scan3A_23 = arith.constant 1024 : i32
    return
  }
}

module attributes {stable_mosaic.version = 14 : i64} {
  func.func @_bq_body(%arg0: i32, %arg1: i32, %arg2: memref<1x3x4096xf32, #tpu.memory_space<vmem>>, %arg3: memref<256x3xf32, #tpu.memory_space<vmem>>, %arg4: memref<1x256x32xf32, #tpu.memory_space<vmem>>) attributes {dimension_semantics = [#tpu.dimension_semantics<arbitrary>, #tpu.dimension_semantics<arbitrary>], iteration_bounds = array<i64: 8, 4>, scalar_prefetch = 0 : i64, scratch_operands = 0 : i64, tpu.core_type = #tpu.core_type<tc>, window_params = [{transform_indices = @transform_0, window_bounds = array<i64: 1, 3, 4096>}, {transform_indices = @transform_1, window_bounds = array<i64: 256, 3>}, {transform_indices = @transform_2, window_bounds = array<i64: 1, 256, 32>}]} {
    %get3A = arith.constant 0 : index
    %get3A_0 = arith.constant 0 : index
    %get3A_1 = vector.load %arg3[%get3A, %get3A_0] : memref<256x3xf32, #tpu.memory_space<vmem>>, vector<256x3xf32>
    %get3A_2 = arith.constant 0 : index
    %get3A_3 = arith.constant 0 : index
    %get3A_4 = arith.constant 0 : index
    %get3A_5 = vector.load %arg2[%get3A_2, %get3A_3, %get3A_4] : memref<1x3x4096xf32, #tpu.memory_space<vmem>>, vector<1x3x4096xf32>
    %get3A_6 = vector.shape_cast %get3A_5 : vector<1x3x4096xf32> to vector<3x4096xf32>
    %dot_general3A = arith.constant dense<0.000000e+00> : vector<256x4096xf32>
    %dot_general3A_7 = tpu.matmul %get3A_1, %get3A_6, %dot_general3A {dimension_numbers = #tpu.dot_dimension_numbers<[1], [0], [0], [1], [0, 0, 1, 1], [], []>, transpose_lhs_hint = false} : vector<256x3xf32>, vector<3x4096xf32>, vector<256x4096xf32> -> vector<256x4096xf32>
    %mul3A = arith.mulf %get3A_1, %get3A_1 : vector<256x3xf32>
    %reduce_sum3A = arith.constant dense<0.000000e+00> : vector<256xf32>
    %reduce_sum3A_8 = vector.multi_reduction <add>, %mul3A, %reduce_sum3A [1] : vector<256x3xf32> to vector<256xf32>
    %broadcast_in_dim3A = vector.shape_cast %reduce_sum3A_8 : vector<256xf32> to vector<256x1xf32>
    %mul3A_9 = arith.mulf %get3A_6, %get3A_6 : vector<3x4096xf32>
    %reduce_sum3A_10 = arith.constant dense<0.000000e+00> : vector<4096xf32>
    %reduce_sum3A_11 = vector.multi_reduction <add>, %mul3A_9, %reduce_sum3A_10 [0] : vector<3x4096xf32> to vector<4096xf32>
    %broadcast_in_dim3A_12 = vector.shape_cast %reduce_sum3A_11 : vector<4096xf32> to vector<1x4096xf32>
    %mul3A_13 = arith.constant -2.000000e+00 : f32
    %mul3A_14 = vector.broadcast %mul3A_13 : f32 to vector<256x4096xf32>
    %mul3A_15 = arith.mulf %mul3A_14, %dot_general3A_7 : vector<256x4096xf32>
    %add3A = vector.broadcast %broadcast_in_dim3A : vector<256x1xf32> to vector<256x4096xf32>
    %add3A_16 = arith.addf %mul3A_15, %add3A : vector<256x4096xf32>
    %add3A_17 = vector.broadcast %broadcast_in_dim3A_12 : vector<1x4096xf32> to vector<256x4096xf32>
    %add3A_18 = arith.addf %add3A_16, %add3A_17 : vector<256x4096xf32>
    %gt3A = arith.constant 0.00999999977 : f32
    %gt3A_19 = vector.broadcast %gt3A : f32 to vector<256x4096xf32>
    %gt3A_20 = arith.cmpf ogt, %add3A_18, %gt3A_19 : vector<256x4096xf32>
    %not3A = arith.constant dense<true> : vector<256x4096xi1>
    %not3A_21 = arith.xori %gt3A_20, %not3A : vector<256x4096xi1>
    %iota3A = tpu.iota {dimensions = array<i32: 1>} : vector<256x4096xi32>
    %convert_element_type3A = arith.sitofp %iota3A : vector<256x4096xi32> to vector<256x4096xf32>
    %jit3A = arith.constant 1.000000e+00 : f32
    %jit3A_22 = arith.constant 0.000000e+00 : f32
    %broadcast_in_dim3A_23 = vector.broadcast %jit3A : f32 to vector<256x4096xf32>
    %broadcast_in_dim3A_24 = vector.broadcast %jit3A_22 : f32 to vector<256x4096xf32>
    %select_n3A = arith.select %not3A_21, %broadcast_in_dim3A_23, %broadcast_in_dim3A_24 : vector<256x4096xi1>, vector<256x4096xf32>
    %reduce_sum3A_25 = arith.constant dense<0.000000e+00> : vector<256xf32>
    %reduce_sum3A_26 = vector.multi_reduction <add>, %select_n3A, %reduce_sum3A_25 [1] : vector<256x4096xf32> to vector<256xf32>
    %broadcast_in_dim3A_27 = vector.shape_cast %reduce_sum3A_26 : vector<256xf32> to vector<256x1xf32>
    %reduce_max3A = vector.shape_cast %broadcast_in_dim3A_27 : vector<256x1xf32> to vector<1x256x1xf32>
    %reduce_max3A_28 = arith.constant dense<0xFF800000> : vector<1xf32>
    %reduce_max3A_29 = vector.multi_reduction <maximumf>, %reduce_max3A, %reduce_max3A_28 [1, 2] : vector<1x256x1xf32> to vector<1xf32>
    %reduce_max3A_30 = vector.shape_cast %reduce_max3A_29 : vector<1xf32> to vector<1x1x1xf32>
    %reduce_max3A_31 = vector.extract %reduce_max3A_30[0, 0, 0] : f32 from vector<1x1x1xf32>
    %min3A = arith.constant 3.200000e+01 : f32
    %min3A_32 = arith.minimumf %reduce_max3A_31, %min3A : f32
    %jit3A_33 = arith.constant 4.096000e+03 : f32
    %broadcast_in_dim3A_34 = vector.broadcast %jit3A_33 : f32 to vector<256x4096xf32>
    %select_n3A_35 = arith.select %not3A_21, %convert_element_type3A, %broadcast_in_dim3A_34 : vector<256x4096xi1>, vector<256x4096xf32>
    %iota3A_36 = tpu.iota {dimensions = array<i32: 1>} : vector<256x32xi32>
    %convert_element_type3A_37 = arith.sitofp %iota3A_36 : vector<256x32xi32> to vector<256x32xf32>
    %broadcast_in_dim3A_38 = arith.constant -1.000000e+00 : f32
    %broadcast_in_dim3A_39 = vector.broadcast %broadcast_in_dim3A_38 : f32 to vector<256x1xf32>
    %broadcast_in_dim3A_40 = arith.constant 0.000000e+00 : f32
    %broadcast_in_dim3A_41 = vector.broadcast %broadcast_in_dim3A_40 : f32 to vector<256x32xf32>
    %while3A = arith.constant 0.000000e+00 : f32
    %while3A_42:3 = scf.while (%while3A_63 = %while3A, %while3A_64 = %broadcast_in_dim3A_39, %while3A_65 = %broadcast_in_dim3A_41) : (f32, vector<256x1xf32>, vector<256x32xf32>) -> (f32, vector<256x1xf32>, vector<256x32xf32>) {
      %lt3A_66 = arith.cmpf olt, %while3A_63, %min3A_32 : f32
      scf.condition(%lt3A_66) %while3A_63, %while3A_64, %while3A_65 : f32, vector<256x1xf32>, vector<256x32xf32>
    } do {
    ^bb0(%while3A_63: f32, %while3A_64: vector<256x1xf32>, %while3A_65: vector<256x32xf32>):
      %gt3A_66 = vector.broadcast %while3A_64 : vector<256x1xf32> to vector<256x4096xf32>
      %gt3A_67 = arith.cmpf ogt, %select_n3A_35, %gt3A_66 : vector<256x4096xf32>
      %jit3A_68 = arith.constant 4.096000e+03 : f32
      %broadcast_in_dim3A_69 = vector.broadcast %jit3A_68 : f32 to vector<256x4096xf32>
      %select_n3A_70 = arith.select %gt3A_67, %select_n3A_35, %broadcast_in_dim3A_69 : vector<256x4096xi1>, vector<256x4096xf32>
      %reduce_min3A = arith.constant dense<0x7F800000> : vector<256xf32>
      %reduce_min3A_71 = vector.multi_reduction <minimumf>, %select_n3A_70, %reduce_min3A [1] : vector<256x4096xf32> to vector<256xf32>
      %broadcast_in_dim3A_72 = vector.shape_cast %reduce_min3A_71 : vector<256xf32> to vector<256x1xf32>
      %eq3A = vector.broadcast %while3A_63 : f32 to vector<256x32xf32>
      %eq3A_73 = arith.cmpf oeq, %convert_element_type3A_37, %eq3A : vector<256x32xf32>
      %broadcast_in_dim3A_74 = vector.shape_cast %broadcast_in_dim3A_72 : vector<256x1xf32> to vector<256x1xf32>
      %broadcast_in_dim3A_75 = vector.broadcast %broadcast_in_dim3A_74 : vector<256x1xf32> to vector<256x32xf32>
      %select_n3A_76 = arith.select %eq3A_73, %broadcast_in_dim3A_75, %while3A_65 : vector<256x32xi1>, vector<256x32xf32>
      %add3A_77 = arith.constant 1.000000e+00 : f32
      %add3A_78 = arith.addf %while3A_63, %add3A_77 : f32
      scf.yield %add3A_78, %broadcast_in_dim3A_72, %select_n3A_76 : f32, vector<256x1xf32>, vector<256x32xf32>
    }
    %slice3A = vector.extract_strided_slice %while3A_42#2 {offsets = [0, 0], sizes = [256, 1], strides = [1, 1]} : vector<256x32xf32> to vector<256x1xf32>
    %min3A_43 = arith.constant 3.200000e+01 : f32
    %min3A_44 = vector.broadcast %min3A_43 : f32 to vector<256x1xf32>
    %min3A_45 = arith.minimumf %broadcast_in_dim3A_27, %min3A_44 : vector<256x1xf32>
    %lt3A = vector.broadcast %min3A_45 : vector<256x1xf32> to vector<256x32xf32>
    %lt3A_46 = arith.cmpf olt, %convert_element_type3A_37, %lt3A : vector<256x32xf32>
    %broadcast_in_dim3A_47 = vector.shape_cast %slice3A : vector<256x1xf32> to vector<256x1xf32>
    %broadcast_in_dim3A_48 = vector.broadcast %broadcast_in_dim3A_47 : vector<256x1xf32> to vector<256x32xf32>
    %select_n3A_49 = arith.select %lt3A_46, %while3A_42#2, %broadcast_in_dim3A_48 : vector<256x32xi1>, vector<256x32xf32>
    %min3A_50 = arith.constant 4.095000e+03 : f32
    %min3A_51 = vector.broadcast %min3A_50 : f32 to vector<256x32xf32>
    %min3A_52 = arith.minimumf %select_n3A_49, %min3A_51 : vector<256x32xf32>
    %convert_element_type3A_53 = arith.sitofp %arg0 : i32 to f32
    %mul3A_54 = arith.constant 4.096000e+03 : f32
    %mul3A_55 = arith.mulf %mul3A_54, %convert_element_type3A_53 : f32
    %add3A_56 = vector.broadcast %mul3A_55 : f32 to vector<256x32xf32>
    %add3A_57 = arith.addf %min3A_52, %add3A_56 : vector<256x32xf32>
    %swap3A = arith.constant 0 : index
    %swap3A_58 = arith.constant 0 : index
    %swap3A_59 = arith.constant 0 : index
    %swap3A_60 = vector.load %arg4[%swap3A, %swap3A_58, %swap3A_59] : memref<1x256x32xf32, #tpu.memory_space<vmem>>, vector<1x256x32xf32>
    %swap3A_61 = vector.shape_cast %swap3A_60 : vector<1x256x32xf32> to vector<256x32xf32>
    %swap3A_62 = vector.shape_cast %add3A_57 : vector<256x32xf32> to vector<1x256x32xf32>
    tpu.vector_store %arg4[%swap3A, %swap3A_58, %swap3A_59], %swap3A_62 {strides = array<i32>} : memref<1x256x32xf32, #tpu.memory_space<vmem>>, vector<1x256x32xf32>,
    return
  }
  func.func @transform_0(%arg0: i32, %arg1: i32) -> (i32, i32, i32) {
    %c0_i32 = arith.constant 0 : i32
    %c0_i32_0 = arith.constant 0 : i32
    %c0_i32_1 = arith.constant 0 : i32
    return %arg0, %c0_i32, %c0_i32_0 : i32, i32, i32
  }
  func.func @transform_1(%arg0: i32, %arg1: i32) -> (i32, i32) {
    %mul3A = arith.constant 4 : i32
    %mul3A_0 = arith.muli %arg0, %mul3A : i32
    %add3A = arith.addi %mul3A_0, %arg1 : i32
    %c0_i32 = arith.constant 0 : i32
    %c0_i32_1 = arith.constant 0 : i32
    return %add3A, %c0_i32 : i32, i32
  }
  func.func @transform_2(%arg0: i32, %arg1: i32) -> (i32, i32, i32) {
    %c0_i32 = arith.constant 0 : i32
    %c0_i32_0 = arith.constant 0 : i32
    return %arg0, %arg1, %c0_i32 : i32, i32, i32
  }
}

module attributes {stable_mosaic.version = 14 : i64} {
  func.func @_fps_body(%arg0: memref<8x1024xf32, #tpu.memory_space<vmem>>, %arg1: memref<8x1024xf32, #tpu.memory_space<vmem>>, %arg2: memref<8x1024xf32, #tpu.memory_space<vmem>>, %arg3: memref<256x8xf32, #tpu.memory_space<vmem>>, %arg4: memref<256x8xf32, #tpu.memory_space<vmem>>, %arg5: memref<256x8xf32, #tpu.memory_space<vmem>>, %arg6: memref<256x8xf32, #tpu.memory_space<vmem>>, %arg7: memref<8x1024xf32, #tpu.memory_space<vmem>>) attributes {dimension_semantics = [], scalar_prefetch = 0 : i64, scratch_operands = 1 : i64, tpu.core_type = #tpu.core_type<tc>} {
    %iota3A = tpu.iota {dimensions = array<i32: 1>} : vector<8x1024xi32>
    %convert_element_type3A = arith.sitofp %iota3A : vector<8x1024xi32> to vector<8x1024xf32>
    %iota3A_0 = tpu.iota {dimensions = array<i32: 0>} : vector<8x8xi32>
    %iota3A_1 = tpu.iota {dimensions = array<i32: 1>} : vector<8x8xi32>
    %add3A = arith.constant 0 : i32
    %add3A_2 = vector.broadcast %add3A : i32 to vector<8x8xi32>
    %add3A_3 = arith.addi %iota3A_0, %add3A_2 : vector<8x8xi32>
    %eq3A = arith.cmpi eq, %add3A_3, %iota3A_1 : vector<8x8xi32>
    %convert_element_type3A_4 = arith.extui %eq3A : vector<8x8xi1> to vector<8x8xi32>
    %convert_element_type3A_5 = arith.sitofp %convert_element_type3A_4 : vector<8x8xi32> to vector<8x8xf32>
    %get3A = arith.constant 0 : index
    %get3A_6 = arith.constant 0 : index
    %get3A_7 = vector.load %arg0[%get3A, %get3A_6] : memref<8x1024xf32, #tpu.memory_space<vmem>>, vector<8x1024xf32>
    %get3A_8 = arith.constant 0 : index
    %get3A_9 = arith.constant 0 : index
    %get3A_10 = vector.load %arg1[%get3A_8, %get3A_9] : memref<8x1024xf32, #tpu.memory_space<vmem>>, vector<8x1024xf32>
    %get3A_11 = arith.constant 0 : index
    %get3A_12 = arith.constant 0 : index
    %get3A_13 = vector.load %arg2[%get3A_11, %get3A_12] : memref<8x1024xf32, #tpu.memory_space<vmem>>, vector<8x1024xf32>
    %broadcast_in_dim3A = arith.constant 1.000000e+10 : f32
    %broadcast_in_dim3A_14 = vector.broadcast %broadcast_in_dim3A : f32 to vector<8x1024xf32>
    %swap3A = arith.constant 0 : index
    %swap3A_15 = arith.constant 0 : index
    %swap3A_16 = vector.load %arg7[%swap3A, %swap3A_15] : memref<8x1024xf32, #tpu.memory_space<vmem>>, vector<8x1024xf32>
    tpu.vector_store %arg7[%swap3A, %swap3A_15], %broadcast_in_dim3A_14 {strides = array<i32>} : memref<8x1024xf32, #tpu.memory_space<vmem>>, vector<8x1024xf32>,
    %broadcast_in_dim3A_17 = arith.constant 0.000000e+00 : f32
    %broadcast_in_dim3A_18 = vector.broadcast %broadcast_in_dim3A_17 : f32 to vector<8x1xf32>
    %scan3A = arith.constant 0 : i32
    %scan3A_19 = arith.constant 256 : i32
    %scan3A_20 = arith.addi %scan3A, %scan3A_19 : i32
    %scan3A_21 = arith.constant 1 : i32
    %scan3A_22 = scf.for %scan3A_24 = %scan3A to %scan3A_20 step %scan3A_21 iter_args(%scan3A_25 = %broadcast_in_dim3A_18) -> (vector<8x1xf32>)  : i32 {
      %eq3A_26 = vector.broadcast %scan3A_25 : vector<8x1xf32> to vector<8x1024xf32>
      %eq3A_27 = arith.cmpf oeq, %convert_element_type3A, %eq3A_26 : vector<8x1024xf32>
      %jit3A = arith.constant 0.000000e+00 : f32
      %broadcast_in_dim3A_28 = vector.broadcast %jit3A : f32 to vector<8x1024xf32>
      %select_n3A = arith.select %eq3A_27, %get3A_7, %broadcast_in_dim3A_28 : vector<8x1024xi1>, vector<8x1024xf32>
      %reduce_sum3A = arith.constant dense<0.000000e+00> : vector<8xf32>
      %reduce_sum3A_29 = vector.multi_reduction <add>, %select_n3A, %reduce_sum3A [1] : vector<8x1024xf32> to vector<8xf32>
      %broadcast_in_dim3A_30 = vector.shape_cast %reduce_sum3A_29 : vector<8xf32> to vector<8x1xf32>
      %jit3A_31 = arith.constant 0.000000e+00 : f32
      %broadcast_in_dim3A_32 = vector.broadcast %jit3A_31 : f32 to vector<8x1024xf32>
      %select_n3A_33 = arith.select %eq3A_27, %get3A_10, %broadcast_in_dim3A_32 : vector<8x1024xi1>, vector<8x1024xf32>
      %reduce_sum3A_34 = arith.constant dense<0.000000e+00> : vector<8xf32>
      %reduce_sum3A_35 = vector.multi_reduction <add>, %select_n3A_33, %reduce_sum3A_34 [1] : vector<8x1024xf32> to vector<8xf32>
      %broadcast_in_dim3A_36 = vector.shape_cast %reduce_sum3A_35 : vector<8xf32> to vector<8x1xf32>
      %jit3A_37 = arith.constant 0.000000e+00 : f32
      %broadcast_in_dim3A_38 = vector.broadcast %jit3A_37 : f32 to vector<8x1024xf32>
      %select_n3A_39 = arith.select %eq3A_27, %get3A_13, %broadcast_in_dim3A_38 : vector<8x1024xi1>, vector<8x1024xf32>
      %reduce_sum3A_40 = arith.constant dense<0.000000e+00> : vector<8xf32>
      %reduce_sum3A_41 = vector.multi_reduction <add>, %select_n3A_39, %reduce_sum3A_40 [1] : vector<8x1024xf32> to vector<8xf32>
      %broadcast_in_dim3A_42 = vector.shape_cast %reduce_sum3A_41 : vector<8xf32> to vector<8x1xf32>
      %sub3A = vector.broadcast %broadcast_in_dim3A_30 : vector<8x1xf32> to vector<8x1024xf32>
      %sub3A_43 = arith.subf %get3A_7, %sub3A : vector<8x1024xf32>
      %sub3A_44 = vector.broadcast %broadcast_in_dim3A_36 : vector<8x1xf32> to vector<8x1024xf32>
      %sub3A_45 = arith.subf %get3A_10, %sub3A_44 : vector<8x1024xf32>
      %sub3A_46 = vector.broadcast %broadcast_in_dim3A_42 : vector<8x1xf32> to vector<8x1024xf32>
      %sub3A_47 = arith.subf %get3A_13, %sub3A_46 : vector<8x1024xf32>
      %mul3A = arith.mulf %sub3A_43, %sub3A_43 : vector<8x1024xf32>
      %mul3A_48 = arith.mulf %sub3A_45, %sub3A_45 : vector<8x1024xf32>
      %add3A_49 = arith.addf %mul3A, %mul3A_48 : vector<8x1024xf32>
      %mul3A_50 = arith.mulf %sub3A_47, %sub3A_47 : vector<8x1024xf32>
      %add3A_51 = arith.addf %add3A_49, %mul3A_50 : vector<8x1024xf32>
      %get3A_52 = arith.constant 0 : index
      %get3A_53 = arith.constant 0 : index
      %get3A_54 = vector.load %arg7[%get3A_52, %get3A_53] : memref<8x1024xf32, #tpu.memory_space<vmem>>, vector<8x1024xf32>
      %min3A = arith.minimumf %get3A_54, %add3A_51 : vector<8x1024xf32>
      %swap3A_55 = arith.constant 0 : index
      %swap3A_56 = arith.constant 0 : index
      %swap3A_57 = vector.load %arg7[%swap3A_55, %swap3A_56] : memref<8x1024xf32, #tpu.memory_space<vmem>>, vector<8x1024xf32>
      tpu.vector_store %arg7[%swap3A_55, %swap3A_56], %min3A {strides = array<i32>} : memref<8x1024xf32, #tpu.memory_space<vmem>>, vector<8x1024xf32>,
      %reduce_max3A = arith.constant dense<0xFF800000> : vector<8xf32>
      %reduce_max3A_58 = vector.multi_reduction <maximumf>, %min3A, %reduce_max3A [1] : vector<8x1024xf32> to vector<8xf32>
      %broadcast_in_dim3A_59 = vector.shape_cast %reduce_max3A_58 : vector<8xf32> to vector<8x1xf32>
      %eq3A_60 = vector.broadcast %broadcast_in_dim3A_59 : vector<8x1xf32> to vector<8x1024xf32>
      %eq3A_61 = arith.cmpf oeq, %min3A, %eq3A_60 : vector<8x1024xf32>
      %jit3A_62 = arith.constant 1.024000e+03 : f32
      %broadcast_in_dim3A_63 = vector.broadcast %jit3A_62 : f32 to vector<8x1024xf32>
      %select_n3A_64 = arith.select %eq3A_61, %convert_element_type3A, %broadcast_in_dim3A_63 : vector<8x1024xi1>, vector<8x1024xf32>
      %reduce_min3A = arith.constant dense<0x7F800000> : vector<8xf32>
      %reduce_min3A_65 = vector.multi_reduction <minimumf>, %select_n3A_64, %reduce_min3A [1] : vector<8x1024xf32> to vector<8xf32>
      %broadcast_in_dim3A_66 = vector.shape_cast %reduce_min3A_65 : vector<8xf32> to vector<8x1xf32>
      %mul3A_67 = vector.broadcast %scan3A_25 : vector<8x1xf32> to vector<8x8xf32>
      %mul3A_68 = arith.mulf %mul3A_67, %convert_element_type3A_5 : vector<8x8xf32>
      %reduce_sum3A_69 = arith.constant dense<0.000000e+00> : vector<8xf32>
      %reduce_sum3A_70 = vector.multi_reduction <add>, %mul3A_68, %reduce_sum3A_69 [0] : vector<8x8xf32> to vector<8xf32>
      %broadcast_in_dim3A_71 = vector.shape_cast %reduce_sum3A_70 : vector<8xf32> to vector<1x8xf32>
      %swap3A_72 = arith.index_cast %scan3A_24 : i32 to index
      %swap3A_73 = arith.constant 0 : index
      %swap3A_74 = vector.load %arg3[%swap3A_72, %swap3A_73] : memref<256x8xf32, #tpu.memory_space<vmem>>, vector<1x8xf32>
      tpu.vector_store %arg3[%swap3A_72, %swap3A_73], %broadcast_in_dim3A_71 {strides = array<i32>} : memref<256x8xf32, #tpu.memory_space<vmem>>, vector<1x8xf32>,
      %mul3A_75 = vector.broadcast %broadcast_in_dim3A_30 : vector<8x1xf32> to vector<8x8xf32>
      %mul3A_76 = arith.mulf %mul3A_75, %convert_element_type3A_5 : vector<8x8xf32>
      %reduce_sum3A_77 = arith.constant dense<0.000000e+00> : vector<8xf32>
      %reduce_sum3A_78 = vector.multi_reduction <add>, %mul3A_76, %reduce_sum3A_77 [0] : vector<8x8xf32> to vector<8xf32>
      %broadcast_in_dim3A_79 = vector.shape_cast %reduce_sum3A_78 : vector<8xf32> to vector<1x8xf32>
      %swap3A_80 = arith.index_cast %scan3A_24 : i32 to index
      %swap3A_81 = arith.constant 0 : index
      %swap3A_82 = vector.load %arg4[%swap3A_80, %swap3A_81] : memref<256x8xf32, #tpu.memory_space<vmem>>, vector<1x8xf32>
      tpu.vector_store %arg4[%swap3A_80, %swap3A_81], %broadcast_in_dim3A_79 {strides = array<i32>} : memref<256x8xf32, #tpu.memory_space<vmem>>, vector<1x8xf32>,
      %mul3A_83 = vector.broadcast %broadcast_in_dim3A_36 : vector<8x1xf32> to vector<8x8xf32>
      %mul3A_84 = arith.mulf %mul3A_83, %convert_element_type3A_5 : vector<8x8xf32>
      %reduce_sum3A_85 = arith.constant dense<0.000000e+00> : vector<8xf32>
      %reduce_sum3A_86 = vector.multi_reduction <add>, %mul3A_84, %reduce_sum3A_85 [0] : vector<8x8xf32> to vector<8xf32>
      %broadcast_in_dim3A_87 = vector.shape_cast %reduce_sum3A_86 : vector<8xf32> to vector<1x8xf32>
      %swap3A_88 = arith.index_cast %scan3A_24 : i32 to index
      %swap3A_89 = arith.constant 0 : index
      %swap3A_90 = vector.load %arg5[%swap3A_88, %swap3A_89] : memref<256x8xf32, #tpu.memory_space<vmem>>, vector<1x8xf32>
      tpu.vector_store %arg5[%swap3A_88, %swap3A_89], %broadcast_in_dim3A_87 {strides = array<i32>} : memref<256x8xf32, #tpu.memory_space<vmem>>, vector<1x8xf32>,
      %mul3A_91 = vector.broadcast %broadcast_in_dim3A_42 : vector<8x1xf32> to vector<8x8xf32>
      %mul3A_92 = arith.mulf %mul3A_91, %convert_element_type3A_5 : vector<8x8xf32>
      %reduce_sum3A_93 = arith.constant dense<0.000000e+00> : vector<8xf32>
      %reduce_sum3A_94 = vector.multi_reduction <add>, %mul3A_92, %reduce_sum3A_93 [0] : vector<8x8xf32> to vector<8xf32>
      %broadcast_in_dim3A_95 = vector.shape_cast %reduce_sum3A_94 : vector<8xf32> to vector<1x8xf32>
      %swap3A_96 = arith.index_cast %scan3A_24 : i32 to index
      %swap3A_97 = arith.constant 0 : index
      %swap3A_98 = vector.load %arg6[%swap3A_96, %swap3A_97] : memref<256x8xf32, #tpu.memory_space<vmem>>, vector<1x8xf32>
      tpu.vector_store %arg6[%swap3A_96, %swap3A_97], %broadcast_in_dim3A_95 {strides = array<i32>} : memref<256x8xf32, #tpu.memory_space<vmem>>, vector<1x8xf32>,
      scf.yield %broadcast_in_dim3A_66 : vector<8x1xf32>
    }
    %scan3A_23 = arith.constant 256 : i32
    return
  }
}

module attributes {stable_mosaic.version = 14 : i64} {
  func.func @_bq_body(%arg0: i32, %arg1: i32, %arg2: memref<1x3x1024xf32, #tpu.memory_space<vmem>>, %arg3: memref<256x3xf32, #tpu.memory_space<vmem>>, %arg4: memref<1x256x32xf32, #tpu.memory_space<vmem>>) attributes {dimension_semantics = [#tpu.dimension_semantics<arbitrary>, #tpu.dimension_semantics<arbitrary>], iteration_bounds = array<i64: 8, 1>, scalar_prefetch = 0 : i64, scratch_operands = 0 : i64, tpu.core_type = #tpu.core_type<tc>, window_params = [{transform_indices = @transform_0, window_bounds = array<i64: 1, 3, 1024>}, {transform_indices = @transform_1, window_bounds = array<i64: 256, 3>}, {transform_indices = @transform_2, window_bounds = array<i64: 1, 256, 32>}]} {
    %get3A = arith.constant 0 : index
    %get3A_0 = arith.constant 0 : index
    %get3A_1 = vector.load %arg3[%get3A, %get3A_0] : memref<256x3xf32, #tpu.memory_space<vmem>>, vector<256x3xf32>
    %get3A_2 = arith.constant 0 : index
    %get3A_3 = arith.constant 0 : index
    %get3A_4 = arith.constant 0 : index
    %get3A_5 = vector.load %arg2[%get3A_2, %get3A_3, %get3A_4] : memref<1x3x1024xf32, #tpu.memory_space<vmem>>, vector<1x3x1024xf32>
    %get3A_6 = vector.shape_cast %get3A_5 : vector<1x3x1024xf32> to vector<3x1024xf32>
    %dot_general3A = arith.constant dense<0.000000e+00> : vector<256x1024xf32>
    %dot_general3A_7 = tpu.matmul %get3A_1, %get3A_6, %dot_general3A {dimension_numbers = #tpu.dot_dimension_numbers<[1], [0], [0], [1], [0, 0, 1, 1], [], []>, transpose_lhs_hint = false} : vector<256x3xf32>, vector<3x1024xf32>, vector<256x1024xf32> -> vector<256x1024xf32>
    %mul3A = arith.mulf %get3A_1, %get3A_1 : vector<256x3xf32>
    %reduce_sum3A = arith.constant dense<0.000000e+00> : vector<256xf32>
    %reduce_sum3A_8 = vector.multi_reduction <add>, %mul3A, %reduce_sum3A [1] : vector<256x3xf32> to vector<256xf32>
    %broadcast_in_dim3A = vector.shape_cast %reduce_sum3A_8 : vector<256xf32> to vector<256x1xf32>
    %mul3A_9 = arith.mulf %get3A_6, %get3A_6 : vector<3x1024xf32>
    %reduce_sum3A_10 = arith.constant dense<0.000000e+00> : vector<1024xf32>
    %reduce_sum3A_11 = vector.multi_reduction <add>, %mul3A_9, %reduce_sum3A_10 [0] : vector<3x1024xf32> to vector<1024xf32>
    %broadcast_in_dim3A_12 = vector.shape_cast %reduce_sum3A_11 : vector<1024xf32> to vector<1x1024xf32>
    %mul3A_13 = arith.constant -2.000000e+00 : f32
    %mul3A_14 = vector.broadcast %mul3A_13 : f32 to vector<256x1024xf32>
    %mul3A_15 = arith.mulf %mul3A_14, %dot_general3A_7 : vector<256x1024xf32>
    %add3A = vector.broadcast %broadcast_in_dim3A : vector<256x1xf32> to vector<256x1024xf32>
    %add3A_16 = arith.addf %mul3A_15, %add3A : vector<256x1024xf32>
    %add3A_17 = vector.broadcast %broadcast_in_dim3A_12 : vector<1x1024xf32> to vector<256x1024xf32>
    %add3A_18 = arith.addf %add3A_16, %add3A_17 : vector<256x1024xf32>
    %gt3A = arith.constant 4.000000e-02 : f32
    %gt3A_19 = vector.broadcast %gt3A : f32 to vector<256x1024xf32>
    %gt3A_20 = arith.cmpf ogt, %add3A_18, %gt3A_19 : vector<256x1024xf32>
    %not3A = arith.constant dense<true> : vector<256x1024xi1>
    %not3A_21 = arith.xori %gt3A_20, %not3A : vector<256x1024xi1>
    %iota3A = tpu.iota {dimensions = array<i32: 1>} : vector<256x1024xi32>
    %convert_element_type3A = arith.sitofp %iota3A : vector<256x1024xi32> to vector<256x1024xf32>
    %jit3A = arith.constant 1.000000e+00 : f32
    %jit3A_22 = arith.constant 0.000000e+00 : f32
    %broadcast_in_dim3A_23 = vector.broadcast %jit3A : f32 to vector<256x1024xf32>
    %broadcast_in_dim3A_24 = vector.broadcast %jit3A_22 : f32 to vector<256x1024xf32>
    %select_n3A = arith.select %not3A_21, %broadcast_in_dim3A_23, %broadcast_in_dim3A_24 : vector<256x1024xi1>, vector<256x1024xf32>
    %reduce_sum3A_25 = arith.constant dense<0.000000e+00> : vector<256xf32>
    %reduce_sum3A_26 = vector.multi_reduction <add>, %select_n3A, %reduce_sum3A_25 [1] : vector<256x1024xf32> to vector<256xf32>
    %broadcast_in_dim3A_27 = vector.shape_cast %reduce_sum3A_26 : vector<256xf32> to vector<256x1xf32>
    %reduce_max3A = vector.shape_cast %broadcast_in_dim3A_27 : vector<256x1xf32> to vector<1x256x1xf32>
    %reduce_max3A_28 = arith.constant dense<0xFF800000> : vector<1xf32>
    %reduce_max3A_29 = vector.multi_reduction <maximumf>, %reduce_max3A, %reduce_max3A_28 [1, 2] : vector<1x256x1xf32> to vector<1xf32>
    %reduce_max3A_30 = vector.shape_cast %reduce_max3A_29 : vector<1xf32> to vector<1x1x1xf32>
    %reduce_max3A_31 = vector.extract %reduce_max3A_30[0, 0, 0] : f32 from vector<1x1x1xf32>
    %min3A = arith.constant 3.200000e+01 : f32
    %min3A_32 = arith.minimumf %reduce_max3A_31, %min3A : f32
    %jit3A_33 = arith.constant 1.024000e+03 : f32
    %broadcast_in_dim3A_34 = vector.broadcast %jit3A_33 : f32 to vector<256x1024xf32>
    %select_n3A_35 = arith.select %not3A_21, %convert_element_type3A, %broadcast_in_dim3A_34 : vector<256x1024xi1>, vector<256x1024xf32>
    %iota3A_36 = tpu.iota {dimensions = array<i32: 1>} : vector<256x32xi32>
    %convert_element_type3A_37 = arith.sitofp %iota3A_36 : vector<256x32xi32> to vector<256x32xf32>
    %broadcast_in_dim3A_38 = arith.constant -1.000000e+00 : f32
    %broadcast_in_dim3A_39 = vector.broadcast %broadcast_in_dim3A_38 : f32 to vector<256x1xf32>
    %broadcast_in_dim3A_40 = arith.constant 0.000000e+00 : f32
    %broadcast_in_dim3A_41 = vector.broadcast %broadcast_in_dim3A_40 : f32 to vector<256x32xf32>
    %while3A = arith.constant 0.000000e+00 : f32
    %while3A_42:3 = scf.while (%while3A_63 = %while3A, %while3A_64 = %broadcast_in_dim3A_39, %while3A_65 = %broadcast_in_dim3A_41) : (f32, vector<256x1xf32>, vector<256x32xf32>) -> (f32, vector<256x1xf32>, vector<256x32xf32>) {
      %lt3A_66 = arith.cmpf olt, %while3A_63, %min3A_32 : f32
      scf.condition(%lt3A_66) %while3A_63, %while3A_64, %while3A_65 : f32, vector<256x1xf32>, vector<256x32xf32>
    } do {
    ^bb0(%while3A_63: f32, %while3A_64: vector<256x1xf32>, %while3A_65: vector<256x32xf32>):
      %gt3A_66 = vector.broadcast %while3A_64 : vector<256x1xf32> to vector<256x1024xf32>
      %gt3A_67 = arith.cmpf ogt, %select_n3A_35, %gt3A_66 : vector<256x1024xf32>
      %jit3A_68 = arith.constant 1.024000e+03 : f32
      %broadcast_in_dim3A_69 = vector.broadcast %jit3A_68 : f32 to vector<256x1024xf32>
      %select_n3A_70 = arith.select %gt3A_67, %select_n3A_35, %broadcast_in_dim3A_69 : vector<256x1024xi1>, vector<256x1024xf32>
      %reduce_min3A = arith.constant dense<0x7F800000> : vector<256xf32>
      %reduce_min3A_71 = vector.multi_reduction <minimumf>, %select_n3A_70, %reduce_min3A [1] : vector<256x1024xf32> to vector<256xf32>
      %broadcast_in_dim3A_72 = vector.shape_cast %reduce_min3A_71 : vector<256xf32> to vector<256x1xf32>
      %eq3A = vector.broadcast %while3A_63 : f32 to vector<256x32xf32>
      %eq3A_73 = arith.cmpf oeq, %convert_element_type3A_37, %eq3A : vector<256x32xf32>
      %broadcast_in_dim3A_74 = vector.shape_cast %broadcast_in_dim3A_72 : vector<256x1xf32> to vector<256x1xf32>
      %broadcast_in_dim3A_75 = vector.broadcast %broadcast_in_dim3A_74 : vector<256x1xf32> to vector<256x32xf32>
      %select_n3A_76 = arith.select %eq3A_73, %broadcast_in_dim3A_75, %while3A_65 : vector<256x32xi1>, vector<256x32xf32>
      %add3A_77 = arith.constant 1.000000e+00 : f32
      %add3A_78 = arith.addf %while3A_63, %add3A_77 : f32
      scf.yield %add3A_78, %broadcast_in_dim3A_72, %select_n3A_76 : f32, vector<256x1xf32>, vector<256x32xf32>
    }
    %slice3A = vector.extract_strided_slice %while3A_42#2 {offsets = [0, 0], sizes = [256, 1], strides = [1, 1]} : vector<256x32xf32> to vector<256x1xf32>
    %min3A_43 = arith.constant 3.200000e+01 : f32
    %min3A_44 = vector.broadcast %min3A_43 : f32 to vector<256x1xf32>
    %min3A_45 = arith.minimumf %broadcast_in_dim3A_27, %min3A_44 : vector<256x1xf32>
    %lt3A = vector.broadcast %min3A_45 : vector<256x1xf32> to vector<256x32xf32>
    %lt3A_46 = arith.cmpf olt, %convert_element_type3A_37, %lt3A : vector<256x32xf32>
    %broadcast_in_dim3A_47 = vector.shape_cast %slice3A : vector<256x1xf32> to vector<256x1xf32>
    %broadcast_in_dim3A_48 = vector.broadcast %broadcast_in_dim3A_47 : vector<256x1xf32> to vector<256x32xf32>
    %select_n3A_49 = arith.select %lt3A_46, %while3A_42#2, %broadcast_in_dim3A_48 : vector<256x32xi1>, vector<256x32xf32>
    %min3A_50 = arith.constant 1.023000e+03 : f32
    %min3A_51 = vector.broadcast %min3A_50 : f32 to vector<256x32xf32>
    %min3A_52 = arith.minimumf %select_n3A_49, %min3A_51 : vector<256x32xf32>
    %convert_element_type3A_53 = arith.sitofp %arg0 : i32 to f32
    %mul3A_54 = arith.constant 1.024000e+03 : f32
    %mul3A_55 = arith.mulf %mul3A_54, %convert_element_type3A_53 : f32
    %add3A_56 = vector.broadcast %mul3A_55 : f32 to vector<256x32xf32>
    %add3A_57 = arith.addf %min3A_52, %add3A_56 : vector<256x32xf32>
    %swap3A = arith.constant 0 : index
    %swap3A_58 = arith.constant 0 : index
    %swap3A_59 = arith.constant 0 : index
    %swap3A_60 = vector.load %arg4[%swap3A, %swap3A_58, %swap3A_59] : memref<1x256x32xf32, #tpu.memory_space<vmem>>, vector<1x256x32xf32>
    %swap3A_61 = vector.shape_cast %swap3A_60 : vector<1x256x32xf32> to vector<256x32xf32>
    %swap3A_62 = vector.shape_cast %add3A_57 : vector<256x32xf32> to vector<1x256x32xf32>
    tpu.vector_store %arg4[%swap3A, %swap3A_58, %swap3A_59], %swap3A_62 {strides = array<i32>} : memref<1x256x32xf32, #tpu.memory_space<vmem>>, vector<1x256x32xf32>,
    return
  }
  func.func @transform_0(%arg0: i32, %arg1: i32) -> (i32, i32, i32) {
    %c0_i32 = arith.constant 0 : i32
    %c0_i32_0 = arith.constant 0 : i32
    %c0_i32_1 = arith.constant 0 : i32
    return %arg0, %c0_i32, %c0_i32_0 : i32, i32, i32
  }
  func.func @transform_1(%arg0: i32, %arg1: i32) -> (i32, i32) {
    %mul3A = arith.constant 1 : i32
    %mul3A_0 = arith.muli %arg0, %mul3A : i32
    %add3A = arith.addi %mul3A_0, %arg1 : i32
    %c0_i32 = arith.constant 0 : i32
    %c0_i32_1 = arith.constant 0 : i32
    return %add3A, %c0_i32 : i32, i32
  }
  func.func @transform_2(%arg0: i32, %arg1: i32) -> (i32, i32, i32) {
    %c0_i32 = arith.constant 0 : i32
    %c0_i32_0 = arith.constant 0 : i32
    return %arg0, %arg1, %c0_i32 : i32, i32, i32
  }
}

module attributes {stable_mosaic.version = 14 : i64} {
  func.func @_mlp_fused_body(%arg0: i32, %arg1: i32, %arg2: memref<4096x64xf32, #tpu.memory_space<vmem>>, %arg3: memref<512x16xf32, #tpu.memory_space<vmem>>, %arg4: memref<64x128xf32, #tpu.memory_space<vmem>>, %arg5: memref<1x128xf32, #tpu.memory_space<vmem>>, %arg6: memref<1x32xf32, #tpu.memory_space<vmem>>, %arg7: memref<1x32xf32, #tpu.memory_space<vmem>>, %arg8: memref<128x128xf32, #tpu.memory_space<vmem>>, %arg9: memref<1x128xf32, #tpu.memory_space<vmem>>, %arg10: memref<1x32xf32, #tpu.memory_space<vmem>>, %arg11: memref<1x32xf32, #tpu.memory_space<vmem>>, %arg12: memref<128x256xf32, #tpu.memory_space<vmem>>, %arg13: memref<1x256xf32, #tpu.memory_space<vmem>>, %arg14: memref<1x64xf32, #tpu.memory_space<vmem>>, %arg15: memref<1x64xf32, #tpu.memory_space<vmem>>, %arg16: memref<512x64xf32, #tpu.memory_space<vmem>>, %arg17: memref<8x32xf32, #tpu.memory_space<vmem>>, %arg18: memref<8x32xf32, #tpu.memory_space<vmem>>, %arg19: memref<8x64xf32, #tpu.memory_space<vmem>>) attributes {dimension_semantics = [#tpu.dimension_semantics<arbitrary>, #tpu.dimension_semantics<arbitrary>], iteration_bounds = array<i64: 4, 16>, scalar_prefetch = 0 : i64, scratch_operands = 3 : i64, tpu.core_type = #tpu.core_type<tc>, window_params = [{transform_indices = @transform_0, window_bounds = array<i64: 4096, 64>}, {transform_indices = @transform_1, window_bounds = array<i64: 512, 16>}, {pipeline_mode = #tpu.pipeline_mode<synchronous>, transform_indices = @transform_2, window_bounds = array<i64: 64, 128>}, {pipeline_mode = #tpu.pipeline_mode<synchronous>, transform_indices = @transform_3, window_bounds = array<i64: 1, 128>}, {pipeline_mode = #tpu.pipeline_mode<synchronous>, transform_indices = @transform_4, window_bounds = array<i64: 1, 32>}, {pipeline_mode = #tpu.pipeline_mode<synchronous>, transform_indices = @transform_5, window_bounds = array<i64: 1, 32>}, {pipeline_mode = #tpu.pipeline_mode<synchronous>, transform_indices = @transform_6, window_bounds = array<i64: 128, 128>}, {pipeline_mode = #tpu.pipeline_mode<synchronous>, transform_indices = @transform_7, window_bounds = array<i64: 1, 128>}, {pipeline_mode = #tpu.pipeline_mode<synchronous>, transform_indices = @transform_8, window_bounds = array<i64: 1, 32>}, {pipeline_mode = #tpu.pipeline_mode<synchronous>, transform_indices = @transform_9, window_bounds = array<i64: 1, 32>}, {pipeline_mode = #tpu.pipeline_mode<synchronous>, transform_indices = @transform_10, window_bounds = array<i64: 128, 256>}, {pipeline_mode = #tpu.pipeline_mode<synchronous>, transform_indices = @transform_11, window_bounds = array<i64: 1, 256>}, {pipeline_mode = #tpu.pipeline_mode<synchronous>, transform_indices = @transform_12, window_bounds = array<i64: 1, 64>}, {pipeline_mode = #tpu.pipeline_mode<synchronous>, transform_indices = @transform_13, window_bounds = array<i64: 1, 64>}, {transform_indices = @transform_14, window_bounds = array<i64: 512, 64>}]} {
    %get3A = arith.constant 0 : index
    %get3A_0 = arith.constant 0 : index
    %get3A_1 = vector.load %arg3[%get3A, %get3A_0] : memref<512x16xf32, #tpu.memory_space<vmem>>, vector<512x16xf32>
    %broadcast_in_dim3A = vector.shape_cast %get3A_1 : vector<512x16xf32> to vector<512x1x16xf32>
    %broadcast_in_dim3A_2 = vector.shape_cast %broadcast_in_dim3A : vector<512x1x16xf32> to vector<512x1x16xf32>
    %broadcast_in_dim3A_3 = vector.broadcast %broadcast_in_dim3A_2 : vector<512x1x16xf32> to vector<512x8x16xf32>
    %reshape3A = vector.shape_cast %broadcast_in_dim3A_3 : vector<512x8x16xf32> to vector<4096x16xf32>
    %concatenate3A = tpu.concatenate %reshape3A, %reshape3A, %reshape3A, %reshape3A in 1 : vector<4096x16xf32>, vector<4096x16xf32>, vector<4096x16xf32>, vector<4096x16xf32> -> vector<4096x64xf32>
    %get3A_4 = arith.constant 0 : index
    %get3A_5 = arith.constant 0 : index
    %get3A_6 = vector.load %arg2[%get3A_4, %get3A_5] : memref<4096x64xf32, #tpu.memory_space<vmem>>, vector<4096x64xf32>
    %sub3A = arith.subf %get3A_6, %concatenate3A : vector<4096x64xf32>
    %get3A_7 = arith.constant 0 : index
    %get3A_8 = arith.constant 0 : index
    %get3A_9 = vector.load %arg4[%get3A_7, %get3A_8] : memref<64x128xf32, #tpu.memory_space<vmem>>, vector<64x128xf32>
    %dot_general3A = arith.constant dense<0.000000e+00> : vector<4096x128xf32>
    %dot_general3A_10 = tpu.matmul %sub3A, %get3A_9, %dot_general3A {dimension_numbers = #tpu.dot_dimension_numbers<[1], [0], [0], [1], [0, 0, 1, 1], [], []>, transpose_lhs_hint = false} : vector<4096x64xf32>, vector<64x128xf32>, vector<4096x128xf32> -> vector<4096x128xf32>
    %get3A_11 = arith.constant 0 : index
    %get3A_12 = arith.constant 0 : index
    %get3A_13 = vector.load %arg5[%get3A_11, %get3A_12] : memref<1x128xf32, #tpu.memory_space<vmem>>, vector<1x128xf32>
    %get3A_14 = vector.shape_cast %get3A_13 : vector<1x128xf32> to vector<128xf32>
    %broadcast_in_dim3A_15 = vector.shape_cast %get3A_14 : vector<128xf32> to vector<1x128xf32>
    %add3A = vector.broadcast %broadcast_in_dim3A_15 : vector<1x128xf32> to vector<4096x128xf32>
    %add3A_16 = arith.addf %dot_general3A_10, %add3A : vector<4096x128xf32>
    %eq3A = arith.constant 0 : i32
    %eq3A_17 = arith.cmpi eq, %arg0, %eq3A : i32
    %convert_element_type3A = arith.extui %eq3A_17 : i1 to i32
    %cond3A = arith.constant 0 : i32
    %cond3A_18 = arith.cmpi ne, %convert_element_type3A, %cond3A : i32
    scf.if %cond3A_18 {
      %eq3A_34 = arith.constant 0 : i32
      %eq3A_35 = arith.cmpi eq, %arg1, %eq3A_34 : i32
      %convert_element_type3A_36 = arith.extui %eq3A_35 : i1 to i32
      %cond3A_37 = arith.constant 0 : i32
      %cond3A_38 = arith.cmpi ne, %convert_element_type3A_36, %cond3A_37 : i32
      scf.if %cond3A_38 {
        %broadcast_in_dim3A_76 = arith.constant 0.000000e+00 : f32
        %broadcast_in_dim3A_77 = vector.broadcast %broadcast_in_dim3A_76 : f32 to vector<8x32xf32>
        %swap3A_78 = arith.constant 0 : index
        %swap3A_79 = arith.constant 0 : index
        %swap3A_80 = vector.load %arg17[%swap3A_78, %swap3A_79] : memref<8x32xf32, #tpu.memory_space<vmem>>, vector<8x32xf32>
        tpu.vector_store %arg17[%swap3A_78, %swap3A_79], %broadcast_in_dim3A_77 {strides = array<i32>} : memref<8x32xf32, #tpu.memory_space<vmem>>, vector<8x32xf32>,
      } else {
      }
      %reduce_sum3A = arith.constant dense<0.000000e+00> : vector<128xf32>
      %reduce_sum3A_39 = vector.multi_reduction <add>, %add3A_16, %reduce_sum3A [0] : vector<4096x128xf32> to vector<128xf32>
      %broadcast_in_dim3A_40 = vector.shape_cast %reduce_sum3A_39 : vector<128xf32> to vector<1x128xf32>
      %mul3A = arith.mulf %add3A_16, %add3A_16 : vector<4096x128xf32>
      %reduce_sum3A_41 = arith.constant dense<0.000000e+00> : vector<128xf32>
      %reduce_sum3A_42 = vector.multi_reduction <add>, %mul3A, %reduce_sum3A_41 [0] : vector<4096x128xf32> to vector<128xf32>
      %broadcast_in_dim3A_43 = vector.shape_cast %reduce_sum3A_42 : vector<128xf32> to vector<1x128xf32>
      %slice3A = vector.extract_strided_slice %broadcast_in_dim3A_40 {offsets = [0, 0], sizes = [1, 32], strides = [1, 1]} : vector<1x128xf32> to vector<1x32xf32>
      %add3A_44 = arith.constant 0.000000e+00 : f32
      %add3A_45 = vector.broadcast %add3A_44 : f32 to vector<1x32xf32>
      %add3A_46 = arith.addf %add3A_45, %slice3A : vector<1x32xf32>
      %slice3A_47 = vector.extract_strided_slice %broadcast_in_dim3A_40 {offsets = [0, 32], sizes = [1, 32], strides = [1, 1]} : vector<1x128xf32> to vector<1x32xf32>
      %add3A_48 = arith.addf %add3A_46, %slice3A_47 : vector<1x32xf32>
      %slice3A_49 = vector.extract_strided_slice %broadcast_in_dim3A_40 {offsets = [0, 64], sizes = [1, 32], strides = [1, 1]} : vector<1x128xf32> to vector<1x32xf32>
      %add3A_50 = arith.addf %add3A_48, %slice3A_49 : vector<1x32xf32>
      %slice3A_51 = vector.extract_strided_slice %broadcast_in_dim3A_40 {offsets = [0, 96], sizes = [1, 32], strides = [1, 1]} : vector<1x128xf32> to vector<1x32xf32>
      %add3A_52 = arith.addf %add3A_50, %slice3A_51 : vector<1x32xf32>
      %slice3A_53 = vector.extract_strided_slice %broadcast_in_dim3A_43 {offsets = [0, 0], sizes = [1, 32], strides = [1, 1]} : vector<1x128xf32> to vector<1x32xf32>
      %add3A_54 = arith.constant 0.000000e+00 : f32
      %add3A_55 = vector.broadcast %add3A_54 : f32 to vector<1x32xf32>
      %add3A_56 = arith.addf %add3A_55, %slice3A_53 : vector<1x32xf32>
      %slice3A_57 = vector.extract_strided_slice %broadcast_in_dim3A_43 {offsets = [0, 32], sizes = [1, 32], strides = [1, 1]} : vector<1x128xf32> to vector<1x32xf32>
      %add3A_58 = arith.addf %add3A_56, %slice3A_57 : vector<1x32xf32>
      %slice3A_59 = vector.extract_strided_slice %broadcast_in_dim3A_43 {offsets = [0, 64], sizes = [1, 32], strides = [1, 1]} : vector<1x128xf32> to vector<1x32xf32>
      %add3A_60 = arith.addf %add3A_58, %slice3A_59 : vector<1x32xf32>
      %slice3A_61 = vector.extract_strided_slice %broadcast_in_dim3A_43 {offsets = [0, 96], sizes = [1, 32], strides = [1, 1]} : vector<1x128xf32> to vector<1x32xf32>
      %add3A_62 = arith.addf %add3A_60, %slice3A_61 : vector<1x32xf32>
      %get3A_63 = arith.constant 0 : index
      %get3A_64 = arith.constant 0 : index
      %get3A_65 = vector.load %arg17[%get3A_63, %get3A_64] : memref<8x32xf32, #tpu.memory_space<vmem>>, vector<1x32xf32>
      %add3A_66 = arith.addf %get3A_65, %add3A_52 : vector<1x32xf32>
      %swap3A = arith.constant 0 : index
      %swap3A_67 = arith.constant 0 : index
      %swap3A_68 = vector.load %arg17[%swap3A, %swap3A_67] : memref<8x32xf32, #tpu.memory_space<vmem>>, vector<1x32xf32>
      tpu.vector_store %arg17[%swap3A, %swap3A_67], %add3A_66 {strides = array<i32>} : memref<8x32xf32, #tpu.memory_space<vmem>>, vector<1x32xf32>,
      %get3A_69 = arith.constant 1 : index
      %get3A_70 = arith.constant 0 : index
      %get3A_71 = vector.load %arg17[%get3A_69, %get3A_70] : memref<8x32xf32, #tpu.memory_space<vmem>>, vector<1x32xf32>
      %add3A_72 = arith.addf %get3A_71, %add3A_62 : vector<1x32xf32>
      %swap3A_73 = arith.constant 1 : index
      %swap3A_74 = arith.constant 0 : index
      %swap3A_75 = vector.load %arg17[%swap3A_73, %swap3A_74] : memref<8x32xf32, #tpu.memory_space<vmem>>, vector<1x32xf32>
      tpu.vector_store %arg17[%swap3A_73, %swap3A_74], %add3A_72 {strides = array<i32>} : memref<8x32xf32, #tpu.memory_space<vmem>>, vector<1x32xf32>,
    } else {
    }
    %eq3A_19 = arith.constant 1 : i32
    %eq3A_20 = arith.cmpi eq, %arg0, %eq3A_19 : i32
    %convert_element_type3A_21 = arith.extui %eq3A_20 : i1 to i32
    %cond3A_22 = arith.constant 0 : i32
    %cond3A_23 = arith.cmpi ne, %convert_element_type3A_21, %cond3A_22 : i32
    scf.if %cond3A_23 {
      %get3A_34 = arith.constant 0 : index
      %get3A_35 = arith.constant 0 : index
      %get3A_36 = vector.load %arg17[%get3A_34, %get3A_35] : memref<8x32xf32, #tpu.memory_space<vmem>>, vector<1x32xf32>
      %div3A = arith.constant 2.621440e+05 : f32
      %div3A_37 = vector.broadcast %div3A : f32 to vector<1x32xf32>
      %div3A_38 = arith.divf %get3A_36, %div3A_37 : vector<1x32xf32>
      %get3A_39 = arith.constant 1 : index
      %get3A_40 = arith.constant 0 : index
      %get3A_41 = vector.load %arg17[%get3A_39, %get3A_40] : memref<8x32xf32, #tpu.memory_space<vmem>>, vector<1x32xf32>
      %div3A_42 = arith.constant 2.621440e+05 : f32
      %div3A_43 = vector.broadcast %div3A_42 : f32 to vector<1x32xf32>
      %div3A_44 = arith.divf %get3A_41, %div3A_43 : vector<1x32xf32>
      %mul3A = arith.mulf %div3A_38, %div3A_38 : vector<1x32xf32>
      %sub3A_45 = arith.subf %div3A_44, %mul3A : vector<1x32xf32>
      %get3A_46 = arith.constant 0 : index
      %get3A_47 = arith.constant 0 : index
      %get3A_48 = vector.load %arg6[%get3A_46, %get3A_47] : memref<1x32xf32, #tpu.memory_space<vmem>>, vector<1x32xf32>
      %add3A_49 = arith.constant 9.99999974E-6 : f32
      %add3A_50 = vector.broadcast %add3A_49 : f32 to vector<1x32xf32>
      %add3A_51 = arith.addf %sub3A_45, %add3A_50 : vector<1x32xf32>
      %rsqrt3A = math.rsqrt %add3A_51 : vector<1x32xf32>
      %mul3A_52 = arith.mulf %get3A_48, %rsqrt3A : vector<1x32xf32>
      %get3A_53 = arith.constant 0 : index
      %get3A_54 = arith.constant 0 : index
      %get3A_55 = vector.load %arg7[%get3A_53, %get3A_54] : memref<1x32xf32, #tpu.memory_space<vmem>>, vector<1x32xf32>
      %mul3A_56 = arith.mulf %div3A_38, %mul3A_52 : vector<1x32xf32>
      %sub3A_57 = arith.subf %get3A_55, %mul3A_56 : vector<1x32xf32>
      %concatenate3A_58 = tpu.concatenate %mul3A_52, %mul3A_52, %mul3A_52, %mul3A_52 in 1 : vector<1x32xf32>, vector<1x32xf32>, vector<1x32xf32>, vector<1x32xf32> -> vector<1x128xf32>
      %concatenate3A_59 = tpu.concatenate %sub3A_57, %sub3A_57, %sub3A_57, %sub3A_57 in 1 : vector<1x32xf32>, vector<1x32xf32>, vector<1x32xf32>, vector<1x32xf32> -> vector<1x128xf32>
      %mul3A_60 = vector.broadcast %concatenate3A_58 : vector<1x128xf32> to vector<4096x128xf32>
      %mul3A_61 = arith.mulf %add3A_16, %mul3A_60 : vector<4096x128xf32>
      %add3A_62 = vector.broadcast %concatenate3A_59 : vector<1x128xf32> to vector<4096x128xf32>
      %add3A_63 = arith.addf %mul3A_61, %add3A_62 : vector<4096x128xf32>
      %max3A = arith.constant 0.000000e+00 : f32
      %max3A_64 = vector.broadcast %max3A : f32 to vector<4096x128xf32>
      %max3A_65 = arith.maximumf %add3A_63, %max3A_64 : vector<4096x128xf32>
      %get3A_66 = arith.constant 0 : index
      %get3A_67 = arith.constant 0 : index
      %get3A_68 = vector.load %arg8[%get3A_66, %get3A_67] : memref<128x128xf32, #tpu.memory_space<vmem>>, vector<128x128xf32>
      %dot_general3A_69 = arith.constant dense<0.000000e+00> : vector<4096x128xf32>
      %dot_general3A_70 = tpu.matmul %max3A_65, %get3A_68, %dot_general3A_69 {dimension_numbers = #tpu.dot_dimension_numbers<[1], [0], [0], [1], [0, 0, 1, 1], [], []>, transpose_lhs_hint = false} : vector<4096x128xf32>, vector<128x128xf32>, vector<4096x128xf32> -> vector<4096x128xf32>
      %get3A_71 = arith.constant 0 : index
      %get3A_72 = arith.constant 0 : index
      %get3A_73 = vector.load %arg9[%get3A_71, %get3A_72] : memref<1x128xf32, #tpu.memory_space<vmem>>, vector<1x128xf32>
      %get3A_74 = vector.shape_cast %get3A_73 : vector<1x128xf32> to vector<128xf32>
      %broadcast_in_dim3A_75 = vector.shape_cast %get3A_74 : vector<128xf32> to vector<1x128xf32>
      %add3A_76 = vector.broadcast %broadcast_in_dim3A_75 : vector<1x128xf32> to vector<4096x128xf32>
      %add3A_77 = arith.addf %dot_general3A_70, %add3A_76 : vector<4096x128xf32>
      %eq3A_78 = arith.constant 0 : i32
      %eq3A_79 = arith.cmpi eq, %arg1, %eq3A_78 : i32
      %convert_element_type3A_80 = arith.extui %eq3A_79 : i1 to i32
      %cond3A_81 = arith.constant 0 : i32
      %cond3A_82 = arith.cmpi ne, %convert_element_type3A_80, %cond3A_81 : i32
      scf.if %cond3A_82 {
        %broadcast_in_dim3A_121 = arith.constant 0.000000e+00 : f32
        %broadcast_in_dim3A_122 = vector.broadcast %broadcast_in_dim3A_121 : f32 to vector<8x32xf32>
        %swap3A_123 = arith.constant 0 : index
        %swap3A_124 = arith.constant 0 : index
        %swap3A_125 = vector.load %arg18[%swap3A_123, %swap3A_124] : memref<8x32xf32, #tpu.memory_space<vmem>>, vector<8x32xf32>
        tpu.vector_store %arg18[%swap3A_123, %swap3A_124], %broadcast_in_dim3A_122 {strides = array<i32>} : memref<8x32xf32, #tpu.memory_space<vmem>>, vector<8x32xf32>,
      } else {
      }
      %reduce_sum3A = arith.constant dense<0.000000e+00> : vector<128xf32>
      %reduce_sum3A_83 = vector.multi_reduction <add>, %add3A_77, %reduce_sum3A [0] : vector<4096x128xf32> to vector<128xf32>
      %broadcast_in_dim3A_84 = vector.shape_cast %reduce_sum3A_83 : vector<128xf32> to vector<1x128xf32>
      %mul3A_85 = arith.mulf %add3A_77, %add3A_77 : vector<4096x128xf32>
      %reduce_sum3A_86 = arith.constant dense<0.000000e+00> : vector<128xf32>
      %reduce_sum3A_87 = vector.multi_reduction <add>, %mul3A_85, %reduce_sum3A_86 [0] : vector<4096x128xf32> to vector<128xf32>
      %broadcast_in_dim3A_88 = vector.shape_cast %reduce_sum3A_87 : vector<128xf32> to vector<1x128xf32>
      %slice3A = vector.extract_strided_slice %broadcast_in_dim3A_84 {offsets = [0, 0], sizes = [1, 32], strides = [1, 1]} : vector<1x128xf32> to vector<1x32xf32>
      %add3A_89 = arith.constant 0.000000e+00 : f32
      %add3A_90 = vector.broadcast %add3A_89 : f32 to vector<1x32xf32>
      %add3A_91 = arith.addf %add3A_90, %slice3A : vector<1x32xf32>
      %slice3A_92 = vector.extract_strided_slice %broadcast_in_dim3A_84 {offsets = [0, 32], sizes = [1, 32], strides = [1, 1]} : vector<1x128xf32> to vector<1x32xf32>
      %add3A_93 = arith.addf %add3A_91, %slice3A_92 : vector<1x32xf32>
      %slice3A_94 = vector.extract_strided_slice %broadcast_in_dim3A_84 {offsets = [0, 64], sizes = [1, 32], strides = [1, 1]} : vector<1x128xf32> to vector<1x32xf32>
      %add3A_95 = arith.addf %add3A_93, %slice3A_94 : vector<1x32xf32>
      %slice3A_96 = vector.extract_strided_slice %broadcast_in_dim3A_84 {offsets = [0, 96], sizes = [1, 32], strides = [1, 1]} : vector<1x128xf32> to vector<1x32xf32>
      %add3A_97 = arith.addf %add3A_95, %slice3A_96 : vector<1x32xf32>
      %slice3A_98 = vector.extract_strided_slice %broadcast_in_dim3A_88 {offsets = [0, 0], sizes = [1, 32], strides = [1, 1]} : vector<1x128xf32> to vector<1x32xf32>
      %add3A_99 = arith.constant 0.000000e+00 : f32
      %add3A_100 = vector.broadcast %add3A_99 : f32 to vector<1x32xf32>
      %add3A_101 = arith.addf %add3A_100, %slice3A_98 : vector<1x32xf32>
      %slice3A_102 = vector.extract_strided_slice %broadcast_in_dim3A_88 {offsets = [0, 32], sizes = [1, 32], strides = [1, 1]} : vector<1x128xf32> to vector<1x32xf32>
      %add3A_103 = arith.addf %add3A_101, %slice3A_102 : vector<1x32xf32>
      %slice3A_104 = vector.extract_strided_slice %broadcast_in_dim3A_88 {offsets = [0, 64], sizes = [1, 32], strides = [1, 1]} : vector<1x128xf32> to vector<1x32xf32>
      %add3A_105 = arith.addf %add3A_103, %slice3A_104 : vector<1x32xf32>
      %slice3A_106 = vector.extract_strided_slice %broadcast_in_dim3A_88 {offsets = [0, 96], sizes = [1, 32], strides = [1, 1]} : vector<1x128xf32> to vector<1x32xf32>
      %add3A_107 = arith.addf %add3A_105, %slice3A_106 : vector<1x32xf32>
      %get3A_108 = arith.constant 0 : index
      %get3A_109 = arith.constant 0 : index
      %get3A_110 = vector.load %arg18[%get3A_108, %get3A_109] : memref<8x32xf32, #tpu.memory_space<vmem>>, vector<1x32xf32>
      %add3A_111 = arith.addf %get3A_110, %add3A_97 : vector<1x32xf32>
      %swap3A = arith.constant 0 : index
      %swap3A_112 = arith.constant 0 : index
      %swap3A_113 = vector.load %arg18[%swap3A, %swap3A_112] : memref<8x32xf32, #tpu.memory_space<vmem>>, vector<1x32xf32>
      tpu.vector_store %arg18[%swap3A, %swap3A_112], %add3A_111 {strides = array<i32>} : memref<8x32xf32, #tpu.memory_space<vmem>>, vector<1x32xf32>,
      %get3A_114 = arith.constant 1 : index
      %get3A_115 = arith.constant 0 : index
      %get3A_116 = vector.load %arg18[%get3A_114, %get3A_115] : memref<8x32xf32, #tpu.memory_space<vmem>>, vector<1x32xf32>
      %add3A_117 = arith.addf %get3A_116, %add3A_107 : vector<1x32xf32>
      %swap3A_118 = arith.constant 1 : index
      %swap3A_119 = arith.constant 0 : index
      %swap3A_120 = vector.load %arg18[%swap3A_118, %swap3A_119] : memref<8x32xf32, #tpu.memory_space<vmem>>, vector<1x32xf32>
      tpu.vector_store %arg18[%swap3A_118, %swap3A_119], %add3A_117 {strides = array<i32>} : memref<8x32xf32, #tpu.memory_space<vmem>>, vector<1x32xf32>,
    } else {
    }
    %eq3A_24 = arith.constant 2 : i32
    %eq3A_25 = arith.cmpi eq, %arg0, %eq3A_24 : i32
    %convert_element_type3A_26 = arith.extui %eq3A_25 : i1 to i32
    %cond3A_27 = arith.constant 0 : i32
    %cond3A_28 = arith.cmpi ne, %convert_element_type3A_26, %cond3A_27 : i32
    scf.if %cond3A_28 {
      %get3A_34 = arith.constant 0 : index
      %get3A_35 = arith.constant 0 : index
      %get3A_36 = vector.load %arg17[%get3A_34, %get3A_35] : memref<8x32xf32, #tpu.memory_space<vmem>>, vector<1x32xf32>
      %div3A = arith.constant 2.621440e+05 : f32
      %div3A_37 = vector.broadcast %div3A : f32 to vector<1x32xf32>
      %div3A_38 = arith.divf %get3A_36, %div3A_37 : vector<1x32xf32>
      %get3A_39 = arith.constant 1 : index
      %get3A_40 = arith.constant 0 : index
      %get3A_41 = vector.load %arg17[%get3A_39, %get3A_40] : memref<8x32xf32, #tpu.memory_space<vmem>>, vector<1x32xf32>
      %div3A_42 = arith.constant 2.621440e+05 : f32
      %div3A_43 = vector.broadcast %div3A_42 : f32 to vector<1x32xf32>
      %div3A_44 = arith.divf %get3A_41, %div3A_43 : vector<1x32xf32>
      %mul3A = arith.mulf %div3A_38, %div3A_38 : vector<1x32xf32>
      %sub3A_45 = arith.subf %div3A_44, %mul3A : vector<1x32xf32>
      %get3A_46 = arith.constant 0 : index
      %get3A_47 = arith.constant 0 : index
      %get3A_48 = vector.load %arg6[%get3A_46, %get3A_47] : memref<1x32xf32, #tpu.memory_space<vmem>>, vector<1x32xf32>
      %add3A_49 = arith.constant 9.99999974E-6 : f32
      %add3A_50 = vector.broadcast %add3A_49 : f32 to vector<1x32xf32>
      %add3A_51 = arith.addf %sub3A_45, %add3A_50 : vector<1x32xf32>
      %rsqrt3A = math.rsqrt %add3A_51 : vector<1x32xf32>
      %mul3A_52 = arith.mulf %get3A_48, %rsqrt3A : vector<1x32xf32>
      %get3A_53 = arith.constant 0 : index
      %get3A_54 = arith.constant 0 : index
      %get3A_55 = vector.load %arg7[%get3A_53, %get3A_54] : memref<1x32xf32, #tpu.memory_space<vmem>>, vector<1x32xf32>
      %mul3A_56 = arith.mulf %div3A_38, %mul3A_52 : vector<1x32xf32>
      %sub3A_57 = arith.subf %get3A_55, %mul3A_56 : vector<1x32xf32>
      %concatenate3A_58 = tpu.concatenate %mul3A_52, %mul3A_52, %mul3A_52, %mul3A_52 in 1 : vector<1x32xf32>, vector<1x32xf32>, vector<1x32xf32>, vector<1x32xf32> -> vector<1x128xf32>
      %concatenate3A_59 = tpu.concatenate %sub3A_57, %sub3A_57, %sub3A_57, %sub3A_57 in 1 : vector<1x32xf32>, vector<1x32xf32>, vector<1x32xf32>, vector<1x32xf32> -> vector<1x128xf32>
      %mul3A_60 = vector.broadcast %concatenate3A_58 : vector<1x128xf32> to vector<4096x128xf32>
      %mul3A_61 = arith.mulf %add3A_16, %mul3A_60 : vector<4096x128xf32>
      %add3A_62 = vector.broadcast %concatenate3A_59 : vector<1x128xf32> to vector<4096x128xf32>
      %add3A_63 = arith.addf %mul3A_61, %add3A_62 : vector<4096x128xf32>
      %max3A = arith.constant 0.000000e+00 : f32
      %max3A_64 = vector.broadcast %max3A : f32 to vector<4096x128xf32>
      %max3A_65 = arith.maximumf %add3A_63, %max3A_64 : vector<4096x128xf32>
      %get3A_66 = arith.constant 0 : index
      %get3A_67 = arith.constant 0 : index
      %get3A_68 = vector.load %arg8[%get3A_66, %get3A_67] : memref<128x128xf32, #tpu.memory_space<vmem>>, vector<128x128xf32>
      %dot_general3A_69 = arith.constant dense<0.000000e+00> : vector<4096x128xf32>
      %dot_general3A_70 = tpu.matmul %max3A_65, %get3A_68, %dot_general3A_69 {dimension_numbers = #tpu.dot_dimension_numbers<[1], [0], [0], [1], [0, 0, 1, 1], [], []>, transpose_lhs_hint = false} : vector<4096x128xf32>, vector<128x128xf32>, vector<4096x128xf32> -> vector<4096x128xf32>
      %get3A_71 = arith.constant 0 : index
      %get3A_72 = arith.constant 0 : index
      %get3A_73 = vector.load %arg9[%get3A_71, %get3A_72] : memref<1x128xf32, #tpu.memory_space<vmem>>, vector<1x128xf32>
      %get3A_74 = vector.shape_cast %get3A_73 : vector<1x128xf32> to vector<128xf32>
      %broadcast_in_dim3A_75 = vector.shape_cast %get3A_74 : vector<128xf32> to vector<1x128xf32>
      %add3A_76 = vector.broadcast %broadcast_in_dim3A_75 : vector<1x128xf32> to vector<4096x128xf32>
      %add3A_77 = arith.addf %dot_general3A_70, %add3A_76 : vector<4096x128xf32>
      %get3A_78 = arith.constant 0 : index
      %get3A_79 = arith.constant 0 : index
      %get3A_80 = vector.load %arg18[%get3A_78, %get3A_79] : memref<8x32xf32, #tpu.memory_space<vmem>>, vector<1x32xf32>
      %div3A_81 = arith.constant 2.621440e+05 : f32
      %div3A_82 = vector.broadcast %div3A_81 : f32 to vector<1x32xf32>
      %div3A_83 = arith.divf %get3A_80, %div3A_82 : vector<1x32xf32>
      %get3A_84 = arith.constant 1 : index
      %get3A_85 = arith.constant 0 : index
      %get3A_86 = vector.load %arg18[%get3A_84, %get3A_85] : memref<8x32xf32, #tpu.memory_space<vmem>>, vector<1x32xf32>
      %div3A_87 = arith.constant 2.621440e+05 : f32
      %div3A_88 = vector.broadcast %div3A_87 : f32 to vector<1x32xf32>
      %div3A_89 = arith.divf %get3A_86, %div3A_88 : vector<1x32xf32>
      %mul3A_90 = arith.mulf %div3A_83, %div3A_83 : vector<1x32xf32>
      %sub3A_91 = arith.subf %div3A_89, %mul3A_90 : vector<1x32xf32>
      %get3A_92 = arith.constant 0 : index
      %get3A_93 = arith.constant 0 : index
      %get3A_94 = vector.load %arg10[%get3A_92, %get3A_93] : memref<1x32xf32, #tpu.memory_space<vmem>>, vector<1x32xf32>
      %add3A_95 = arith.constant 9.99999974E-6 : f32
      %add3A_96 = vector.broadcast %add3A_95 : f32 to vector<1x32xf32>
      %add3A_97 = arith.addf %sub3A_91, %add3A_96 : vector<1x32xf32>
      %rsqrt3A_98 = math.rsqrt %add3A_97 : vector<1x32xf32>
      %mul3A_99 = arith.mulf %get3A_94, %rsqrt3A_98 : vector<1x32xf32>
      %get3A_100 = arith.constant 0 : index
      %get3A_101 = arith.constant 0 : index
      %get3A_102 = vector.load %arg11[%get3A_100, %get3A_101] : memref<1x32xf32, #tpu.memory_space<vmem>>, vector<1x32xf32>
      %mul3A_103 = arith.mulf %div3A_83, %mul3A_99 : vector<1x32xf32>
      %sub3A_104 = arith.subf %get3A_102, %mul3A_103 : vector<1x32xf32>
      %concatenate3A_105 = tpu.concatenate %mul3A_99, %mul3A_99, %mul3A_99, %mul3A_99 in 1 : vector<1x32xf32>, vector<1x32xf32>, vector<1x32xf32>, vector<1x32xf32> -> vector<1x128xf32>
      %concatenate3A_106 = tpu.concatenate %sub3A_104, %sub3A_104, %sub3A_104, %sub3A_104 in 1 : vector<1x32xf32>, vector<1x32xf32>, vector<1x32xf32>, vector<1x32xf32> -> vector<1x128xf32>
      %mul3A_107 = vector.broadcast %concatenate3A_105 : vector<1x128xf32> to vector<4096x128xf32>
      %mul3A_108 = arith.mulf %add3A_77, %mul3A_107 : vector<4096x128xf32>
      %add3A_109 = vector.broadcast %concatenate3A_106 : vector<1x128xf32> to vector<4096x128xf32>
      %add3A_110 = arith.addf %mul3A_108, %add3A_109 : vector<4096x128xf32>
      %max3A_111 = arith.constant 0.000000e+00 : f32
      %max3A_112 = vector.broadcast %max3A_111 : f32 to vector<4096x128xf32>
      %max3A_113 = arith.maximumf %add3A_110, %max3A_112 : vector<4096x128xf32>
      %get3A_114 = arith.constant 0 : index
      %get3A_115 = arith.constant 0 : index
      %get3A_116 = vector.load %arg12[%get3A_114, %get3A_115] : memref<128x256xf32, #tpu.memory_space<vmem>>, vector<128x256xf32>
      %dot_general3A_117 = arith.constant dense<0.000000e+00> : vector<4096x256xf32>
      %dot_general3A_118 = tpu.matmul %max3A_113, %get3A_116, %dot_general3A_117 {dimension_numbers = #tpu.dot_dimension_numbers<[1], [0], [0], [1], [0, 0, 1, 1], [], []>, transpose_lhs_hint = false} : vector<4096x128xf32>, vector<128x256xf32>, vector<4096x256xf32> -> vector<4096x256xf32>
      %get3A_119 = arith.constant 0 : index
      %get3A_120 = arith.constant 0 : index
      %get3A_121 = vector.load %arg13[%get3A_119, %get3A_120] : memref<1x256xf32, #tpu.memory_space<vmem>>, vector<1x256xf32>
      %get3A_122 = vector.shape_cast %get3A_121 : vector<1x256xf32> to vector<256xf32>
      %broadcast_in_dim3A_123 = vector.shape_cast %get3A_122 : vector<256xf32> to vector<1x256xf32>
      %add3A_124 = vector.broadcast %broadcast_in_dim3A_123 : vector<1x256xf32> to vector<4096x256xf32>
      %add3A_125 = arith.addf %dot_general3A_118, %add3A_124 : vector<4096x256xf32>
      %eq3A_126 = arith.constant 0 : i32
      %eq3A_127 = arith.cmpi eq, %arg1, %eq3A_126 : i32
      %convert_element_type3A_128 = arith.extui %eq3A_127 : i1 to i32
      %cond3A_129 = arith.constant 0 : i32
      %cond3A_130 = arith.cmpi ne, %convert_element_type3A_128, %cond3A_129 : i32
      scf.if %cond3A_130 {
        %broadcast_in_dim3A_169 = arith.constant 0.000000e+00 : f32
        %broadcast_in_dim3A_170 = vector.broadcast %broadcast_in_dim3A_169 : f32 to vector<8x64xf32>
        %swap3A_171 = arith.constant 0 : index
        %swap3A_172 = arith.constant 0 : index
        %swap3A_173 = vector.load %arg19[%swap3A_171, %swap3A_172] : memref<8x64xf32, #tpu.memory_space<vmem>>, vector<8x64xf32>
        tpu.vector_store %arg19[%swap3A_171, %swap3A_172], %broadcast_in_dim3A_170 {strides = array<i32>} : memref<8x64xf32, #tpu.memory_space<vmem>>, vector<8x64xf32>,
      } else {
      }
      %reduce_sum3A = arith.constant dense<0.000000e+00> : vector<256xf32>
      %reduce_sum3A_131 = vector.multi_reduction <add>, %add3A_125, %reduce_sum3A [0] : vector<4096x256xf32> to vector<256xf32>
      %broadcast_in_dim3A_132 = vector.shape_cast %reduce_sum3A_131 : vector<256xf32> to vector<1x256xf32>
      %mul3A_133 = arith.mulf %add3A_125, %add3A_125 : vector<4096x256xf32>
      %reduce_sum3A_134 = arith.constant dense<0.000000e+00> : vector<256xf32>
      %reduce_sum3A_135 = vector.multi_reduction <add>, %mul3A_133, %reduce_sum3A_134 [0] : vector<4096x256xf32> to vector<256xf32>
      %broadcast_in_dim3A_136 = vector.shape_cast %reduce_sum3A_135 : vector<256xf32> to vector<1x256xf32>
      %slice3A = vector.extract_strided_slice %broadcast_in_dim3A_132 {offsets = [0, 0], sizes = [1, 64], strides = [1, 1]} : vector<1x256xf32> to vector<1x64xf32>
      %add3A_137 = arith.constant 0.000000e+00 : f32
      %add3A_138 = vector.broadcast %add3A_137 : f32 to vector<1x64xf32>
      %add3A_139 = arith.addf %add3A_138, %slice3A : vector<1x64xf32>
      %slice3A_140 = vector.extract_strided_slice %broadcast_in_dim3A_132 {offsets = [0, 64], sizes = [1, 64], strides = [1, 1]} : vector<1x256xf32> to vector<1x64xf32>
      %add3A_141 = arith.addf %add3A_139, %slice3A_140 : vector<1x64xf32>
      %slice3A_142 = vector.extract_strided_slice %broadcast_in_dim3A_132 {offsets = [0, 128], sizes = [1, 64], strides = [1, 1]} : vector<1x256xf32> to vector<1x64xf32>
      %add3A_143 = arith.addf %add3A_141, %slice3A_142 : vector<1x64xf32>
      %slice3A_144 = vector.extract_strided_slice %broadcast_in_dim3A_132 {offsets = [0, 192], sizes = [1, 64], strides = [1, 1]} : vector<1x256xf32> to vector<1x64xf32>
      %add3A_145 = arith.addf %add3A_143, %slice3A_144 : vector<1x64xf32>
      %slice3A_146 = vector.extract_strided_slice %broadcast_in_dim3A_136 {offsets = [0, 0], sizes = [1, 64], strides = [1, 1]} : vector<1x256xf32> to vector<1x64xf32>
      %add3A_147 = arith.constant 0.000000e+00 : f32
      %add3A_148 = vector.broadcast %add3A_147 : f32 to vector<1x64xf32>
      %add3A_149 = arith.addf %add3A_148, %slice3A_146 : vector<1x64xf32>
      %slice3A_150 = vector.extract_strided_slice %broadcast_in_dim3A_136 {offsets = [0, 64], sizes = [1, 64], strides = [1, 1]} : vector<1x256xf32> to vector<1x64xf32>
      %add3A_151 = arith.addf %add3A_149, %slice3A_150 : vector<1x64xf32>
      %slice3A_152 = vector.extract_strided_slice %broadcast_in_dim3A_136 {offsets = [0, 128], sizes = [1, 64], strides = [1, 1]} : vector<1x256xf32> to vector<1x64xf32>
      %add3A_153 = arith.addf %add3A_151, %slice3A_152 : vector<1x64xf32>
      %slice3A_154 = vector.extract_strided_slice %broadcast_in_dim3A_136 {offsets = [0, 192], sizes = [1, 64], strides = [1, 1]} : vector<1x256xf32> to vector<1x64xf32>
      %add3A_155 = arith.addf %add3A_153, %slice3A_154 : vector<1x64xf32>
      %get3A_156 = arith.constant 0 : index
      %get3A_157 = arith.constant 0 : index
      %get3A_158 = vector.load %arg19[%get3A_156, %get3A_157] : memref<8x64xf32, #tpu.memory_space<vmem>>, vector<1x64xf32>
      %add3A_159 = arith.addf %get3A_158, %add3A_145 : vector<1x64xf32>
      %swap3A = arith.constant 0 : index
      %swap3A_160 = arith.constant 0 : index
      %swap3A_161 = vector.load %arg19[%swap3A, %swap3A_160] : memref<8x64xf32, #tpu.memory_space<vmem>>, vector<1x64xf32>
      tpu.vector_store %arg19[%swap3A, %swap3A_160], %add3A_159 {strides = array<i32>} : memref<8x64xf32, #tpu.memory_space<vmem>>, vector<1x64xf32>,
      %get3A_162 = arith.constant 1 : index
      %get3A_163 = arith.constant 0 : index
      %get3A_164 = vector.load %arg19[%get3A_162, %get3A_163] : memref<8x64xf32, #tpu.memory_space<vmem>>, vector<1x64xf32>
      %add3A_165 = arith.addf %get3A_164, %add3A_155 : vector<1x64xf32>
      %swap3A_166 = arith.constant 1 : index
      %swap3A_167 = arith.constant 0 : index
      %swap3A_168 = vector.load %arg19[%swap3A_166, %swap3A_167] : memref<8x64xf32, #tpu.memory_space<vmem>>, vector<1x64xf32>
      tpu.vector_store %arg19[%swap3A_166, %swap3A_167], %add3A_165 {strides = array<i32>} : memref<8x64xf32, #tpu.memory_space<vmem>>, vector<1x64xf32>,
    } else {
    }
    %eq3A_29 = arith.constant 3 : i32
    %eq3A_30 = arith.cmpi eq, %arg0, %eq3A_29 : i32
    %convert_element_type3A_31 = arith.extui %eq3A_30 : i1 to i32
    %cond3A_32 = arith.constant 0 : i32
    %cond3A_33 = arith.cmpi ne, %convert_element_type3A_31, %cond3A_32 : i32
    scf.if %cond3A_33 {
      %get3A_34 = arith.constant 0 : index
      %get3A_35 = arith.constant 0 : index
      %get3A_36 = vector.load %arg17[%get3A_34, %get3A_35] : memref<8x32xf32, #tpu.memory_space<vmem>>, vector<1x32xf32>
      %div3A = arith.constant 2.621440e+05 : f32
      %div3A_37 = vector.broadcast %div3A : f32 to vector<1x32xf32>
      %div3A_38 = arith.divf %get3A_36, %div3A_37 : vector<1x32xf32>
      %get3A_39 = arith.constant 1 : index
      %get3A_40 = arith.constant 0 : index
      %get3A_41 = vector.load %arg17[%get3A_39, %get3A_40] : memref<8x32xf32, #tpu.memory_space<vmem>>, vector<1x32xf32>
      %div3A_42 = arith.constant 2.621440e+05 : f32
      %div3A_43 = vector.broadcast %div3A_42 : f32 to vector<1x32xf32>
      %div3A_44 = arith.divf %get3A_41, %div3A_43 : vector<1x32xf32>
      %mul3A = arith.mulf %div3A_38, %div3A_38 : vector<1x32xf32>
      %sub3A_45 = arith.subf %div3A_44, %mul3A : vector<1x32xf32>
      %get3A_46 = arith.constant 0 : index
      %get3A_47 = arith.constant 0 : index
      %get3A_48 = vector.load %arg6[%get3A_46, %get3A_47] : memref<1x32xf32, #tpu.memory_space<vmem>>, vector<1x32xf32>
      %add3A_49 = arith.constant 9.99999974E-6 : f32
      %add3A_50 = vector.broadcast %add3A_49 : f32 to vector<1x32xf32>
      %add3A_51 = arith.addf %sub3A_45, %add3A_50 : vector<1x32xf32>
      %rsqrt3A = math.rsqrt %add3A_51 : vector<1x32xf32>
      %mul3A_52 = arith.mulf %get3A_48, %rsqrt3A : vector<1x32xf32>
      %get3A_53 = arith.constant 0 : index
      %get3A_54 = arith.constant 0 : index
      %get3A_55 = vector.load %arg7[%get3A_53, %get3A_54] : memref<1x32xf32, #tpu.memory_space<vmem>>, vector<1x32xf32>
      %mul3A_56 = arith.mulf %div3A_38, %mul3A_52 : vector<1x32xf32>
      %sub3A_57 = arith.subf %get3A_55, %mul3A_56 : vector<1x32xf32>
      %concatenate3A_58 = tpu.concatenate %mul3A_52, %mul3A_52, %mul3A_52, %mul3A_52 in 1 : vector<1x32xf32>, vector<1x32xf32>, vector<1x32xf32>, vector<1x32xf32> -> vector<1x128xf32>
      %concatenate3A_59 = tpu.concatenate %sub3A_57, %sub3A_57, %sub3A_57, %sub3A_57 in 1 : vector<1x32xf32>, vector<1x32xf32>, vector<1x32xf32>, vector<1x32xf32> -> vector<1x128xf32>
      %mul3A_60 = vector.broadcast %concatenate3A_58 : vector<1x128xf32> to vector<4096x128xf32>
      %mul3A_61 = arith.mulf %add3A_16, %mul3A_60 : vector<4096x128xf32>
      %add3A_62 = vector.broadcast %concatenate3A_59 : vector<1x128xf32> to vector<4096x128xf32>
      %add3A_63 = arith.addf %mul3A_61, %add3A_62 : vector<4096x128xf32>
      %max3A = arith.constant 0.000000e+00 : f32
      %max3A_64 = vector.broadcast %max3A : f32 to vector<4096x128xf32>
      %max3A_65 = arith.maximumf %add3A_63, %max3A_64 : vector<4096x128xf32>
      %get3A_66 = arith.constant 0 : index
      %get3A_67 = arith.constant 0 : index
      %get3A_68 = vector.load %arg8[%get3A_66, %get3A_67] : memref<128x128xf32, #tpu.memory_space<vmem>>, vector<128x128xf32>
      %dot_general3A_69 = arith.constant dense<0.000000e+00> : vector<4096x128xf32>
      %dot_general3A_70 = tpu.matmul %max3A_65, %get3A_68, %dot_general3A_69 {dimension_numbers = #tpu.dot_dimension_numbers<[1], [0], [0], [1], [0, 0, 1, 1], [], []>, transpose_lhs_hint = false} : vector<4096x128xf32>, vector<128x128xf32>, vector<4096x128xf32> -> vector<4096x128xf32>
      %get3A_71 = arith.constant 0 : index
      %get3A_72 = arith.constant 0 : index
      %get3A_73 = vector.load %arg9[%get3A_71, %get3A_72] : memref<1x128xf32, #tpu.memory_space<vmem>>, vector<1x128xf32>
      %get3A_74 = vector.shape_cast %get3A_73 : vector<1x128xf32> to vector<128xf32>
      %broadcast_in_dim3A_75 = vector.shape_cast %get3A_74 : vector<128xf32> to vector<1x128xf32>
      %add3A_76 = vector.broadcast %broadcast_in_dim3A_75 : vector<1x128xf32> to vector<4096x128xf32>
      %add3A_77 = arith.addf %dot_general3A_70, %add3A_76 : vector<4096x128xf32>
      %get3A_78 = arith.constant 0 : index
      %get3A_79 = arith.constant 0 : index
      %get3A_80 = vector.load %arg18[%get3A_78, %get3A_79] : memref<8x32xf32, #tpu.memory_space<vmem>>, vector<1x32xf32>
      %div3A_81 = arith.constant 2.621440e+05 : f32
      %div3A_82 = vector.broadcast %div3A_81 : f32 to vector<1x32xf32>
      %div3A_83 = arith.divf %get3A_80, %div3A_82 : vector<1x32xf32>
      %get3A_84 = arith.constant 1 : index
      %get3A_85 = arith.constant 0 : index
      %get3A_86 = vector.load %arg18[%get3A_84, %get3A_85] : memref<8x32xf32, #tpu.memory_space<vmem>>, vector<1x32xf32>
      %div3A_87 = arith.constant 2.621440e+05 : f32
      %div3A_88 = vector.broadcast %div3A_87 : f32 to vector<1x32xf32>
      %div3A_89 = arith.divf %get3A_86, %div3A_88 : vector<1x32xf32>
      %mul3A_90 = arith.mulf %div3A_83, %div3A_83 : vector<1x32xf32>
      %sub3A_91 = arith.subf %div3A_89, %mul3A_90 : vector<1x32xf32>
      %get3A_92 = arith.constant 0 : index
      %get3A_93 = arith.constant 0 : index
      %get3A_94 = vector.load %arg10[%get3A_92, %get3A_93] : memref<1x32xf32, #tpu.memory_space<vmem>>, vector<1x32xf32>
      %add3A_95 = arith.constant 9.99999974E-6 : f32
      %add3A_96 = vector.broadcast %add3A_95 : f32 to vector<1x32xf32>
      %add3A_97 = arith.addf %sub3A_91, %add3A_96 : vector<1x32xf32>
      %rsqrt3A_98 = math.rsqrt %add3A_97 : vector<1x32xf32>
      %mul3A_99 = arith.mulf %get3A_94, %rsqrt3A_98 : vector<1x32xf32>
      %get3A_100 = arith.constant 0 : index
      %get3A_101 = arith.constant 0 : index
      %get3A_102 = vector.load %arg11[%get3A_100, %get3A_101] : memref<1x32xf32, #tpu.memory_space<vmem>>, vector<1x32xf32>
      %mul3A_103 = arith.mulf %div3A_83, %mul3A_99 : vector<1x32xf32>
      %sub3A_104 = arith.subf %get3A_102, %mul3A_103 : vector<1x32xf32>
      %concatenate3A_105 = tpu.concatenate %mul3A_99, %mul3A_99, %mul3A_99, %mul3A_99 in 1 : vector<1x32xf32>, vector<1x32xf32>, vector<1x32xf32>, vector<1x32xf32> -> vector<1x128xf32>
      %concatenate3A_106 = tpu.concatenate %sub3A_104, %sub3A_104, %sub3A_104, %sub3A_104 in 1 : vector<1x32xf32>, vector<1x32xf32>, vector<1x32xf32>, vector<1x32xf32> -> vector<1x128xf32>
      %mul3A_107 = vector.broadcast %concatenate3A_105 : vector<1x128xf32> to vector<4096x128xf32>
      %mul3A_108 = arith.mulf %add3A_77, %mul3A_107 : vector<4096x128xf32>
      %add3A_109 = vector.broadcast %concatenate3A_106 : vector<1x128xf32> to vector<4096x128xf32>
      %add3A_110 = arith.addf %mul3A_108, %add3A_109 : vector<4096x128xf32>
      %max3A_111 = arith.constant 0.000000e+00 : f32
      %max3A_112 = vector.broadcast %max3A_111 : f32 to vector<4096x128xf32>
      %max3A_113 = arith.maximumf %add3A_110, %max3A_112 : vector<4096x128xf32>
      %get3A_114 = arith.constant 0 : index
      %get3A_115 = arith.constant 0 : index
      %get3A_116 = vector.load %arg12[%get3A_114, %get3A_115] : memref<128x256xf32, #tpu.memory_space<vmem>>, vector<128x256xf32>
      %dot_general3A_117 = arith.constant dense<0.000000e+00> : vector<4096x256xf32>
      %dot_general3A_118 = tpu.matmul %max3A_113, %get3A_116, %dot_general3A_117 {dimension_numbers = #tpu.dot_dimension_numbers<[1], [0], [0], [1], [0, 0, 1, 1], [], []>, transpose_lhs_hint = false} : vector<4096x128xf32>, vector<128x256xf32>, vector<4096x256xf32> -> vector<4096x256xf32>
      %get3A_119 = arith.constant 0 : index
      %get3A_120 = arith.constant 0 : index
      %get3A_121 = vector.load %arg13[%get3A_119, %get3A_120] : memref<1x256xf32, #tpu.memory_space<vmem>>, vector<1x256xf32>
      %get3A_122 = vector.shape_cast %get3A_121 : vector<1x256xf32> to vector<256xf32>
      %broadcast_in_dim3A_123 = vector.shape_cast %get3A_122 : vector<256xf32> to vector<1x256xf32>
      %add3A_124 = vector.broadcast %broadcast_in_dim3A_123 : vector<1x256xf32> to vector<4096x256xf32>
      %add3A_125 = arith.addf %dot_general3A_118, %add3A_124 : vector<4096x256xf32>
      %get3A_126 = arith.constant 0 : index
      %get3A_127 = arith.constant 0 : index
      %get3A_128 = vector.load %arg19[%get3A_126, %get3A_127] : memref<8x64xf32, #tpu.memory_space<vmem>>, vector<1x64xf32>
      %div3A_129 = arith.constant 2.621440e+05 : f32
      %div3A_130 = vector.broadcast %div3A_129 : f32 to vector<1x64xf32>
      %div3A_131 = arith.divf %get3A_128, %div3A_130 : vector<1x64xf32>
      %get3A_132 = arith.constant 1 : index
      %get3A_133 = arith.constant 0 : index
      %get3A_134 = vector.load %arg19[%get3A_132, %get3A_133] : memref<8x64xf32, #tpu.memory_space<vmem>>, vector<1x64xf32>
      %div3A_135 = arith.constant 2.621440e+05 : f32
      %div3A_136 = vector.broadcast %div3A_135 : f32 to vector<1x64xf32>
      %div3A_137 = arith.divf %get3A_134, %div3A_136 : vector<1x64xf32>
      %mul3A_138 = arith.mulf %div3A_131, %div3A_131 : vector<1x64xf32>
      %sub3A_139 = arith.subf %div3A_137, %mul3A_138 : vector<1x64xf32>
      %get3A_140 = arith.constant 0 : index
      %get3A_141 = arith.constant 0 : index
      %get3A_142 = vector.load %arg14[%get3A_140, %get3A_141] : memref<1x64xf32, #tpu.memory_space<vmem>>, vector<1x64xf32>
      %add3A_143 = arith.constant 9.99999974E-6 : f32
      %add3A_144 = vector.broadcast %add3A_143 : f32 to vector<1x64xf32>
      %add3A_145 = arith.addf %sub3A_139, %add3A_144 : vector<1x64xf32>
      %rsqrt3A_146 = math.rsqrt %add3A_145 : vector<1x64xf32>
      %mul3A_147 = arith.mulf %get3A_142, %rsqrt3A_146 : vector<1x64xf32>
      %get3A_148 = arith.constant 0 : index
      %get3A_149 = arith.constant 0 : index
      %get3A_150 = vector.load %arg15[%get3A_148, %get3A_149] : memref<1x64xf32, #tpu.memory_space<vmem>>, vector<1x64xf32>
      %mul3A_151 = arith.mulf %div3A_131, %mul3A_147 : vector<1x64xf32>
      %sub3A_152 = arith.subf %get3A_150, %mul3A_151 : vector<1x64xf32>
      %concatenate3A_153 = tpu.concatenate %mul3A_147, %mul3A_147, %mul3A_147, %mul3A_147 in 1 : vector<1x64xf32>, vector<1x64xf32>, vector<1x64xf32>, vector<1x64xf32> -> vector<1x256xf32>
      %concatenate3A_154 = tpu.concatenate %sub3A_152, %sub3A_152, %sub3A_152, %sub3A_152 in 1 : vector<1x64xf32>, vector<1x64xf32>, vector<1x64xf32>, vector<1x64xf32> -> vector<1x256xf32>
      %mul3A_155 = vector.broadcast %concatenate3A_153 : vector<1x256xf32> to vector<4096x256xf32>
      %mul3A_156 = arith.mulf %add3A_125, %mul3A_155 : vector<4096x256xf32>
      %add3A_157 = vector.broadcast %concatenate3A_154 : vector<1x256xf32> to vector<4096x256xf32>
      %add3A_158 = arith.addf %mul3A_156, %add3A_157 : vector<4096x256xf32>
      %max3A_159 = arith.constant 0.000000e+00 : f32
      %max3A_160 = vector.broadcast %max3A_159 : f32 to vector<4096x256xf32>
      %max3A_161 = arith.maximumf %add3A_158, %max3A_160 : vector<4096x256xf32>
      %reshape3A_162 = vector.shape_cast %max3A_161 : vector<4096x256xf32> to vector<512x8x256xf32>
      %reduce_max3A = arith.constant dense<0xFF800000> : vector<512x256xf32>
      %reduce_max3A_163 = vector.multi_reduction <maximumf>, %reshape3A_162, %reduce_max3A [1] : vector<512x8x256xf32> to vector<512x256xf32>
      %slice3A = vector.extract_strided_slice %reduce_max3A_163 {offsets = [0, 0], sizes = [512, 64], strides = [1, 1]} : vector<512x256xf32> to vector<512x64xf32>
      %slice3A_164 = vector.extract_strided_slice %reduce_max3A_163 {offsets = [0, 64], sizes = [512, 64], strides = [1, 1]} : vector<512x256xf32> to vector<512x64xf32>
      %slice3A_165 = vector.extract_strided_slice %reduce_max3A_163 {offsets = [0, 128], sizes = [512, 64], strides = [1, 1]} : vector<512x256xf32> to vector<512x64xf32>
      %slice3A_166 = vector.extract_strided_slice %reduce_max3A_163 {offsets = [0, 192], sizes = [512, 64], strides = [1, 1]} : vector<512x256xf32> to vector<512x64xf32>
      %max3A_167 = arith.maximumf %slice3A, %slice3A_164 : vector<512x64xf32>
      %max3A_168 = arith.maximumf %max3A_167, %slice3A_165 : vector<512x64xf32>
      %max3A_169 = arith.maximumf %max3A_168, %slice3A_166 : vector<512x64xf32>
      %swap3A = arith.constant 0 : index
      %swap3A_170 = arith.constant 0 : index
      %swap3A_171 = vector.load %arg16[%swap3A, %swap3A_170] : memref<512x64xf32, #tpu.memory_space<vmem>>, vector<512x64xf32>
      tpu.vector_store %arg16[%swap3A, %swap3A_170], %max3A_169 {strides = array<i32>} : memref<512x64xf32, #tpu.memory_space<vmem>>, vector<512x64xf32>,
    } else {
    }
    return
  }
  func.func @transform_0(%arg0: i32, %arg1: i32) -> (i32, i32) {
    %c0_i32 = arith.constant 0 : i32
    %c0_i32_0 = arith.constant 0 : i32
    return %arg1, %c0_i32 : i32, i32
  }
  func.func @transform_1(%arg0: i32, %arg1: i32) -> (i32, i32) {
    %c0_i32 = arith.constant 0 : i32
    %c0_i32_0 = arith.constant 0 : i32
    return %arg1, %c0_i32 : i32, i32
  }
  func.func @transform_2(%arg0: i32, %arg1: i32) -> (i32, i32) {
    %c0_i32 = arith.constant 0 : i32
    %c0_i32_0 = arith.constant 0 : i32
    %c0_i32_1 = arith.constant 0 : i32
    return %c0_i32, %c0_i32_0 : i32, i32
  }
  func.func @transform_3(%arg0: i32, %arg1: i32) -> (i32, i32) {
    %c0_i32 = arith.constant 0 : i32
    %c0_i32_0 = arith.constant 0 : i32
    %c0_i32_1 = arith.constant 0 : i32
    return %c0_i32, %c0_i32_0 : i32, i32
  }
  func.func @transform_4(%arg0: i32, %arg1: i32) -> (i32, i32) {
    %c0_i32 = arith.constant 0 : i32
    %c0_i32_0 = arith.constant 0 : i32
    %c0_i32_1 = arith.constant 0 : i32
    return %c0_i32, %c0_i32_0 : i32, i32
  }
  func.func @transform_5(%arg0: i32, %arg1: i32) -> (i32, i32) {
    %c0_i32 = arith.constant 0 : i32
    %c0_i32_0 = arith.constant 0 : i32
    %c0_i32_1 = arith.constant 0 : i32
    return %c0_i32, %c0_i32_0 : i32, i32
  }
  func.func @transform_6(%arg0: i32, %arg1: i32) -> (i32, i32) {
    %c0_i32 = arith.constant 0 : i32
    %c0_i32_0 = arith.constant 0 : i32
    %c0_i32_1 = arith.constant 0 : i32
    return %c0_i32, %c0_i32_0 : i32, i32
  }
  func.func @transform_7(%arg0: i32, %arg1: i32) -> (i32, i32) {
    %c0_i32 = arith.constant 0 : i32
    %c0_i32_0 = arith.constant 0 : i32
    %c0_i32_1 = arith.constant 0 : i32
    return %c0_i32, %c0_i32_0 : i32, i32
  }
  func.func @transform_8(%arg0: i32, %arg1: i32) -> (i32, i32) {
    %c0_i32 = arith.constant 0 : i32
    %c0_i32_0 = arith.constant 0 : i32
    %c0_i32_1 = arith.constant 0 : i32
    return %c0_i32, %c0_i32_0 : i32, i32
  }
  func.func @transform_9(%arg0: i32, %arg1: i32) -> (i32, i32) {
    %c0_i32 = arith.constant 0 : i32
    %c0_i32_0 = arith.constant 0 : i32
    %c0_i32_1 = arith.constant 0 : i32
    return %c0_i32, %c0_i32_0 : i32, i32
  }
  func.func @transform_10(%arg0: i32, %arg1: i32) -> (i32, i32) {
    %c0_i32 = arith.constant 0 : i32
    %c0_i32_0 = arith.constant 0 : i32
    %c0_i32_1 = arith.constant 0 : i32
    return %c0_i32, %c0_i32_0 : i32, i32
  }
  func.func @transform_11(%arg0: i32, %arg1: i32) -> (i32, i32) {
    %c0_i32 = arith.constant 0 : i32
    %c0_i32_0 = arith.constant 0 : i32
    %c0_i32_1 = arith.constant 0 : i32
    return %c0_i32, %c0_i32_0 : i32, i32
  }
  func.func @transform_12(%arg0: i32, %arg1: i32) -> (i32, i32) {
    %c0_i32 = arith.constant 0 : i32
    %c0_i32_0 = arith.constant 0 : i32
    %c0_i32_1 = arith.constant 0 : i32
    return %c0_i32, %c0_i32_0 : i32, i32
  }
  func.func @transform_13(%arg0: i32, %arg1: i32) -> (i32, i32) {
    %c0_i32 = arith.constant 0 : i32
    %c0_i32_0 = arith.constant 0 : i32
    %c0_i32_1 = arith.constant 0 : i32
    return %c0_i32, %c0_i32_0 : i32, i32
  }
  func.func @transform_14(%arg0: i32, %arg1: i32) -> (i32, i32) {
    %c0_i32 = arith.constant 0 : i32
    %c0_i32_0 = arith.constant 0 : i32
    return %arg1, %c0_i32 : i32, i32
  }
}

module attributes {stable_mosaic.version = 14 : i64} {
  func.func @_fps_body(%arg0: memref<8x256xf32, #tpu.memory_space<vmem>>, %arg1: memref<8x256xf32, #tpu.memory_space<vmem>>, %arg2: memref<8x256xf32, #tpu.memory_space<vmem>>, %arg3: memref<64x8xf32, #tpu.memory_space<vmem>>, %arg4: memref<64x8xf32, #tpu.memory_space<vmem>>, %arg5: memref<64x8xf32, #tpu.memory_space<vmem>>, %arg6: memref<64x8xf32, #tpu.memory_space<vmem>>, %arg7: memref<8x256xf32, #tpu.memory_space<vmem>>) attributes {dimension_semantics = [], scalar_prefetch = 0 : i64, scratch_operands = 1 : i64, tpu.core_type = #tpu.core_type<tc>} {
    %iota3A = tpu.iota {dimensions = array<i32: 1>} : vector<8x256xi32>
    %convert_element_type3A = arith.sitofp %iota3A : vector<8x256xi32> to vector<8x256xf32>
    %iota3A_0 = tpu.iota {dimensions = array<i32: 0>} : vector<8x8xi32>
    %iota3A_1 = tpu.iota {dimensions = array<i32: 1>} : vector<8x8xi32>
    %add3A = arith.constant 0 : i32
    %add3A_2 = vector.broadcast %add3A : i32 to vector<8x8xi32>
    %add3A_3 = arith.addi %iota3A_0, %add3A_2 : vector<8x8xi32>
    %eq3A = arith.cmpi eq, %add3A_3, %iota3A_1 : vector<8x8xi32>
    %convert_element_type3A_4 = arith.extui %eq3A : vector<8x8xi1> to vector<8x8xi32>
    %convert_element_type3A_5 = arith.sitofp %convert_element_type3A_4 : vector<8x8xi32> to vector<8x8xf32>
    %get3A = arith.constant 0 : index
    %get3A_6 = arith.constant 0 : index
    %get3A_7 = vector.load %arg0[%get3A, %get3A_6] : memref<8x256xf32, #tpu.memory_space<vmem>>, vector<8x256xf32>
    %get3A_8 = arith.constant 0 : index
    %get3A_9 = arith.constant 0 : index
    %get3A_10 = vector.load %arg1[%get3A_8, %get3A_9] : memref<8x256xf32, #tpu.memory_space<vmem>>, vector<8x256xf32>
    %get3A_11 = arith.constant 0 : index
    %get3A_12 = arith.constant 0 : index
    %get3A_13 = vector.load %arg2[%get3A_11, %get3A_12] : memref<8x256xf32, #tpu.memory_space<vmem>>, vector<8x256xf32>
    %broadcast_in_dim3A = arith.constant 1.000000e+10 : f32
    %broadcast_in_dim3A_14 = vector.broadcast %broadcast_in_dim3A : f32 to vector<8x256xf32>
    %swap3A = arith.constant 0 : index
    %swap3A_15 = arith.constant 0 : index
    %swap3A_16 = vector.load %arg7[%swap3A, %swap3A_15] : memref<8x256xf32, #tpu.memory_space<vmem>>, vector<8x256xf32>
    tpu.vector_store %arg7[%swap3A, %swap3A_15], %broadcast_in_dim3A_14 {strides = array<i32>} : memref<8x256xf32, #tpu.memory_space<vmem>>, vector<8x256xf32>,
    %broadcast_in_dim3A_17 = arith.constant 0.000000e+00 : f32
    %broadcast_in_dim3A_18 = vector.broadcast %broadcast_in_dim3A_17 : f32 to vector<8x1xf32>
    %scan3A = arith.constant 0 : i32
    %scan3A_19 = arith.constant 64 : i32
    %scan3A_20 = arith.addi %scan3A, %scan3A_19 : i32
    %scan3A_21 = arith.constant 1 : i32
    %scan3A_22 = scf.for %scan3A_24 = %scan3A to %scan3A_20 step %scan3A_21 iter_args(%scan3A_25 = %broadcast_in_dim3A_18) -> (vector<8x1xf32>)  : i32 {
      %eq3A_26 = vector.broadcast %scan3A_25 : vector<8x1xf32> to vector<8x256xf32>
      %eq3A_27 = arith.cmpf oeq, %convert_element_type3A, %eq3A_26 : vector<8x256xf32>
      %jit3A = arith.constant 0.000000e+00 : f32
      %broadcast_in_dim3A_28 = vector.broadcast %jit3A : f32 to vector<8x256xf32>
      %select_n3A = arith.select %eq3A_27, %get3A_7, %broadcast_in_dim3A_28 : vector<8x256xi1>, vector<8x256xf32>
      %reduce_sum3A = arith.constant dense<0.000000e+00> : vector<8xf32>
      %reduce_sum3A_29 = vector.multi_reduction <add>, %select_n3A, %reduce_sum3A [1] : vector<8x256xf32> to vector<8xf32>
      %broadcast_in_dim3A_30 = vector.shape_cast %reduce_sum3A_29 : vector<8xf32> to vector<8x1xf32>
      %jit3A_31 = arith.constant 0.000000e+00 : f32
      %broadcast_in_dim3A_32 = vector.broadcast %jit3A_31 : f32 to vector<8x256xf32>
      %select_n3A_33 = arith.select %eq3A_27, %get3A_10, %broadcast_in_dim3A_32 : vector<8x256xi1>, vector<8x256xf32>
      %reduce_sum3A_34 = arith.constant dense<0.000000e+00> : vector<8xf32>
      %reduce_sum3A_35 = vector.multi_reduction <add>, %select_n3A_33, %reduce_sum3A_34 [1] : vector<8x256xf32> to vector<8xf32>
      %broadcast_in_dim3A_36 = vector.shape_cast %reduce_sum3A_35 : vector<8xf32> to vector<8x1xf32>
      %jit3A_37 = arith.constant 0.000000e+00 : f32
      %broadcast_in_dim3A_38 = vector.broadcast %jit3A_37 : f32 to vector<8x256xf32>
      %select_n3A_39 = arith.select %eq3A_27, %get3A_13, %broadcast_in_dim3A_38 : vector<8x256xi1>, vector<8x256xf32>
      %reduce_sum3A_40 = arith.constant dense<0.000000e+00> : vector<8xf32>
      %reduce_sum3A_41 = vector.multi_reduction <add>, %select_n3A_39, %reduce_sum3A_40 [1] : vector<8x256xf32> to vector<8xf32>
      %broadcast_in_dim3A_42 = vector.shape_cast %reduce_sum3A_41 : vector<8xf32> to vector<8x1xf32>
      %sub3A = vector.broadcast %broadcast_in_dim3A_30 : vector<8x1xf32> to vector<8x256xf32>
      %sub3A_43 = arith.subf %get3A_7, %sub3A : vector<8x256xf32>
      %sub3A_44 = vector.broadcast %broadcast_in_dim3A_36 : vector<8x1xf32> to vector<8x256xf32>
      %sub3A_45 = arith.subf %get3A_10, %sub3A_44 : vector<8x256xf32>
      %sub3A_46 = vector.broadcast %broadcast_in_dim3A_42 : vector<8x1xf32> to vector<8x256xf32>
      %sub3A_47 = arith.subf %get3A_13, %sub3A_46 : vector<8x256xf32>
      %mul3A = arith.mulf %sub3A_43, %sub3A_43 : vector<8x256xf32>
      %mul3A_48 = arith.mulf %sub3A_45, %sub3A_45 : vector<8x256xf32>
      %add3A_49 = arith.addf %mul3A, %mul3A_48 : vector<8x256xf32>
      %mul3A_50 = arith.mulf %sub3A_47, %sub3A_47 : vector<8x256xf32>
      %add3A_51 = arith.addf %add3A_49, %mul3A_50 : vector<8x256xf32>
      %get3A_52 = arith.constant 0 : index
      %get3A_53 = arith.constant 0 : index
      %get3A_54 = vector.load %arg7[%get3A_52, %get3A_53] : memref<8x256xf32, #tpu.memory_space<vmem>>, vector<8x256xf32>
      %min3A = arith.minimumf %get3A_54, %add3A_51 : vector<8x256xf32>
      %swap3A_55 = arith.constant 0 : index
      %swap3A_56 = arith.constant 0 : index
      %swap3A_57 = vector.load %arg7[%swap3A_55, %swap3A_56] : memref<8x256xf32, #tpu.memory_space<vmem>>, vector<8x256xf32>
      tpu.vector_store %arg7[%swap3A_55, %swap3A_56], %min3A {strides = array<i32>} : memref<8x256xf32, #tpu.memory_space<vmem>>, vector<8x256xf32>,
      %reduce_max3A = arith.constant dense<0xFF800000> : vector<8xf32>
      %reduce_max3A_58 = vector.multi_reduction <maximumf>, %min3A, %reduce_max3A [1] : vector<8x256xf32> to vector<8xf32>
      %broadcast_in_dim3A_59 = vector.shape_cast %reduce_max3A_58 : vector<8xf32> to vector<8x1xf32>
      %eq3A_60 = vector.broadcast %broadcast_in_dim3A_59 : vector<8x1xf32> to vector<8x256xf32>
      %eq3A_61 = arith.cmpf oeq, %min3A, %eq3A_60 : vector<8x256xf32>
      %jit3A_62 = arith.constant 2.560000e+02 : f32
      %broadcast_in_dim3A_63 = vector.broadcast %jit3A_62 : f32 to vector<8x256xf32>
      %select_n3A_64 = arith.select %eq3A_61, %convert_element_type3A, %broadcast_in_dim3A_63 : vector<8x256xi1>, vector<8x256xf32>
      %reduce_min3A = arith.constant dense<0x7F800000> : vector<8xf32>
      %reduce_min3A_65 = vector.multi_reduction <minimumf>, %select_n3A_64, %reduce_min3A [1] : vector<8x256xf32> to vector<8xf32>
      %broadcast_in_dim3A_66 = vector.shape_cast %reduce_min3A_65 : vector<8xf32> to vector<8x1xf32>
      %mul3A_67 = vector.broadcast %scan3A_25 : vector<8x1xf32> to vector<8x8xf32>
      %mul3A_68 = arith.mulf %mul3A_67, %convert_element_type3A_5 : vector<8x8xf32>
      %reduce_sum3A_69 = arith.constant dense<0.000000e+00> : vector<8xf32>
      %reduce_sum3A_70 = vector.multi_reduction <add>, %mul3A_68, %reduce_sum3A_69 [0] : vector<8x8xf32> to vector<8xf32>
      %broadcast_in_dim3A_71 = vector.shape_cast %reduce_sum3A_70 : vector<8xf32> to vector<1x8xf32>
      %swap3A_72 = arith.index_cast %scan3A_24 : i32 to index
      %swap3A_73 = arith.constant 0 : index
      %swap3A_74 = vector.load %arg3[%swap3A_72, %swap3A_73] : memref<64x8xf32, #tpu.memory_space<vmem>>, vector<1x8xf32>
      tpu.vector_store %arg3[%swap3A_72, %swap3A_73], %broadcast_in_dim3A_71 {strides = array<i32>} : memref<64x8xf32, #tpu.memory_space<vmem>>, vector<1x8xf32>,
      %mul3A_75 = vector.broadcast %broadcast_in_dim3A_30 : vector<8x1xf32> to vector<8x8xf32>
      %mul3A_76 = arith.mulf %mul3A_75, %convert_element_type3A_5 : vector<8x8xf32>
      %reduce_sum3A_77 = arith.constant dense<0.000000e+00> : vector<8xf32>
      %reduce_sum3A_78 = vector.multi_reduction <add>, %mul3A_76, %reduce_sum3A_77 [0] : vector<8x8xf32> to vector<8xf32>
      %broadcast_in_dim3A_79 = vector.shape_cast %reduce_sum3A_78 : vector<8xf32> to vector<1x8xf32>
      %swap3A_80 = arith.index_cast %scan3A_24 : i32 to index
      %swap3A_81 = arith.constant 0 : index
      %swap3A_82 = vector.load %arg4[%swap3A_80, %swap3A_81] : memref<64x8xf32, #tpu.memory_space<vmem>>, vector<1x8xf32>
      tpu.vector_store %arg4[%swap3A_80, %swap3A_81], %broadcast_in_dim3A_79 {strides = array<i32>} : memref<64x8xf32, #tpu.memory_space<vmem>>, vector<1x8xf32>,
      %mul3A_83 = vector.broadcast %broadcast_in_dim3A_36 : vector<8x1xf32> to vector<8x8xf32>
      %mul3A_84 = arith.mulf %mul3A_83, %convert_element_type3A_5 : vector<8x8xf32>
      %reduce_sum3A_85 = arith.constant dense<0.000000e+00> : vector<8xf32>
      %reduce_sum3A_86 = vector.multi_reduction <add>, %mul3A_84, %reduce_sum3A_85 [0] : vector<8x8xf32> to vector<8xf32>
      %broadcast_in_dim3A_87 = vector.shape_cast %reduce_sum3A_86 : vector<8xf32> to vector<1x8xf32>
      %swap3A_88 = arith.index_cast %scan3A_24 : i32 to index
      %swap3A_89 = arith.constant 0 : index
      %swap3A_90 = vector.load %arg5[%swap3A_88, %swap3A_89] : memref<64x8xf32, #tpu.memory_space<vmem>>, vector<1x8xf32>
      tpu.vector_store %arg5[%swap3A_88, %swap3A_89], %broadcast_in_dim3A_87 {strides = array<i32>} : memref<64x8xf32, #tpu.memory_space<vmem>>, vector<1x8xf32>,
      %mul3A_91 = vector.broadcast %broadcast_in_dim3A_42 : vector<8x1xf32> to vector<8x8xf32>
      %mul3A_92 = arith.mulf %mul3A_91, %convert_element_type3A_5 : vector<8x8xf32>
      %reduce_sum3A_93 = arith.constant dense<0.000000e+00> : vector<8xf32>
      %reduce_sum3A_94 = vector.multi_reduction <add>, %mul3A_92, %reduce_sum3A_93 [0] : vector<8x8xf32> to vector<8xf32>
      %broadcast_in_dim3A_95 = vector.shape_cast %reduce_sum3A_94 : vector<8xf32> to vector<1x8xf32>
      %swap3A_96 = arith.index_cast %scan3A_24 : i32 to index
      %swap3A_97 = arith.constant 0 : index
      %swap3A_98 = vector.load %arg6[%swap3A_96, %swap3A_97] : memref<64x8xf32, #tpu.memory_space<vmem>>, vector<1x8xf32>
      tpu.vector_store %arg6[%swap3A_96, %swap3A_97], %broadcast_in_dim3A_95 {strides = array<i32>} : memref<64x8xf32, #tpu.memory_space<vmem>>, vector<1x8xf32>,
      scf.yield %broadcast_in_dim3A_66 : vector<8x1xf32>
    }
    %scan3A_23 = arith.constant 64 : i32
    return
  }
}

module attributes {stable_mosaic.version = 14 : i64} {
  func.func @_bq_body(%arg0: i32, %arg1: i32, %arg2: memref<1x3x256xf32, #tpu.memory_space<vmem>>, %arg3: memref<64x3xf32, #tpu.memory_space<vmem>>, %arg4: memref<1x64x32xf32, #tpu.memory_space<vmem>>) attributes {dimension_semantics = [#tpu.dimension_semantics<arbitrary>, #tpu.dimension_semantics<arbitrary>], iteration_bounds = array<i64: 8, 1>, scalar_prefetch = 0 : i64, scratch_operands = 0 : i64, tpu.core_type = #tpu.core_type<tc>, window_params = [{transform_indices = @transform_0, window_bounds = array<i64: 1, 3, 256>}, {transform_indices = @transform_1, window_bounds = array<i64: 64, 3>}, {transform_indices = @transform_2, window_bounds = array<i64: 1, 64, 32>}]} {
    %get3A = arith.constant 0 : index
    %get3A_0 = arith.constant 0 : index
    %get3A_1 = vector.load %arg3[%get3A, %get3A_0] : memref<64x3xf32, #tpu.memory_space<vmem>>, vector<64x3xf32>
    %get3A_2 = arith.constant 0 : index
    %get3A_3 = arith.constant 0 : index
    %get3A_4 = arith.constant 0 : index
    %get3A_5 = vector.load %arg2[%get3A_2, %get3A_3, %get3A_4] : memref<1x3x256xf32, #tpu.memory_space<vmem>>, vector<1x3x256xf32>
    %get3A_6 = vector.shape_cast %get3A_5 : vector<1x3x256xf32> to vector<3x256xf32>
    %dot_general3A = arith.constant dense<0.000000e+00> : vector<64x256xf32>
    %dot_general3A_7 = tpu.matmul %get3A_1, %get3A_6, %dot_general3A {dimension_numbers = #tpu.dot_dimension_numbers<[1], [0], [0], [1], [0, 0, 1, 1], [], []>, transpose_lhs_hint = false} : vector<64x3xf32>, vector<3x256xf32>, vector<64x256xf32> -> vector<64x256xf32>
    %mul3A = arith.mulf %get3A_1, %get3A_1 : vector<64x3xf32>
    %reduce_sum3A = arith.constant dense<0.000000e+00> : vector<64xf32>
    %reduce_sum3A_8 = vector.multi_reduction <add>, %mul3A, %reduce_sum3A [1] : vector<64x3xf32> to vector<64xf32>
    %broadcast_in_dim3A = vector.shape_cast %reduce_sum3A_8 : vector<64xf32> to vector<64x1xf32>
    %mul3A_9 = arith.mulf %get3A_6, %get3A_6 : vector<3x256xf32>
    %reduce_sum3A_10 = arith.constant dense<0.000000e+00> : vector<256xf32>
    %reduce_sum3A_11 = vector.multi_reduction <add>, %mul3A_9, %reduce_sum3A_10 [0] : vector<3x256xf32> to vector<256xf32>
    %broadcast_in_dim3A_12 = vector.shape_cast %reduce_sum3A_11 : vector<256xf32> to vector<1x256xf32>
    %mul3A_13 = arith.constant -2.000000e+00 : f32
    %mul3A_14 = vector.broadcast %mul3A_13 : f32 to vector<64x256xf32>
    %mul3A_15 = arith.mulf %mul3A_14, %dot_general3A_7 : vector<64x256xf32>
    %add3A = vector.broadcast %broadcast_in_dim3A : vector<64x1xf32> to vector<64x256xf32>
    %add3A_16 = arith.addf %mul3A_15, %add3A : vector<64x256xf32>
    %add3A_17 = vector.broadcast %broadcast_in_dim3A_12 : vector<1x256xf32> to vector<64x256xf32>
    %add3A_18 = arith.addf %add3A_16, %add3A_17 : vector<64x256xf32>
    %gt3A = arith.constant 1.600000e-01 : f32
    %gt3A_19 = vector.broadcast %gt3A : f32 to vector<64x256xf32>
    %gt3A_20 = arith.cmpf ogt, %add3A_18, %gt3A_19 : vector<64x256xf32>
    %not3A = arith.constant dense<true> : vector<64x256xi1>
    %not3A_21 = arith.xori %gt3A_20, %not3A : vector<64x256xi1>
    %iota3A = tpu.iota {dimensions = array<i32: 1>} : vector<64x256xi32>
    %convert_element_type3A = arith.sitofp %iota3A : vector<64x256xi32> to vector<64x256xf32>
    %jit3A = arith.constant 1.000000e+00 : f32
    %jit3A_22 = arith.constant 0.000000e+00 : f32
    %broadcast_in_dim3A_23 = vector.broadcast %jit3A : f32 to vector<64x256xf32>
    %broadcast_in_dim3A_24 = vector.broadcast %jit3A_22 : f32 to vector<64x256xf32>
    %select_n3A = arith.select %not3A_21, %broadcast_in_dim3A_23, %broadcast_in_dim3A_24 : vector<64x256xi1>, vector<64x256xf32>
    %reduce_sum3A_25 = arith.constant dense<0.000000e+00> : vector<64xf32>
    %reduce_sum3A_26 = vector.multi_reduction <add>, %select_n3A, %reduce_sum3A_25 [1] : vector<64x256xf32> to vector<64xf32>
    %broadcast_in_dim3A_27 = vector.shape_cast %reduce_sum3A_26 : vector<64xf32> to vector<64x1xf32>
    %reduce_max3A = vector.shape_cast %broadcast_in_dim3A_27 : vector<64x1xf32> to vector<1x64x1xf32>
    %reduce_max3A_28 = arith.constant dense<0xFF800000> : vector<1xf32>
    %reduce_max3A_29 = vector.multi_reduction <maximumf>, %reduce_max3A, %reduce_max3A_28 [1, 2] : vector<1x64x1xf32> to vector<1xf32>
    %reduce_max3A_30 = vector.shape_cast %reduce_max3A_29 : vector<1xf32> to vector<1x1x1xf32>
    %reduce_max3A_31 = vector.extract %reduce_max3A_30[0, 0, 0] : f32 from vector<1x1x1xf32>
    %min3A = arith.constant 3.200000e+01 : f32
    %min3A_32 = arith.minimumf %reduce_max3A_31, %min3A : f32
    %jit3A_33 = arith.constant 2.560000e+02 : f32
    %broadcast_in_dim3A_34 = vector.broadcast %jit3A_33 : f32 to vector<64x256xf32>
    %select_n3A_35 = arith.select %not3A_21, %convert_element_type3A, %broadcast_in_dim3A_34 : vector<64x256xi1>, vector<64x256xf32>
    %iota3A_36 = tpu.iota {dimensions = array<i32: 1>} : vector<64x32xi32>
    %convert_element_type3A_37 = arith.sitofp %iota3A_36 : vector<64x32xi32> to vector<64x32xf32>
    %broadcast_in_dim3A_38 = arith.constant -1.000000e+00 : f32
    %broadcast_in_dim3A_39 = vector.broadcast %broadcast_in_dim3A_38 : f32 to vector<64x1xf32>
    %broadcast_in_dim3A_40 = arith.constant 0.000000e+00 : f32
    %broadcast_in_dim3A_41 = vector.broadcast %broadcast_in_dim3A_40 : f32 to vector<64x32xf32>
    %while3A = arith.constant 0.000000e+00 : f32
    %while3A_42:3 = scf.while (%while3A_63 = %while3A, %while3A_64 = %broadcast_in_dim3A_39, %while3A_65 = %broadcast_in_dim3A_41) : (f32, vector<64x1xf32>, vector<64x32xf32>) -> (f32, vector<64x1xf32>, vector<64x32xf32>) {
      %lt3A_66 = arith.cmpf olt, %while3A_63, %min3A_32 : f32
      scf.condition(%lt3A_66) %while3A_63, %while3A_64, %while3A_65 : f32, vector<64x1xf32>, vector<64x32xf32>
    } do {
    ^bb0(%while3A_63: f32, %while3A_64: vector<64x1xf32>, %while3A_65: vector<64x32xf32>):
      %gt3A_66 = vector.broadcast %while3A_64 : vector<64x1xf32> to vector<64x256xf32>
      %gt3A_67 = arith.cmpf ogt, %select_n3A_35, %gt3A_66 : vector<64x256xf32>
      %jit3A_68 = arith.constant 2.560000e+02 : f32
      %broadcast_in_dim3A_69 = vector.broadcast %jit3A_68 : f32 to vector<64x256xf32>
      %select_n3A_70 = arith.select %gt3A_67, %select_n3A_35, %broadcast_in_dim3A_69 : vector<64x256xi1>, vector<64x256xf32>
      %reduce_min3A = arith.constant dense<0x7F800000> : vector<64xf32>
      %reduce_min3A_71 = vector.multi_reduction <minimumf>, %select_n3A_70, %reduce_min3A [1] : vector<64x256xf32> to vector<64xf32>
      %broadcast_in_dim3A_72 = vector.shape_cast %reduce_min3A_71 : vector<64xf32> to vector<64x1xf32>
      %eq3A = vector.broadcast %while3A_63 : f32 to vector<64x32xf32>
      %eq3A_73 = arith.cmpf oeq, %convert_element_type3A_37, %eq3A : vector<64x32xf32>
      %broadcast_in_dim3A_74 = vector.shape_cast %broadcast_in_dim3A_72 : vector<64x1xf32> to vector<64x1xf32>
      %broadcast_in_dim3A_75 = vector.broadcast %broadcast_in_dim3A_74 : vector<64x1xf32> to vector<64x32xf32>
      %select_n3A_76 = arith.select %eq3A_73, %broadcast_in_dim3A_75, %while3A_65 : vector<64x32xi1>, vector<64x32xf32>
      %add3A_77 = arith.constant 1.000000e+00 : f32
      %add3A_78 = arith.addf %while3A_63, %add3A_77 : f32
      scf.yield %add3A_78, %broadcast_in_dim3A_72, %select_n3A_76 : f32, vector<64x1xf32>, vector<64x32xf32>
    }
    %slice3A = vector.extract_strided_slice %while3A_42#2 {offsets = [0, 0], sizes = [64, 1], strides = [1, 1]} : vector<64x32xf32> to vector<64x1xf32>
    %min3A_43 = arith.constant 3.200000e+01 : f32
    %min3A_44 = vector.broadcast %min3A_43 : f32 to vector<64x1xf32>
    %min3A_45 = arith.minimumf %broadcast_in_dim3A_27, %min3A_44 : vector<64x1xf32>
    %lt3A = vector.broadcast %min3A_45 : vector<64x1xf32> to vector<64x32xf32>
    %lt3A_46 = arith.cmpf olt, %convert_element_type3A_37, %lt3A : vector<64x32xf32>
    %broadcast_in_dim3A_47 = vector.shape_cast %slice3A : vector<64x1xf32> to vector<64x1xf32>
    %broadcast_in_dim3A_48 = vector.broadcast %broadcast_in_dim3A_47 : vector<64x1xf32> to vector<64x32xf32>
    %select_n3A_49 = arith.select %lt3A_46, %while3A_42#2, %broadcast_in_dim3A_48 : vector<64x32xi1>, vector<64x32xf32>
    %min3A_50 = arith.constant 2.550000e+02 : f32
    %min3A_51 = vector.broadcast %min3A_50 : f32 to vector<64x32xf32>
    %min3A_52 = arith.minimumf %select_n3A_49, %min3A_51 : vector<64x32xf32>
    %convert_element_type3A_53 = arith.sitofp %arg0 : i32 to f32
    %mul3A_54 = arith.constant 2.560000e+02 : f32
    %mul3A_55 = arith.mulf %mul3A_54, %convert_element_type3A_53 : f32
    %add3A_56 = vector.broadcast %mul3A_55 : f32 to vector<64x32xf32>
    %add3A_57 = arith.addf %min3A_52, %add3A_56 : vector<64x32xf32>
    %swap3A = arith.constant 0 : index
    %swap3A_58 = arith.constant 0 : index
    %swap3A_59 = arith.constant 0 : index
    %swap3A_60 = vector.load %arg4[%swap3A, %swap3A_58, %swap3A_59] : memref<1x64x32xf32, #tpu.memory_space<vmem>>, vector<1x64x32xf32>
    %swap3A_61 = vector.shape_cast %swap3A_60 : vector<1x64x32xf32> to vector<64x32xf32>
    %swap3A_62 = vector.shape_cast %add3A_57 : vector<64x32xf32> to vector<1x64x32xf32>
    tpu.vector_store %arg4[%swap3A, %swap3A_58, %swap3A_59], %swap3A_62 {strides = array<i32>} : memref<1x64x32xf32, #tpu.memory_space<vmem>>, vector<1x64x32xf32>,
    return
  }
  func.func @transform_0(%arg0: i32, %arg1: i32) -> (i32, i32, i32) {
    %c0_i32 = arith.constant 0 : i32
    %c0_i32_0 = arith.constant 0 : i32
    %c0_i32_1 = arith.constant 0 : i32
    return %arg0, %c0_i32, %c0_i32_0 : i32, i32, i32
  }
  func.func @transform_1(%arg0: i32, %arg1: i32) -> (i32, i32) {
    %mul3A = arith.constant 1 : i32
    %mul3A_0 = arith.muli %arg0, %mul3A : i32
    %add3A = arith.addi %mul3A_0, %arg1 : i32
    %c0_i32 = arith.constant 0 : i32
    %c0_i32_1 = arith.constant 0 : i32
    return %add3A, %c0_i32 : i32, i32
  }
  func.func @transform_2(%arg0: i32, %arg1: i32) -> (i32, i32, i32) {
    %c0_i32 = arith.constant 0 : i32
    %c0_i32_0 = arith.constant 0 : i32
    return %arg0, %arg1, %c0_i32 : i32, i32, i32
  }
}

module attributes {stable_mosaic.version = 14 : i64} {
  func.func @_mlp_fused_body(%arg0: i32, %arg1: i32, %arg2: memref<4096x160xf32, #tpu.memory_space<vmem>>, %arg3: memref<256x80xf32, #tpu.memory_space<vmem>>, %arg4: memref<160x128xf32, #tpu.memory_space<vmem>>, %arg5: memref<1x128xf32, #tpu.memory_space<vmem>>, %arg6: memref<1x64xf32, #tpu.memory_space<vmem>>, %arg7: memref<1x64xf32, #tpu.memory_space<vmem>>, %arg8: memref<128x128xf32, #tpu.memory_space<vmem>>, %arg9: memref<1x128xf32, #tpu.memory_space<vmem>>, %arg10: memref<1x64xf32, #tpu.memory_space<vmem>>, %arg11: memref<1x64xf32, #tpu.memory_space<vmem>>, %arg12: memref<128x256xf32, #tpu.memory_space<vmem>>, %arg13: memref<1x256xf32, #tpu.memory_space<vmem>>, %arg14: memref<1x128xf32, #tpu.memory_space<vmem>>, %arg15: memref<1x128xf32, #tpu.memory_space<vmem>>, %arg16: memref<256x128xf32, #tpu.memory_space<vmem>>, %arg17: memref<8x64xf32, #tpu.memory_space<vmem>>, %arg18: memref<8x64xf32, #tpu.memory_space<vmem>>, %arg19: memref<8x128xf32, #tpu.memory_space<vmem>>) attributes {dimension_semantics = [#tpu.dimension_semantics<arbitrary>, #tpu.dimension_semantics<arbitrary>], iteration_bounds = array<i64: 4, 8>, scalar_prefetch = 0 : i64, scratch_operands = 3 : i64, tpu.core_type = #tpu.core_type<tc>, window_params = [{transform_indices = @transform_0, window_bounds = array<i64: 4096, 160>}, {transform_indices = @transform_1, window_bounds = array<i64: 256, 80>}, {pipeline_mode = #tpu.pipeline_mode<synchronous>, transform_indices = @transform_2, window_bounds = array<i64: 160, 128>}, {pipeline_mode = #tpu.pipeline_mode<synchronous>, transform_indices = @transform_3, window_bounds = array<i64: 1, 128>}, {pipeline_mode = #tpu.pipeline_mode<synchronous>, transform_indices = @transform_4, window_bounds = array<i64: 1, 64>}, {pipeline_mode = #tpu.pipeline_mode<synchronous>, transform_indices = @transform_5, window_bounds = array<i64: 1, 64>}, {pipeline_mode = #tpu.pipeline_mode<synchronous>, transform_indices = @transform_6, window_bounds = array<i64: 128, 128>}, {pipeline_mode = #tpu.pipeline_mode<synchronous>, transform_indices = @transform_7, window_bounds = array<i64: 1, 128>}, {pipeline_mode = #tpu.pipeline_mode<synchronous>, transform_indices = @transform_8, window_bounds = array<i64: 1, 64>}, {pipeline_mode = #tpu.pipeline_mode<synchronous>, transform_indices = @transform_9, window_bounds = array<i64: 1, 64>}, {pipeline_mode = #tpu.pipeline_mode<synchronous>, transform_indices = @transform_10, window_bounds = array<i64: 128, 256>}, {pipeline_mode = #tpu.pipeline_mode<synchronous>, transform_indices = @transform_11, window_bounds = array<i64: 1, 256>}, {pipeline_mode = #tpu.pipeline_mode<synchronous>, transform_indices = @transform_12, window_bounds = array<i64: 1, 128>}, {pipeline_mode = #tpu.pipeline_mode<synchronous>, transform_indices = @transform_13, window_bounds = array<i64: 1, 128>}, {transform_indices = @transform_14, window_bounds = array<i64: 256, 128>}]} {
    %get3A = arith.constant 0 : index
    %get3A_0 = arith.constant 0 : index
    %get3A_1 = vector.load %arg3[%get3A, %get3A_0] : memref<256x80xf32, #tpu.memory_space<vmem>>, vector<256x80xf32>
    %broadcast_in_dim3A = vector.shape_cast %get3A_1 : vector<256x80xf32> to vector<256x1x80xf32>
    %broadcast_in_dim3A_2 = vector.shape_cast %broadcast_in_dim3A : vector<256x1x80xf32> to vector<256x1x80xf32>
    %broadcast_in_dim3A_3 = vector.broadcast %broadcast_in_dim3A_2 : vector<256x1x80xf32> to vector<256x16x80xf32>
    %reshape3A = vector.shape_cast %broadcast_in_dim3A_3 : vector<256x16x80xf32> to vector<4096x80xf32>
    %concatenate3A = tpu.concatenate %reshape3A, %reshape3A in 1 : vector<4096x80xf32>, vector<4096x80xf32> -> vector<4096x160xf32>
    %get3A_4 = arith.constant 0 : index
    %get3A_5 = arith.constant 0 : index
    %get3A_6 = vector.load %arg2[%get3A_4, %get3A_5] : memref<4096x160xf32, #tpu.memory_space<vmem>>, vector<4096x160xf32>
    %sub3A = arith.subf %get3A_6, %concatenate3A : vector<4096x160xf32>
    %get3A_7 = arith.constant 0 : index
    %get3A_8 = arith.constant 0 : index
    %get3A_9 = vector.load %arg4[%get3A_7, %get3A_8] : memref<160x128xf32, #tpu.memory_space<vmem>>, vector<160x128xf32>
    %dot_general3A = arith.constant dense<0.000000e+00> : vector<4096x128xf32>
    %dot_general3A_10 = tpu.matmul %sub3A, %get3A_9, %dot_general3A {dimension_numbers = #tpu.dot_dimension_numbers<[1], [0], [0], [1], [0, 0, 1, 1], [], []>, transpose_lhs_hint = false} : vector<4096x160xf32>, vector<160x128xf32>, vector<4096x128xf32> -> vector<4096x128xf32>
    %get3A_11 = arith.constant 0 : index
    %get3A_12 = arith.constant 0 : index
    %get3A_13 = vector.load %arg5[%get3A_11, %get3A_12] : memref<1x128xf32, #tpu.memory_space<vmem>>, vector<1x128xf32>
    %get3A_14 = vector.shape_cast %get3A_13 : vector<1x128xf32> to vector<128xf32>
    %broadcast_in_dim3A_15 = vector.shape_cast %get3A_14 : vector<128xf32> to vector<1x128xf32>
    %add3A = vector.broadcast %broadcast_in_dim3A_15 : vector<1x128xf32> to vector<4096x128xf32>
    %add3A_16 = arith.addf %dot_general3A_10, %add3A : vector<4096x128xf32>
    %eq3A = arith.constant 0 : i32
    %eq3A_17 = arith.cmpi eq, %arg0, %eq3A : i32
    %convert_element_type3A = arith.extui %eq3A_17 : i1 to i32
    %cond3A = arith.constant 0 : i32
    %cond3A_18 = arith.cmpi ne, %convert_element_type3A, %cond3A : i32
    scf.if %cond3A_18 {
      %eq3A_34 = arith.constant 0 : i32
      %eq3A_35 = arith.cmpi eq, %arg1, %eq3A_34 : i32
      %convert_element_type3A_36 = arith.extui %eq3A_35 : i1 to i32
      %cond3A_37 = arith.constant 0 : i32
      %cond3A_38 = arith.cmpi ne, %convert_element_type3A_36, %cond3A_37 : i32
      scf.if %cond3A_38 {
        %broadcast_in_dim3A_68 = arith.constant 0.000000e+00 : f32
        %broadcast_in_dim3A_69 = vector.broadcast %broadcast_in_dim3A_68 : f32 to vector<8x64xf32>
        %swap3A_70 = arith.constant 0 : index
        %swap3A_71 = arith.constant 0 : index
        %swap3A_72 = vector.load %arg17[%swap3A_70, %swap3A_71] : memref<8x64xf32, #tpu.memory_space<vmem>>, vector<8x64xf32>
        tpu.vector_store %arg17[%swap3A_70, %swap3A_71], %broadcast_in_dim3A_69 {strides = array<i32>} : memref<8x64xf32, #tpu.memory_space<vmem>>, vector<8x64xf32>,
      } else {
      }
      %reduce_sum3A = arith.constant dense<0.000000e+00> : vector<128xf32>
      %reduce_sum3A_39 = vector.multi_reduction <add>, %add3A_16, %reduce_sum3A [0] : vector<4096x128xf32> to vector<128xf32>
      %broadcast_in_dim3A_40 = vector.shape_cast %reduce_sum3A_39 : vector<128xf32> to vector<1x128xf32>
      %mul3A = arith.mulf %add3A_16, %add3A_16 : vector<4096x128xf32>
      %reduce_sum3A_41 = arith.constant dense<0.000000e+00> : vector<128xf32>
      %reduce_sum3A_42 = vector.multi_reduction <add>, %mul3A, %reduce_sum3A_41 [0] : vector<4096x128xf32> to vector<128xf32>
      %broadcast_in_dim3A_43 = vector.shape_cast %reduce_sum3A_42 : vector<128xf32> to vector<1x128xf32>
      %slice3A = vector.extract_strided_slice %broadcast_in_dim3A_40 {offsets = [0, 0], sizes = [1, 64], strides = [1, 1]} : vector<1x128xf32> to vector<1x64xf32>
      %add3A_44 = arith.constant 0.000000e+00 : f32
      %add3A_45 = vector.broadcast %add3A_44 : f32 to vector<1x64xf32>
      %add3A_46 = arith.addf %add3A_45, %slice3A : vector<1x64xf32>
      %slice3A_47 = vector.extract_strided_slice %broadcast_in_dim3A_40 {offsets = [0, 64], sizes = [1, 64], strides = [1, 1]} : vector<1x128xf32> to vector<1x64xf32>
      %add3A_48 = arith.addf %add3A_46, %slice3A_47 : vector<1x64xf32>
      %slice3A_49 = vector.extract_strided_slice %broadcast_in_dim3A_43 {offsets = [0, 0], sizes = [1, 64], strides = [1, 1]} : vector<1x128xf32> to vector<1x64xf32>
      %add3A_50 = arith.constant 0.000000e+00 : f32
      %add3A_51 = vector.broadcast %add3A_50 : f32 to vector<1x64xf32>
      %add3A_52 = arith.addf %add3A_51, %slice3A_49 : vector<1x64xf32>
      %slice3A_53 = vector.extract_strided_slice %broadcast_in_dim3A_43 {offsets = [0, 64], sizes = [1, 64], strides = [1, 1]} : vector<1x128xf32> to vector<1x64xf32>
      %add3A_54 = arith.addf %add3A_52, %slice3A_53 : vector<1x64xf32>
      %get3A_55 = arith.constant 0 : index
      %get3A_56 = arith.constant 0 : index
      %get3A_57 = vector.load %arg17[%get3A_55, %get3A_56] : memref<8x64xf32, #tpu.memory_space<vmem>>, vector<1x64xf32>
      %add3A_58 = arith.addf %get3A_57, %add3A_48 : vector<1x64xf32>
      %swap3A = arith.constant 0 : index
      %swap3A_59 = arith.constant 0 : index
      %swap3A_60 = vector.load %arg17[%swap3A, %swap3A_59] : memref<8x64xf32, #tpu.memory_space<vmem>>, vector<1x64xf32>
      tpu.vector_store %arg17[%swap3A, %swap3A_59], %add3A_58 {strides = array<i32>} : memref<8x64xf32, #tpu.memory_space<vmem>>, vector<1x64xf32>,
      %get3A_61 = arith.constant 1 : index
      %get3A_62 = arith.constant 0 : index
      %get3A_63 = vector.load %arg17[%get3A_61, %get3A_62] : memref<8x64xf32, #tpu.memory_space<vmem>>, vector<1x64xf32>
      %add3A_64 = arith.addf %get3A_63, %add3A_54 : vector<1x64xf32>
      %swap3A_65 = arith.constant 1 : index
      %swap3A_66 = arith.constant 0 : index
      %swap3A_67 = vector.load %arg17[%swap3A_65, %swap3A_66] : memref<8x64xf32, #tpu.memory_space<vmem>>, vector<1x64xf32>
      tpu.vector_store %arg17[%swap3A_65, %swap3A_66], %add3A_64 {strides = array<i32>} : memref<8x64xf32, #tpu.memory_space<vmem>>, vector<1x64xf32>,
    } else {
    }
    %eq3A_19 = arith.constant 1 : i32
    %eq3A_20 = arith.cmpi eq, %arg0, %eq3A_19 : i32
    %convert_element_type3A_21 = arith.extui %eq3A_20 : i1 to i32
    %cond3A_22 = arith.constant 0 : i32
    %cond3A_23 = arith.cmpi ne, %convert_element_type3A_21, %cond3A_22 : i32
    scf.if %cond3A_23 {
      %get3A_34 = arith.constant 0 : index
      %get3A_35 = arith.constant 0 : index
      %get3A_36 = vector.load %arg17[%get3A_34, %get3A_35] : memref<8x64xf32, #tpu.memory_space<vmem>>, vector<1x64xf32>
      %div3A = arith.constant 6.553600e+04 : f32
      %div3A_37 = vector.broadcast %div3A : f32 to vector<1x64xf32>
      %div3A_38 = arith.divf %get3A_36, %div3A_37 : vector<1x64xf32>
      %get3A_39 = arith.constant 1 : index
      %get3A_40 = arith.constant 0 : index
      %get3A_41 = vector.load %arg17[%get3A_39, %get3A_40] : memref<8x64xf32, #tpu.memory_space<vmem>>, vector<1x64xf32>
      %div3A_42 = arith.constant 6.553600e+04 : f32
      %div3A_43 = vector.broadcast %div3A_42 : f32 to vector<1x64xf32>
      %div3A_44 = arith.divf %get3A_41, %div3A_43 : vector<1x64xf32>
      %mul3A = arith.mulf %div3A_38, %div3A_38 : vector<1x64xf32>
      %sub3A_45 = arith.subf %div3A_44, %mul3A : vector<1x64xf32>
      %get3A_46 = arith.constant 0 : index
      %get3A_47 = arith.constant 0 : index
      %get3A_48 = vector.load %arg6[%get3A_46, %get3A_47] : memref<1x64xf32, #tpu.memory_space<vmem>>, vector<1x64xf32>
      %add3A_49 = arith.constant 9.99999974E-6 : f32
      %add3A_50 = vector.broadcast %add3A_49 : f32 to vector<1x64xf32>
      %add3A_51 = arith.addf %sub3A_45, %add3A_50 : vector<1x64xf32>
      %rsqrt3A = math.rsqrt %add3A_51 : vector<1x64xf32>
      %mul3A_52 = arith.mulf %get3A_48, %rsqrt3A : vector<1x64xf32>
      %get3A_53 = arith.constant 0 : index
      %get3A_54 = arith.constant 0 : index
      %get3A_55 = vector.load %arg7[%get3A_53, %get3A_54] : memref<1x64xf32, #tpu.memory_space<vmem>>, vector<1x64xf32>
      %mul3A_56 = arith.mulf %div3A_38, %mul3A_52 : vector<1x64xf32>
      %sub3A_57 = arith.subf %get3A_55, %mul3A_56 : vector<1x64xf32>
      %concatenate3A_58 = tpu.concatenate %mul3A_52, %mul3A_52 in 1 : vector<1x64xf32>, vector<1x64xf32> -> vector<1x128xf32>
      %concatenate3A_59 = tpu.concatenate %sub3A_57, %sub3A_57 in 1 : vector<1x64xf32>, vector<1x64xf32> -> vector<1x128xf32>
      %mul3A_60 = vector.broadcast %concatenate3A_58 : vector<1x128xf32> to vector<4096x128xf32>
      %mul3A_61 = arith.mulf %add3A_16, %mul3A_60 : vector<4096x128xf32>
      %add3A_62 = vector.broadcast %concatenate3A_59 : vector<1x128xf32> to vector<4096x128xf32>
      %add3A_63 = arith.addf %mul3A_61, %add3A_62 : vector<4096x128xf32>
      %max3A = arith.constant 0.000000e+00 : f32
      %max3A_64 = vector.broadcast %max3A : f32 to vector<4096x128xf32>
      %max3A_65 = arith.maximumf %add3A_63, %max3A_64 : vector<4096x128xf32>
      %get3A_66 = arith.constant 0 : index
      %get3A_67 = arith.constant 0 : index
      %get3A_68 = vector.load %arg8[%get3A_66, %get3A_67] : memref<128x128xf32, #tpu.memory_space<vmem>>, vector<128x128xf32>
      %dot_general3A_69 = arith.constant dense<0.000000e+00> : vector<4096x128xf32>
      %dot_general3A_70 = tpu.matmul %max3A_65, %get3A_68, %dot_general3A_69 {dimension_numbers = #tpu.dot_dimension_numbers<[1], [0], [0], [1], [0, 0, 1, 1], [], []>, transpose_lhs_hint = false} : vector<4096x128xf32>, vector<128x128xf32>, vector<4096x128xf32> -> vector<4096x128xf32>
      %get3A_71 = arith.constant 0 : index
      %get3A_72 = arith.constant 0 : index
      %get3A_73 = vector.load %arg9[%get3A_71, %get3A_72] : memref<1x128xf32, #tpu.memory_space<vmem>>, vector<1x128xf32>
      %get3A_74 = vector.shape_cast %get3A_73 : vector<1x128xf32> to vector<128xf32>
      %broadcast_in_dim3A_75 = vector.shape_cast %get3A_74 : vector<128xf32> to vector<1x128xf32>
      %add3A_76 = vector.broadcast %broadcast_in_dim3A_75 : vector<1x128xf32> to vector<4096x128xf32>
      %add3A_77 = arith.addf %dot_general3A_70, %add3A_76 : vector<4096x128xf32>
      %eq3A_78 = arith.constant 0 : i32
      %eq3A_79 = arith.cmpi eq, %arg1, %eq3A_78 : i32
      %convert_element_type3A_80 = arith.extui %eq3A_79 : i1 to i32
      %cond3A_81 = arith.constant 0 : i32
      %cond3A_82 = arith.cmpi ne, %convert_element_type3A_80, %cond3A_81 : i32
      scf.if %cond3A_82 {
        %broadcast_in_dim3A_113 = arith.constant 0.000000e+00 : f32
        %broadcast_in_dim3A_114 = vector.broadcast %broadcast_in_dim3A_113 : f32 to vector<8x64xf32>
        %swap3A_115 = arith.constant 0 : index
        %swap3A_116 = arith.constant 0 : index
        %swap3A_117 = vector.load %arg18[%swap3A_115, %swap3A_116] : memref<8x64xf32, #tpu.memory_space<vmem>>, vector<8x64xf32>
        tpu.vector_store %arg18[%swap3A_115, %swap3A_116], %broadcast_in_dim3A_114 {strides = array<i32>} : memref<8x64xf32, #tpu.memory_space<vmem>>, vector<8x64xf32>,
      } else {
      }
      %reduce_sum3A = arith.constant dense<0.000000e+00> : vector<128xf32>
      %reduce_sum3A_83 = vector.multi_reduction <add>, %add3A_77, %reduce_sum3A [0] : vector<4096x128xf32> to vector<128xf32>
      %broadcast_in_dim3A_84 = vector.shape_cast %reduce_sum3A_83 : vector<128xf32> to vector<1x128xf32>
      %mul3A_85 = arith.mulf %add3A_77, %add3A_77 : vector<4096x128xf32>
      %reduce_sum3A_86 = arith.constant dense<0.000000e+00> : vector<128xf32>
      %reduce_sum3A_87 = vector.multi_reduction <add>, %mul3A_85, %reduce_sum3A_86 [0] : vector<4096x128xf32> to vector<128xf32>
      %broadcast_in_dim3A_88 = vector.shape_cast %reduce_sum3A_87 : vector<128xf32> to vector<1x128xf32>
      %slice3A = vector.extract_strided_slice %broadcast_in_dim3A_84 {offsets = [0, 0], sizes = [1, 64], strides = [1, 1]} : vector<1x128xf32> to vector<1x64xf32>
      %add3A_89 = arith.constant 0.000000e+00 : f32
      %add3A_90 = vector.broadcast %add3A_89 : f32 to vector<1x64xf32>
      %add3A_91 = arith.addf %add3A_90, %slice3A : vector<1x64xf32>
      %slice3A_92 = vector.extract_strided_slice %broadcast_in_dim3A_84 {offsets = [0, 64], sizes = [1, 64], strides = [1, 1]} : vector<1x128xf32> to vector<1x64xf32>
      %add3A_93 = arith.addf %add3A_91, %slice3A_92 : vector<1x64xf32>
      %slice3A_94 = vector.extract_strided_slice %broadcast_in_dim3A_88 {offsets = [0, 0], sizes = [1, 64], strides = [1, 1]} : vector<1x128xf32> to vector<1x64xf32>
      %add3A_95 = arith.constant 0.000000e+00 : f32
      %add3A_96 = vector.broadcast %add3A_95 : f32 to vector<1x64xf32>
      %add3A_97 = arith.addf %add3A_96, %slice3A_94 : vector<1x64xf32>
      %slice3A_98 = vector.extract_strided_slice %broadcast_in_dim3A_88 {offsets = [0, 64], sizes = [1, 64], strides = [1, 1]} : vector<1x128xf32> to vector<1x64xf32>
      %add3A_99 = arith.addf %add3A_97, %slice3A_98 : vector<1x64xf32>
      %get3A_100 = arith.constant 0 : index
      %get3A_101 = arith.constant 0 : index
      %get3A_102 = vector.load %arg18[%get3A_100, %get3A_101] : memref<8x64xf32, #tpu.memory_space<vmem>>, vector<1x64xf32>
      %add3A_103 = arith.addf %get3A_102, %add3A_93 : vector<1x64xf32>
      %swap3A = arith.constant 0 : index
      %swap3A_104 = arith.constant 0 : index
      %swap3A_105 = vector.load %arg18[%swap3A, %swap3A_104] : memref<8x64xf32, #tpu.memory_space<vmem>>, vector<1x64xf32>
      tpu.vector_store %arg18[%swap3A, %swap3A_104], %add3A_103 {strides = array<i32>} : memref<8x64xf32, #tpu.memory_space<vmem>>, vector<1x64xf32>,
      %get3A_106 = arith.constant 1 : index
      %get3A_107 = arith.constant 0 : index
      %get3A_108 = vector.load %arg18[%get3A_106, %get3A_107] : memref<8x64xf32, #tpu.memory_space<vmem>>, vector<1x64xf32>
      %add3A_109 = arith.addf %get3A_108, %add3A_99 : vector<1x64xf32>
      %swap3A_110 = arith.constant 1 : index
      %swap3A_111 = arith.constant 0 : index
      %swap3A_112 = vector.load %arg18[%swap3A_110, %swap3A_111] : memref<8x64xf32, #tpu.memory_space<vmem>>, vector<1x64xf32>
      tpu.vector_store %arg18[%swap3A_110, %swap3A_111], %add3A_109 {strides = array<i32>} : memref<8x64xf32, #tpu.memory_space<vmem>>, vector<1x64xf32>,
    } else {
    }
    %eq3A_24 = arith.constant 2 : i32
    %eq3A_25 = arith.cmpi eq, %arg0, %eq3A_24 : i32
    %convert_element_type3A_26 = arith.extui %eq3A_25 : i1 to i32
    %cond3A_27 = arith.constant 0 : i32
    %cond3A_28 = arith.cmpi ne, %convert_element_type3A_26, %cond3A_27 : i32
    scf.if %cond3A_28 {
      %get3A_34 = arith.constant 0 : index
      %get3A_35 = arith.constant 0 : index
      %get3A_36 = vector.load %arg17[%get3A_34, %get3A_35] : memref<8x64xf32, #tpu.memory_space<vmem>>, vector<1x64xf32>
      %div3A = arith.constant 6.553600e+04 : f32
      %div3A_37 = vector.broadcast %div3A : f32 to vector<1x64xf32>
      %div3A_38 = arith.divf %get3A_36, %div3A_37 : vector<1x64xf32>
      %get3A_39 = arith.constant 1 : index
      %get3A_40 = arith.constant 0 : index
      %get3A_41 = vector.load %arg17[%get3A_39, %get3A_40] : memref<8x64xf32, #tpu.memory_space<vmem>>, vector<1x64xf32>
      %div3A_42 = arith.constant 6.553600e+04 : f32
      %div3A_43 = vector.broadcast %div3A_42 : f32 to vector<1x64xf32>
      %div3A_44 = arith.divf %get3A_41, %div3A_43 : vector<1x64xf32>
      %mul3A = arith.mulf %div3A_38, %div3A_38 : vector<1x64xf32>
      %sub3A_45 = arith.subf %div3A_44, %mul3A : vector<1x64xf32>
      %get3A_46 = arith.constant 0 : index
      %get3A_47 = arith.constant 0 : index
      %get3A_48 = vector.load %arg6[%get3A_46, %get3A_47] : memref<1x64xf32, #tpu.memory_space<vmem>>, vector<1x64xf32>
      %add3A_49 = arith.constant 9.99999974E-6 : f32
      %add3A_50 = vector.broadcast %add3A_49 : f32 to vector<1x64xf32>
      %add3A_51 = arith.addf %sub3A_45, %add3A_50 : vector<1x64xf32>
      %rsqrt3A = math.rsqrt %add3A_51 : vector<1x64xf32>
      %mul3A_52 = arith.mulf %get3A_48, %rsqrt3A : vector<1x64xf32>
      %get3A_53 = arith.constant 0 : index
      %get3A_54 = arith.constant 0 : index
      %get3A_55 = vector.load %arg7[%get3A_53, %get3A_54] : memref<1x64xf32, #tpu.memory_space<vmem>>, vector<1x64xf32>
      %mul3A_56 = arith.mulf %div3A_38, %mul3A_52 : vector<1x64xf32>
      %sub3A_57 = arith.subf %get3A_55, %mul3A_56 : vector<1x64xf32>
      %concatenate3A_58 = tpu.concatenate %mul3A_52, %mul3A_52 in 1 : vector<1x64xf32>, vector<1x64xf32> -> vector<1x128xf32>
      %concatenate3A_59 = tpu.concatenate %sub3A_57, %sub3A_57 in 1 : vector<1x64xf32>, vector<1x64xf32> -> vector<1x128xf32>
      %mul3A_60 = vector.broadcast %concatenate3A_58 : vector<1x128xf32> to vector<4096x128xf32>
      %mul3A_61 = arith.mulf %add3A_16, %mul3A_60 : vector<4096x128xf32>
      %add3A_62 = vector.broadcast %concatenate3A_59 : vector<1x128xf32> to vector<4096x128xf32>
      %add3A_63 = arith.addf %mul3A_61, %add3A_62 : vector<4096x128xf32>
      %max3A = arith.constant 0.000000e+00 : f32
      %max3A_64 = vector.broadcast %max3A : f32 to vector<4096x128xf32>
      %max3A_65 = arith.maximumf %add3A_63, %max3A_64 : vector<4096x128xf32>
      %get3A_66 = arith.constant 0 : index
      %get3A_67 = arith.constant 0 : index
      %get3A_68 = vector.load %arg8[%get3A_66, %get3A_67] : memref<128x128xf32, #tpu.memory_space<vmem>>, vector<128x128xf32>
      %dot_general3A_69 = arith.constant dense<0.000000e+00> : vector<4096x128xf32>
      %dot_general3A_70 = tpu.matmul %max3A_65, %get3A_68, %dot_general3A_69 {dimension_numbers = #tpu.dot_dimension_numbers<[1], [0], [0], [1], [0, 0, 1, 1], [], []>, transpose_lhs_hint = false} : vector<4096x128xf32>, vector<128x128xf32>, vector<4096x128xf32> -> vector<4096x128xf32>
      %get3A_71 = arith.constant 0 : index
      %get3A_72 = arith.constant 0 : index
      %get3A_73 = vector.load %arg9[%get3A_71, %get3A_72] : memref<1x128xf32, #tpu.memory_space<vmem>>, vector<1x128xf32>
      %get3A_74 = vector.shape_cast %get3A_73 : vector<1x128xf32> to vector<128xf32>
      %broadcast_in_dim3A_75 = vector.shape_cast %get3A_74 : vector<128xf32> to vector<1x128xf32>
      %add3A_76 = vector.broadcast %broadcast_in_dim3A_75 : vector<1x128xf32> to vector<4096x128xf32>
      %add3A_77 = arith.addf %dot_general3A_70, %add3A_76 : vector<4096x128xf32>
      %get3A_78 = arith.constant 0 : index
      %get3A_79 = arith.constant 0 : index
      %get3A_80 = vector.load %arg18[%get3A_78, %get3A_79] : memref<8x64xf32, #tpu.memory_space<vmem>>, vector<1x64xf32>
      %div3A_81 = arith.constant 6.553600e+04 : f32
      %div3A_82 = vector.broadcast %div3A_81 : f32 to vector<1x64xf32>
      %div3A_83 = arith.divf %get3A_80, %div3A_82 : vector<1x64xf32>
      %get3A_84 = arith.constant 1 : index
      %get3A_85 = arith.constant 0 : index
      %get3A_86 = vector.load %arg18[%get3A_84, %get3A_85] : memref<8x64xf32, #tpu.memory_space<vmem>>, vector<1x64xf32>
      %div3A_87 = arith.constant 6.553600e+04 : f32
      %div3A_88 = vector.broadcast %div3A_87 : f32 to vector<1x64xf32>
      %div3A_89 = arith.divf %get3A_86, %div3A_88 : vector<1x64xf32>
      %mul3A_90 = arith.mulf %div3A_83, %div3A_83 : vector<1x64xf32>
      %sub3A_91 = arith.subf %div3A_89, %mul3A_90 : vector<1x64xf32>
      %get3A_92 = arith.constant 0 : index
      %get3A_93 = arith.constant 0 : index
      %get3A_94 = vector.load %arg10[%get3A_92, %get3A_93] : memref<1x64xf32, #tpu.memory_space<vmem>>, vector<1x64xf32>
      %add3A_95 = arith.constant 9.99999974E-6 : f32
      %add3A_96 = vector.broadcast %add3A_95 : f32 to vector<1x64xf32>
      %add3A_97 = arith.addf %sub3A_91, %add3A_96 : vector<1x64xf32>
      %rsqrt3A_98 = math.rsqrt %add3A_97 : vector<1x64xf32>
      %mul3A_99 = arith.mulf %get3A_94, %rsqrt3A_98 : vector<1x64xf32>
      %get3A_100 = arith.constant 0 : index
      %get3A_101 = arith.constant 0 : index
      %get3A_102 = vector.load %arg11[%get3A_100, %get3A_101] : memref<1x64xf32, #tpu.memory_space<vmem>>, vector<1x64xf32>
      %mul3A_103 = arith.mulf %div3A_83, %mul3A_99 : vector<1x64xf32>
      %sub3A_104 = arith.subf %get3A_102, %mul3A_103 : vector<1x64xf32>
      %concatenate3A_105 = tpu.concatenate %mul3A_99, %mul3A_99 in 1 : vector<1x64xf32>, vector<1x64xf32> -> vector<1x128xf32>
      %concatenate3A_106 = tpu.concatenate %sub3A_104, %sub3A_104 in 1 : vector<1x64xf32>, vector<1x64xf32> -> vector<1x128xf32>
      %mul3A_107 = vector.broadcast %concatenate3A_105 : vector<1x128xf32> to vector<4096x128xf32>
      %mul3A_108 = arith.mulf %add3A_77, %mul3A_107 : vector<4096x128xf32>
      %add3A_109 = vector.broadcast %concatenate3A_106 : vector<1x128xf32> to vector<4096x128xf32>
      %add3A_110 = arith.addf %mul3A_108, %add3A_109 : vector<4096x128xf32>
      %max3A_111 = arith.constant 0.000000e+00 : f32
      %max3A_112 = vector.broadcast %max3A_111 : f32 to vector<4096x128xf32>
      %max3A_113 = arith.maximumf %add3A_110, %max3A_112 : vector<4096x128xf32>
      %get3A_114 = arith.constant 0 : index
      %get3A_115 = arith.constant 0 : index
      %get3A_116 = vector.load %arg12[%get3A_114, %get3A_115] : memref<128x256xf32, #tpu.memory_space<vmem>>, vector<128x256xf32>
      %dot_general3A_117 = arith.constant dense<0.000000e+00> : vector<4096x256xf32>
      %dot_general3A_118 = tpu.matmul %max3A_113, %get3A_116, %dot_general3A_117 {dimension_numbers = #tpu.dot_dimension_numbers<[1], [0], [0], [1], [0, 0, 1, 1], [], []>, transpose_lhs_hint = false} : vector<4096x128xf32>, vector<128x256xf32>, vector<4096x256xf32> -> vector<4096x256xf32>
      %get3A_119 = arith.constant 0 : index
      %get3A_120 = arith.constant 0 : index
      %get3A_121 = vector.load %arg13[%get3A_119, %get3A_120] : memref<1x256xf32, #tpu.memory_space<vmem>>, vector<1x256xf32>
      %get3A_122 = vector.shape_cast %get3A_121 : vector<1x256xf32> to vector<256xf32>
      %broadcast_in_dim3A_123 = vector.shape_cast %get3A_122 : vector<256xf32> to vector<1x256xf32>
      %add3A_124 = vector.broadcast %broadcast_in_dim3A_123 : vector<1x256xf32> to vector<4096x256xf32>
      %add3A_125 = arith.addf %dot_general3A_118, %add3A_124 : vector<4096x256xf32>
      %eq3A_126 = arith.constant 0 : i32
      %eq3A_127 = arith.cmpi eq, %arg1, %eq3A_126 : i32
      %convert_element_type3A_128 = arith.extui %eq3A_127 : i1 to i32
      %cond3A_129 = arith.constant 0 : i32
      %cond3A_130 = arith.cmpi ne, %convert_element_type3A_128, %cond3A_129 : i32
      scf.if %cond3A_130 {
        %broadcast_in_dim3A_161 = arith.constant 0.000000e+00 : f32
        %broadcast_in_dim3A_162 = vector.broadcast %broadcast_in_dim3A_161 : f32 to vector<8x128xf32>
        %swap3A_163 = arith.constant 0 : index
        %swap3A_164 = arith.constant 0 : index
        %swap3A_165 = vector.load %arg19[%swap3A_163, %swap3A_164] : memref<8x128xf32, #tpu.memory_space<vmem>>, vector<8x128xf32>
        tpu.vector_store %arg19[%swap3A_163, %swap3A_164], %broadcast_in_dim3A_162 {strides = array<i32>} : memref<8x128xf32, #tpu.memory_space<vmem>>, vector<8x128xf32>,
      } else {
      }
      %reduce_sum3A = arith.constant dense<0.000000e+00> : vector<256xf32>
      %reduce_sum3A_131 = vector.multi_reduction <add>, %add3A_125, %reduce_sum3A [0] : vector<4096x256xf32> to vector<256xf32>
      %broadcast_in_dim3A_132 = vector.shape_cast %reduce_sum3A_131 : vector<256xf32> to vector<1x256xf32>
      %mul3A_133 = arith.mulf %add3A_125, %add3A_125 : vector<4096x256xf32>
      %reduce_sum3A_134 = arith.constant dense<0.000000e+00> : vector<256xf32>
      %reduce_sum3A_135 = vector.multi_reduction <add>, %mul3A_133, %reduce_sum3A_134 [0] : vector<4096x256xf32> to vector<256xf32>
      %broadcast_in_dim3A_136 = vector.shape_cast %reduce_sum3A_135 : vector<256xf32> to vector<1x256xf32>
      %slice3A = vector.extract_strided_slice %broadcast_in_dim3A_132 {offsets = [0, 0], sizes = [1, 128], strides = [1, 1]} : vector<1x256xf32> to vector<1x128xf32>
      %add3A_137 = arith.constant 0.000000e+00 : f32
      %add3A_138 = vector.broadcast %add3A_137 : f32 to vector<1x128xf32>
      %add3A_139 = arith.addf %add3A_138, %slice3A : vector<1x128xf32>
      %slice3A_140 = vector.extract_strided_slice %broadcast_in_dim3A_132 {offsets = [0, 128], sizes = [1, 128], strides = [1, 1]} : vector<1x256xf32> to vector<1x128xf32>
      %add3A_141 = arith.addf %add3A_139, %slice3A_140 : vector<1x128xf32>
      %slice3A_142 = vector.extract_strided_slice %broadcast_in_dim3A_136 {offsets = [0, 0], sizes = [1, 128], strides = [1, 1]} : vector<1x256xf32> to vector<1x128xf32>
      %add3A_143 = arith.constant 0.000000e+00 : f32
      %add3A_144 = vector.broadcast %add3A_143 : f32 to vector<1x128xf32>
      %add3A_145 = arith.addf %add3A_144, %slice3A_142 : vector<1x128xf32>
      %slice3A_146 = vector.extract_strided_slice %broadcast_in_dim3A_136 {offsets = [0, 128], sizes = [1, 128], strides = [1, 1]} : vector<1x256xf32> to vector<1x128xf32>
      %add3A_147 = arith.addf %add3A_145, %slice3A_146 : vector<1x128xf32>
      %get3A_148 = arith.constant 0 : index
      %get3A_149 = arith.constant 0 : index
      %get3A_150 = vector.load %arg19[%get3A_148, %get3A_149] : memref<8x128xf32, #tpu.memory_space<vmem>>, vector<1x128xf32>
      %add3A_151 = arith.addf %get3A_150, %add3A_141 : vector<1x128xf32>
      %swap3A = arith.constant 0 : index
      %swap3A_152 = arith.constant 0 : index
      %swap3A_153 = vector.load %arg19[%swap3A, %swap3A_152] : memref<8x128xf32, #tpu.memory_space<vmem>>, vector<1x128xf32>
      tpu.vector_store %arg19[%swap3A, %swap3A_152], %add3A_151 {strides = array<i32>} : memref<8x128xf32, #tpu.memory_space<vmem>>, vector<1x128xf32>,
      %get3A_154 = arith.constant 1 : index
      %get3A_155 = arith.constant 0 : index
      %get3A_156 = vector.load %arg19[%get3A_154, %get3A_155] : memref<8x128xf32, #tpu.memory_space<vmem>>, vector<1x128xf32>
      %add3A_157 = arith.addf %get3A_156, %add3A_147 : vector<1x128xf32>
      %swap3A_158 = arith.constant 1 : index
      %swap3A_159 = arith.constant 0 : index
      %swap3A_160 = vector.load %arg19[%swap3A_158, %swap3A_159] : memref<8x128xf32, #tpu.memory_space<vmem>>, vector<1x128xf32>
      tpu.vector_store %arg19[%swap3A_158, %swap3A_159], %add3A_157 {strides = array<i32>} : memref<8x128xf32, #tpu.memory_space<vmem>>, vector<1x128xf32>,
    } else {
    }
    %eq3A_29 = arith.constant 3 : i32
    %eq3A_30 = arith.cmpi eq, %arg0, %eq3A_29 : i32
    %convert_element_type3A_31 = arith.extui %eq3A_30 : i1 to i32
    %cond3A_32 = arith.constant 0 : i32
    %cond3A_33 = arith.cmpi ne, %convert_element_type3A_31, %cond3A_32 : i32
    scf.if %cond3A_33 {
      %get3A_34 = arith.constant 0 : index
      %get3A_35 = arith.constant 0 : index
      %get3A_36 = vector.load %arg17[%get3A_34, %get3A_35] : memref<8x64xf32, #tpu.memory_space<vmem>>, vector<1x64xf32>
      %div3A = arith.constant 6.553600e+04 : f32
      %div3A_37 = vector.broadcast %div3A : f32 to vector<1x64xf32>
      %div3A_38 = arith.divf %get3A_36, %div3A_37 : vector<1x64xf32>
      %get3A_39 = arith.constant 1 : index
      %get3A_40 = arith.constant 0 : index
      %get3A_41 = vector.load %arg17[%get3A_39, %get3A_40] : memref<8x64xf32, #tpu.memory_space<vmem>>, vector<1x64xf32>
      %div3A_42 = arith.constant 6.553600e+04 : f32
      %div3A_43 = vector.broadcast %div3A_42 : f32 to vector<1x64xf32>
      %div3A_44 = arith.divf %get3A_41, %div3A_43 : vector<1x64xf32>
      %mul3A = arith.mulf %div3A_38, %div3A_38 : vector<1x64xf32>
      %sub3A_45 = arith.subf %div3A_44, %mul3A : vector<1x64xf32>
      %get3A_46 = arith.constant 0 : index
      %get3A_47 = arith.constant 0 : index
      %get3A_48 = vector.load %arg6[%get3A_46, %get3A_47] : memref<1x64xf32, #tpu.memory_space<vmem>>, vector<1x64xf32>
      %add3A_49 = arith.constant 9.99999974E-6 : f32
      %add3A_50 = vector.broadcast %add3A_49 : f32 to vector<1x64xf32>
      %add3A_51 = arith.addf %sub3A_45, %add3A_50 : vector<1x64xf32>
      %rsqrt3A = math.rsqrt %add3A_51 : vector<1x64xf32>
      %mul3A_52 = arith.mulf %get3A_48, %rsqrt3A : vector<1x64xf32>
      %get3A_53 = arith.constant 0 : index
      %get3A_54 = arith.constant 0 : index
      %get3A_55 = vector.load %arg7[%get3A_53, %get3A_54] : memref<1x64xf32, #tpu.memory_space<vmem>>, vector<1x64xf32>
      %mul3A_56 = arith.mulf %div3A_38, %mul3A_52 : vector<1x64xf32>
      %sub3A_57 = arith.subf %get3A_55, %mul3A_56 : vector<1x64xf32>
      %concatenate3A_58 = tpu.concatenate %mul3A_52, %mul3A_52 in 1 : vector<1x64xf32>, vector<1x64xf32> -> vector<1x128xf32>
      %concatenate3A_59 = tpu.concatenate %sub3A_57, %sub3A_57 in 1 : vector<1x64xf32>, vector<1x64xf32> -> vector<1x128xf32>
      %mul3A_60 = vector.broadcast %concatenate3A_58 : vector<1x128xf32> to vector<4096x128xf32>
      %mul3A_61 = arith.mulf %add3A_16, %mul3A_60 : vector<4096x128xf32>
      %add3A_62 = vector.broadcast %concatenate3A_59 : vector<1x128xf32> to vector<4096x128xf32>
      %add3A_63 = arith.addf %mul3A_61, %add3A_62 : vector<4096x128xf32>
      %max3A = arith.constant 0.000000e+00 : f32
      %max3A_64 = vector.broadcast %max3A : f32 to vector<4096x128xf32>
      %max3A_65 = arith.maximumf %add3A_63, %max3A_64 : vector<4096x128xf32>
      %get3A_66 = arith.constant 0 : index
      %get3A_67 = arith.constant 0 : index
      %get3A_68 = vector.load %arg8[%get3A_66, %get3A_67] : memref<128x128xf32, #tpu.memory_space<vmem>>, vector<128x128xf32>
      %dot_general3A_69 = arith.constant dense<0.000000e+00> : vector<4096x128xf32>
      %dot_general3A_70 = tpu.matmul %max3A_65, %get3A_68, %dot_general3A_69 {dimension_numbers = #tpu.dot_dimension_numbers<[1], [0], [0], [1], [0, 0, 1, 1], [], []>, transpose_lhs_hint = false} : vector<4096x128xf32>, vector<128x128xf32>, vector<4096x128xf32> -> vector<4096x128xf32>
      %get3A_71 = arith.constant 0 : index
      %get3A_72 = arith.constant 0 : index
      %get3A_73 = vector.load %arg9[%get3A_71, %get3A_72] : memref<1x128xf32, #tpu.memory_space<vmem>>, vector<1x128xf32>
      %get3A_74 = vector.shape_cast %get3A_73 : vector<1x128xf32> to vector<128xf32>
      %broadcast_in_dim3A_75 = vector.shape_cast %get3A_74 : vector<128xf32> to vector<1x128xf32>
      %add3A_76 = vector.broadcast %broadcast_in_dim3A_75 : vector<1x128xf32> to vector<4096x128xf32>
      %add3A_77 = arith.addf %dot_general3A_70, %add3A_76 : vector<4096x128xf32>
      %get3A_78 = arith.constant 0 : index
      %get3A_79 = arith.constant 0 : index
      %get3A_80 = vector.load %arg18[%get3A_78, %get3A_79] : memref<8x64xf32, #tpu.memory_space<vmem>>, vector<1x64xf32>
      %div3A_81 = arith.constant 6.553600e+04 : f32
      %div3A_82 = vector.broadcast %div3A_81 : f32 to vector<1x64xf32>
      %div3A_83 = arith.divf %get3A_80, %div3A_82 : vector<1x64xf32>
      %get3A_84 = arith.constant 1 : index
      %get3A_85 = arith.constant 0 : index
      %get3A_86 = vector.load %arg18[%get3A_84, %get3A_85] : memref<8x64xf32, #tpu.memory_space<vmem>>, vector<1x64xf32>
      %div3A_87 = arith.constant 6.553600e+04 : f32
      %div3A_88 = vector.broadcast %div3A_87 : f32 to vector<1x64xf32>
      %div3A_89 = arith.divf %get3A_86, %div3A_88 : vector<1x64xf32>
      %mul3A_90 = arith.mulf %div3A_83, %div3A_83 : vector<1x64xf32>
      %sub3A_91 = arith.subf %div3A_89, %mul3A_90 : vector<1x64xf32>
      %get3A_92 = arith.constant 0 : index
      %get3A_93 = arith.constant 0 : index
      %get3A_94 = vector.load %arg10[%get3A_92, %get3A_93] : memref<1x64xf32, #tpu.memory_space<vmem>>, vector<1x64xf32>
      %add3A_95 = arith.constant 9.99999974E-6 : f32
      %add3A_96 = vector.broadcast %add3A_95 : f32 to vector<1x64xf32>
      %add3A_97 = arith.addf %sub3A_91, %add3A_96 : vector<1x64xf32>
      %rsqrt3A_98 = math.rsqrt %add3A_97 : vector<1x64xf32>
      %mul3A_99 = arith.mulf %get3A_94, %rsqrt3A_98 : vector<1x64xf32>
      %get3A_100 = arith.constant 0 : index
      %get3A_101 = arith.constant 0 : index
      %get3A_102 = vector.load %arg11[%get3A_100, %get3A_101] : memref<1x64xf32, #tpu.memory_space<vmem>>, vector<1x64xf32>
      %mul3A_103 = arith.mulf %div3A_83, %mul3A_99 : vector<1x64xf32>
      %sub3A_104 = arith.subf %get3A_102, %mul3A_103 : vector<1x64xf32>
      %concatenate3A_105 = tpu.concatenate %mul3A_99, %mul3A_99 in 1 : vector<1x64xf32>, vector<1x64xf32> -> vector<1x128xf32>
      %concatenate3A_106 = tpu.concatenate %sub3A_104, %sub3A_104 in 1 : vector<1x64xf32>, vector<1x64xf32> -> vector<1x128xf32>
      %mul3A_107 = vector.broadcast %concatenate3A_105 : vector<1x128xf32> to vector<4096x128xf32>
      %mul3A_108 = arith.mulf %add3A_77, %mul3A_107 : vector<4096x128xf32>
      %add3A_109 = vector.broadcast %concatenate3A_106 : vector<1x128xf32> to vector<4096x128xf32>
      %add3A_110 = arith.addf %mul3A_108, %add3A_109 : vector<4096x128xf32>
      %max3A_111 = arith.constant 0.000000e+00 : f32
      %max3A_112 = vector.broadcast %max3A_111 : f32 to vector<4096x128xf32>
      %max3A_113 = arith.maximumf %add3A_110, %max3A_112 : vector<4096x128xf32>
      %get3A_114 = arith.constant 0 : index
      %get3A_115 = arith.constant 0 : index
      %get3A_116 = vector.load %arg12[%get3A_114, %get3A_115] : memref<128x256xf32, #tpu.memory_space<vmem>>, vector<128x256xf32>
      %dot_general3A_117 = arith.constant dense<0.000000e+00> : vector<4096x256xf32>
      %dot_general3A_118 = tpu.matmul %max3A_113, %get3A_116, %dot_general3A_117 {dimension_numbers = #tpu.dot_dimension_numbers<[1], [0], [0], [1], [0, 0, 1, 1], [], []>, transpose_lhs_hint = false} : vector<4096x128xf32>, vector<128x256xf32>, vector<4096x256xf32> -> vector<4096x256xf32>
      %get3A_119 = arith.constant 0 : index
      %get3A_120 = arith.constant 0 : index
      %get3A_121 = vector.load %arg13[%get3A_119, %get3A_120] : memref<1x256xf32, #tpu.memory_space<vmem>>, vector<1x256xf32>
      %get3A_122 = vector.shape_cast %get3A_121 : vector<1x256xf32> to vector<256xf32>
      %broadcast_in_dim3A_123 = vector.shape_cast %get3A_122 : vector<256xf32> to vector<1x256xf32>
      %add3A_124 = vector.broadcast %broadcast_in_dim3A_123 : vector<1x256xf32> to vector<4096x256xf32>
      %add3A_125 = arith.addf %dot_general3A_118, %add3A_124 : vector<4096x256xf32>
      %get3A_126 = arith.constant 0 : index
      %get3A_127 = arith.constant 0 : index
      %get3A_128 = vector.load %arg19[%get3A_126, %get3A_127] : memref<8x128xf32, #tpu.memory_space<vmem>>, vector<1x128xf32>
      %div3A_129 = arith.constant 6.553600e+04 : f32
      %div3A_130 = vector.broadcast %div3A_129 : f32 to vector<1x128xf32>
      %div3A_131 = arith.divf %get3A_128, %div3A_130 : vector<1x128xf32>
      %get3A_132 = arith.constant 1 : index
      %get3A_133 = arith.constant 0 : index
      %get3A_134 = vector.load %arg19[%get3A_132, %get3A_133] : memref<8x128xf32, #tpu.memory_space<vmem>>, vector<1x128xf32>
      %div3A_135 = arith.constant 6.553600e+04 : f32
      %div3A_136 = vector.broadcast %div3A_135 : f32 to vector<1x128xf32>
      %div3A_137 = arith.divf %get3A_134, %div3A_136 : vector<1x128xf32>
      %mul3A_138 = arith.mulf %div3A_131, %div3A_131 : vector<1x128xf32>
      %sub3A_139 = arith.subf %div3A_137, %mul3A_138 : vector<1x128xf32>
      %get3A_140 = arith.constant 0 : index
      %get3A_141 = arith.constant 0 : index
      %get3A_142 = vector.load %arg14[%get3A_140, %get3A_141] : memref<1x128xf32, #tpu.memory_space<vmem>>, vector<1x128xf32>
      %add3A_143 = arith.constant 9.99999974E-6 : f32
      %add3A_144 = vector.broadcast %add3A_143 : f32 to vector<1x128xf32>
      %add3A_145 = arith.addf %sub3A_139, %add3A_144 : vector<1x128xf32>
      %rsqrt3A_146 = math.rsqrt %add3A_145 : vector<1x128xf32>
      %mul3A_147 = arith.mulf %get3A_142, %rsqrt3A_146 : vector<1x128xf32>
      %get3A_148 = arith.constant 0 : index
      %get3A_149 = arith.constant 0 : index
      %get3A_150 = vector.load %arg15[%get3A_148, %get3A_149] : memref<1x128xf32, #tpu.memory_space<vmem>>, vector<1x128xf32>
      %mul3A_151 = arith.mulf %div3A_131, %mul3A_147 : vector<1x128xf32>
      %sub3A_152 = arith.subf %get3A_150, %mul3A_151 : vector<1x128xf32>
      %concatenate3A_153 = tpu.concatenate %mul3A_147, %mul3A_147 in 1 : vector<1x128xf32>, vector<1x128xf32> -> vector<1x256xf32>
      %concatenate3A_154 = tpu.concatenate %sub3A_152, %sub3A_152 in 1 : vector<1x128xf32>, vector<1x128xf32> -> vector<1x256xf32>
      %mul3A_155 = vector.broadcast %concatenate3A_153 : vector<1x256xf32> to vector<4096x256xf32>
      %mul3A_156 = arith.mulf %add3A_125, %mul3A_155 : vector<4096x256xf32>
      %add3A_157 = vector.broadcast %concatenate3A_154 : vector<1x256xf32> to vector<4096x256xf32>
      %add3A_158 = arith.addf %mul3A_156, %add3A_157 : vector<4096x256xf32>
      %max3A_159 = arith.constant 0.000000e+00 : f32
      %max3A_160 = vector.broadcast %max3A_159 : f32 to vector<4096x256xf32>
      %max3A_161 = arith.maximumf %add3A_158, %max3A_160 : vector<4096x256xf32>
      %reshape3A_162 = vector.shape_cast %max3A_161 : vector<4096x256xf32> to vector<256x16x256xf32>
      %reduce_max3A = arith.constant dense<0xFF800000> : vector<256x256xf32>
      %reduce_max3A_163 = vector.multi_reduction <maximumf>, %reshape3A_162, %reduce_max3A [1] : vector<256x16x256xf32> to vector<256x256xf32>
      %slice3A = vector.extract_strided_slice %reduce_max3A_163 {offsets = [0, 0], sizes = [256, 128], strides = [1, 1]} : vector<256x256xf32> to vector<256x128xf32>
      %slice3A_164 = vector.extract_strided_slice %reduce_max3A_163 {offsets = [0, 128], sizes = [256, 128], strides = [1, 1]} : vector<256x256xf32> to vector<256x128xf32>
      %max3A_165 = arith.maximumf %slice3A, %slice3A_164 : vector<256x128xf32>
      %swap3A = arith.constant 0 : index
      %swap3A_166 = arith.constant 0 : index
      %swap3A_167 = vector.load %arg16[%swap3A, %swap3A_166] : memref<256x128xf32, #tpu.memory_space<vmem>>, vector<256x128xf32>
      tpu.vector_store %arg16[%swap3A, %swap3A_166], %max3A_165 {strides = array<i32>} : memref<256x128xf32, #tpu.memory_space<vmem>>, vector<256x128xf32>,
    } else {
    }
    return
  }
  func.func @transform_0(%arg0: i32, %arg1: i32) -> (i32, i32) {
    %c0_i32 = arith.constant 0 : i32
    %c0_i32_0 = arith.constant 0 : i32
    return %arg1, %c0_i32 : i32, i32
  }
  func.func @transform_1(%arg0: i32, %arg1: i32) -> (i32, i32) {
    %c0_i32 = arith.constant 0 : i32
    %c0_i32_0 = arith.constant 0 : i32
    return %arg1, %c0_i32 : i32, i32
  }
  func.func @transform_2(%arg0: i32, %arg1: i32) -> (i32, i32) {
    %c0_i32 = arith.constant 0 : i32
    %c0_i32_0 = arith.constant 0 : i32
    %c0_i32_1 = arith.constant 0 : i32
    return %c0_i32, %c0_i32_0 : i32, i32
  }
  func.func @transform_3(%arg0: i32, %arg1: i32) -> (i32, i32) {
    %c0_i32 = arith.constant 0 : i32
    %c0_i32_0 = arith.constant 0 : i32
    %c0_i32_1 = arith.constant 0 : i32
    return %c0_i32, %c0_i32_0 : i32, i32
  }
  func.func @transform_4(%arg0: i32, %arg1: i32) -> (i32, i32) {
    %c0_i32 = arith.constant 0 : i32
    %c0_i32_0 = arith.constant 0 : i32
    %c0_i32_1 = arith.constant 0 : i32
    return %c0_i32, %c0_i32_0 : i32, i32
  }
  func.func @transform_5(%arg0: i32, %arg1: i32) -> (i32, i32) {
    %c0_i32 = arith.constant 0 : i32
    %c0_i32_0 = arith.constant 0 : i32
    %c0_i32_1 = arith.constant 0 : i32
    return %c0_i32, %c0_i32_0 : i32, i32
  }
  func.func @transform_6(%arg0: i32, %arg1: i32) -> (i32, i32) {
    %c0_i32 = arith.constant 0 : i32
    %c0_i32_0 = arith.constant 0 : i32
    %c0_i32_1 = arith.constant 0 : i32
    return %c0_i32, %c0_i32_0 : i32, i32
  }
  func.func @transform_7(%arg0: i32, %arg1: i32) -> (i32, i32) {
    %c0_i32 = arith.constant 0 : i32
    %c0_i32_0 = arith.constant 0 : i32
    %c0_i32_1 = arith.constant 0 : i32
    return %c0_i32, %c0_i32_0 : i32, i32
  }
  func.func @transform_8(%arg0: i32, %arg1: i32) -> (i32, i32) {
    %c0_i32 = arith.constant 0 : i32
    %c0_i32_0 = arith.constant 0 : i32
    %c0_i32_1 = arith.constant 0 : i32
    return %c0_i32, %c0_i32_0 : i32, i32
  }
  func.func @transform_9(%arg0: i32, %arg1: i32) -> (i32, i32) {
    %c0_i32 = arith.constant 0 : i32
    %c0_i32_0 = arith.constant 0 : i32
    %c0_i32_1 = arith.constant 0 : i32
    return %c0_i32, %c0_i32_0 : i32, i32
  }
  func.func @transform_10(%arg0: i32, %arg1: i32) -> (i32, i32) {
    %c0_i32 = arith.constant 0 : i32
    %c0_i32_0 = arith.constant 0 : i32
    %c0_i32_1 = arith.constant 0 : i32
    return %c0_i32, %c0_i32_0 : i32, i32
  }
  func.func @transform_11(%arg0: i32, %arg1: i32) -> (i32, i32) {
    %c0_i32 = arith.constant 0 : i32
    %c0_i32_0 = arith.constant 0 : i32
    %c0_i32_1 = arith.constant 0 : i32
    return %c0_i32, %c0_i32_0 : i32, i32
  }
  func.func @transform_12(%arg0: i32, %arg1: i32) -> (i32, i32) {
    %c0_i32 = arith.constant 0 : i32
    %c0_i32_0 = arith.constant 0 : i32
    %c0_i32_1 = arith.constant 0 : i32
    return %c0_i32, %c0_i32_0 : i32, i32
  }
  func.func @transform_13(%arg0: i32, %arg1: i32) -> (i32, i32) {
    %c0_i32 = arith.constant 0 : i32
    %c0_i32_0 = arith.constant 0 : i32
    %c0_i32_1 = arith.constant 0 : i32
    return %c0_i32, %c0_i32_0 : i32, i32
  }
  func.func @transform_14(%arg0: i32, %arg1: i32) -> (i32, i32) {
    %c0_i32 = arith.constant 0 : i32
    %c0_i32_0 = arith.constant 0 : i32
    return %arg1, %c0_i32 : i32, i32
  }
}

module attributes {stable_mosaic.version = 14 : i64} {
  func.func @_fps_body(%arg0: memref<8x64xf32, #tpu.memory_space<vmem>>, %arg1: memref<8x64xf32, #tpu.memory_space<vmem>>, %arg2: memref<8x64xf32, #tpu.memory_space<vmem>>, %arg3: memref<16x8xf32, #tpu.memory_space<vmem>>, %arg4: memref<16x8xf32, #tpu.memory_space<vmem>>, %arg5: memref<16x8xf32, #tpu.memory_space<vmem>>, %arg6: memref<16x8xf32, #tpu.memory_space<vmem>>, %arg7: memref<8x64xf32, #tpu.memory_space<vmem>>) attributes {dimension_semantics = [], scalar_prefetch = 0 : i64, scratch_operands = 1 : i64, tpu.core_type = #tpu.core_type<tc>} {
    %iota3A = tpu.iota {dimensions = array<i32: 1>} : vector<8x64xi32>
    %convert_element_type3A = arith.sitofp %iota3A : vector<8x64xi32> to vector<8x64xf32>
    %iota3A_0 = tpu.iota {dimensions = array<i32: 0>} : vector<8x8xi32>
    %iota3A_1 = tpu.iota {dimensions = array<i32: 1>} : vector<8x8xi32>
    %add3A = arith.constant 0 : i32
    %add3A_2 = vector.broadcast %add3A : i32 to vector<8x8xi32>
    %add3A_3 = arith.addi %iota3A_0, %add3A_2 : vector<8x8xi32>
    %eq3A = arith.cmpi eq, %add3A_3, %iota3A_1 : vector<8x8xi32>
    %convert_element_type3A_4 = arith.extui %eq3A : vector<8x8xi1> to vector<8x8xi32>
    %convert_element_type3A_5 = arith.sitofp %convert_element_type3A_4 : vector<8x8xi32> to vector<8x8xf32>
    %get3A = arith.constant 0 : index
    %get3A_6 = arith.constant 0 : index
    %get3A_7 = vector.load %arg0[%get3A, %get3A_6] : memref<8x64xf32, #tpu.memory_space<vmem>>, vector<8x64xf32>
    %get3A_8 = arith.constant 0 : index
    %get3A_9 = arith.constant 0 : index
    %get3A_10 = vector.load %arg1[%get3A_8, %get3A_9] : memref<8x64xf32, #tpu.memory_space<vmem>>, vector<8x64xf32>
    %get3A_11 = arith.constant 0 : index
    %get3A_12 = arith.constant 0 : index
    %get3A_13 = vector.load %arg2[%get3A_11, %get3A_12] : memref<8x64xf32, #tpu.memory_space<vmem>>, vector<8x64xf32>
    %broadcast_in_dim3A = arith.constant 1.000000e+10 : f32
    %broadcast_in_dim3A_14 = vector.broadcast %broadcast_in_dim3A : f32 to vector<8x64xf32>
    %swap3A = arith.constant 0 : index
    %swap3A_15 = arith.constant 0 : index
    %swap3A_16 = vector.load %arg7[%swap3A, %swap3A_15] : memref<8x64xf32, #tpu.memory_space<vmem>>, vector<8x64xf32>
    tpu.vector_store %arg7[%swap3A, %swap3A_15], %broadcast_in_dim3A_14 {strides = array<i32>} : memref<8x64xf32, #tpu.memory_space<vmem>>, vector<8x64xf32>,
    %broadcast_in_dim3A_17 = arith.constant 0.000000e+00 : f32
    %broadcast_in_dim3A_18 = vector.broadcast %broadcast_in_dim3A_17 : f32 to vector<8x1xf32>
    %scan3A = arith.constant 0 : i32
    %scan3A_19 = arith.constant 16 : i32
    %scan3A_20 = arith.addi %scan3A, %scan3A_19 : i32
    %scan3A_21 = arith.constant 1 : i32
    %scan3A_22 = scf.for %scan3A_24 = %scan3A to %scan3A_20 step %scan3A_21 iter_args(%scan3A_25 = %broadcast_in_dim3A_18) -> (vector<8x1xf32>)  : i32 {
      %eq3A_26 = vector.broadcast %scan3A_25 : vector<8x1xf32> to vector<8x64xf32>
      %eq3A_27 = arith.cmpf oeq, %convert_element_type3A, %eq3A_26 : vector<8x64xf32>
      %jit3A = arith.constant 0.000000e+00 : f32
      %broadcast_in_dim3A_28 = vector.broadcast %jit3A : f32 to vector<8x64xf32>
      %select_n3A = arith.select %eq3A_27, %get3A_7, %broadcast_in_dim3A_28 : vector<8x64xi1>, vector<8x64xf32>
      %reduce_sum3A = arith.constant dense<0.000000e+00> : vector<8xf32>
      %reduce_sum3A_29 = vector.multi_reduction <add>, %select_n3A, %reduce_sum3A [1] : vector<8x64xf32> to vector<8xf32>
      %broadcast_in_dim3A_30 = vector.shape_cast %reduce_sum3A_29 : vector<8xf32> to vector<8x1xf32>
      %jit3A_31 = arith.constant 0.000000e+00 : f32
      %broadcast_in_dim3A_32 = vector.broadcast %jit3A_31 : f32 to vector<8x64xf32>
      %select_n3A_33 = arith.select %eq3A_27, %get3A_10, %broadcast_in_dim3A_32 : vector<8x64xi1>, vector<8x64xf32>
      %reduce_sum3A_34 = arith.constant dense<0.000000e+00> : vector<8xf32>
      %reduce_sum3A_35 = vector.multi_reduction <add>, %select_n3A_33, %reduce_sum3A_34 [1] : vector<8x64xf32> to vector<8xf32>
      %broadcast_in_dim3A_36 = vector.shape_cast %reduce_sum3A_35 : vector<8xf32> to vector<8x1xf32>
      %jit3A_37 = arith.constant 0.000000e+00 : f32
      %broadcast_in_dim3A_38 = vector.broadcast %jit3A_37 : f32 to vector<8x64xf32>
      %select_n3A_39 = arith.select %eq3A_27, %get3A_13, %broadcast_in_dim3A_38 : vector<8x64xi1>, vector<8x64xf32>
      %reduce_sum3A_40 = arith.constant dense<0.000000e+00> : vector<8xf32>
      %reduce_sum3A_41 = vector.multi_reduction <add>, %select_n3A_39, %reduce_sum3A_40 [1] : vector<8x64xf32> to vector<8xf32>
      %broadcast_in_dim3A_42 = vector.shape_cast %reduce_sum3A_41 : vector<8xf32> to vector<8x1xf32>
      %sub3A = vector.broadcast %broadcast_in_dim3A_30 : vector<8x1xf32> to vector<8x64xf32>
      %sub3A_43 = arith.subf %get3A_7, %sub3A : vector<8x64xf32>
      %sub3A_44 = vector.broadcast %broadcast_in_dim3A_36 : vector<8x1xf32> to vector<8x64xf32>
      %sub3A_45 = arith.subf %get3A_10, %sub3A_44 : vector<8x64xf32>
      %sub3A_46 = vector.broadcast %broadcast_in_dim3A_42 : vector<8x1xf32> to vector<8x64xf32>
      %sub3A_47 = arith.subf %get3A_13, %sub3A_46 : vector<8x64xf32>
      %mul3A = arith.mulf %sub3A_43, %sub3A_43 : vector<8x64xf32>
      %mul3A_48 = arith.mulf %sub3A_45, %sub3A_45 : vector<8x64xf32>
      %add3A_49 = arith.addf %mul3A, %mul3A_48 : vector<8x64xf32>
      %mul3A_50 = arith.mulf %sub3A_47, %sub3A_47 : vector<8x64xf32>
      %add3A_51 = arith.addf %add3A_49, %mul3A_50 : vector<8x64xf32>
      %get3A_52 = arith.constant 0 : index
      %get3A_53 = arith.constant 0 : index
      %get3A_54 = vector.load %arg7[%get3A_52, %get3A_53] : memref<8x64xf32, #tpu.memory_space<vmem>>, vector<8x64xf32>
      %min3A = arith.minimumf %get3A_54, %add3A_51 : vector<8x64xf32>
      %swap3A_55 = arith.constant 0 : index
      %swap3A_56 = arith.constant 0 : index
      %swap3A_57 = vector.load %arg7[%swap3A_55, %swap3A_56] : memref<8x64xf32, #tpu.memory_space<vmem>>, vector<8x64xf32>
      tpu.vector_store %arg7[%swap3A_55, %swap3A_56], %min3A {strides = array<i32>} : memref<8x64xf32, #tpu.memory_space<vmem>>, vector<8x64xf32>,
      %reduce_max3A = arith.constant dense<0xFF800000> : vector<8xf32>
      %reduce_max3A_58 = vector.multi_reduction <maximumf>, %min3A, %reduce_max3A [1] : vector<8x64xf32> to vector<8xf32>
      %broadcast_in_dim3A_59 = vector.shape_cast %reduce_max3A_58 : vector<8xf32> to vector<8x1xf32>
      %eq3A_60 = vector.broadcast %broadcast_in_dim3A_59 : vector<8x1xf32> to vector<8x64xf32>
      %eq3A_61 = arith.cmpf oeq, %min3A, %eq3A_60 : vector<8x64xf32>
      %jit3A_62 = arith.constant 6.400000e+01 : f32
      %broadcast_in_dim3A_63 = vector.broadcast %jit3A_62 : f32 to vector<8x64xf32>
      %select_n3A_64 = arith.select %eq3A_61, %convert_element_type3A, %broadcast_in_dim3A_63 : vector<8x64xi1>, vector<8x64xf32>
      %reduce_min3A = arith.constant dense<0x7F800000> : vector<8xf32>
      %reduce_min3A_65 = vector.multi_reduction <minimumf>, %select_n3A_64, %reduce_min3A [1] : vector<8x64xf32> to vector<8xf32>
      %broadcast_in_dim3A_66 = vector.shape_cast %reduce_min3A_65 : vector<8xf32> to vector<8x1xf32>
      %mul3A_67 = vector.broadcast %scan3A_25 : vector<8x1xf32> to vector<8x8xf32>
      %mul3A_68 = arith.mulf %mul3A_67, %convert_element_type3A_5 : vector<8x8xf32>
      %reduce_sum3A_69 = arith.constant dense<0.000000e+00> : vector<8xf32>
      %reduce_sum3A_70 = vector.multi_reduction <add>, %mul3A_68, %reduce_sum3A_69 [0] : vector<8x8xf32> to vector<8xf32>
      %broadcast_in_dim3A_71 = vector.shape_cast %reduce_sum3A_70 : vector<8xf32> to vector<1x8xf32>
      %swap3A_72 = arith.index_cast %scan3A_24 : i32 to index
      %swap3A_73 = arith.constant 0 : index
      %swap3A_74 = vector.load %arg3[%swap3A_72, %swap3A_73] : memref<16x8xf32, #tpu.memory_space<vmem>>, vector<1x8xf32>
      tpu.vector_store %arg3[%swap3A_72, %swap3A_73], %broadcast_in_dim3A_71 {strides = array<i32>} : memref<16x8xf32, #tpu.memory_space<vmem>>, vector<1x8xf32>,
      %mul3A_75 = vector.broadcast %broadcast_in_dim3A_30 : vector<8x1xf32> to vector<8x8xf32>
      %mul3A_76 = arith.mulf %mul3A_75, %convert_element_type3A_5 : vector<8x8xf32>
      %reduce_sum3A_77 = arith.constant dense<0.000000e+00> : vector<8xf32>
      %reduce_sum3A_78 = vector.multi_reduction <add>, %mul3A_76, %reduce_sum3A_77 [0] : vector<8x8xf32> to vector<8xf32>
      %broadcast_in_dim3A_79 = vector.shape_cast %reduce_sum3A_78 : vector<8xf32> to vector<1x8xf32>
      %swap3A_80 = arith.index_cast %scan3A_24 : i32 to index
      %swap3A_81 = arith.constant 0 : index
      %swap3A_82 = vector.load %arg4[%swap3A_80, %swap3A_81] : memref<16x8xf32, #tpu.memory_space<vmem>>, vector<1x8xf32>
      tpu.vector_store %arg4[%swap3A_80, %swap3A_81], %broadcast_in_dim3A_79 {strides = array<i32>} : memref<16x8xf32, #tpu.memory_space<vmem>>, vector<1x8xf32>,
      %mul3A_83 = vector.broadcast %broadcast_in_dim3A_36 : vector<8x1xf32> to vector<8x8xf32>
      %mul3A_84 = arith.mulf %mul3A_83, %convert_element_type3A_5 : vector<8x8xf32>
      %reduce_sum3A_85 = arith.constant dense<0.000000e+00> : vector<8xf32>
      %reduce_sum3A_86 = vector.multi_reduction <add>, %mul3A_84, %reduce_sum3A_85 [0] : vector<8x8xf32> to vector<8xf32>
      %broadcast_in_dim3A_87 = vector.shape_cast %reduce_sum3A_86 : vector<8xf32> to vector<1x8xf32>
      %swap3A_88 = arith.index_cast %scan3A_24 : i32 to index
      %swap3A_89 = arith.constant 0 : index
      %swap3A_90 = vector.load %arg5[%swap3A_88, %swap3A_89] : memref<16x8xf32, #tpu.memory_space<vmem>>, vector<1x8xf32>
      tpu.vector_store %arg5[%swap3A_88, %swap3A_89], %broadcast_in_dim3A_87 {strides = array<i32>} : memref<16x8xf32, #tpu.memory_space<vmem>>, vector<1x8xf32>,
      %mul3A_91 = vector.broadcast %broadcast_in_dim3A_42 : vector<8x1xf32> to vector<8x8xf32>
      %mul3A_92 = arith.mulf %mul3A_91, %convert_element_type3A_5 : vector<8x8xf32>
      %reduce_sum3A_93 = arith.constant dense<0.000000e+00> : vector<8xf32>
      %reduce_sum3A_94 = vector.multi_reduction <add>, %mul3A_92, %reduce_sum3A_93 [0] : vector<8x8xf32> to vector<8xf32>
      %broadcast_in_dim3A_95 = vector.shape_cast %reduce_sum3A_94 : vector<8xf32> to vector<1x8xf32>
      %swap3A_96 = arith.index_cast %scan3A_24 : i32 to index
      %swap3A_97 = arith.constant 0 : index
      %swap3A_98 = vector.load %arg6[%swap3A_96, %swap3A_97] : memref<16x8xf32, #tpu.memory_space<vmem>>, vector<1x8xf32>
      tpu.vector_store %arg6[%swap3A_96, %swap3A_97], %broadcast_in_dim3A_95 {strides = array<i32>} : memref<16x8xf32, #tpu.memory_space<vmem>>, vector<1x8xf32>,
      scf.yield %broadcast_in_dim3A_66 : vector<8x1xf32>
    }
    %scan3A_23 = arith.constant 16 : i32
    return
  }
}

module attributes {stable_mosaic.version = 14 : i64} {
  func.func @_bq_body(%arg0: i32, %arg1: i32, %arg2: memref<1x3x64xf32, #tpu.memory_space<vmem>>, %arg3: memref<16x3xf32, #tpu.memory_space<vmem>>, %arg4: memref<1x16x32xf32, #tpu.memory_space<vmem>>) attributes {dimension_semantics = [#tpu.dimension_semantics<arbitrary>, #tpu.dimension_semantics<arbitrary>], iteration_bounds = array<i64: 8, 1>, scalar_prefetch = 0 : i64, scratch_operands = 0 : i64, tpu.core_type = #tpu.core_type<tc>, window_params = [{transform_indices = @transform_0, window_bounds = array<i64: 1, 3, 64>}, {transform_indices = @transform_1, window_bounds = array<i64: 16, 3>}, {transform_indices = @transform_2, window_bounds = array<i64: 1, 16, 32>}]} {
    %get3A = arith.constant 0 : index
    %get3A_0 = arith.constant 0 : index
    %get3A_1 = vector.load %arg3[%get3A, %get3A_0] : memref<16x3xf32, #tpu.memory_space<vmem>>, vector<16x3xf32>
    %get3A_2 = arith.constant 0 : index
    %get3A_3 = arith.constant 0 : index
    %get3A_4 = arith.constant 0 : index
    %get3A_5 = vector.load %arg2[%get3A_2, %get3A_3, %get3A_4] : memref<1x3x64xf32, #tpu.memory_space<vmem>>, vector<1x3x64xf32>
    %get3A_6 = vector.shape_cast %get3A_5 : vector<1x3x64xf32> to vector<3x64xf32>
    %dot_general3A = arith.constant dense<0.000000e+00> : vector<16x64xf32>
    %dot_general3A_7 = tpu.matmul %get3A_1, %get3A_6, %dot_general3A {dimension_numbers = #tpu.dot_dimension_numbers<[1], [0], [0], [1], [0, 0, 1, 1], [], []>, transpose_lhs_hint = false} : vector<16x3xf32>, vector<3x64xf32>, vector<16x64xf32> -> vector<16x64xf32>
    %mul3A = arith.mulf %get3A_1, %get3A_1 : vector<16x3xf32>
    %reduce_sum3A = arith.constant dense<0.000000e+00> : vector<16xf32>
    %reduce_sum3A_8 = vector.multi_reduction <add>, %mul3A, %reduce_sum3A [1] : vector<16x3xf32> to vector<16xf32>
    %broadcast_in_dim3A = vector.shape_cast %reduce_sum3A_8 : vector<16xf32> to vector<16x1xf32>
    %mul3A_9 = arith.mulf %get3A_6, %get3A_6 : vector<3x64xf32>
    %reduce_sum3A_10 = arith.constant dense<0.000000e+00> : vector<64xf32>
    %reduce_sum3A_11 = vector.multi_reduction <add>, %mul3A_9, %reduce_sum3A_10 [0] : vector<3x64xf32> to vector<64xf32>
    %broadcast_in_dim3A_12 = vector.shape_cast %reduce_sum3A_11 : vector<64xf32> to vector<1x64xf32>
    %mul3A_13 = arith.constant -2.000000e+00 : f32
    %mul3A_14 = vector.broadcast %mul3A_13 : f32 to vector<16x64xf32>
    %mul3A_15 = arith.mulf %mul3A_14, %dot_general3A_7 : vector<16x64xf32>
    %add3A = vector.broadcast %broadcast_in_dim3A : vector<16x1xf32> to vector<16x64xf32>
    %add3A_16 = arith.addf %mul3A_15, %add3A : vector<16x64xf32>
    %add3A_17 = vector.broadcast %broadcast_in_dim3A_12 : vector<1x64xf32> to vector<16x64xf32>
    %add3A_18 = arith.addf %add3A_16, %add3A_17 : vector<16x64xf32>
    %gt3A = arith.constant 6.400000e-01 : f32
    %gt3A_19 = vector.broadcast %gt3A : f32 to vector<16x64xf32>
    %gt3A_20 = arith.cmpf ogt, %add3A_18, %gt3A_19 : vector<16x64xf32>
    %not3A = arith.constant dense<true> : vector<16x64xi1>
    %not3A_21 = arith.xori %gt3A_20, %not3A : vector<16x64xi1>
    %iota3A = tpu.iota {dimensions = array<i32: 1>} : vector<16x64xi32>
    %convert_element_type3A = arith.sitofp %iota3A : vector<16x64xi32> to vector<16x64xf32>
    %jit3A = arith.constant 1.000000e+00 : f32
    %jit3A_22 = arith.constant 0.000000e+00 : f32
    %broadcast_in_dim3A_23 = vector.broadcast %jit3A : f32 to vector<16x64xf32>
    %broadcast_in_dim3A_24 = vector.broadcast %jit3A_22 : f32 to vector<16x64xf32>
    %select_n3A = arith.select %not3A_21, %broadcast_in_dim3A_23, %broadcast_in_dim3A_24 : vector<16x64xi1>, vector<16x64xf32>
    %reduce_sum3A_25 = arith.constant dense<0.000000e+00> : vector<16xf32>
    %reduce_sum3A_26 = vector.multi_reduction <add>, %select_n3A, %reduce_sum3A_25 [1] : vector<16x64xf32> to vector<16xf32>
    %broadcast_in_dim3A_27 = vector.shape_cast %reduce_sum3A_26 : vector<16xf32> to vector<16x1xf32>
    %reduce_max3A = vector.shape_cast %broadcast_in_dim3A_27 : vector<16x1xf32> to vector<1x16x1xf32>
    %reduce_max3A_28 = arith.constant dense<0xFF800000> : vector<1xf32>
    %reduce_max3A_29 = vector.multi_reduction <maximumf>, %reduce_max3A, %reduce_max3A_28 [1, 2] : vector<1x16x1xf32> to vector<1xf32>
    %reduce_max3A_30 = vector.shape_cast %reduce_max3A_29 : vector<1xf32> to vector<1x1x1xf32>
    %reduce_max3A_31 = vector.extract %reduce_max3A_30[0, 0, 0] : f32 from vector<1x1x1xf32>
    %min3A = arith.constant 3.200000e+01 : f32
    %min3A_32 = arith.minimumf %reduce_max3A_31, %min3A : f32
    %jit3A_33 = arith.constant 6.400000e+01 : f32
    %broadcast_in_dim3A_34 = vector.broadcast %jit3A_33 : f32 to vector<16x64xf32>
    %select_n3A_35 = arith.select %not3A_21, %convert_element_type3A, %broadcast_in_dim3A_34 : vector<16x64xi1>, vector<16x64xf32>
    %iota3A_36 = tpu.iota {dimensions = array<i32: 1>} : vector<16x32xi32>
    %convert_element_type3A_37 = arith.sitofp %iota3A_36 : vector<16x32xi32> to vector<16x32xf32>
    %broadcast_in_dim3A_38 = arith.constant -1.000000e+00 : f32
    %broadcast_in_dim3A_39 = vector.broadcast %broadcast_in_dim3A_38 : f32 to vector<16x1xf32>
    %broadcast_in_dim3A_40 = arith.constant 0.000000e+00 : f32
    %broadcast_in_dim3A_41 = vector.broadcast %broadcast_in_dim3A_40 : f32 to vector<16x32xf32>
    %while3A = arith.constant 0.000000e+00 : f32
    %while3A_42:3 = scf.while (%while3A_63 = %while3A, %while3A_64 = %broadcast_in_dim3A_39, %while3A_65 = %broadcast_in_dim3A_41) : (f32, vector<16x1xf32>, vector<16x32xf32>) -> (f32, vector<16x1xf32>, vector<16x32xf32>) {
      %lt3A_66 = arith.cmpf olt, %while3A_63, %min3A_32 : f32
      scf.condition(%lt3A_66) %while3A_63, %while3A_64, %while3A_65 : f32, vector<16x1xf32>, vector<16x32xf32>
    } do {
    ^bb0(%while3A_63: f32, %while3A_64: vector<16x1xf32>, %while3A_65: vector<16x32xf32>):
      %gt3A_66 = vector.broadcast %while3A_64 : vector<16x1xf32> to vector<16x64xf32>
      %gt3A_67 = arith.cmpf ogt, %select_n3A_35, %gt3A_66 : vector<16x64xf32>
      %jit3A_68 = arith.constant 6.400000e+01 : f32
      %broadcast_in_dim3A_69 = vector.broadcast %jit3A_68 : f32 to vector<16x64xf32>
      %select_n3A_70 = arith.select %gt3A_67, %select_n3A_35, %broadcast_in_dim3A_69 : vector<16x64xi1>, vector<16x64xf32>
      %reduce_min3A = arith.constant dense<0x7F800000> : vector<16xf32>
      %reduce_min3A_71 = vector.multi_reduction <minimumf>, %select_n3A_70, %reduce_min3A [1] : vector<16x64xf32> to vector<16xf32>
      %broadcast_in_dim3A_72 = vector.shape_cast %reduce_min3A_71 : vector<16xf32> to vector<16x1xf32>
      %eq3A = vector.broadcast %while3A_63 : f32 to vector<16x32xf32>
      %eq3A_73 = arith.cmpf oeq, %convert_element_type3A_37, %eq3A : vector<16x32xf32>
      %broadcast_in_dim3A_74 = vector.shape_cast %broadcast_in_dim3A_72 : vector<16x1xf32> to vector<16x1xf32>
      %broadcast_in_dim3A_75 = vector.broadcast %broadcast_in_dim3A_74 : vector<16x1xf32> to vector<16x32xf32>
      %select_n3A_76 = arith.select %eq3A_73, %broadcast_in_dim3A_75, %while3A_65 : vector<16x32xi1>, vector<16x32xf32>
      %add3A_77 = arith.constant 1.000000e+00 : f32
      %add3A_78 = arith.addf %while3A_63, %add3A_77 : f32
      scf.yield %add3A_78, %broadcast_in_dim3A_72, %select_n3A_76 : f32, vector<16x1xf32>, vector<16x32xf32>
    }
    %slice3A = vector.extract_strided_slice %while3A_42#2 {offsets = [0, 0], sizes = [16, 1], strides = [1, 1]} : vector<16x32xf32> to vector<16x1xf32>
    %min3A_43 = arith.constant 3.200000e+01 : f32
    %min3A_44 = vector.broadcast %min3A_43 : f32 to vector<16x1xf32>
    %min3A_45 = arith.minimumf %broadcast_in_dim3A_27, %min3A_44 : vector<16x1xf32>
    %lt3A = vector.broadcast %min3A_45 : vector<16x1xf32> to vector<16x32xf32>
    %lt3A_46 = arith.cmpf olt, %convert_element_type3A_37, %lt3A : vector<16x32xf32>
    %broadcast_in_dim3A_47 = vector.shape_cast %slice3A : vector<16x1xf32> to vector<16x1xf32>
    %broadcast_in_dim3A_48 = vector.broadcast %broadcast_in_dim3A_47 : vector<16x1xf32> to vector<16x32xf32>
    %select_n3A_49 = arith.select %lt3A_46, %while3A_42#2, %broadcast_in_dim3A_48 : vector<16x32xi1>, vector<16x32xf32>
    %min3A_50 = arith.constant 6.300000e+01 : f32
    %min3A_51 = vector.broadcast %min3A_50 : f32 to vector<16x32xf32>
    %min3A_52 = arith.minimumf %select_n3A_49, %min3A_51 : vector<16x32xf32>
    %convert_element_type3A_53 = arith.sitofp %arg0 : i32 to f32
    %mul3A_54 = arith.constant 6.400000e+01 : f32
    %mul3A_55 = arith.mulf %mul3A_54, %convert_element_type3A_53 : f32
    %add3A_56 = vector.broadcast %mul3A_55 : f32 to vector<16x32xf32>
    %add3A_57 = arith.addf %min3A_52, %add3A_56 : vector<16x32xf32>
    %swap3A = arith.constant 0 : index
    %swap3A_58 = arith.constant 0 : index
    %swap3A_59 = arith.constant 0 : index
    %swap3A_60 = vector.load %arg4[%swap3A, %swap3A_58, %swap3A_59] : memref<1x16x32xf32, #tpu.memory_space<vmem>>, vector<1x16x32xf32>
    %swap3A_61 = vector.shape_cast %swap3A_60 : vector<1x16x32xf32> to vector<16x32xf32>
    %swap3A_62 = vector.shape_cast %add3A_57 : vector<16x32xf32> to vector<1x16x32xf32>
    tpu.vector_store %arg4[%swap3A, %swap3A_58, %swap3A_59], %swap3A_62 {strides = array<i32>} : memref<1x16x32xf32, #tpu.memory_space<vmem>>, vector<1x16x32xf32>,
    return
  }
  func.func @transform_0(%arg0: i32, %arg1: i32) -> (i32, i32, i32) {
    %c0_i32 = arith.constant 0 : i32
    %c0_i32_0 = arith.constant 0 : i32
    %c0_i32_1 = arith.constant 0 : i32
    return %arg0, %c0_i32, %c0_i32_0 : i32, i32, i32
  }
  func.func @transform_1(%arg0: i32, %arg1: i32) -> (i32, i32) {
    %mul3A = arith.constant 1 : i32
    %mul3A_0 = arith.muli %arg0, %mul3A : i32
    %add3A = arith.addi %mul3A_0, %arg1 : i32
    %c0_i32 = arith.constant 0 : i32
    %c0_i32_1 = arith.constant 0 : i32
    return %add3A, %c0_i32 : i32, i32
  }
  func.func @transform_2(%arg0: i32, %arg1: i32) -> (i32, i32, i32) {
    %c0_i32 = arith.constant 0 : i32
    %c0_i32_0 = arith.constant 0 : i32
    return %arg0, %arg1, %c0_i32 : i32, i32, i32
  }
}

module attributes {stable_mosaic.version = 14 : i64} {
  func.func @_mlp_fused_body(%arg0: i32, %arg1: i32, %arg2: memref<8192x144xf32, #tpu.memory_space<vmem>>, %arg3: memref<256x144xf32, #tpu.memory_space<vmem>>, %arg4: memref<144x128xf32, #tpu.memory_space<vmem>>, %arg5: memref<1x128xf32, #tpu.memory_space<vmem>>, %arg6: memref<1x128xf32, #tpu.memory_space<vmem>>, %arg7: memref<1x128xf32, #tpu.memory_space<vmem>>, %arg8: memref<128x128xf32, #tpu.memory_space<vmem>>, %arg9: memref<1x128xf32, #tpu.memory_space<vmem>>, %arg10: memref<1x128xf32, #tpu.memory_space<vmem>>, %arg11: memref<1x128xf32, #tpu.memory_space<vmem>>, %arg12: memref<128x256xf32, #tpu.memory_space<vmem>>, %arg13: memref<1x256xf32, #tpu.memory_space<vmem>>, %arg14: memref<1x256xf32, #tpu.memory_space<vmem>>, %arg15: memref<1x256xf32, #tpu.memory_space<vmem>>, %arg16: memref<256x256xf32, #tpu.memory_space<vmem>>, %arg17: memref<8x128xf32, #tpu.memory_space<vmem>>, %arg18: memref<8x128xf32, #tpu.memory_space<vmem>>, %arg19: memref<8x256xf32, #tpu.memory_space<vmem>>) attributes {dimension_semantics = [#tpu.dimension_semantics<arbitrary>, #tpu.dimension_semantics<arbitrary>], iteration_bounds = array<i64: 4, 2>, scalar_prefetch = 0 : i64, scratch_operands = 3 : i64, tpu.core_type = #tpu.core_type<tc>, window_params = [{transform_indices = @transform_0, window_bounds = array<i64: 8192, 144>}, {transform_indices = @transform_1, window_bounds = array<i64: 256, 144>}, {pipeline_mode = #tpu.pipeline_mode<synchronous>, transform_indices = @transform_2, window_bounds = array<i64: 144, 128>}, {pipeline_mode = #tpu.pipeline_mode<synchronous>, transform_indices = @transform_3, window_bounds = array<i64: 1, 128>}, {pipeline_mode = #tpu.pipeline_mode<synchronous>, transform_indices = @transform_4, window_bounds = array<i64: 1, 128>}, {pipeline_mode = #tpu.pipeline_mode<synchronous>, transform_indices = @transform_5, window_bounds = array<i64: 1, 128>}, {pipeline_mode = #tpu.pipeline_mode<synchronous>, transform_indices = @transform_6, window_bounds = array<i64: 128, 128>}, {pipeline_mode = #tpu.pipeline_mode<synchronous>, transform_indices = @transform_7, window_bounds = array<i64: 1, 128>}, {pipeline_mode = #tpu.pipeline_mode<synchronous>, transform_indices = @transform_8, window_bounds = array<i64: 1, 128>}, {pipeline_mode = #tpu.pipeline_mode<synchronous>, transform_indices = @transform_9, window_bounds = array<i64: 1, 128>}, {pipeline_mode = #tpu.pipeline_mode<synchronous>, transform_indices = @transform_10, window_bounds = array<i64: 128, 256>}, {pipeline_mode = #tpu.pipeline_mode<synchronous>, transform_indices = @transform_11, window_bounds = array<i64: 1, 256>}, {pipeline_mode = #tpu.pipeline_mode<synchronous>, transform_indices = @transform_12, window_bounds = array<i64: 1, 256>}, {pipeline_mode = #tpu.pipeline_mode<synchronous>, transform_indices = @transform_13, window_bounds = array<i64: 1, 256>}, {transform_indices = @transform_14, window_bounds = array<i64: 256, 256>}]} {
    %get3A = arith.constant 0 : index
    %get3A_0 = arith.constant 0 : index
    %get3A_1 = vector.load %arg3[%get3A, %get3A_0] : memref<256x144xf32, #tpu.memory_space<vmem>>, vector<256x144xf32>
    %broadcast_in_dim3A = vector.shape_cast %get3A_1 : vector<256x144xf32> to vector<256x1x144xf32>
    %broadcast_in_dim3A_2 = vector.shape_cast %broadcast_in_dim3A : vector<256x1x144xf32> to vector<256x1x144xf32>
    %broadcast_in_dim3A_3 = vector.broadcast %broadcast_in_dim3A_2 : vector<256x1x144xf32> to vector<256x32x144xf32>
    %reshape3A = vector.shape_cast %broadcast_in_dim3A_3 : vector<256x32x144xf32> to vector<8192x144xf32>
    %get3A_4 = arith.constant 0 : index
    %get3A_5 = arith.constant 0 : index
    %get3A_6 = vector.load %arg2[%get3A_4, %get3A_5] : memref<8192x144xf32, #tpu.memory_space<vmem>>, vector<8192x144xf32>
    %sub3A = arith.subf %get3A_6, %reshape3A : vector<8192x144xf32>
    %get3A_7 = arith.constant 0 : index
    %get3A_8 = arith.constant 0 : index
    %get3A_9 = vector.load %arg4[%get3A_7, %get3A_8] : memref<144x128xf32, #tpu.memory_space<vmem>>, vector<144x128xf32>
    %dot_general3A = arith.constant dense<0.000000e+00> : vector<8192x128xf32>
    %dot_general3A_10 = tpu.matmul %sub3A, %get3A_9, %dot_general3A {dimension_numbers = #tpu.dot_dimension_numbers<[1], [0], [0], [1], [0, 0, 1, 1], [], []>, transpose_lhs_hint = false} : vector<8192x144xf32>, vector<144x128xf32>, vector<8192x128xf32> -> vector<8192x128xf32>
    %get3A_11 = arith.constant 0 : index
    %get3A_12 = arith.constant 0 : index
    %get3A_13 = vector.load %arg5[%get3A_11, %get3A_12] : memref<1x128xf32, #tpu.memory_space<vmem>>, vector<1x128xf32>
    %get3A_14 = vector.shape_cast %get3A_13 : vector<1x128xf32> to vector<128xf32>
    %broadcast_in_dim3A_15 = vector.shape_cast %get3A_14 : vector<128xf32> to vector<1x128xf32>
    %add3A = vector.broadcast %broadcast_in_dim3A_15 : vector<1x128xf32> to vector<8192x128xf32>
    %add3A_16 = arith.addf %dot_general3A_10, %add3A : vector<8192x128xf32>
    %eq3A = arith.constant 0 : i32
    %eq3A_17 = arith.cmpi eq, %arg0, %eq3A : i32
    %convert_element_type3A = arith.extui %eq3A_17 : i1 to i32
    %cond3A = arith.constant 0 : i32
    %cond3A_18 = arith.cmpi ne, %convert_element_type3A, %cond3A : i32
    scf.if %cond3A_18 {
      %eq3A_34 = arith.constant 0 : i32
      %eq3A_35 = arith.cmpi eq, %arg1, %eq3A_34 : i32
      %convert_element_type3A_36 = arith.extui %eq3A_35 : i1 to i32
      %cond3A_37 = arith.constant 0 : i32
      %cond3A_38 = arith.cmpi ne, %convert_element_type3A_36, %cond3A_37 : i32
      scf.if %cond3A_38 {
        %broadcast_in_dim3A_57 = arith.constant 0.000000e+00 : f32
        %broadcast_in_dim3A_58 = vector.broadcast %broadcast_in_dim3A_57 : f32 to vector<8x128xf32>
        %swap3A_59 = arith.constant 0 : index
        %swap3A_60 = arith.constant 0 : index
        %swap3A_61 = vector.load %arg17[%swap3A_59, %swap3A_60] : memref<8x128xf32, #tpu.memory_space<vmem>>, vector<8x128xf32>
        tpu.vector_store %arg17[%swap3A_59, %swap3A_60], %broadcast_in_dim3A_58 {strides = array<i32>} : memref<8x128xf32, #tpu.memory_space<vmem>>, vector<8x128xf32>,
      } else {
      }
      %reduce_sum3A = arith.constant dense<0.000000e+00> : vector<128xf32>
      %reduce_sum3A_39 = vector.multi_reduction <add>, %add3A_16, %reduce_sum3A [0] : vector<8192x128xf32> to vector<128xf32>
      %broadcast_in_dim3A_40 = vector.shape_cast %reduce_sum3A_39 : vector<128xf32> to vector<1x128xf32>
      %mul3A = arith.mulf %add3A_16, %add3A_16 : vector<8192x128xf32>
      %reduce_sum3A_41 = arith.constant dense<0.000000e+00> : vector<128xf32>
      %reduce_sum3A_42 = vector.multi_reduction <add>, %mul3A, %reduce_sum3A_41 [0] : vector<8192x128xf32> to vector<128xf32>
      %broadcast_in_dim3A_43 = vector.shape_cast %reduce_sum3A_42 : vector<128xf32> to vector<1x128xf32>
      %get3A_44 = arith.constant 0 : index
      %get3A_45 = arith.constant 0 : index
      %get3A_46 = vector.load %arg17[%get3A_44, %get3A_45] : memref<8x128xf32, #tpu.memory_space<vmem>>, vector<1x128xf32>
      %add3A_47 = arith.addf %get3A_46, %broadcast_in_dim3A_40 : vector<1x128xf32>
      %swap3A = arith.constant 0 : index
      %swap3A_48 = arith.constant 0 : index
      %swap3A_49 = vector.load %arg17[%swap3A, %swap3A_48] : memref<8x128xf32, #tpu.memory_space<vmem>>, vector<1x128xf32>
      tpu.vector_store %arg17[%swap3A, %swap3A_48], %add3A_47 {strides = array<i32>} : memref<8x128xf32, #tpu.memory_space<vmem>>, vector<1x128xf32>,
      %get3A_50 = arith.constant 1 : index
      %get3A_51 = arith.constant 0 : index
      %get3A_52 = vector.load %arg17[%get3A_50, %get3A_51] : memref<8x128xf32, #tpu.memory_space<vmem>>, vector<1x128xf32>
      %add3A_53 = arith.addf %get3A_52, %broadcast_in_dim3A_43 : vector<1x128xf32>
      %swap3A_54 = arith.constant 1 : index
      %swap3A_55 = arith.constant 0 : index
      %swap3A_56 = vector.load %arg17[%swap3A_54, %swap3A_55] : memref<8x128xf32, #tpu.memory_space<vmem>>, vector<1x128xf32>
      tpu.vector_store %arg17[%swap3A_54, %swap3A_55], %add3A_53 {strides = array<i32>} : memref<8x128xf32, #tpu.memory_space<vmem>>, vector<1x128xf32>,
    } else {
    }
    %eq3A_19 = arith.constant 1 : i32
    %eq3A_20 = arith.cmpi eq, %arg0, %eq3A_19 : i32
    %convert_element_type3A_21 = arith.extui %eq3A_20 : i1 to i32
    %cond3A_22 = arith.constant 0 : i32
    %cond3A_23 = arith.cmpi ne, %convert_element_type3A_21, %cond3A_22 : i32
    scf.if %cond3A_23 {
      %get3A_34 = arith.constant 0 : index
      %get3A_35 = arith.constant 0 : index
      %get3A_36 = vector.load %arg17[%get3A_34, %get3A_35] : memref<8x128xf32, #tpu.memory_space<vmem>>, vector<1x128xf32>
      %div3A = arith.constant 1.638400e+04 : f32
      %div3A_37 = vector.broadcast %div3A : f32 to vector<1x128xf32>
      %div3A_38 = arith.divf %get3A_36, %div3A_37 : vector<1x128xf32>
      %get3A_39 = arith.constant 1 : index
      %get3A_40 = arith.constant 0 : index
      %get3A_41 = vector.load %arg17[%get3A_39, %get3A_40] : memref<8x128xf32, #tpu.memory_space<vmem>>, vector<1x128xf32>
      %div3A_42 = arith.constant 1.638400e+04 : f32
      %div3A_43 = vector.broadcast %div3A_42 : f32 to vector<1x128xf32>
      %div3A_44 = arith.divf %get3A_41, %div3A_43 : vector<1x128xf32>
      %mul3A = arith.mulf %div3A_38, %div3A_38 : vector<1x128xf32>
      %sub3A_45 = arith.subf %div3A_44, %mul3A : vector<1x128xf32>
      %get3A_46 = arith.constant 0 : index
      %get3A_47 = arith.constant 0 : index
      %get3A_48 = vector.load %arg6[%get3A_46, %get3A_47] : memref<1x128xf32, #tpu.memory_space<vmem>>, vector<1x128xf32>
      %add3A_49 = arith.constant 9.99999974E-6 : f32
      %add3A_50 = vector.broadcast %add3A_49 : f32 to vector<1x128xf32>
      %add3A_51 = arith.addf %sub3A_45, %add3A_50 : vector<1x128xf32>
      %rsqrt3A = math.rsqrt %add3A_51 : vector<1x128xf32>
      %mul3A_52 = arith.mulf %get3A_48, %rsqrt3A : vector<1x128xf32>
      %get3A_53 = arith.constant 0 : index
      %get3A_54 = arith.constant 0 : index
      %get3A_55 = vector.load %arg7[%get3A_53, %get3A_54] : memref<1x128xf32, #tpu.memory_space<vmem>>, vector<1x128xf32>
      %mul3A_56 = arith.mulf %div3A_38, %mul3A_52 : vector<1x128xf32>
      %sub3A_57 = arith.subf %get3A_55, %mul3A_56 : vector<1x128xf32>
      %mul3A_58 = vector.broadcast %mul3A_52 : vector<1x128xf32> to vector<8192x128xf32>
      %mul3A_59 = arith.mulf %add3A_16, %mul3A_58 : vector<8192x128xf32>
      %add3A_60 = vector.broadcast %sub3A_57 : vector<1x128xf32> to vector<8192x128xf32>
      %add3A_61 = arith.addf %mul3A_59, %add3A_60 : vector<8192x128xf32>
      %max3A = arith.constant 0.000000e+00 : f32
      %max3A_62 = vector.broadcast %max3A : f32 to vector<8192x128xf32>
      %max3A_63 = arith.maximumf %add3A_61, %max3A_62 : vector<8192x128xf32>
      %get3A_64 = arith.constant 0 : index
      %get3A_65 = arith.constant 0 : index
      %get3A_66 = vector.load %arg8[%get3A_64, %get3A_65] : memref<128x128xf32, #tpu.memory_space<vmem>>, vector<128x128xf32>
      %dot_general3A_67 = arith.constant dense<0.000000e+00> : vector<8192x128xf32>
      %dot_general3A_68 = tpu.matmul %max3A_63, %get3A_66, %dot_general3A_67 {dimension_numbers = #tpu.dot_dimension_numbers<[1], [0], [0], [1], [0, 0, 1, 1], [], []>, transpose_lhs_hint = false} : vector<8192x128xf32>, vector<128x128xf32>, vector<8192x128xf32> -> vector<8192x128xf32>
      %get3A_69 = arith.constant 0 : index
      %get3A_70 = arith.constant 0 : index
      %get3A_71 = vector.load %arg9[%get3A_69, %get3A_70] : memref<1x128xf32, #tpu.memory_space<vmem>>, vector<1x128xf32>
      %get3A_72 = vector.shape_cast %get3A_71 : vector<1x128xf32> to vector<128xf32>
      %broadcast_in_dim3A_73 = vector.shape_cast %get3A_72 : vector<128xf32> to vector<1x128xf32>
      %add3A_74 = vector.broadcast %broadcast_in_dim3A_73 : vector<1x128xf32> to vector<8192x128xf32>
      %add3A_75 = arith.addf %dot_general3A_68, %add3A_74 : vector<8192x128xf32>
      %eq3A_76 = arith.constant 0 : i32
      %eq3A_77 = arith.cmpi eq, %arg1, %eq3A_76 : i32
      %convert_element_type3A_78 = arith.extui %eq3A_77 : i1 to i32
      %cond3A_79 = arith.constant 0 : i32
      %cond3A_80 = arith.cmpi ne, %convert_element_type3A_78, %cond3A_79 : i32
      scf.if %cond3A_80 {
        %broadcast_in_dim3A_100 = arith.constant 0.000000e+00 : f32
        %broadcast_in_dim3A_101 = vector.broadcast %broadcast_in_dim3A_100 : f32 to vector<8x128xf32>
        %swap3A_102 = arith.constant 0 : index
        %swap3A_103 = arith.constant 0 : index
        %swap3A_104 = vector.load %arg18[%swap3A_102, %swap3A_103] : memref<8x128xf32, #tpu.memory_space<vmem>>, vector<8x128xf32>
        tpu.vector_store %arg18[%swap3A_102, %swap3A_103], %broadcast_in_dim3A_101 {strides = array<i32>} : memref<8x128xf32, #tpu.memory_space<vmem>>, vector<8x128xf32>,
      } else {
      }
      %reduce_sum3A = arith.constant dense<0.000000e+00> : vector<128xf32>
      %reduce_sum3A_81 = vector.multi_reduction <add>, %add3A_75, %reduce_sum3A [0] : vector<8192x128xf32> to vector<128xf32>
      %broadcast_in_dim3A_82 = vector.shape_cast %reduce_sum3A_81 : vector<128xf32> to vector<1x128xf32>
      %mul3A_83 = arith.mulf %add3A_75, %add3A_75 : vector<8192x128xf32>
      %reduce_sum3A_84 = arith.constant dense<0.000000e+00> : vector<128xf32>
      %reduce_sum3A_85 = vector.multi_reduction <add>, %mul3A_83, %reduce_sum3A_84 [0] : vector<8192x128xf32> to vector<128xf32>
      %broadcast_in_dim3A_86 = vector.shape_cast %reduce_sum3A_85 : vector<128xf32> to vector<1x128xf32>
      %get3A_87 = arith.constant 0 : index
      %get3A_88 = arith.constant 0 : index
      %get3A_89 = vector.load %arg18[%get3A_87, %get3A_88] : memref<8x128xf32, #tpu.memory_space<vmem>>, vector<1x128xf32>
      %add3A_90 = arith.addf %get3A_89, %broadcast_in_dim3A_82 : vector<1x128xf32>
      %swap3A = arith.constant 0 : index
      %swap3A_91 = arith.constant 0 : index
      %swap3A_92 = vector.load %arg18[%swap3A, %swap3A_91] : memref<8x128xf32, #tpu.memory_space<vmem>>, vector<1x128xf32>
      tpu.vector_store %arg18[%swap3A, %swap3A_91], %add3A_90 {strides = array<i32>} : memref<8x128xf32, #tpu.memory_space<vmem>>, vector<1x128xf32>,
      %get3A_93 = arith.constant 1 : index
      %get3A_94 = arith.constant 0 : index
      %get3A_95 = vector.load %arg18[%get3A_93, %get3A_94] : memref<8x128xf32, #tpu.memory_space<vmem>>, vector<1x128xf32>
      %add3A_96 = arith.addf %get3A_95, %broadcast_in_dim3A_86 : vector<1x128xf32>
      %swap3A_97 = arith.constant 1 : index
      %swap3A_98 = arith.constant 0 : index
      %swap3A_99 = vector.load %arg18[%swap3A_97, %swap3A_98] : memref<8x128xf32, #tpu.memory_space<vmem>>, vector<1x128xf32>
      tpu.vector_store %arg18[%swap3A_97, %swap3A_98], %add3A_96 {strides = array<i32>} : memref<8x128xf32, #tpu.memory_space<vmem>>, vector<1x128xf32>,
    } else {
    }
    %eq3A_24 = arith.constant 2 : i32
    %eq3A_25 = arith.cmpi eq, %arg0, %eq3A_24 : i32
    %convert_element_type3A_26 = arith.extui %eq3A_25 : i1 to i32
    %cond3A_27 = arith.constant 0 : i32
    %cond3A_28 = arith.cmpi ne, %convert_element_type3A_26, %cond3A_27 : i32
    scf.if %cond3A_28 {
      %get3A_34 = arith.constant 0 : index
      %get3A_35 = arith.constant 0 : index
      %get3A_36 = vector.load %arg17[%get3A_34, %get3A_35] : memref<8x128xf32, #tpu.memory_space<vmem>>, vector<1x128xf32>
      %div3A = arith.constant 1.638400e+04 : f32
      %div3A_37 = vector.broadcast %div3A : f32 to vector<1x128xf32>
      %div3A_38 = arith.divf %get3A_36, %div3A_37 : vector<1x128xf32>
      %get3A_39 = arith.constant 1 : index
      %get3A_40 = arith.constant 0 : index
      %get3A_41 = vector.load %arg17[%get3A_39, %get3A_40] : memref<8x128xf32, #tpu.memory_space<vmem>>, vector<1x128xf32>
      %div3A_42 = arith.constant 1.638400e+04 : f32
      %div3A_43 = vector.broadcast %div3A_42 : f32 to vector<1x128xf32>
      %div3A_44 = arith.divf %get3A_41, %div3A_43 : vector<1x128xf32>
      %mul3A = arith.mulf %div3A_38, %div3A_38 : vector<1x128xf32>
      %sub3A_45 = arith.subf %div3A_44, %mul3A : vector<1x128xf32>
      %get3A_46 = arith.constant 0 : index
      %get3A_47 = arith.constant 0 : index
      %get3A_48 = vector.load %arg6[%get3A_46, %get3A_47] : memref<1x128xf32, #tpu.memory_space<vmem>>, vector<1x128xf32>
      %add3A_49 = arith.constant 9.99999974E-6 : f32
      %add3A_50 = vector.broadcast %add3A_49 : f32 to vector<1x128xf32>
      %add3A_51 = arith.addf %sub3A_45, %add3A_50 : vector<1x128xf32>
      %rsqrt3A = math.rsqrt %add3A_51 : vector<1x128xf32>
      %mul3A_52 = arith.mulf %get3A_48, %rsqrt3A : vector<1x128xf32>
      %get3A_53 = arith.constant 0 : index
      %get3A_54 = arith.constant 0 : index
      %get3A_55 = vector.load %arg7[%get3A_53, %get3A_54] : memref<1x128xf32, #tpu.memory_space<vmem>>, vector<1x128xf32>
      %mul3A_56 = arith.mulf %div3A_38, %mul3A_52 : vector<1x128xf32>
      %sub3A_57 = arith.subf %get3A_55, %mul3A_56 : vector<1x128xf32>
      %mul3A_58 = vector.broadcast %mul3A_52 : vector<1x128xf32> to vector<8192x128xf32>
      %mul3A_59 = arith.mulf %add3A_16, %mul3A_58 : vector<8192x128xf32>
      %add3A_60 = vector.broadcast %sub3A_57 : vector<1x128xf32> to vector<8192x128xf32>
      %add3A_61 = arith.addf %mul3A_59, %add3A_60 : vector<8192x128xf32>
      %max3A = arith.constant 0.000000e+00 : f32
      %max3A_62 = vector.broadcast %max3A : f32 to vector<8192x128xf32>
      %max3A_63 = arith.maximumf %add3A_61, %max3A_62 : vector<8192x128xf32>
      %get3A_64 = arith.constant 0 : index
      %get3A_65 = arith.constant 0 : index
      %get3A_66 = vector.load %arg8[%get3A_64, %get3A_65] : memref<128x128xf32, #tpu.memory_space<vmem>>, vector<128x128xf32>
      %dot_general3A_67 = arith.constant dense<0.000000e+00> : vector<8192x128xf32>
      %dot_general3A_68 = tpu.matmul %max3A_63, %get3A_66, %dot_general3A_67 {dimension_numbers = #tpu.dot_dimension_numbers<[1], [0], [0], [1], [0, 0, 1, 1], [], []>, transpose_lhs_hint = false} : vector<8192x128xf32>, vector<128x128xf32>, vector<8192x128xf32> -> vector<8192x128xf32>
      %get3A_69 = arith.constant 0 : index
      %get3A_70 = arith.constant 0 : index
      %get3A_71 = vector.load %arg9[%get3A_69, %get3A_70] : memref<1x128xf32, #tpu.memory_space<vmem>>, vector<1x128xf32>
      %get3A_72 = vector.shape_cast %get3A_71 : vector<1x128xf32> to vector<128xf32>
      %broadcast_in_dim3A_73 = vector.shape_cast %get3A_72 : vector<128xf32> to vector<1x128xf32>
      %add3A_74 = vector.broadcast %broadcast_in_dim3A_73 : vector<1x128xf32> to vector<8192x128xf32>
      %add3A_75 = arith.addf %dot_general3A_68, %add3A_74 : vector<8192x128xf32>
      %get3A_76 = arith.constant 0 : index
      %get3A_77 = arith.constant 0 : index
      %get3A_78 = vector.load %arg18[%get3A_76, %get3A_77] : memref<8x128xf32, #tpu.memory_space<vmem>>, vector<1x128xf32>
      %div3A_79 = arith.constant 1.638400e+04 : f32
      %div3A_80 = vector.broadcast %div3A_79 : f32 to vector<1x128xf32>
      %div3A_81 = arith.divf %get3A_78, %div3A_80 : vector<1x128xf32>
      %get3A_82 = arith.constant 1 : index
      %get3A_83 = arith.constant 0 : index
      %get3A_84 = vector.load %arg18[%get3A_82, %get3A_83] : memref<8x128xf32, #tpu.memory_space<vmem>>, vector<1x128xf32>
      %div3A_85 = arith.constant 1.638400e+04 : f32
      %div3A_86 = vector.broadcast %div3A_85 : f32 to vector<1x128xf32>
      %div3A_87 = arith.divf %get3A_84, %div3A_86 : vector<1x128xf32>
      %mul3A_88 = arith.mulf %div3A_81, %div3A_81 : vector<1x128xf32>
      %sub3A_89 = arith.subf %div3A_87, %mul3A_88 : vector<1x128xf32>
      %get3A_90 = arith.constant 0 : index
      %get3A_91 = arith.constant 0 : index
      %get3A_92 = vector.load %arg10[%get3A_90, %get3A_91] : memref<1x128xf32, #tpu.memory_space<vmem>>, vector<1x128xf32>
      %add3A_93 = arith.constant 9.99999974E-6 : f32
      %add3A_94 = vector.broadcast %add3A_93 : f32 to vector<1x128xf32>
      %add3A_95 = arith.addf %sub3A_89, %add3A_94 : vector<1x128xf32>
      %rsqrt3A_96 = math.rsqrt %add3A_95 : vector<1x128xf32>
      %mul3A_97 = arith.mulf %get3A_92, %rsqrt3A_96 : vector<1x128xf32>
      %get3A_98 = arith.constant 0 : index
      %get3A_99 = arith.constant 0 : index
      %get3A_100 = vector.load %arg11[%get3A_98, %get3A_99] : memref<1x128xf32, #tpu.memory_space<vmem>>, vector<1x128xf32>
      %mul3A_101 = arith.mulf %div3A_81, %mul3A_97 : vector<1x128xf32>
      %sub3A_102 = arith.subf %get3A_100, %mul3A_101 : vector<1x128xf32>
      %mul3A_103 = vector.broadcast %mul3A_97 : vector<1x128xf32> to vector<8192x128xf32>
      %mul3A_104 = arith.mulf %add3A_75, %mul3A_103 : vector<8192x128xf32>
      %add3A_105 = vector.broadcast %sub3A_102 : vector<1x128xf32> to vector<8192x128xf32>
      %add3A_106 = arith.addf %mul3A_104, %add3A_105 : vector<8192x128xf32>
      %max3A_107 = arith.constant 0.000000e+00 : f32
      %max3A_108 = vector.broadcast %max3A_107 : f32 to vector<8192x128xf32>
      %max3A_109 = arith.maximumf %add3A_106, %max3A_108 : vector<8192x128xf32>
      %get3A_110 = arith.constant 0 : index
      %get3A_111 = arith.constant 0 : index
      %get3A_112 = vector.load %arg12[%get3A_110, %get3A_111] : memref<128x256xf32, #tpu.memory_space<vmem>>, vector<128x256xf32>
      %dot_general3A_113 = arith.constant dense<0.000000e+00> : vector<8192x256xf32>
      %dot_general3A_114 = tpu.matmul %max3A_109, %get3A_112, %dot_general3A_113 {dimension_numbers = #tpu.dot_dimension_numbers<[1], [0], [0], [1], [0, 0, 1, 1], [], []>, transpose_lhs_hint = false} : vector<8192x128xf32>, vector<128x256xf32>, vector<8192x256xf32> -> vector<8192x256xf32>
      %get3A_115 = arith.constant 0 : index
      %get3A_116 = arith.constant 0 : index
      %get3A_117 = vector.load %arg13[%get3A_115, %get3A_116] : memref<1x256xf32, #tpu.memory_space<vmem>>, vector<1x256xf32>
      %get3A_118 = vector.shape_cast %get3A_117 : vector<1x256xf32> to vector<256xf32>
      %broadcast_in_dim3A_119 = vector.shape_cast %get3A_118 : vector<256xf32> to vector<1x256xf32>
      %add3A_120 = vector.broadcast %broadcast_in_dim3A_119 : vector<1x256xf32> to vector<8192x256xf32>
      %add3A_121 = arith.addf %dot_general3A_114, %add3A_120 : vector<8192x256xf32>
      %eq3A_122 = arith.constant 0 : i32
      %eq3A_123 = arith.cmpi eq, %arg1, %eq3A_122 : i32
      %convert_element_type3A_124 = arith.extui %eq3A_123 : i1 to i32
      %cond3A_125 = arith.constant 0 : i32
      %cond3A_126 = arith.cmpi ne, %convert_element_type3A_124, %cond3A_125 : i32
      scf.if %cond3A_126 {
        %broadcast_in_dim3A_146 = arith.constant 0.000000e+00 : f32
        %broadcast_in_dim3A_147 = vector.broadcast %broadcast_in_dim3A_146 : f32 to vector<8x256xf32>
        %swap3A_148 = arith.constant 0 : index
        %swap3A_149 = arith.constant 0 : index
        %swap3A_150 = vector.load %arg19[%swap3A_148, %swap3A_149] : memref<8x256xf32, #tpu.memory_space<vmem>>, vector<8x256xf32>
        tpu.vector_store %arg19[%swap3A_148, %swap3A_149], %broadcast_in_dim3A_147 {strides = array<i32>} : memref<8x256xf32, #tpu.memory_space<vmem>>, vector<8x256xf32>,
      } else {
      }
      %reduce_sum3A = arith.constant dense<0.000000e+00> : vector<256xf32>
      %reduce_sum3A_127 = vector.multi_reduction <add>, %add3A_121, %reduce_sum3A [0] : vector<8192x256xf32> to vector<256xf32>
      %broadcast_in_dim3A_128 = vector.shape_cast %reduce_sum3A_127 : vector<256xf32> to vector<1x256xf32>
      %mul3A_129 = arith.mulf %add3A_121, %add3A_121 : vector<8192x256xf32>
      %reduce_sum3A_130 = arith.constant dense<0.000000e+00> : vector<256xf32>
      %reduce_sum3A_131 = vector.multi_reduction <add>, %mul3A_129, %reduce_sum3A_130 [0] : vector<8192x256xf32> to vector<256xf32>
      %broadcast_in_dim3A_132 = vector.shape_cast %reduce_sum3A_131 : vector<256xf32> to vector<1x256xf32>
      %get3A_133 = arith.constant 0 : index
      %get3A_134 = arith.constant 0 : index
      %get3A_135 = vector.load %arg19[%get3A_133, %get3A_134] : memref<8x256xf32, #tpu.memory_space<vmem>>, vector<1x256xf32>
      %add3A_136 = arith.addf %get3A_135, %broadcast_in_dim3A_128 : vector<1x256xf32>
      %swap3A = arith.constant 0 : index
      %swap3A_137 = arith.constant 0 : index
      %swap3A_138 = vector.load %arg19[%swap3A, %swap3A_137] : memref<8x256xf32, #tpu.memory_space<vmem>>, vector<1x256xf32>
      tpu.vector_store %arg19[%swap3A, %swap3A_137], %add3A_136 {strides = array<i32>} : memref<8x256xf32, #tpu.memory_space<vmem>>, vector<1x256xf32>,
      %get3A_139 = arith.constant 1 : index
      %get3A_140 = arith.constant 0 : index
      %get3A_141 = vector.load %arg19[%get3A_139, %get3A_140] : memref<8x256xf32, #tpu.memory_space<vmem>>, vector<1x256xf32>
      %add3A_142 = arith.addf %get3A_141, %broadcast_in_dim3A_132 : vector<1x256xf32>
      %swap3A_143 = arith.constant 1 : index
      %swap3A_144 = arith.constant 0 : index
      %swap3A_145 = vector.load %arg19[%swap3A_143, %swap3A_144] : memref<8x256xf32, #tpu.memory_space<vmem>>, vector<1x256xf32>
      tpu.vector_store %arg19[%swap3A_143, %swap3A_144], %add3A_142 {strides = array<i32>} : memref<8x256xf32, #tpu.memory_space<vmem>>, vector<1x256xf32>,
    } else {
    }
    %eq3A_29 = arith.constant 3 : i32
    %eq3A_30 = arith.cmpi eq, %arg0, %eq3A_29 : i32
    %convert_element_type3A_31 = arith.extui %eq3A_30 : i1 to i32
    %cond3A_32 = arith.constant 0 : i32
    %cond3A_33 = arith.cmpi ne, %convert_element_type3A_31, %cond3A_32 : i32
    scf.if %cond3A_33 {
      %get3A_34 = arith.constant 0 : index
      %get3A_35 = arith.constant 0 : index
      %get3A_36 = vector.load %arg17[%get3A_34, %get3A_35] : memref<8x128xf32, #tpu.memory_space<vmem>>, vector<1x128xf32>
      %div3A = arith.constant 1.638400e+04 : f32
      %div3A_37 = vector.broadcast %div3A : f32 to vector<1x128xf32>
      %div3A_38 = arith.divf %get3A_36, %div3A_37 : vector<1x128xf32>
      %get3A_39 = arith.constant 1 : index
      %get3A_40 = arith.constant 0 : index
      %get3A_41 = vector.load %arg17[%get3A_39, %get3A_40] : memref<8x128xf32, #tpu.memory_space<vmem>>, vector<1x128xf32>
      %div3A_42 = arith.constant 1.638400e+04 : f32
      %div3A_43 = vector.broadcast %div3A_42 : f32 to vector<1x128xf32>
      %div3A_44 = arith.divf %get3A_41, %div3A_43 : vector<1x128xf32>
      %mul3A = arith.mulf %div3A_38, %div3A_38 : vector<1x128xf32>
      %sub3A_45 = arith.subf %div3A_44, %mul3A : vector<1x128xf32>
      %get3A_46 = arith.constant 0 : index
      %get3A_47 = arith.constant 0 : index
      %get3A_48 = vector.load %arg6[%get3A_46, %get3A_47] : memref<1x128xf32, #tpu.memory_space<vmem>>, vector<1x128xf32>
      %add3A_49 = arith.constant 9.99999974E-6 : f32
      %add3A_50 = vector.broadcast %add3A_49 : f32 to vector<1x128xf32>
      %add3A_51 = arith.addf %sub3A_45, %add3A_50 : vector<1x128xf32>
      %rsqrt3A = math.rsqrt %add3A_51 : vector<1x128xf32>
      %mul3A_52 = arith.mulf %get3A_48, %rsqrt3A : vector<1x128xf32>
      %get3A_53 = arith.constant 0 : index
      %get3A_54 = arith.constant 0 : index
      %get3A_55 = vector.load %arg7[%get3A_53, %get3A_54] : memref<1x128xf32, #tpu.memory_space<vmem>>, vector<1x128xf32>
      %mul3A_56 = arith.mulf %div3A_38, %mul3A_52 : vector<1x128xf32>
      %sub3A_57 = arith.subf %get3A_55, %mul3A_56 : vector<1x128xf32>
      %mul3A_58 = vector.broadcast %mul3A_52 : vector<1x128xf32> to vector<8192x128xf32>
      %mul3A_59 = arith.mulf %add3A_16, %mul3A_58 : vector<8192x128xf32>
      %add3A_60 = vector.broadcast %sub3A_57 : vector<1x128xf32> to vector<8192x128xf32>
      %add3A_61 = arith.addf %mul3A_59, %add3A_60 : vector<8192x128xf32>
      %max3A = arith.constant 0.000000e+00 : f32
      %max3A_62 = vector.broadcast %max3A : f32 to vector<8192x128xf32>
      %max3A_63 = arith.maximumf %add3A_61, %max3A_62 : vector<8192x128xf32>
      %get3A_64 = arith.constant 0 : index
      %get3A_65 = arith.constant 0 : index
      %get3A_66 = vector.load %arg8[%get3A_64, %get3A_65] : memref<128x128xf32, #tpu.memory_space<vmem>>, vector<128x128xf32>
      %dot_general3A_67 = arith.constant dense<0.000000e+00> : vector<8192x128xf32>
      %dot_general3A_68 = tpu.matmul %max3A_63, %get3A_66, %dot_general3A_67 {dimension_numbers = #tpu.dot_dimension_numbers<[1], [0], [0], [1], [0, 0, 1, 1], [], []>, transpose_lhs_hint = false} : vector<8192x128xf32>, vector<128x128xf32>, vector<8192x128xf32> -> vector<8192x128xf32>
      %get3A_69 = arith.constant 0 : index
      %get3A_70 = arith.constant 0 : index
      %get3A_71 = vector.load %arg9[%get3A_69, %get3A_70] : memref<1x128xf32, #tpu.memory_space<vmem>>, vector<1x128xf32>
      %get3A_72 = vector.shape_cast %get3A_71 : vector<1x128xf32> to vector<128xf32>
      %broadcast_in_dim3A_73 = vector.shape_cast %get3A_72 : vector<128xf32> to vector<1x128xf32>
      %add3A_74 = vector.broadcast %broadcast_in_dim3A_73 : vector<1x128xf32> to vector<8192x128xf32>
      %add3A_75 = arith.addf %dot_general3A_68, %add3A_74 : vector<8192x128xf32>
      %get3A_76 = arith.constant 0 : index
      %get3A_77 = arith.constant 0 : index
      %get3A_78 = vector.load %arg18[%get3A_76, %get3A_77] : memref<8x128xf32, #tpu.memory_space<vmem>>, vector<1x128xf32>
      %div3A_79 = arith.constant 1.638400e+04 : f32
      %div3A_80 = vector.broadcast %div3A_79 : f32 to vector<1x128xf32>
      %div3A_81 = arith.divf %get3A_78, %div3A_80 : vector<1x128xf32>
      %get3A_82 = arith.constant 1 : index
      %get3A_83 = arith.constant 0 : index
      %get3A_84 = vector.load %arg18[%get3A_82, %get3A_83] : memref<8x128xf32, #tpu.memory_space<vmem>>, vector<1x128xf32>
      %div3A_85 = arith.constant 1.638400e+04 : f32
      %div3A_86 = vector.broadcast %div3A_85 : f32 to vector<1x128xf32>
      %div3A_87 = arith.divf %get3A_84, %div3A_86 : vector<1x128xf32>
      %mul3A_88 = arith.mulf %div3A_81, %div3A_81 : vector<1x128xf32>
      %sub3A_89 = arith.subf %div3A_87, %mul3A_88 : vector<1x128xf32>
      %get3A_90 = arith.constant 0 : index
      %get3A_91 = arith.constant 0 : index
      %get3A_92 = vector.load %arg10[%get3A_90, %get3A_91] : memref<1x128xf32, #tpu.memory_space<vmem>>, vector<1x128xf32>
      %add3A_93 = arith.constant 9.99999974E-6 : f32
      %add3A_94 = vector.broadcast %add3A_93 : f32 to vector<1x128xf32>
      %add3A_95 = arith.addf %sub3A_89, %add3A_94 : vector<1x128xf32>
      %rsqrt3A_96 = math.rsqrt %add3A_95 : vector<1x128xf32>
      %mul3A_97 = arith.mulf %get3A_92, %rsqrt3A_96 : vector<1x128xf32>
      %get3A_98 = arith.constant 0 : index
      %get3A_99 = arith.constant 0 : index
      %get3A_100 = vector.load %arg11[%get3A_98, %get3A_99] : memref<1x128xf32, #tpu.memory_space<vmem>>, vector<1x128xf32>
      %mul3A_101 = arith.mulf %div3A_81, %mul3A_97 : vector<1x128xf32>
      %sub3A_102 = arith.subf %get3A_100, %mul3A_101 : vector<1x128xf32>
      %mul3A_103 = vector.broadcast %mul3A_97 : vector<1x128xf32> to vector<8192x128xf32>
      %mul3A_104 = arith.mulf %add3A_75, %mul3A_103 : vector<8192x128xf32>
      %add3A_105 = vector.broadcast %sub3A_102 : vector<1x128xf32> to vector<8192x128xf32>
      %add3A_106 = arith.addf %mul3A_104, %add3A_105 : vector<8192x128xf32>
      %max3A_107 = arith.constant 0.000000e+00 : f32
      %max3A_108 = vector.broadcast %max3A_107 : f32 to vector<8192x128xf32>
      %max3A_109 = arith.maximumf %add3A_106, %max3A_108 : vector<8192x128xf32>
      %get3A_110 = arith.constant 0 : index
      %get3A_111 = arith.constant 0 : index
      %get3A_112 = vector.load %arg12[%get3A_110, %get3A_111] : memref<128x256xf32, #tpu.memory_space<vmem>>, vector<128x256xf32>
      %dot_general3A_113 = arith.constant dense<0.000000e+00> : vector<8192x256xf32>
      %dot_general3A_114 = tpu.matmul %max3A_109, %get3A_112, %dot_general3A_113 {dimension_numbers = #tpu.dot_dimension_numbers<[1], [0], [0], [1], [0, 0, 1, 1], [], []>, transpose_lhs_hint = false} : vector<8192x128xf32>, vector<128x256xf32>, vector<8192x256xf32> -> vector<8192x256xf32>
      %get3A_115 = arith.constant 0 : index
      %get3A_116 = arith.constant 0 : index
      %get3A_117 = vector.load %arg13[%get3A_115, %get3A_116] : memref<1x256xf32, #tpu.memory_space<vmem>>, vector<1x256xf32>
      %get3A_118 = vector.shape_cast %get3A_117 : vector<1x256xf32> to vector<256xf32>
      %broadcast_in_dim3A_119 = vector.shape_cast %get3A_118 : vector<256xf32> to vector<1x256xf32>
      %add3A_120 = vector.broadcast %broadcast_in_dim3A_119 : vector<1x256xf32> to vector<8192x256xf32>
      %add3A_121 = arith.addf %dot_general3A_114, %add3A_120 : vector<8192x256xf32>
      %get3A_122 = arith.constant 0 : index
      %get3A_123 = arith.constant 0 : index
      %get3A_124 = vector.load %arg19[%get3A_122, %get3A_123] : memref<8x256xf32, #tpu.memory_space<vmem>>, vector<1x256xf32>
      %div3A_125 = arith.constant 1.638400e+04 : f32
      %div3A_126 = vector.broadcast %div3A_125 : f32 to vector<1x256xf32>
      %div3A_127 = arith.divf %get3A_124, %div3A_126 : vector<1x256xf32>
      %get3A_128 = arith.constant 1 : index
      %get3A_129 = arith.constant 0 : index
      %get3A_130 = vector.load %arg19[%get3A_128, %get3A_129] : memref<8x256xf32, #tpu.memory_space<vmem>>, vector<1x256xf32>
      %div3A_131 = arith.constant 1.638400e+04 : f32
      %div3A_132 = vector.broadcast %div3A_131 : f32 to vector<1x256xf32>
      %div3A_133 = arith.divf %get3A_130, %div3A_132 : vector<1x256xf32>
      %mul3A_134 = arith.mulf %div3A_127, %div3A_127 : vector<1x256xf32>
      %sub3A_135 = arith.subf %div3A_133, %mul3A_134 : vector<1x256xf32>
      %get3A_136 = arith.constant 0 : index
      %get3A_137 = arith.constant 0 : index
      %get3A_138 = vector.load %arg14[%get3A_136, %get3A_137] : memref<1x256xf32, #tpu.memory_space<vmem>>, vector<1x256xf32>
      %add3A_139 = arith.constant 9.99999974E-6 : f32
      %add3A_140 = vector.broadcast %add3A_139 : f32 to vector<1x256xf32>
      %add3A_141 = arith.addf %sub3A_135, %add3A_140 : vector<1x256xf32>
      %rsqrt3A_142 = math.rsqrt %add3A_141 : vector<1x256xf32>
      %mul3A_143 = arith.mulf %get3A_138, %rsqrt3A_142 : vector<1x256xf32>
      %get3A_144 = arith.constant 0 : index
      %get3A_145 = arith.constant 0 : index
      %get3A_146 = vector.load %arg15[%get3A_144, %get3A_145] : memref<1x256xf32, #tpu.memory_space<vmem>>, vector<1x256xf32>
      %mul3A_147 = arith.mulf %div3A_127, %mul3A_143 : vector<1x256xf32>
      %sub3A_148 = arith.subf %get3A_146, %mul3A_147 : vector<1x256xf32>
      %mul3A_149 = vector.broadcast %mul3A_143 : vector<1x256xf32> to vector<8192x256xf32>
      %mul3A_150 = arith.mulf %add3A_121, %mul3A_149 : vector<8192x256xf32>
      %add3A_151 = vector.broadcast %sub3A_148 : vector<1x256xf32> to vector<8192x256xf32>
      %add3A_152 = arith.addf %mul3A_150, %add3A_151 : vector<8192x256xf32>
      %max3A_153 = arith.constant 0.000000e+00 : f32
      %max3A_154 = vector.broadcast %max3A_153 : f32 to vector<8192x256xf32>
      %max3A_155 = arith.maximumf %add3A_152, %max3A_154 : vector<8192x256xf32>
      %reshape3A_156 = vector.shape_cast %max3A_155 : vector<8192x256xf32> to vector<256x32x256xf32>
      %reduce_max3A = arith.constant dense<0xFF800000> : vector<256x256xf32>
      %reduce_max3A_157 = vector.multi_reduction <maximumf>, %reshape3A_156, %reduce_max3A [1] : vector<256x32x256xf32> to vector<256x256xf32>
      %swap3A = arith.constant 0 : index
      %swap3A_158 = arith.constant 0 : index
      %swap3A_159 = vector.load %arg16[%swap3A, %swap3A_158] : memref<256x256xf32, #tpu.memory_space<vmem>>, vector<256x256xf32>
      tpu.vector_store %arg16[%swap3A, %swap3A_158], %reduce_max3A_157 {strides = array<i32>} : memref<256x256xf32, #tpu.memory_space<vmem>>, vector<256x256xf32>,
    } else {
    }
    return
  }
  func.func @transform_0(%arg0: i32, %arg1: i32) -> (i32, i32) {
    %c0_i32 = arith.constant 0 : i32
    %c0_i32_0 = arith.constant 0 : i32
    return %arg1, %c0_i32 : i32, i32
  }
  func.func @transform_1(%arg0: i32, %arg1: i32) -> (i32, i32) {
    %c0_i32 = arith.constant 0 : i32
    %c0_i32_0 = arith.constant 0 : i32
    return %arg1, %c0_i32 : i32, i32
  }
  func.func @transform_2(%arg0: i32, %arg1: i32) -> (i32, i32) {
    %c0_i32 = arith.constant 0 : i32
    %c0_i32_0 = arith.constant 0 : i32
    %c0_i32_1 = arith.constant 0 : i32
    return %c0_i32, %c0_i32_0 : i32, i32
  }
  func.func @transform_3(%arg0: i32, %arg1: i32) -> (i32, i32) {
    %c0_i32 = arith.constant 0 : i32
    %c0_i32_0 = arith.constant 0 : i32
    %c0_i32_1 = arith.constant 0 : i32
    return %c0_i32, %c0_i32_0 : i32, i32
  }
  func.func @transform_4(%arg0: i32, %arg1: i32) -> (i32, i32) {
    %c0_i32 = arith.constant 0 : i32
    %c0_i32_0 = arith.constant 0 : i32
    %c0_i32_1 = arith.constant 0 : i32
    return %c0_i32, %c0_i32_0 : i32, i32
  }
  func.func @transform_5(%arg0: i32, %arg1: i32) -> (i32, i32) {
    %c0_i32 = arith.constant 0 : i32
    %c0_i32_0 = arith.constant 0 : i32
    %c0_i32_1 = arith.constant 0 : i32
    return %c0_i32, %c0_i32_0 : i32, i32
  }
  func.func @transform_6(%arg0: i32, %arg1: i32) -> (i32, i32) {
    %c0_i32 = arith.constant 0 : i32
    %c0_i32_0 = arith.constant 0 : i32
    %c0_i32_1 = arith.constant 0 : i32
    return %c0_i32, %c0_i32_0 : i32, i32
  }
  func.func @transform_7(%arg0: i32, %arg1: i32) -> (i32, i32) {
    %c0_i32 = arith.constant 0 : i32
    %c0_i32_0 = arith.constant 0 : i32
    %c0_i32_1 = arith.constant 0 : i32
    return %c0_i32, %c0_i32_0 : i32, i32
  }
  func.func @transform_8(%arg0: i32, %arg1: i32) -> (i32, i32) {
    %c0_i32 = arith.constant 0 : i32
    %c0_i32_0 = arith.constant 0 : i32
    %c0_i32_1 = arith.constant 0 : i32
    return %c0_i32, %c0_i32_0 : i32, i32
  }
  func.func @transform_9(%arg0: i32, %arg1: i32) -> (i32, i32) {
    %c0_i32 = arith.constant 0 : i32
    %c0_i32_0 = arith.constant 0 : i32
    %c0_i32_1 = arith.constant 0 : i32
    return %c0_i32, %c0_i32_0 : i32, i32
  }
  func.func @transform_10(%arg0: i32, %arg1: i32) -> (i32, i32) {
    %c0_i32 = arith.constant 0 : i32
    %c0_i32_0 = arith.constant 0 : i32
    %c0_i32_1 = arith.constant 0 : i32
    return %c0_i32, %c0_i32_0 : i32, i32
  }
  func.func @transform_11(%arg0: i32, %arg1: i32) -> (i32, i32) {
    %c0_i32 = arith.constant 0 : i32
    %c0_i32_0 = arith.constant 0 : i32
    %c0_i32_1 = arith.constant 0 : i32
    return %c0_i32, %c0_i32_0 : i32, i32
  }
  func.func @transform_12(%arg0: i32, %arg1: i32) -> (i32, i32) {
    %c0_i32 = arith.constant 0 : i32
    %c0_i32_0 = arith.constant 0 : i32
    %c0_i32_1 = arith.constant 0 : i32
    return %c0_i32, %c0_i32_0 : i32, i32
  }
  func.func @transform_13(%arg0: i32, %arg1: i32) -> (i32, i32) {
    %c0_i32 = arith.constant 0 : i32
    %c0_i32_0 = arith.constant 0 : i32
    %c0_i32_1 = arith.constant 0 : i32
    return %c0_i32, %c0_i32_0 : i32, i32
  }
  func.func @transform_14(%arg0: i32, %arg1: i32) -> (i32, i32) {
    %c0_i32 = arith.constant 0 : i32
    %c0_i32_0 = arith.constant 0 : i32
    return %arg1, %c0_i32 : i32, i32
  }
}

module attributes {stable_mosaic.version = 14 : i64} {
  func.func @_mlp_fused_body(%arg0: i32, %arg1: i32, %arg2: memref<4096x272xf32, #tpu.memory_space<vmem>>, %arg3: memref<128x272xf32, #tpu.memory_space<vmem>>, %arg4: memref<272x256xf32, #tpu.memory_space<vmem>>, %arg5: memref<1x256xf32, #tpu.memory_space<vmem>>, %arg6: memref<1x256xf32, #tpu.memory_space<vmem>>, %arg7: memref<1x256xf32, #tpu.memory_space<vmem>>, %arg8: memref<256x256xf32, #tpu.memory_space<vmem>>, %arg9: memref<1x256xf32, #tpu.memory_space<vmem>>, %arg10: memref<1x256xf32, #tpu.memory_space<vmem>>, %arg11: memref<1x256xf32, #tpu.memory_space<vmem>>, %arg12: memref<256x512xf32, #tpu.memory_space<vmem>>, %arg13: memref<1x512xf32, #tpu.memory_space<vmem>>, %arg14: memref<1x512xf32, #tpu.memory_space<vmem>>, %arg15: memref<1x512xf32, #tpu.memory_space<vmem>>, %arg16: memref<128x512xf32, #tpu.memory_space<vmem>>, %arg17: memref<8x256xf32, #tpu.memory_space<vmem>>, %arg18: memref<8x256xf32, #tpu.memory_space<vmem>>, %arg19: memref<8x512xf32, #tpu.memory_space<vmem>>) attributes {dimension_semantics = [#tpu.dimension_semantics<arbitrary>, #tpu.dimension_semantics<arbitrary>], iteration_bounds = array<i64: 4, 1>, scalar_prefetch = 0 : i64, scratch_operands = 3 : i64, tpu.core_type = #tpu.core_type<tc>, window_params = [{transform_indices = @transform_0, window_bounds = array<i64: 4096, 272>}, {transform_indices = @transform_1, window_bounds = array<i64: 128, 272>}, {pipeline_mode = #tpu.pipeline_mode<synchronous>, transform_indices = @transform_2, window_bounds = array<i64: 272, 256>}, {pipeline_mode = #tpu.pipeline_mode<synchronous>, transform_indices = @transform_3, window_bounds = array<i64: 1, 256>}, {pipeline_mode = #tpu.pipeline_mode<synchronous>, transform_indices = @transform_4, window_bounds = array<i64: 1, 256>}, {pipeline_mode = #tpu.pipeline_mode<synchronous>, transform_indices = @transform_5, window_bounds = array<i64: 1, 256>}, {pipeline_mode = #tpu.pipeline_mode<synchronous>, transform_indices = @transform_6, window_bounds = array<i64: 256, 256>}, {pipeline_mode = #tpu.pipeline_mode<synchronous>, transform_indices = @transform_7, window_bounds = array<i64: 1, 256>}, {pipeline_mode = #tpu.pipeline_mode<synchronous>, transform_indices = @transform_8, window_bounds = array<i64: 1, 256>}, {pipeline_mode = #tpu.pipeline_mode<synchronous>, transform_indices = @transform_9, window_bounds = array<i64: 1, 256>}, {pipeline_mode = #tpu.pipeline_mode<synchronous>, transform_indices = @transform_10, window_bounds = array<i64: 256, 512>}, {pipeline_mode = #tpu.pipeline_mode<synchronous>, transform_indices = @transform_11, window_bounds = array<i64: 1, 512>}, {pipeline_mode = #tpu.pipeline_mode<synchronous>, transform_indices = @transform_12, window_bounds = array<i64: 1, 512>}, {pipeline_mode = #tpu.pipeline_mode<synchronous>, transform_indices = @transform_13, window_bounds = array<i64: 1, 512>}, {transform_indices = @transform_14, window_bounds = array<i64: 128, 512>}]} {
    %get3A = arith.constant 0 : index
    %get3A_0 = arith.constant 0 : index
    %get3A_1 = vector.load %arg3[%get3A, %get3A_0] : memref<128x272xf32, #tpu.memory_space<vmem>>, vector<128x272xf32>
    %broadcast_in_dim3A = vector.shape_cast %get3A_1 : vector<128x272xf32> to vector<128x1x272xf32>
    %broadcast_in_dim3A_2 = vector.shape_cast %broadcast_in_dim3A : vector<128x1x272xf32> to vector<128x1x272xf32>
    %broadcast_in_dim3A_3 = vector.broadcast %broadcast_in_dim3A_2 : vector<128x1x272xf32> to vector<128x32x272xf32>
    %reshape3A = vector.shape_cast %broadcast_in_dim3A_3 : vector<128x32x272xf32> to vector<4096x272xf32>
    %get3A_4 = arith.constant 0 : index
    %get3A_5 = arith.constant 0 : index
    %get3A_6 = vector.load %arg2[%get3A_4, %get3A_5] : memref<4096x272xf32, #tpu.memory_space<vmem>>, vector<4096x272xf32>
    %sub3A = arith.subf %get3A_6, %reshape3A : vector<4096x272xf32>
    %get3A_7 = arith.constant 0 : index
    %get3A_8 = arith.constant 0 : index
    %get3A_9 = vector.load %arg4[%get3A_7, %get3A_8] : memref<272x256xf32, #tpu.memory_space<vmem>>, vector<272x256xf32>
    %dot_general3A = arith.constant dense<0.000000e+00> : vector<4096x256xf32>
    %dot_general3A_10 = tpu.matmul %sub3A, %get3A_9, %dot_general3A {dimension_numbers = #tpu.dot_dimension_numbers<[1], [0], [0], [1], [0, 0, 1, 1], [], []>, transpose_lhs_hint = false} : vector<4096x272xf32>, vector<272x256xf32>, vector<4096x256xf32> -> vector<4096x256xf32>
    %get3A_11 = arith.constant 0 : index
    %get3A_12 = arith.constant 0 : index
    %get3A_13 = vector.load %arg5[%get3A_11, %get3A_12] : memref<1x256xf32, #tpu.memory_space<vmem>>, vector<1x256xf32>
    %get3A_14 = vector.shape_cast %get3A_13 : vector<1x256xf32> to vector<256xf32>
    %broadcast_in_dim3A_15 = vector.shape_cast %get3A_14 : vector<256xf32> to vector<1x256xf32>
    %add3A = vector.broadcast %broadcast_in_dim3A_15 : vector<1x256xf32> to vector<4096x256xf32>
    %add3A_16 = arith.addf %dot_general3A_10, %add3A : vector<4096x256xf32>
    %eq3A = arith.constant 0 : i32
    %eq3A_17 = arith.cmpi eq, %arg0, %eq3A : i32
    %convert_element_type3A = arith.extui %eq3A_17 : i1 to i32
    %cond3A = arith.constant 0 : i32
    %cond3A_18 = arith.cmpi ne, %convert_element_type3A, %cond3A : i32
    scf.if %cond3A_18 {
      %eq3A_34 = arith.constant 0 : i32
      %eq3A_35 = arith.cmpi eq, %arg1, %eq3A_34 : i32
      %convert_element_type3A_36 = arith.extui %eq3A_35 : i1 to i32
      %cond3A_37 = arith.constant 0 : i32
      %cond3A_38 = arith.cmpi ne, %convert_element_type3A_36, %cond3A_37 : i32
      scf.if %cond3A_38 {
        %broadcast_in_dim3A_57 = arith.constant 0.000000e+00 : f32
        %broadcast_in_dim3A_58 = vector.broadcast %broadcast_in_dim3A_57 : f32 to vector<8x256xf32>
        %swap3A_59 = arith.constant 0 : index
        %swap3A_60 = arith.constant 0 : index
        %swap3A_61 = vector.load %arg17[%swap3A_59, %swap3A_60] : memref<8x256xf32, #tpu.memory_space<vmem>>, vector<8x256xf32>
        tpu.vector_store %arg17[%swap3A_59, %swap3A_60], %broadcast_in_dim3A_58 {strides = array<i32>} : memref<8x256xf32, #tpu.memory_space<vmem>>, vector<8x256xf32>,
      } else {
      }
      %reduce_sum3A = arith.constant dense<0.000000e+00> : vector<256xf32>
      %reduce_sum3A_39 = vector.multi_reduction <add>, %add3A_16, %reduce_sum3A [0] : vector<4096x256xf32> to vector<256xf32>
      %broadcast_in_dim3A_40 = vector.shape_cast %reduce_sum3A_39 : vector<256xf32> to vector<1x256xf32>
      %mul3A = arith.mulf %add3A_16, %add3A_16 : vector<4096x256xf32>
      %reduce_sum3A_41 = arith.constant dense<0.000000e+00> : vector<256xf32>
      %reduce_sum3A_42 = vector.multi_reduction <add>, %mul3A, %reduce_sum3A_41 [0] : vector<4096x256xf32> to vector<256xf32>
      %broadcast_in_dim3A_43 = vector.shape_cast %reduce_sum3A_42 : vector<256xf32> to vector<1x256xf32>
      %get3A_44 = arith.constant 0 : index
      %get3A_45 = arith.constant 0 : index
      %get3A_46 = vector.load %arg17[%get3A_44, %get3A_45] : memref<8x256xf32, #tpu.memory_space<vmem>>, vector<1x256xf32>
      %add3A_47 = arith.addf %get3A_46, %broadcast_in_dim3A_40 : vector<1x256xf32>
      %swap3A = arith.constant 0 : index
      %swap3A_48 = arith.constant 0 : index
      %swap3A_49 = vector.load %arg17[%swap3A, %swap3A_48] : memref<8x256xf32, #tpu.memory_space<vmem>>, vector<1x256xf32>
      tpu.vector_store %arg17[%swap3A, %swap3A_48], %add3A_47 {strides = array<i32>} : memref<8x256xf32, #tpu.memory_space<vmem>>, vector<1x256xf32>,
      %get3A_50 = arith.constant 1 : index
      %get3A_51 = arith.constant 0 : index
      %get3A_52 = vector.load %arg17[%get3A_50, %get3A_51] : memref<8x256xf32, #tpu.memory_space<vmem>>, vector<1x256xf32>
      %add3A_53 = arith.addf %get3A_52, %broadcast_in_dim3A_43 : vector<1x256xf32>
      %swap3A_54 = arith.constant 1 : index
      %swap3A_55 = arith.constant 0 : index
      %swap3A_56 = vector.load %arg17[%swap3A_54, %swap3A_55] : memref<8x256xf32, #tpu.memory_space<vmem>>, vector<1x256xf32>
      tpu.vector_store %arg17[%swap3A_54, %swap3A_55], %add3A_53 {strides = array<i32>} : memref<8x256xf32, #tpu.memory_space<vmem>>, vector<1x256xf32>,
    } else {
    }
    %eq3A_19 = arith.constant 1 : i32
    %eq3A_20 = arith.cmpi eq, %arg0, %eq3A_19 : i32
    %convert_element_type3A_21 = arith.extui %eq3A_20 : i1 to i32
    %cond3A_22 = arith.constant 0 : i32
    %cond3A_23 = arith.cmpi ne, %convert_element_type3A_21, %cond3A_22 : i32
    scf.if %cond3A_23 {
      %get3A_34 = arith.constant 0 : index
      %get3A_35 = arith.constant 0 : index
      %get3A_36 = vector.load %arg17[%get3A_34, %get3A_35] : memref<8x256xf32, #tpu.memory_space<vmem>>, vector<1x256xf32>
      %div3A = arith.constant 4.096000e+03 : f32
      %div3A_37 = vector.broadcast %div3A : f32 to vector<1x256xf32>
      %div3A_38 = arith.divf %get3A_36, %div3A_37 : vector<1x256xf32>
      %get3A_39 = arith.constant 1 : index
      %get3A_40 = arith.constant 0 : index
      %get3A_41 = vector.load %arg17[%get3A_39, %get3A_40] : memref<8x256xf32, #tpu.memory_space<vmem>>, vector<1x256xf32>
      %div3A_42 = arith.constant 4.096000e+03 : f32
      %div3A_43 = vector.broadcast %div3A_42 : f32 to vector<1x256xf32>
      %div3A_44 = arith.divf %get3A_41, %div3A_43 : vector<1x256xf32>
      %mul3A = arith.mulf %div3A_38, %div3A_38 : vector<1x256xf32>
      %sub3A_45 = arith.subf %div3A_44, %mul3A : vector<1x256xf32>
      %get3A_46 = arith.constant 0 : index
      %get3A_47 = arith.constant 0 : index
      %get3A_48 = vector.load %arg6[%get3A_46, %get3A_47] : memref<1x256xf32, #tpu.memory_space<vmem>>, vector<1x256xf32>
      %add3A_49 = arith.constant 9.99999974E-6 : f32
      %add3A_50 = vector.broadcast %add3A_49 : f32 to vector<1x256xf32>
      %add3A_51 = arith.addf %sub3A_45, %add3A_50 : vector<1x256xf32>
      %rsqrt3A = math.rsqrt %add3A_51 : vector<1x256xf32>
      %mul3A_52 = arith.mulf %get3A_48, %rsqrt3A : vector<1x256xf32>
      %get3A_53 = arith.constant 0 : index
      %get3A_54 = arith.constant 0 : index
      %get3A_55 = vector.load %arg7[%get3A_53, %get3A_54] : memref<1x256xf32, #tpu.memory_space<vmem>>, vector<1x256xf32>
      %mul3A_56 = arith.mulf %div3A_38, %mul3A_52 : vector<1x256xf32>
      %sub3A_57 = arith.subf %get3A_55, %mul3A_56 : vector<1x256xf32>
      %mul3A_58 = vector.broadcast %mul3A_52 : vector<1x256xf32> to vector<4096x256xf32>
      %mul3A_59 = arith.mulf %add3A_16, %mul3A_58 : vector<4096x256xf32>
      %add3A_60 = vector.broadcast %sub3A_57 : vector<1x256xf32> to vector<4096x256xf32>
      %add3A_61 = arith.addf %mul3A_59, %add3A_60 : vector<4096x256xf32>
      %max3A = arith.constant 0.000000e+00 : f32
      %max3A_62 = vector.broadcast %max3A : f32 to vector<4096x256xf32>
      %max3A_63 = arith.maximumf %add3A_61, %max3A_62 : vector<4096x256xf32>
      %get3A_64 = arith.constant 0 : index
      %get3A_65 = arith.constant 0 : index
      %get3A_66 = vector.load %arg8[%get3A_64, %get3A_65] : memref<256x256xf32, #tpu.memory_space<vmem>>, vector<256x256xf32>
      %dot_general3A_67 = arith.constant dense<0.000000e+00> : vector<4096x256xf32>
      %dot_general3A_68 = tpu.matmul %max3A_63, %get3A_66, %dot_general3A_67 {dimension_numbers = #tpu.dot_dimension_numbers<[1], [0], [0], [1], [0, 0, 1, 1], [], []>, transpose_lhs_hint = false} : vector<4096x256xf32>, vector<256x256xf32>, vector<4096x256xf32> -> vector<4096x256xf32>
      %get3A_69 = arith.constant 0 : index
      %get3A_70 = arith.constant 0 : index
      %get3A_71 = vector.load %arg9[%get3A_69, %get3A_70] : memref<1x256xf32, #tpu.memory_space<vmem>>, vector<1x256xf32>
      %get3A_72 = vector.shape_cast %get3A_71 : vector<1x256xf32> to vector<256xf32>
      %broadcast_in_dim3A_73 = vector.shape_cast %get3A_72 : vector<256xf32> to vector<1x256xf32>
      %add3A_74 = vector.broadcast %broadcast_in_dim3A_73 : vector<1x256xf32> to vector<4096x256xf32>
      %add3A_75 = arith.addf %dot_general3A_68, %add3A_74 : vector<4096x256xf32>
      %eq3A_76 = arith.constant 0 : i32
      %eq3A_77 = arith.cmpi eq, %arg1, %eq3A_76 : i32
      %convert_element_type3A_78 = arith.extui %eq3A_77 : i1 to i32
      %cond3A_79 = arith.constant 0 : i32
      %cond3A_80 = arith.cmpi ne, %convert_element_type3A_78, %cond3A_79 : i32
      scf.if %cond3A_80 {
        %broadcast_in_dim3A_100 = arith.constant 0.000000e+00 : f32
        %broadcast_in_dim3A_101 = vector.broadcast %broadcast_in_dim3A_100 : f32 to vector<8x256xf32>
        %swap3A_102 = arith.constant 0 : index
        %swap3A_103 = arith.constant 0 : index
        %swap3A_104 = vector.load %arg18[%swap3A_102, %swap3A_103] : memref<8x256xf32, #tpu.memory_space<vmem>>, vector<8x256xf32>
        tpu.vector_store %arg18[%swap3A_102, %swap3A_103], %broadcast_in_dim3A_101 {strides = array<i32>} : memref<8x256xf32, #tpu.memory_space<vmem>>, vector<8x256xf32>,
      } else {
      }
      %reduce_sum3A = arith.constant dense<0.000000e+00> : vector<256xf32>
      %reduce_sum3A_81 = vector.multi_reduction <add>, %add3A_75, %reduce_sum3A [0] : vector<4096x256xf32> to vector<256xf32>
      %broadcast_in_dim3A_82 = vector.shape_cast %reduce_sum3A_81 : vector<256xf32> to vector<1x256xf32>
      %mul3A_83 = arith.mulf %add3A_75, %add3A_75 : vector<4096x256xf32>
      %reduce_sum3A_84 = arith.constant dense<0.000000e+00> : vector<256xf32>
      %reduce_sum3A_85 = vector.multi_reduction <add>, %mul3A_83, %reduce_sum3A_84 [0] : vector<4096x256xf32> to vector<256xf32>
      %broadcast_in_dim3A_86 = vector.shape_cast %reduce_sum3A_85 : vector<256xf32> to vector<1x256xf32>
      %get3A_87 = arith.constant 0 : index
      %get3A_88 = arith.constant 0 : index
      %get3A_89 = vector.load %arg18[%get3A_87, %get3A_88] : memref<8x256xf32, #tpu.memory_space<vmem>>, vector<1x256xf32>
      %add3A_90 = arith.addf %get3A_89, %broadcast_in_dim3A_82 : vector<1x256xf32>
      %swap3A = arith.constant 0 : index
      %swap3A_91 = arith.constant 0 : index
      %swap3A_92 = vector.load %arg18[%swap3A, %swap3A_91] : memref<8x256xf32, #tpu.memory_space<vmem>>, vector<1x256xf32>
      tpu.vector_store %arg18[%swap3A, %swap3A_91], %add3A_90 {strides = array<i32>} : memref<8x256xf32, #tpu.memory_space<vmem>>, vector<1x256xf32>,
      %get3A_93 = arith.constant 1 : index
      %get3A_94 = arith.constant 0 : index
      %get3A_95 = vector.load %arg18[%get3A_93, %get3A_94] : memref<8x256xf32, #tpu.memory_space<vmem>>, vector<1x256xf32>
      %add3A_96 = arith.addf %get3A_95, %broadcast_in_dim3A_86 : vector<1x256xf32>
      %swap3A_97 = arith.constant 1 : index
      %swap3A_98 = arith.constant 0 : index
      %swap3A_99 = vector.load %arg18[%swap3A_97, %swap3A_98] : memref<8x256xf32, #tpu.memory_space<vmem>>, vector<1x256xf32>
      tpu.vector_store %arg18[%swap3A_97, %swap3A_98], %add3A_96 {strides = array<i32>} : memref<8x256xf32, #tpu.memory_space<vmem>>, vector<1x256xf32>,
    } else {
    }
    %eq3A_24 = arith.constant 2 : i32
    %eq3A_25 = arith.cmpi eq, %arg0, %eq3A_24 : i32
    %convert_element_type3A_26 = arith.extui %eq3A_25 : i1 to i32
    %cond3A_27 = arith.constant 0 : i32
    %cond3A_28 = arith.cmpi ne, %convert_element_type3A_26, %cond3A_27 : i32
    scf.if %cond3A_28 {
      %get3A_34 = arith.constant 0 : index
      %get3A_35 = arith.constant 0 : index
      %get3A_36 = vector.load %arg17[%get3A_34, %get3A_35] : memref<8x256xf32, #tpu.memory_space<vmem>>, vector<1x256xf32>
      %div3A = arith.constant 4.096000e+03 : f32
      %div3A_37 = vector.broadcast %div3A : f32 to vector<1x256xf32>
      %div3A_38 = arith.divf %get3A_36, %div3A_37 : vector<1x256xf32>
      %get3A_39 = arith.constant 1 : index
      %get3A_40 = arith.constant 0 : index
      %get3A_41 = vector.load %arg17[%get3A_39, %get3A_40] : memref<8x256xf32, #tpu.memory_space<vmem>>, vector<1x256xf32>
      %div3A_42 = arith.constant 4.096000e+03 : f32
      %div3A_43 = vector.broadcast %div3A_42 : f32 to vector<1x256xf32>
      %div3A_44 = arith.divf %get3A_41, %div3A_43 : vector<1x256xf32>
      %mul3A = arith.mulf %div3A_38, %div3A_38 : vector<1x256xf32>
      %sub3A_45 = arith.subf %div3A_44, %mul3A : vector<1x256xf32>
      %get3A_46 = arith.constant 0 : index
      %get3A_47 = arith.constant 0 : index
      %get3A_48 = vector.load %arg6[%get3A_46, %get3A_47] : memref<1x256xf32, #tpu.memory_space<vmem>>, vector<1x256xf32>
      %add3A_49 = arith.constant 9.99999974E-6 : f32
      %add3A_50 = vector.broadcast %add3A_49 : f32 to vector<1x256xf32>
      %add3A_51 = arith.addf %sub3A_45, %add3A_50 : vector<1x256xf32>
      %rsqrt3A = math.rsqrt %add3A_51 : vector<1x256xf32>
      %mul3A_52 = arith.mulf %get3A_48, %rsqrt3A : vector<1x256xf32>
      %get3A_53 = arith.constant 0 : index
      %get3A_54 = arith.constant 0 : index
      %get3A_55 = vector.load %arg7[%get3A_53, %get3A_54] : memref<1x256xf32, #tpu.memory_space<vmem>>, vector<1x256xf32>
      %mul3A_56 = arith.mulf %div3A_38, %mul3A_52 : vector<1x256xf32>
      %sub3A_57 = arith.subf %get3A_55, %mul3A_56 : vector<1x256xf32>
      %mul3A_58 = vector.broadcast %mul3A_52 : vector<1x256xf32> to vector<4096x256xf32>
      %mul3A_59 = arith.mulf %add3A_16, %mul3A_58 : vector<4096x256xf32>
      %add3A_60 = vector.broadcast %sub3A_57 : vector<1x256xf32> to vector<4096x256xf32>
      %add3A_61 = arith.addf %mul3A_59, %add3A_60 : vector<4096x256xf32>
      %max3A = arith.constant 0.000000e+00 : f32
      %max3A_62 = vector.broadcast %max3A : f32 to vector<4096x256xf32>
      %max3A_63 = arith.maximumf %add3A_61, %max3A_62 : vector<4096x256xf32>
      %get3A_64 = arith.constant 0 : index
      %get3A_65 = arith.constant 0 : index
      %get3A_66 = vector.load %arg8[%get3A_64, %get3A_65] : memref<256x256xf32, #tpu.memory_space<vmem>>, vector<256x256xf32>
      %dot_general3A_67 = arith.constant dense<0.000000e+00> : vector<4096x256xf32>
      %dot_general3A_68 = tpu.matmul %max3A_63, %get3A_66, %dot_general3A_67 {dimension_numbers = #tpu.dot_dimension_numbers<[1], [0], [0], [1], [0, 0, 1, 1], [], []>, transpose_lhs_hint = false} : vector<4096x256xf32>, vector<256x256xf32>, vector<4096x256xf32> -> vector<4096x256xf32>
      %get3A_69 = arith.constant 0 : index
      %get3A_70 = arith.constant 0 : index
      %get3A_71 = vector.load %arg9[%get3A_69, %get3A_70] : memref<1x256xf32, #tpu.memory_space<vmem>>, vector<1x256xf32>
      %get3A_72 = vector.shape_cast %get3A_71 : vector<1x256xf32> to vector<256xf32>
      %broadcast_in_dim3A_73 = vector.shape_cast %get3A_72 : vector<256xf32> to vector<1x256xf32>
      %add3A_74 = vector.broadcast %broadcast_in_dim3A_73 : vector<1x256xf32> to vector<4096x256xf32>
      %add3A_75 = arith.addf %dot_general3A_68, %add3A_74 : vector<4096x256xf32>
      %get3A_76 = arith.constant 0 : index
      %get3A_77 = arith.constant 0 : index
      %get3A_78 = vector.load %arg18[%get3A_76, %get3A_77] : memref<8x256xf32, #tpu.memory_space<vmem>>, vector<1x256xf32>
      %div3A_79 = arith.constant 4.096000e+03 : f32
      %div3A_80 = vector.broadcast %div3A_79 : f32 to vector<1x256xf32>
      %div3A_81 = arith.divf %get3A_78, %div3A_80 : vector<1x256xf32>
      %get3A_82 = arith.constant 1 : index
      %get3A_83 = arith.constant 0 : index
      %get3A_84 = vector.load %arg18[%get3A_82, %get3A_83] : memref<8x256xf32, #tpu.memory_space<vmem>>, vector<1x256xf32>
      %div3A_85 = arith.constant 4.096000e+03 : f32
      %div3A_86 = vector.broadcast %div3A_85 : f32 to vector<1x256xf32>
      %div3A_87 = arith.divf %get3A_84, %div3A_86 : vector<1x256xf32>
      %mul3A_88 = arith.mulf %div3A_81, %div3A_81 : vector<1x256xf32>
      %sub3A_89 = arith.subf %div3A_87, %mul3A_88 : vector<1x256xf32>
      %get3A_90 = arith.constant 0 : index
      %get3A_91 = arith.constant 0 : index
      %get3A_92 = vector.load %arg10[%get3A_90, %get3A_91] : memref<1x256xf32, #tpu.memory_space<vmem>>, vector<1x256xf32>
      %add3A_93 = arith.constant 9.99999974E-6 : f32
      %add3A_94 = vector.broadcast %add3A_93 : f32 to vector<1x256xf32>
      %add3A_95 = arith.addf %sub3A_89, %add3A_94 : vector<1x256xf32>
      %rsqrt3A_96 = math.rsqrt %add3A_95 : vector<1x256xf32>
      %mul3A_97 = arith.mulf %get3A_92, %rsqrt3A_96 : vector<1x256xf32>
      %get3A_98 = arith.constant 0 : index
      %get3A_99 = arith.constant 0 : index
      %get3A_100 = vector.load %arg11[%get3A_98, %get3A_99] : memref<1x256xf32, #tpu.memory_space<vmem>>, vector<1x256xf32>
      %mul3A_101 = arith.mulf %div3A_81, %mul3A_97 : vector<1x256xf32>
      %sub3A_102 = arith.subf %get3A_100, %mul3A_101 : vector<1x256xf32>
      %mul3A_103 = vector.broadcast %mul3A_97 : vector<1x256xf32> to vector<4096x256xf32>
      %mul3A_104 = arith.mulf %add3A_75, %mul3A_103 : vector<4096x256xf32>
      %add3A_105 = vector.broadcast %sub3A_102 : vector<1x256xf32> to vector<4096x256xf32>
      %add3A_106 = arith.addf %mul3A_104, %add3A_105 : vector<4096x256xf32>
      %max3A_107 = arith.constant 0.000000e+00 : f32
      %max3A_108 = vector.broadcast %max3A_107 : f32 to vector<4096x256xf32>
      %max3A_109 = arith.maximumf %add3A_106, %max3A_108 : vector<4096x256xf32>
      %get3A_110 = arith.constant 0 : index
      %get3A_111 = arith.constant 0 : index
      %get3A_112 = vector.load %arg12[%get3A_110, %get3A_111] : memref<256x512xf32, #tpu.memory_space<vmem>>, vector<256x512xf32>
      %dot_general3A_113 = arith.constant dense<0.000000e+00> : vector<4096x512xf32>
      %dot_general3A_114 = tpu.matmul %max3A_109, %get3A_112, %dot_general3A_113 {dimension_numbers = #tpu.dot_dimension_numbers<[1], [0], [0], [1], [0, 0, 1, 1], [], []>, transpose_lhs_hint = false} : vector<4096x256xf32>, vector<256x512xf32>, vector<4096x512xf32> -> vector<4096x512xf32>
      %get3A_115 = arith.constant 0 : index
      %get3A_116 = arith.constant 0 : index
      %get3A_117 = vector.load %arg13[%get3A_115, %get3A_116] : memref<1x512xf32, #tpu.memory_space<vmem>>, vector<1x512xf32>
      %get3A_118 = vector.shape_cast %get3A_117 : vector<1x512xf32> to vector<512xf32>
      %broadcast_in_dim3A_119 = vector.shape_cast %get3A_118 : vector<512xf32> to vector<1x512xf32>
      %add3A_120 = vector.broadcast %broadcast_in_dim3A_119 : vector<1x512xf32> to vector<4096x512xf32>
      %add3A_121 = arith.addf %dot_general3A_114, %add3A_120 : vector<4096x512xf32>
      %eq3A_122 = arith.constant 0 : i32
      %eq3A_123 = arith.cmpi eq, %arg1, %eq3A_122 : i32
      %convert_element_type3A_124 = arith.extui %eq3A_123 : i1 to i32
      %cond3A_125 = arith.constant 0 : i32
      %cond3A_126 = arith.cmpi ne, %convert_element_type3A_124, %cond3A_125 : i32
      scf.if %cond3A_126 {
        %broadcast_in_dim3A_146 = arith.constant 0.000000e+00 : f32
        %broadcast_in_dim3A_147 = vector.broadcast %broadcast_in_dim3A_146 : f32 to vector<8x512xf32>
        %swap3A_148 = arith.constant 0 : index
        %swap3A_149 = arith.constant 0 : index
        %swap3A_150 = vector.load %arg19[%swap3A_148, %swap3A_149] : memref<8x512xf32, #tpu.memory_space<vmem>>, vector<8x512xf32>
        tpu.vector_store %arg19[%swap3A_148, %swap3A_149], %broadcast_in_dim3A_147 {strides = array<i32>} : memref<8x512xf32, #tpu.memory_space<vmem>>, vector<8x512xf32>,
      } else {
      }
      %reduce_sum3A = arith.constant dense<0.000000e+00> : vector<512xf32>
      %reduce_sum3A_127 = vector.multi_reduction <add>, %add3A_121, %reduce_sum3A [0] : vector<4096x512xf32> to vector<512xf32>
      %broadcast_in_dim3A_128 = vector.shape_cast %reduce_sum3A_127 : vector<512xf32> to vector<1x512xf32>
      %mul3A_129 = arith.mulf %add3A_121, %add3A_121 : vector<4096x512xf32>
      %reduce_sum3A_130 = arith.constant dense<0.000000e+00> : vector<512xf32>
      %reduce_sum3A_131 = vector.multi_reduction <add>, %mul3A_129, %reduce_sum3A_130 [0] : vector<4096x512xf32> to vector<512xf32>
      %broadcast_in_dim3A_132 = vector.shape_cast %reduce_sum3A_131 : vector<512xf32> to vector<1x512xf32>
      %get3A_133 = arith.constant 0 : index
      %get3A_134 = arith.constant 0 : index
      %get3A_135 = vector.load %arg19[%get3A_133, %get3A_134] : memref<8x512xf32, #tpu.memory_space<vmem>>, vector<1x512xf32>
      %add3A_136 = arith.addf %get3A_135, %broadcast_in_dim3A_128 : vector<1x512xf32>
      %swap3A = arith.constant 0 : index
      %swap3A_137 = arith.constant 0 : index
      %swap3A_138 = vector.load %arg19[%swap3A, %swap3A_137] : memref<8x512xf32, #tpu.memory_space<vmem>>, vector<1x512xf32>
      tpu.vector_store %arg19[%swap3A, %swap3A_137], %add3A_136 {strides = array<i32>} : memref<8x512xf32, #tpu.memory_space<vmem>>, vector<1x512xf32>,
      %get3A_139 = arith.constant 1 : index
      %get3A_140 = arith.constant 0 : index
      %get3A_141 = vector.load %arg19[%get3A_139, %get3A_140] : memref<8x512xf32, #tpu.memory_space<vmem>>, vector<1x512xf32>
      %add3A_142 = arith.addf %get3A_141, %broadcast_in_dim3A_132 : vector<1x512xf32>
      %swap3A_143 = arith.constant 1 : index
      %swap3A_144 = arith.constant 0 : index
      %swap3A_145 = vector.load %arg19[%swap3A_143, %swap3A_144] : memref<8x512xf32, #tpu.memory_space<vmem>>, vector<1x512xf32>
      tpu.vector_store %arg19[%swap3A_143, %swap3A_144], %add3A_142 {strides = array<i32>} : memref<8x512xf32, #tpu.memory_space<vmem>>, vector<1x512xf32>,
    } else {
    }
    %eq3A_29 = arith.constant 3 : i32
    %eq3A_30 = arith.cmpi eq, %arg0, %eq3A_29 : i32
    %convert_element_type3A_31 = arith.extui %eq3A_30 : i1 to i32
    %cond3A_32 = arith.constant 0 : i32
    %cond3A_33 = arith.cmpi ne, %convert_element_type3A_31, %cond3A_32 : i32
    scf.if %cond3A_33 {
      %get3A_34 = arith.constant 0 : index
      %get3A_35 = arith.constant 0 : index
      %get3A_36 = vector.load %arg17[%get3A_34, %get3A_35] : memref<8x256xf32, #tpu.memory_space<vmem>>, vector<1x256xf32>
      %div3A = arith.constant 4.096000e+03 : f32
      %div3A_37 = vector.broadcast %div3A : f32 to vector<1x256xf32>
      %div3A_38 = arith.divf %get3A_36, %div3A_37 : vector<1x256xf32>
      %get3A_39 = arith.constant 1 : index
      %get3A_40 = arith.constant 0 : index
      %get3A_41 = vector.load %arg17[%get3A_39, %get3A_40] : memref<8x256xf32, #tpu.memory_space<vmem>>, vector<1x256xf32>
      %div3A_42 = arith.constant 4.096000e+03 : f32
      %div3A_43 = vector.broadcast %div3A_42 : f32 to vector<1x256xf32>
      %div3A_44 = arith.divf %get3A_41, %div3A_43 : vector<1x256xf32>
      %mul3A = arith.mulf %div3A_38, %div3A_38 : vector<1x256xf32>
      %sub3A_45 = arith.subf %div3A_44, %mul3A : vector<1x256xf32>
      %get3A_46 = arith.constant 0 : index
      %get3A_47 = arith.constant 0 : index
      %get3A_48 = vector.load %arg6[%get3A_46, %get3A_47] : memref<1x256xf32, #tpu.memory_space<vmem>>, vector<1x256xf32>
      %add3A_49 = arith.constant 9.99999974E-6 : f32
      %add3A_50 = vector.broadcast %add3A_49 : f32 to vector<1x256xf32>
      %add3A_51 = arith.addf %sub3A_45, %add3A_50 : vector<1x256xf32>
      %rsqrt3A = math.rsqrt %add3A_51 : vector<1x256xf32>
      %mul3A_52 = arith.mulf %get3A_48, %rsqrt3A : vector<1x256xf32>
      %get3A_53 = arith.constant 0 : index
      %get3A_54 = arith.constant 0 : index
      %get3A_55 = vector.load %arg7[%get3A_53, %get3A_54] : memref<1x256xf32, #tpu.memory_space<vmem>>, vector<1x256xf32>
      %mul3A_56 = arith.mulf %div3A_38, %mul3A_52 : vector<1x256xf32>
      %sub3A_57 = arith.subf %get3A_55, %mul3A_56 : vector<1x256xf32>
      %mul3A_58 = vector.broadcast %mul3A_52 : vector<1x256xf32> to vector<4096x256xf32>
      %mul3A_59 = arith.mulf %add3A_16, %mul3A_58 : vector<4096x256xf32>
      %add3A_60 = vector.broadcast %sub3A_57 : vector<1x256xf32> to vector<4096x256xf32>
      %add3A_61 = arith.addf %mul3A_59, %add3A_60 : vector<4096x256xf32>
      %max3A = arith.constant 0.000000e+00 : f32
      %max3A_62 = vector.broadcast %max3A : f32 to vector<4096x256xf32>
      %max3A_63 = arith.maximumf %add3A_61, %max3A_62 : vector<4096x256xf32>
      %get3A_64 = arith.constant 0 : index
      %get3A_65 = arith.constant 0 : index
      %get3A_66 = vector.load %arg8[%get3A_64, %get3A_65] : memref<256x256xf32, #tpu.memory_space<vmem>>, vector<256x256xf32>
      %dot_general3A_67 = arith.constant dense<0.000000e+00> : vector<4096x256xf32>
      %dot_general3A_68 = tpu.matmul %max3A_63, %get3A_66, %dot_general3A_67 {dimension_numbers = #tpu.dot_dimension_numbers<[1], [0], [0], [1], [0, 0, 1, 1], [], []>, transpose_lhs_hint = false} : vector<4096x256xf32>, vector<256x256xf32>, vector<4096x256xf32> -> vector<4096x256xf32>
      %get3A_69 = arith.constant 0 : index
      %get3A_70 = arith.constant 0 : index
      %get3A_71 = vector.load %arg9[%get3A_69, %get3A_70] : memref<1x256xf32, #tpu.memory_space<vmem>>, vector<1x256xf32>
      %get3A_72 = vector.shape_cast %get3A_71 : vector<1x256xf32> to vector<256xf32>
      %broadcast_in_dim3A_73 = vector.shape_cast %get3A_72 : vector<256xf32> to vector<1x256xf32>
      %add3A_74 = vector.broadcast %broadcast_in_dim3A_73 : vector<1x256xf32> to vector<4096x256xf32>
      %add3A_75 = arith.addf %dot_general3A_68, %add3A_74 : vector<4096x256xf32>
      %get3A_76 = arith.constant 0 : index
      %get3A_77 = arith.constant 0 : index
      %get3A_78 = vector.load %arg18[%get3A_76, %get3A_77] : memref<8x256xf32, #tpu.memory_space<vmem>>, vector<1x256xf32>
      %div3A_79 = arith.constant 4.096000e+03 : f32
      %div3A_80 = vector.broadcast %div3A_79 : f32 to vector<1x256xf32>
      %div3A_81 = arith.divf %get3A_78, %div3A_80 : vector<1x256xf32>
      %get3A_82 = arith.constant 1 : index
      %get3A_83 = arith.constant 0 : index
      %get3A_84 = vector.load %arg18[%get3A_82, %get3A_83] : memref<8x256xf32, #tpu.memory_space<vmem>>, vector<1x256xf32>
      %div3A_85 = arith.constant 4.096000e+03 : f32
      %div3A_86 = vector.broadcast %div3A_85 : f32 to vector<1x256xf32>
      %div3A_87 = arith.divf %get3A_84, %div3A_86 : vector<1x256xf32>
      %mul3A_88 = arith.mulf %div3A_81, %div3A_81 : vector<1x256xf32>
      %sub3A_89 = arith.subf %div3A_87, %mul3A_88 : vector<1x256xf32>
      %get3A_90 = arith.constant 0 : index
      %get3A_91 = arith.constant 0 : index
      %get3A_92 = vector.load %arg10[%get3A_90, %get3A_91] : memref<1x256xf32, #tpu.memory_space<vmem>>, vector<1x256xf32>
      %add3A_93 = arith.constant 9.99999974E-6 : f32
      %add3A_94 = vector.broadcast %add3A_93 : f32 to vector<1x256xf32>
      %add3A_95 = arith.addf %sub3A_89, %add3A_94 : vector<1x256xf32>
      %rsqrt3A_96 = math.rsqrt %add3A_95 : vector<1x256xf32>
      %mul3A_97 = arith.mulf %get3A_92, %rsqrt3A_96 : vector<1x256xf32>
      %get3A_98 = arith.constant 0 : index
      %get3A_99 = arith.constant 0 : index
      %get3A_100 = vector.load %arg11[%get3A_98, %get3A_99] : memref<1x256xf32, #tpu.memory_space<vmem>>, vector<1x256xf32>
      %mul3A_101 = arith.mulf %div3A_81, %mul3A_97 : vector<1x256xf32>
      %sub3A_102 = arith.subf %get3A_100, %mul3A_101 : vector<1x256xf32>
      %mul3A_103 = vector.broadcast %mul3A_97 : vector<1x256xf32> to vector<4096x256xf32>
      %mul3A_104 = arith.mulf %add3A_75, %mul3A_103 : vector<4096x256xf32>
      %add3A_105 = vector.broadcast %sub3A_102 : vector<1x256xf32> to vector<4096x256xf32>
      %add3A_106 = arith.addf %mul3A_104, %add3A_105 : vector<4096x256xf32>
      %max3A_107 = arith.constant 0.000000e+00 : f32
      %max3A_108 = vector.broadcast %max3A_107 : f32 to vector<4096x256xf32>
      %max3A_109 = arith.maximumf %add3A_106, %max3A_108 : vector<4096x256xf32>
      %get3A_110 = arith.constant 0 : index
      %get3A_111 = arith.constant 0 : index
      %get3A_112 = vector.load %arg12[%get3A_110, %get3A_111] : memref<256x512xf32, #tpu.memory_space<vmem>>, vector<256x512xf32>
      %dot_general3A_113 = arith.constant dense<0.000000e+00> : vector<4096x512xf32>
      %dot_general3A_114 = tpu.matmul %max3A_109, %get3A_112, %dot_general3A_113 {dimension_numbers = #tpu.dot_dimension_numbers<[1], [0], [0], [1], [0, 0, 1, 1], [], []>, transpose_lhs_hint = false} : vector<4096x256xf32>, vector<256x512xf32>, vector<4096x512xf32> -> vector<4096x512xf32>
      %get3A_115 = arith.constant 0 : index
      %get3A_116 = arith.constant 0 : index
      %get3A_117 = vector.load %arg13[%get3A_115, %get3A_116] : memref<1x512xf32, #tpu.memory_space<vmem>>, vector<1x512xf32>
      %get3A_118 = vector.shape_cast %get3A_117 : vector<1x512xf32> to vector<512xf32>
      %broadcast_in_dim3A_119 = vector.shape_cast %get3A_118 : vector<512xf32> to vector<1x512xf32>
      %add3A_120 = vector.broadcast %broadcast_in_dim3A_119 : vector<1x512xf32> to vector<4096x512xf32>
      %add3A_121 = arith.addf %dot_general3A_114, %add3A_120 : vector<4096x512xf32>
      %get3A_122 = arith.constant 0 : index
      %get3A_123 = arith.constant 0 : index
      %get3A_124 = vector.load %arg19[%get3A_122, %get3A_123] : memref<8x512xf32, #tpu.memory_space<vmem>>, vector<1x512xf32>
      %div3A_125 = arith.constant 4.096000e+03 : f32
      %div3A_126 = vector.broadcast %div3A_125 : f32 to vector<1x512xf32>
      %div3A_127 = arith.divf %get3A_124, %div3A_126 : vector<1x512xf32>
      %get3A_128 = arith.constant 1 : index
      %get3A_129 = arith.constant 0 : index
      %get3A_130 = vector.load %arg19[%get3A_128, %get3A_129] : memref<8x512xf32, #tpu.memory_space<vmem>>, vector<1x512xf32>
      %div3A_131 = arith.constant 4.096000e+03 : f32
      %div3A_132 = vector.broadcast %div3A_131 : f32 to vector<1x512xf32>
      %div3A_133 = arith.divf %get3A_130, %div3A_132 : vector<1x512xf32>
      %mul3A_134 = arith.mulf %div3A_127, %div3A_127 : vector<1x512xf32>
      %sub3A_135 = arith.subf %div3A_133, %mul3A_134 : vector<1x512xf32>
      %get3A_136 = arith.constant 0 : index
      %get3A_137 = arith.constant 0 : index
      %get3A_138 = vector.load %arg14[%get3A_136, %get3A_137] : memref<1x512xf32, #tpu.memory_space<vmem>>, vector<1x512xf32>
      %add3A_139 = arith.constant 9.99999974E-6 : f32
      %add3A_140 = vector.broadcast %add3A_139 : f32 to vector<1x512xf32>
      %add3A_141 = arith.addf %sub3A_135, %add3A_140 : vector<1x512xf32>
      %rsqrt3A_142 = math.rsqrt %add3A_141 : vector<1x512xf32>
      %mul3A_143 = arith.mulf %get3A_138, %rsqrt3A_142 : vector<1x512xf32>
      %get3A_144 = arith.constant 0 : index
      %get3A_145 = arith.constant 0 : index
      %get3A_146 = vector.load %arg15[%get3A_144, %get3A_145] : memref<1x512xf32, #tpu.memory_space<vmem>>, vector<1x512xf32>
      %mul3A_147 = arith.mulf %div3A_127, %mul3A_143 : vector<1x512xf32>
      %sub3A_148 = arith.subf %get3A_146, %mul3A_147 : vector<1x512xf32>
      %mul3A_149 = vector.broadcast %mul3A_143 : vector<1x512xf32> to vector<4096x512xf32>
      %mul3A_150 = arith.mulf %add3A_121, %mul3A_149 : vector<4096x512xf32>
      %add3A_151 = vector.broadcast %sub3A_148 : vector<1x512xf32> to vector<4096x512xf32>
      %add3A_152 = arith.addf %mul3A_150, %add3A_151 : vector<4096x512xf32>
      %max3A_153 = arith.constant 0.000000e+00 : f32
      %max3A_154 = vector.broadcast %max3A_153 : f32 to vector<4096x512xf32>
      %max3A_155 = arith.maximumf %add3A_152, %max3A_154 : vector<4096x512xf32>
      %reshape3A_156 = vector.shape_cast %max3A_155 : vector<4096x512xf32> to vector<128x32x512xf32>
      %reduce_max3A = arith.constant dense<0xFF800000> : vector<128x512xf32>
      %reduce_max3A_157 = vector.multi_reduction <maximumf>, %reshape3A_156, %reduce_max3A [1] : vector<128x32x512xf32> to vector<128x512xf32>
      %swap3A = arith.constant 0 : index
      %swap3A_158 = arith.constant 0 : index
      %swap3A_159 = vector.load %arg16[%swap3A, %swap3A_158] : memref<128x512xf32, #tpu.memory_space<vmem>>, vector<128x512xf32>
      tpu.vector_store %arg16[%swap3A, %swap3A_158], %reduce_max3A_157 {strides = array<i32>} : memref<128x512xf32, #tpu.memory_space<vmem>>, vector<128x512xf32>,
    } else {
    }
    return
  }
  func.func @transform_0(%arg0: i32, %arg1: i32) -> (i32, i32) {
    %c0_i32 = arith.constant 0 : i32
    %c0_i32_0 = arith.constant 0 : i32
    return %arg1, %c0_i32 : i32, i32
  }
  func.func @transform_1(%arg0: i32, %arg1: i32) -> (i32, i32) {
    %c0_i32 = arith.constant 0 : i32
    %c0_i32_0 = arith.constant 0 : i32
    return %arg1, %c0_i32 : i32, i32
  }
  func.func @transform_2(%arg0: i32, %arg1: i32) -> (i32, i32) {
    %c0_i32 = arith.constant 0 : i32
    %c0_i32_0 = arith.constant 0 : i32
    %c0_i32_1 = arith.constant 0 : i32
    return %c0_i32, %c0_i32_0 : i32, i32
  }
  func.func @transform_3(%arg0: i32, %arg1: i32) -> (i32, i32) {
    %c0_i32 = arith.constant 0 : i32
    %c0_i32_0 = arith.constant 0 : i32
    %c0_i32_1 = arith.constant 0 : i32
    return %c0_i32, %c0_i32_0 : i32, i32
  }
  func.func @transform_4(%arg0: i32, %arg1: i32) -> (i32, i32) {
    %c0_i32 = arith.constant 0 : i32
    %c0_i32_0 = arith.constant 0 : i32
    %c0_i32_1 = arith.constant 0 : i32
    return %c0_i32, %c0_i32_0 : i32, i32
  }
  func.func @transform_5(%arg0: i32, %arg1: i32) -> (i32, i32) {
    %c0_i32 = arith.constant 0 : i32
    %c0_i32_0 = arith.constant 0 : i32
    %c0_i32_1 = arith.constant 0 : i32
    return %c0_i32, %c0_i32_0 : i32, i32
  }
  func.func @transform_6(%arg0: i32, %arg1: i32) -> (i32, i32) {
    %c0_i32 = arith.constant 0 : i32
    %c0_i32_0 = arith.constant 0 : i32
    %c0_i32_1 = arith.constant 0 : i32
    return %c0_i32, %c0_i32_0 : i32, i32
  }
  func.func @transform_7(%arg0: i32, %arg1: i32) -> (i32, i32) {
    %c0_i32 = arith.constant 0 : i32
    %c0_i32_0 = arith.constant 0 : i32
    %c0_i32_1 = arith.constant 0 : i32
    return %c0_i32, %c0_i32_0 : i32, i32
  }
  func.func @transform_8(%arg0: i32, %arg1: i32) -> (i32, i32) {
    %c0_i32 = arith.constant 0 : i32
    %c0_i32_0 = arith.constant 0 : i32
    %c0_i32_1 = arith.constant 0 : i32
    return %c0_i32, %c0_i32_0 : i32, i32
  }
  func.func @transform_9(%arg0: i32, %arg1: i32) -> (i32, i32) {
    %c0_i32 = arith.constant 0 : i32
    %c0_i32_0 = arith.constant 0 : i32
    %c0_i32_1 = arith.constant 0 : i32
    return %c0_i32, %c0_i32_0 : i32, i32
  }
  func.func @transform_10(%arg0: i32, %arg1: i32) -> (i32, i32) {
    %c0_i32 = arith.constant 0 : i32
    %c0_i32_0 = arith.constant 0 : i32
    %c0_i32_1 = arith.constant 0 : i32
    return %c0_i32, %c0_i32_0 : i32, i32
  }
  func.func @transform_11(%arg0: i32, %arg1: i32) -> (i32, i32) {
    %c0_i32 = arith.constant 0 : i32
    %c0_i32_0 = arith.constant 0 : i32
    %c0_i32_1 = arith.constant 0 : i32
    return %c0_i32, %c0_i32_0 : i32, i32
  }
  func.func @transform_12(%arg0: i32, %arg1: i32) -> (i32, i32) {
    %c0_i32 = arith.constant 0 : i32
    %c0_i32_0 = arith.constant 0 : i32
    %c0_i32_1 = arith.constant 0 : i32
    return %c0_i32, %c0_i32_0 : i32, i32
  }
  func.func @transform_13(%arg0: i32, %arg1: i32) -> (i32, i32) {
    %c0_i32 = arith.constant 0 : i32
    %c0_i32_0 = arith.constant 0 : i32
    %c0_i32_1 = arith.constant 0 : i32
    return %c0_i32, %c0_i32_0 : i32, i32
  }
  func.func @transform_14(%arg0: i32, %arg1: i32) -> (i32, i32) {
    %c0_i32 = arith.constant 0 : i32
    %c0_i32_0 = arith.constant 0 : i32
    return %arg1, %c0_i32 : i32, i32
  }
}

</mosaic_0001>

<sc_bundles>
// kernel: kernel.18.cloned.1.call-start
scs
__scs_entry_jumppad:
0x0: {  	(pc) =	sbr.rel $0x88, $3  }
0x1: {  	(tag) =	ssettag $0x0;
	lr =	simm.s32 $0x1  }
0x2: {  	[smem:$0x3F70] =	sst lr;
	_ =	strace $0xD0000000  }
0x3: {  	_ = 	snop  }
0x4: {  	_ = 	snop  }
0x5: {  	_ = 	snop  }
0x6: {  	_ = 	snop  }
0x7: {  	_ = 	snop  }
__scs_overlays_trampoline_lowered:
0x8: {  	[smem:$0x3F7F] =	sst s0  }
0x9: {  	[smem:$0x3F80] =	sst s1  }
0xa: {  	[smem:$0x3F81] =	sst s2  }
0xb: {  	[smem:$0x3F82] =	sst s3  }
0xc: {  	[smem:$0x3F83] =	sst s4  }
0xd: {  	[smem:$0x3F84] =	sst s5  }
0xe: {  	[smem:$0x3F85] =	sst s6  }
0xf: {  	[smem:$0x3F86] =	sst s7  }
0x10: {  	[smem:$0x3F87] =	sst s8  }
0x11: {  	[smem:$0x3F88] =	sst s9;
	s0 =	simm.s32 @!p0 $0x0  }
0x12: {  	s1 =	sld [smem:$0x3F6E];
	s0 =	simm.s32 @p0 $0x1  }
0x13: {  	[smem:$0x3F89] =	sst s0;
	s0 =	simm.s32 @!p1 $0x0  }
0x14: {  	s2 =	sld [smem:$0x3F6D];
	s0 =	simm.s32 @p1 $0x1  }
0x15: {  	[smem:$0x3F8A] =	sst s0;
	s0 =	simm.s32 @!p2 $0x0  }
0x16: {  	s3 =	sld [smem:$0x3FDB];
	s0 =	simm.s32 @p2 $0x1  }
0x17: {  	s4 =	simm.s32 $0x1BF5;
	[smem:$0x3F8C] =	sst s0  }
0x18: {  	s0 =	sld [smem:$0x3F6F];
	_ =	swait.ge [sflag:s4], $0x0  }
0x19: {  	s7 =	sld [smem:$0x3F70]  }
0x1a: {  	s8 =	sadd.s32 $0xFFFFE003, lr  }
0x1b: {  	s9 =	sadd.s32 $0xFFFFFEF7, lr;
	s5 =	simm.s32 $0xFFFFFFFF;
	p2 =	slt.u32 s8, $0xFFFFF086  }
0x1c: {  	p1 =	slt.u32 s9, $0xF7A;
	s5 =	simm.s32 @!p2 $0x0  }
0x1d: {  	s5 =	simm.s32 @p1 $0x1;
	p0 =	seq.s32 s7, s2  }
0x1e: {  	s7 =	smul.u32 @!p0 $0xF7A, s2;
	p2 =	seq.s32 @!p0 s5, $0x0  }
0x1f: {  	s9 =	smul.u32 $0xF7A, s1;
	s8 =	simm.s32 @!p0 $0x1BF5;
	p2 =	por !p2, p0  }
0x20: {  	[sflag:s8] =	ssyncset.s32 @!p0 $0xFFFFF086;
	s6 =	sadd.s32 @!p0 s3, s7;
	s7 =	simm.s32 @!p0 $0x108  }
0x21: {  	s3 =	sadd.s32 s3, s9;
	s6 =	sadd.s32 @!p0 $0x88, s6;
	s7 =	simm.s32 @p2 $0x1082  }
0x22: {  	[simem:s7], [sflag:s8] =	dma.local @!p0 [hbm:s6], $0xF7A  }
0x23: {  	s9 =	sor.u32 $0xD0000000, s2;
	s6 =	simm.s32 $0x108;
	_ =	swait.ge @!p0 [sflag:s8], $0x0  }
0x24: {  	s3 =	sadd.s32 $0x88, s3;
	s6 =	simm.s32 @!p1 $0x1082;
	[sflag:s4] =	ssyncset.s32 $0xFFFFF086  }
0x25: {  	[simem:s6], [sflag:s4] =	dma.local [hbm:s3], $0xF7A  }
0x26: {  	[smem:$0x3F70] =	sst s1;
	(tag) =	ssettag s2;
	_ =	strace s9  }
0x27: {  	s1 =	sld [smem:$0x3F80]  }
0x28: {  	s2 =	sld [smem:$0x3F81]  }
0x29: {  	s4 =	sld [smem:$0x3F83]  }
0x2a: {  	p0 =	seq.s32 s5, $0x0;
	s5 =	sld [smem:$0x3F84]  }
0x2b: {  	s6 =	sld [smem:$0x3F85]  }
0x2c: {  	s7 =	sld [smem:$0x3F86]  }
0x2d: {  	s3 =	simm.s32 $0x108;
	s8 =	sld [smem:$0x3F87]  }
0x2e: {  	s3 =	simm.s32 @!p0 $0x1082;
	s9 =	sld [smem:$0x3F88]  }
0x2f: {  	lr =	sadd.s32 s0, s3;
	s0 =	sld [smem:$0x3F7F]  }
0x30: {  	s3 =	sld [smem:$0x3F82]  }
0x31: {  	[smem:$0x3F8B] =	sst s10  }
0x32: {  	s10 =	sld [smem:$0x3F89];
	_ =	sdelay $0x3  }
0x33: {  	p0 =	seq.s32 s10, $0x1;
	s10 =	sld [smem:$0x3F8B];
	_ =	sdelay $0x3  }
0x34: {  	[smem:$0x3F8B] =	sst s10  }
0x35: {  	s10 =	sld [smem:$0x3F8A];
	_ =	sdelay $0x3  }
0x36: {  	p1 =	seq.s32 s10, $0x1;
	s10 =	sld [smem:$0x3F8B];
	_ =	sdelay $0x3  }
0x37: {  	[smem:$0x3F8B] =	sst s10  }
0x38: {  	s10 =	sld [smem:$0x3F8C]  }
0x39: {  	_ = 	snop;
	(pc) =	sbr.ind lr, $3  }
0x3a: {  	_ = 	snop  }
0x3b: {  	_ = 	snop  }
0x3c: {  	p2 =	seq.s32 s10, $0x1;
	s10 =	sld [smem:$0x3F8B]  }
0x3d: {  	_ =	shalt  }
0x3e: {  	_ =	shalt  }
0x3f: {  	_ =	shalt  }
0x40: {  	_ =	shalt  }
0x41: {  	_ =	shalt  }
0x42: {  	_ =	shalt  }
0x43: {  	_ =	shalt  }
0x44: {  	_ =	shalt  }
0x45: {  	_ =	shalt  }
0x46: {  	_ =	shalt  }
0x47: {  	_ =	shalt  }
0x48: {  	_ =	shalt  }
0x49: {  	_ =	shalt  }
0x4a: {  	_ =	shalt  }
0x4b: {  	_ =	shalt  }
0x4c: {  	_ =	shalt  }
0x4d: {  	_ =	shalt  }
0x4e: {  	_ =	shalt  }
0x4f: {  	_ =	shalt  }
0x50: {  	_ =	shalt  }
0x51: {  	_ =	shalt  }
0x52: {  	_ =	shalt  }
0x53: {  	_ =	shalt  }
0x54: {  	_ =	shalt  }
0x55: {  	_ =	shalt  }
0x56: {  	_ =	shalt  }
0x57: {  	_ =	shalt  }
0x58: {  	_ =	shalt  }
0x59: {  	_ =	shalt  }
0x5a: {  	_ =	shalt  }
0x5b: {  	_ =	shalt  }
0x5c: {  	_ =	shalt  }
0x5d: {  	_ =	shalt  }
0x5e: {  	_ =	shalt  }
0x5f: {  	_ =	shalt  }
0x60: {  	_ =	shalt  }
0x61: {  	_ =	shalt  }
0x62: {  	_ =	shalt  }
0x63: {  	_ =	shalt  }
0x64: {  	_ =	shalt  }
0x65: {  	_ =	shalt  }
0x66: {  	_ =	shalt  }
0x67: {  	_ =	shalt  }
0x68: {  	_ =	shalt  }
0x69: {  	_ =	shalt  }
0x6a: {  	_ =	shalt  }
0x6b: {  	_ =	shalt  }
0x6c: {  	_ =	shalt  }
0x6d: {  	_ =	shalt  }
0x6e: {  	_ =	shalt  }
0x6f: {  	_ =	shalt  }
0x70: {  	_ =	shalt  }
0x71: {  	_ =	shalt  }
0x72: {  	_ =	shalt  }
0x73: {  	_ =	shalt  }
0x74: {  	_ =	shalt  }
0x75: {  	_ =	shalt  }
0x76: {  	_ =	shalt  }
0x77: {  	_ =	shalt  }
0x78: {  	_ =	shalt  }
0x79: {  	_ =	shalt  }
0x7a: {  	_ =	shalt  }
0x7b: {  	_ =	shalt  }
0x7c: {  	_ =	shalt  }
0x7d: {  	_ =	shalt  }
0x7e: {  	_ =	shalt  }
0x7f: {  	_ =	shalt  }
0x80: {  	_ =	shalt  }
0x81: {  	_ =	shalt  }
0x82: {  	_ =	shalt  }
0x83: {  	_ =	shalt  }
0x84: {  	_ =	shalt  }
0x85: {  	_ =	shalt  }
0x86: {  	_ =	shalt  }
0x87: {  	_ =	shalt  }
.Lfunc_end0:
.L_simem_size_0:
called_computation_lowered:
.L_overlay_start_0:
0x88: {  	s2 =	sld [smem:$0x3FD9]  }
0x89: {  	s3 =	sld [smem:$0x3FFE];
	_ =	sdelay $0x1  }
0x8a: {  	s1 =	srdreg.scid  }
0x8b: {  	s0 =	sand.u32 $0x1, s1  }
0x8c: {  	s14 =	sshll.u32 s0, $0xA;
	s2 =	sadd.s32 s3, s2  }
0x8d: {  	s2 =	sadd.s32 s2, s14  }
0x8e: {  	[smem:$0x3F97] =	sst s2  }
0x8f: {  	_ = 	snop  }
0x90: {  	s2 =	sld [smem:$0x3FD0];
	_ =	sdelay $0x2  }
0x91: {  	s15 =	simm.s32 $0xA;
	s4 =	simm.s32 $0x10  }
0x92: {  	[smem:s4], [sflag:s15] =	dma.local [hbm:s2], $0x1  }
0x93: {  	_ =	swait.eq [sflag:s15], $0x1  }
0x94: {  	[sflag:s15] =	ssyncset.done $0x0  }
0x95: {  	s16 =	sld [smem:$0x16];
	[sflag:s15] =	ssyncadd.s32 $0xFFFFFFFF  }
0x96: {  	s17 =	sld [smem:$0x17];
	(tm) =	ssettm $0x1  }
0x97: {  	s18 =	sld [smem:$0x3FFB];
	_ =	sdelay $0x3  }
0x98: {  	_ =	strace s18  }
0x99: {  	s4 =	sld [smem:$0x3FFC];
	_ =	sdelay $0x3  }
0x9a: {  	_ =	strace s4  }
0x9b: {  	s4 =	sld [smem:$0x3FFD];
	_ =	sdelay $0x3  }
0x9c: {  	_ =	strace s4  }
0x9d: {  	_ =	strace $0x8FFFFFFF  }
0x9e: {  	s19 =	sld [smem:$0x3FDB];
	_ =	sdelay $0x1  }
0x9f: {  	s5 =	simm.s32 $_scs_section_size  }
0xa0: {  	s6 =	simm.s32 $_size__tile_overlayer_lowered;
	s7 =	simm.s32 $_tile_overlayer_lowered  }
0xa1: {  	s22 =	simm.s32 $0x1BFF;
	s21 =	sshll.u32 s7, $0x1;
	s4 =	sadd.s32 s5, s19  }
0xa2: {  	s8 =	simm.s32 $0x0;
	s20 =	sshll.u32 s6, $0x1;
	s6 =	sadd.s32 s21, s4  }
0xa3: {  	[timem:s8], [sflag:s22] =	dma.local [hbm:s6], s20  }
0xa4: {  	_ =	swait.ge [sflag:s22], s20  }
0xa5: {  	s5 =	ssub.s32 $0x0, s20;
	[sflag:s22] =	ssyncset.done $0x0  }
0xa6: {  	[sflag:s22] =	ssyncadd.s32 s5;
	_ =	sdelay $0x1  }
0xa7: {  	s23 =	simm.s32 $0x1B8B  }
0xa8: {  	_ =	swait.ge [sflag:s23], $0x1  }
0xa9: {  	[sflag:s23] =	ssyncset.done $0x0  }
0xaa: {  	s25 =	simm.s32 $0x1B8E;
	s24 =	sld [smem:$0x3FFE];
	[sflag:s23] =	ssyncadd.s32 $0xFFFFFFFF  }
0xab: {  	s26 =	simm.s32 $execute0_lowered;
	[smem:$0x3FD2] =	sst s25  }
0xac: {  	s6 =	sshll.u32 s26, $0x1;
	_ =	strace $0x80000046;
	[dreg:$0x1] =	wrdreg $0xFFFFFFFF  }
0xad: {  	s28 =	simm.s32 $_size_execute0_lowered;
	s4 =	sadd.s32 s4, s6;
	[dreg:$0x0] =	wrdreg $0x0  }
0xae: {  	s6 =	sshll.u32 s28, $0x1;
	[dreg:$0x2] =	wrdreg s4  }
0xaf: {  	[dreg:$0x3] =	wrdreg s6  }
0xb0: {  	[dreg:$0x4] =	wrdreg $0xC0  }
0xb1: {  	_ =	task [dreg:s8], $0x5FFFF  }
0xb2: {  	[dreg:$0x1] =	wrdreg $0xFFFFFFFF  }
0xb3: {  	[dreg:$0x0] =	wrdreg $0x60  }
0xb4: {  	[dreg:$0x2] =	wrdreg s16  }
0xb5: {  	[dreg:$0x3] =	wrdreg s17  }
0xb6: {  	[dreg:$0x4] =	wrdreg s24  }
0xb7: {  	[dreg:$0x5] =	wrdreg $0x9  }
0xb8: {  	_ =	task.clear_ibuf [dreg:s8], $0x6FFFF;
	_ =	strace $0x90000046  }
0xb9: {  	s29 =	simm.s32 $0x9;
	_ =	strace $0x80000048  }
0xba: {  	_ =	swait.ge [sflag:s29], $0x1  }
0xbb: {  	[sflag:s29] =	ssyncadd.s32 $0xFFFFFFFF  }
0xbc: {  	_ =	strace $0x90000048  }
0xbd: {  	_ =	sfence  }
0xbe: {  	s30 =	sld [smem:$0x0];
	_ =	sdelay $0x2  }
0xbf: {  	s31 =	sshll.u32 s1, $0xD;
	s1 =	sshrl.u32 s1, $0x2  }
0xc0: {  	s3 =	sand.u32 $0x4000, s31;
	s1 =	sadd.s32 s1, s30  }
0xc1: {  	s0 =	sor.u32 s3, s0;
	s1 =	sshll.u32 s1, $0x11  }
0xc2: {  	s0 =	sor.u32 s1, s0  }
0xc3: {  	s0 =	sadd.s32 $0x8F2B, s0  }
0xc4: {  	[sflag:s0] =	ssyncadd.remote.s32 $0x1  }
0xc5: {  	_ =	sfence.sel $0xFFFF  }
0xc6: {  	[dreg:$0x0] =	wrdreg $0xFFFFFFFF;
	(pc) =	sbr.abs _section_cstart, $3  }
0xc7: {  	[dreg:$0x1] =	wrdreg $0xFFFFFFFF  }
0xc8: {  	_ =	task.clear_ibuf [dreg:s8], $0x2FFFF;
	_ =	strace $0x9FFFFFFF  }
0xc9: {  	(tm) =	ssettm $0x7FFFFFFF  }
tec
execute0_lowered:
.L_overlay_start_1:
0x0: {  	(tag) =	ssettag $0x1  }
0x1: {  	s1 =	rddreg [dreg:$0x0];
	s2 =	srdreg.scid  }
0x2: {  	s15 =	rddreg [dreg:$0x1];
	s0 =	stileid.u32;
	s17 =	sand.u32 $0x1, s2  }
0x3: {  	s11 =	rddreg [dreg:$0x2];
	s4 =	sshll.u32 s0, $0xE;
	s5 =	sshll.u32 s17, $0xD  }
0x4: {  	s3 =	simm.s32 $0x0;
	s2 =	rddreg [dreg:$0x3];
	s14 =	sor.u32 s5, s4  }
0x5: {  	[smem:$0x7FF] =	sst s3;
	s4 =	sshrl.u32 s14, $0x3  }
0x6: {  	_ =	strace $0x80000047;
	s5 =	simm.s32 $0x3;
	s4 =	sadd.s32 s15, s4  }
0x7: {  	[tilespmem:s3], [sflag:$0x3] =	stream.linear.gather [hbm4b:s4+s3], $0x800, $0x38;
	[tilespmem:$0x11000] =	vst v63  }
0x8: {  	_ =	swait.ge [sflag:s5], $0x800  }
0x9: {  	s6 =	simm.s32 $0x800;
	s16 =	sor.u32 $0x800, s14;
	[sflag:s5] =	ssyncset.done $0x0  }
0xa: {  	s7 =	simm.s32 $0x1000;
	s8 =	sshrl.u32 s16, $0x3;
	[sflag:s5] =	ssyncadd.s32 $0xFFFFF800  }
0xb: {  	[tilespmem:s7], [sflag:$0x1] =	stream.indirect.gather [hbm4b:s1+s6], $0x10, s3, s6, $0xb8;
	[tilespmem:$0x11000] =	vst v63  }
0xc: {  	s8 =	sadd.s32 s15, s8  }
0xd: {  	[tilespmem:s6], [sflag:$0x3] =	stream.linear.gather [hbm4b:s8+s3], $0x800, $0x38;
	[tilespmem:$0x11000] =	vst v63  }
0xe: {  	_ =	swait.ge [sflag:s5], $0x800  }
0xf: {  	[sflag:s5] =	ssyncset.done $0x0  }
0x10: {  	s9 =	simm.s32 $0x9000;
	s10 =	simm.s32 $0x1;
	[sflag:s5] =	ssyncadd.s32 $0xFFFFF800  }
0x11: {  	[tilespmem:s9], [sflag:$0x1] =	stream.indirect.gather [hbm4b:s1+s6], $0x10, s6, s6, $0xb8;
	[tilespmem:$0x11000] =	vst v63  }
0x12: {  	s18 =	sadd.s32 $0x8600, s11;
	_ =	swait.ge [sflag:s10], $0x8000  }
0x13: {  	s25 =	sshll.u32 s14, $0x1;
	s19 =	sor.u32 $0x1000, s14;
	[sflag:s10] =	ssyncset.done $0x0  }
0x14: {  	s11 =	sadd.s32 s18, s25;
	s12 =	sshrl.u32 s19, $0x3;
	[sflag:s10] =	ssyncadd.s32 $0xFFFF8000  }
0x15: {  	[hbm4b:s11+s3] =	stream.linear.scatter [tilespmem:s7], [sflag:$0x2], $0x8000, $0x38;
	[tilespmem:$0x11000] =	vst v63  }
0x16: {  	s12 =	sadd.s32 s15, s12  }
0x17: {  	[tilespmem:s3], [sflag:$0x3] =	stream.linear.gather [hbm4b:s12+s3], $0x800, $0x38;
	[tilespmem:$0x11000] =	vst v63  }
0x18: {  	_ =	swait.ge [sflag:s5], $0x800  }
0x19: {  	[sflag:s5] =	ssyncset.done $0x0  }
0x1a: {  	s13 =	simm.s32 $0x2;
	[sflag:s5] =	ssyncadd.s32 $0xFFFFF800  }
0x1b: {  	_ =	swait.ge [sflag:s13], $0x8000  }
0x1c: {  	[sflag:s13] =	ssyncset.done $0x0  }
0x1d: {  	[sflag:s13] =	ssyncadd.s32 $0xFFFF8000  }
0x1e: {  	[tilespmem:s7], [sflag:$0x1] =	stream.indirect.gather [hbm4b:s1+s6], $0x10, s3, s6, $0xb8;
	[tilespmem:$0x11000] =	vst v63  }
0x1f: {  	_ =	swait.ge [sflag:s10], $0x8000  }
0x20: {  	s20 =	sor.u32 $0x1800, s14;
	s16 =	sshll.u32 s16, $0x1;
	[sflag:s10] =	ssyncset.done $0x0  }
0x21: {  	s26 =	sshrl.u32 s20, $0x3;
	s14 =	sadd.s32 s18, s16;
	[sflag:s10] =	ssyncadd.s32 $0xFFFF8000  }
0x22: {  	[hbm4b:s14+s3] =	stream.linear.scatter [tilespmem:s9], [sflag:$0x2], $0x8000, $0x38;
	[tilespmem:$0x11000] =	vst v63  }
0x23: {  	s15 =	sadd.s32 s15, s26  }
0x24: {  	[tilespmem:s6], [sflag:$0x3] =	stream.linear.gather [hbm4b:s15+s3], $0x800, $0x38;
	[tilespmem:$0x11000] =	vst v63  }
0x25: {  	_ =	swait.ge [sflag:s5], $0x800  }
0x26: {  	[sflag:s5] =	ssyncset.done $0x0  }
0x27: {  	[sflag:s5] =	ssyncadd.s32 $0xFFFFF800  }
0x28: {  	_ =	swait.ge [sflag:s13], $0x8000  }
0x29: {  	[sflag:s13] =	ssyncset.done $0x0  }
0x2a: {  	[sflag:s13] =	ssyncadd.s32 $0xFFFF8000  }
0x2b: {  	[tilespmem:s9], [sflag:$0x1] =	stream.indirect.gather [hbm4b:s1+s6], $0x10, s6, s6, $0xb8;
	[tilespmem:$0x11000] =	vst v63  }
0x2c: {  	s30 =	ssub.s32 $0x2, s17;
	_ =	swait.ge [sflag:s10], $0x8000  }
0x2d: {  	s31 =	sshrl.u32 s30, $0x1;
	s28 =	sshll.u32 s19, $0x1;
	[sflag:s10] =	ssyncset.done $0x0  }
0x2e: {  	s29 =	sshll.u32 s20, $0x1;
	s16 =	sadd.s32 s18, s28;
	[sflag:s10] =	ssyncadd.s32 $0xFFFF8000  }
0x2f: {  	[hbm4b:s16+s3] =	stream.linear.scatter [tilespmem:s7], [sflag:$0x2], $0x8000, $0x38;
	[tilespmem:$0x11000] =	vst v63  }
0x30: {  	s17 =	sadd.s32 s18, s29;
	s18 =	ssub.s32 s30, s31;
	_ =	swait.ge [sflag:s10], $0x8000  }
0x31: {  	s18 =	smax.u32 s18, $0x1;
	[sflag:s10] =	ssyncset.done $0x0  }
0x32: {  	p0 =	sne.s32 s18, $0x1;
	[sflag:s10] =	ssyncadd.s32 $0xFFFF8000  }
0x33: {  	[hbm4b:s17+s3] =	stream.linear.scatter [tilespmem:s9], [sflag:$0x2], $0x8000, $0x38;
	[tilespmem:$0x11000] =	vst v63  }
.Ltmp0:
0x34: {  	_ =	swait.ge [sflag:s13], $0x8000;
	(pc) =	sbr.rel @!p0 .LBB2_2-.Ltmp0, $4  }
0x35: {  	[sflag:s13] =	ssyncset.done $0x0  }
0x36: {  	[sflag:s13] =	ssyncadd.s32 $0xFFFF8000  }
0x37: {  	_ =	swait.ge [sflag:s13], $0x8000  }
0x38: {  	s18 =	sadd.s32 $0xFFFFFFFF, s18;
	[sflag:s13] =	ssyncset.done $0x0  }
.LBB2_1:
0x39: {  	p0 =	sne.s32 s18, $0x1;
	s18 =	sadd.s32 $0xFFFFFFFF, s18;
	[sflag:s13] =	ssyncadd.s32 $0xFFFF8000  }
0x3a: {  	[tilespmem:s3], [sflag:$0x3] =	stream.linear.gather [hbm4b:s4+s3], $0x800, $0x38;
	[tilespmem:$0x11000] =	vst v63  }
0x3b: {  	_ =	swait.ge [sflag:s5], $0x800  }
0x3c: {  	[sflag:s5] =	ssyncset.done $0x0  }
0x3d: {  	[sflag:s5] =	ssyncadd.s32 $0xFFFFF800  }
0x3e: {  	[tilespmem:s7], [sflag:$0x1] =	stream.indirect.gather [hbm4b:s1+s6], $0x10, s3, s6, $0xb8;
	[tilespmem:$0x11000] =	vst v63  }
0x3f: {  	_ = 	snop  }
0x40: {  	[tilespmem:s6], [sflag:$0x3] =	stream.linear.gather [hbm4b:s8+s3], $0x800, $0x38;
	[tilespmem:$0x11000] =	vst v63  }
0x41: {  	_ =	swait.ge [sflag:s5], $0x800  }
0x42: {  	[sflag:s5] =	ssyncset.done $0x0  }
0x43: {  	[sflag:s5] =	ssyncadd.s32 $0xFFFFF800  }
0x44: {  	[tilespmem:s9], [sflag:$0x1] =	stream.indirect.gather [hbm4b:s1+s6], $0x10, s6, s6, $0xb8;
	[tilespmem:$0x11000] =	vst v63  }
0x45: {  	_ =	swait.ge [sflag:s10], $0x8000  }
0x46: {  	[sflag:s10] =	ssyncset.done $0x0  }
0x47: {  	[sflag:s10] =	ssyncadd.s32 $0xFFFF8000  }
0x48: {  	[hbm4b:s11+s3] =	stream.linear.scatter [tilespmem:s7], [sflag:$0x2], $0x8000, $0x38;
	[tilespmem:$0x11000] =	vst v63  }
0x49: {  	_ = 	snop  }
0x4a: {  	[tilespmem:s3], [sflag:$0x3] =	stream.linear.gather [hbm4b:s12+s3], $0x800, $0x38;
	[tilespmem:$0x11000] =	vst v63  }
0x4b: {  	_ =	swait.ge [sflag:s5], $0x800  }
0x4c: {  	[sflag:s5] =	ssyncset.done $0x0  }
0x4d: {  	[sflag:s5] =	ssyncadd.s32 $0xFFFFF800  }
0x4e: {  	_ =	swait.ge [sflag:s13], $0x8000  }
0x4f: {  	[sflag:s13] =	ssyncset.done $0x0  }
0x50: {  	[sflag:s13] =	ssyncadd.s32 $0xFFFF8000  }
0x51: {  	[tilespmem:s7], [sflag:$0x1] =	stream.indirect.gather [hbm4b:s1+s6], $0x10, s3, s6, $0xb8;
	[tilespmem:$0x11000] =	vst v63  }
0x52: {  	_ =	swait.ge [sflag:s10], $0x8000  }
0x53: {  	[sflag:s10] =	ssyncset.done $0x0  }
0x54: {  	[sflag:s10] =	ssyncadd.s32 $0xFFFF8000  }
0x55: {  	[hbm4b:s14+s3] =	stream.linear.scatter [tilespmem:s9], [sflag:$0x2], $0x8000, $0x38;
	[tilespmem:$0x11000] =	vst v63  }
0x56: {  	_ = 	snop  }
0x57: {  	[tilespmem:s6], [sflag:$0x3] =	stream.linear.gather [hbm4b:s15+s3], $0x800, $0x38;
	[tilespmem:$0x11000] =	vst v63  }
0x58: {  	_ =	swait.ge [sflag:s5], $0x800  }
0x59: {  	[sflag:s5] =	ssyncset.done $0x0  }
0x5a: {  	[sflag:s5] =	ssyncadd.s32 $0xFFFFF800  }
0x5b: {  	_ =	swait.ge [sflag:s13], $0x8000  }
0x5c: {  	[sflag:s13] =	ssyncset.done $0x0  }
0x5d: {  	[sflag:s13] =	ssyncadd.s32 $0xFFFF8000  }
0x5e: {  	[tilespmem:s9], [sflag:$0x1] =	stream.indirect.gather [hbm4b:s1+s6], $0x10, s6, s6, $0xb8;
	[tilespmem:$0x11000] =	vst v63  }
0x5f: {  	_ =	swait.ge [sflag:s10], $0x8000  }
0x60: {  	[sflag:s10] =	ssyncset.done $0x0  }
0x61: {  	[sflag:s10] =	ssyncadd.s32 $0xFFFF8000  }
0x62: {  	[hbm4b:s16+s3] =	stream.linear.scatter [tilespmem:s7], [sflag:$0x2], $0x8000, $0x38;
	[tilespmem:$0x11000] =	vst v63  }
0x63: {  	_ =	swait.ge [sflag:s10], $0x8000  }
0x64: {  	[sflag:s10] =	ssyncset.done $0x0  }
0x65: {  	[sflag:s10] =	ssyncadd.s32 $0xFFFF8000  }
0x66: {  	[hbm4b:s17+s3] =	stream.linear.scatter [tilespmem:s9], [sflag:$0x2], $0x8000, $0x38;
	[tilespmem:$0x11000] =	vst v63  }
.Ltmp1:
0x67: {  	_ =	swait.ge [sflag:s13], $0x8000;
	(pc) =	sbr.rel @p0 .LBB2_1-.Ltmp1, $4  }
0x68: {  	[sflag:s13] =	ssyncset.done $0x0  }
0x69: {  	[sflag:s13] =	ssyncadd.s32 $0xFFFF8000  }
0x6a: {  	_ =	swait.ge [sflag:s13], $0x8000  }
0x6b: {  	[sflag:s13] =	ssyncset.done $0x0  }
.LBB2_2:
0x6c: {  	[sflag:s13] =	ssyncadd.s32 $0xFFFF8000  }
0x6d: {  	_ =	sfence.sel $0x180000  }
0x6e: {  	[bflag:$0x0] =	sbarrier.arrive $0xFFFF  }
0x6f: {  	p0 =	sne.s32 s0, $0x0;
	_ =	strace $0x90000047  }
0x70: {  	s0 =	sadd.s32 @!p0 $0x100000, s2;
	[bflag:$0x2] =	sbarrier.arrive $0xFFFF  }
0x71: {  	[sflag:s0] =	ssyncadd.tile.s32 @!p0 $0x1;
	_ =	shalt  }
.Lfunc_end2:
_tile_overlayer_lowered:
.L_overlay_start_2:
0x72: {  	(tag) =	ssettag $0x2  }
0x73: {  	s0 =	rddreg [dreg:$0x0];
	s2 =	stileid.u32  }
0x74: {  	s1 =	rddreg [dreg:$0x1];
	p0 =	sne.s32 s2, $0x0  }
0x75: {  	s3 =	rddreg [dreg:$0x2];
	[bflag:$0x3] =	sbarrier.arrive $0xFFFF;
	s2 =	simm.s32 @!p0 $0x1C03  }
0x76: {  	[timem:s3], [sflag:s2] =	dma.local @!p0 [hbm:s0], s1  }
0x77: {  	s0 =	simm.s32 @!p0 $0x3  }
0x78: {  	_ =	swait.ge @!p0 [sflag:s0], s1  }
0x79: {  	s1 =	ssub.s32 @!p0 $0x0, s1;
	[sflag:s0] =	ssyncset.done @!p0 $0x0  }
0x7a: {  	[sflag:s0] =	ssyncadd.s32 @!p0 s1  }
0x7b: {  	[bflag:$0x3] =	sbarrier.arrive $0xFFFF  }
0x7c: {  	_ =	shalt  }

// kernel: kernel.21.cloned.1.call-start
scs
__scs_entry_jumppad:
0x0: {  	(pc) =	sbr.rel $0x88, $3  }
0x1: {  	(tag) =	ssettag $0x0;
	lr =	simm.s32 $0x1  }
0x2: {  	[smem:$0x3F70] =	sst lr;
	_ =	strace $0xD0000000  }
0x3: {  	_ = 	snop  }
0x4: {  	_ = 	snop  }
0x5: {  	_ = 	snop  }
0x6: {  	_ = 	snop  }
0x7: {  	_ = 	snop  }
__scs_overlays_trampoline_lowered:
0x8: {  	[smem:$0x3F7F] =	sst s0  }
0x9: {  	[smem:$0x3F80] =	sst s1  }
0xa: {  	[smem:$0x3F81] =	sst s2  }
0xb: {  	[smem:$0x3F82] =	sst s3  }
0xc: {  	[smem:$0x3F83] =	sst s4  }
0xd: {  	[smem:$0x3F84] =	sst s5  }
0xe: {  	[smem:$0x3F85] =	sst s6  }
0xf: {  	[smem:$0x3F86] =	sst s7  }
0x10: {  	[smem:$0x3F87] =	sst s8  }
0x11: {  	[smem:$0x3F88] =	sst s9;
	s0 =	simm.s32 @!p0 $0x0  }
0x12: {  	s1 =	sld [smem:$0x3F6E];
	s0 =	simm.s32 @p0 $0x1  }
0x13: {  	[smem:$0x3F89] =	sst s0;
	s0 =	simm.s32 @!p1 $0x0  }
0x14: {  	s2 =	sld [smem:$0x3F6D];
	s0 =	simm.s32 @p1 $0x1  }
0x15: {  	[smem:$0x3F8A] =	sst s0;
	s0 =	simm.s32 @!p2 $0x0  }
0x16: {  	s3 =	sld [smem:$0x3FDB];
	s0 =	simm.s32 @p2 $0x1  }
0x17: {  	s4 =	simm.s32 $0x1BF5;
	[smem:$0x3F8C] =	sst s0  }
0x18: {  	s0 =	sld [smem:$0x3F6F];
	_ =	swait.ge [sflag:s4], $0x0  }
0x19: {  	s7 =	sld [smem:$0x3F70]  }
0x1a: {  	s8 =	sadd.s32 $0xFFFFE003, lr  }
0x1b: {  	s9 =	sadd.s32 $0xFFFFFEF7, lr;
	s5 =	simm.s32 $0xFFFFFFFF;
	p2 =	slt.u32 s8, $0xFFFFF086  }
0x1c: {  	p1 =	slt.u32 s9, $0xF7A;
	s5 =	simm.s32 @!p2 $0x0  }
0x1d: {  	s5 =	simm.s32 @p1 $0x1;
	p0 =	seq.s32 s7, s2  }
0x1e: {  	s7 =	smul.u32 @!p0 $0xF7A, s2;
	p2 =	seq.s32 @!p0 s5, $0x0  }
0x1f: {  	s9 =	smul.u32 $0xF7A, s1;
	s8 =	simm.s32 @!p0 $0x1BF5;
	p2 =	por !p2, p0  }
0x20: {  	[sflag:s8] =	ssyncset.s32 @!p0 $0xFFFFF086;
	s6 =	sadd.s32 @!p0 s3, s7;
	s7 =	simm.s32 @!p0 $0x108  }
0x21: {  	s3 =	sadd.s32 s3, s9;
	s6 =	sadd.s32 @!p0 $0x88, s6;
	s7 =	simm.s32 @p2 $0x1082  }
0x22: {  	[simem:s7], [sflag:s8] =	dma.local @!p0 [hbm:s6], $0xF7A  }
0x23: {  	s9 =	sor.u32 $0xD0000000, s2;
	s6 =	simm.s32 $0x108;
	_ =	swait.ge @!p0 [sflag:s8], $0x0  }
0x24: {  	s3 =	sadd.s32 $0x88, s3;
	s6 =	simm.s32 @!p1 $0x1082;
	[sflag:s4] =	ssyncset.s32 $0xFFFFF086  }
0x25: {  	[simem:s6], [sflag:s4] =	dma.local [hbm:s3], $0xF7A  }
0x26: {  	[smem:$0x3F70] =	sst s1;
	(tag) =	ssettag s2;
	_ =	strace s9  }
0x27: {  	s1 =	sld [smem:$0x3F80]  }
0x28: {  	s2 =	sld [smem:$0x3F81]  }
0x29: {  	s4 =	sld [smem:$0x3F83]  }
0x2a: {  	p0 =	seq.s32 s5, $0x0;
	s5 =	sld [smem:$0x3F84]  }
0x2b: {  	s6 =	sld [smem:$0x3F85]  }
0x2c: {  	s7 =	sld [smem:$0x3F86]  }
0x2d: {  	s3 =	simm.s32 $0x108;
	s8 =	sld [smem:$0x3F87]  }
0x2e: {  	s3 =	simm.s32 @!p0 $0x1082;
	s9 =	sld [smem:$0x3F88]  }
0x2f: {  	lr =	sadd.s32 s0, s3;
	s0 =	sld [smem:$0x3F7F]  }
0x30: {  	s3 =	sld [smem:$0x3F82]  }
0x31: {  	[smem:$0x3F8B] =	sst s10  }
0x32: {  	s10 =	sld [smem:$0x3F89];
	_ =	sdelay $0x3  }
0x33: {  	p0 =	seq.s32 s10, $0x1;
	s10 =	sld [smem:$0x3F8B];
	_ =	sdelay $0x3  }
0x34: {  	[smem:$0x3F8B] =	sst s10  }
0x35: {  	s10 =	sld [smem:$0x3F8A];
	_ =	sdelay $0x3  }
0x36: {  	p1 =	seq.s32 s10, $0x1;
	s10 =	sld [smem:$0x3F8B];
	_ =	sdelay $0x3  }
0x37: {  	[smem:$0x3F8B] =	sst s10  }
0x38: {  	s10 =	sld [smem:$0x3F8C]  }
0x39: {  	_ = 	snop;
	(pc) =	sbr.ind lr, $3  }
0x3a: {  	_ = 	snop  }
0x3b: {  	_ = 	snop  }
0x3c: {  	p2 =	seq.s32 s10, $0x1;
	s10 =	sld [smem:$0x3F8B]  }
0x3d: {  	_ =	shalt  }
0x3e: {  	_ =	shalt  }
0x3f: {  	_ =	shalt  }
0x40: {  	_ =	shalt  }
0x41: {  	_ =	shalt  }
0x42: {  	_ =	shalt  }
0x43: {  	_ =	shalt  }
0x44: {  	_ =	shalt  }
0x45: {  	_ =	shalt  }
0x46: {  	_ =	shalt  }
0x47: {  	_ =	shalt  }
0x48: {  	_ =	shalt  }
0x49: {  	_ =	shalt  }
0x4a: {  	_ =	shalt  }
0x4b: {  	_ =	shalt  }
0x4c: {  	_ =	shalt  }
0x4d: {  	_ =	shalt  }
0x4e: {  	_ =	shalt  }
0x4f: {  	_ =	shalt  }
0x50: {  	_ =	shalt  }
0x51: {  	_ =	shalt  }
0x52: {  	_ =	shalt  }
0x53: {  	_ =	shalt  }
0x54: {  	_ =	shalt  }
0x55: {  	_ =	shalt  }
0x56: {  	_ =	shalt  }
0x57: {  	_ =	shalt  }
0x58: {  	_ =	shalt  }
0x59: {  	_ =	shalt  }
0x5a: {  	_ =	shalt  }
0x5b: {  	_ =	shalt  }
0x5c: {  	_ =	shalt  }
0x5d: {  	_ =	shalt  }
0x5e: {  	_ =	shalt  }
0x5f: {  	_ =	shalt  }
0x60: {  	_ =	shalt  }
0x61: {  	_ =	shalt  }
0x62: {  	_ =	shalt  }
0x63: {  	_ =	shalt  }
0x64: {  	_ =	shalt  }
0x65: {  	_ =	shalt  }
0x66: {  	_ =	shalt  }
0x67: {  	_ =	shalt  }
0x68: {  	_ =	shalt  }
0x69: {  	_ =	shalt  }
0x6a: {  	_ =	shalt  }
0x6b: {  	_ =	shalt  }
0x6c: {  	_ =	shalt  }
0x6d: {  	_ =	shalt  }
0x6e: {  	_ =	shalt  }
0x6f: {  	_ =	shalt  }
0x70: {  	_ =	shalt  }
0x71: {  	_ =	shalt  }
0x72: {  	_ =	shalt  }
0x73: {  	_ =	shalt  }
0x74: {  	_ =	shalt  }
0x75: {  	_ =	shalt  }
0x76: {  	_ =	shalt  }
0x77: {  	_ =	shalt  }
0x78: {  	_ =	shalt  }
0x79: {  	_ =	shalt  }
0x7a: {  	_ =	shalt  }
0x7b: {  	_ =	shalt  }
0x7c: {  	_ =	shalt  }
0x7d: {  	_ =	shalt  }
0x7e: {  	_ =	shalt  }
0x7f: {  	_ =	shalt  }
0x80: {  	_ =	shalt  }
0x81: {  	_ =	shalt  }
0x82: {  	_ =	shalt  }
0x83: {  	_ =	shalt  }
0x84: {  	_ =	shalt  }
0x85: {  	_ =	shalt  }
0x86: {  	_ =	shalt  }
0x87: {  	_ =	shalt  }
.Lfunc_end0:
.L_simem_size_0:
called_computation.1_lowered:
.L_overlay_start_0:
0x88: {  	s2 =	sld [smem:$0x3FD9]  }
0x89: {  	s3 =	sld [smem:$0x3FFE];
	_ =	sdelay $0x1  }
0x8a: {  	s1 =	srdreg.scid  }
0x8b: {  	s0 =	sand.u32 $0x1, s1  }
0x8c: {  	s14 =	sshll.u32 s0, $0xA;
	s2 =	sadd.s32 s3, s2  }
0x8d: {  	s2 =	sadd.s32 s2, s14  }
0x8e: {  	[smem:$0x3F97] =	sst s2  }
0x8f: {  	_ = 	snop  }
0x90: {  	s2 =	sld [smem:$0x3FD0];
	_ =	sdelay $0x3  }
0x91: {  	s15 =	simm.s32 $0xA;
	s4 =	simm.s32 $0x10;
	s2 =	sadd.s32 $0x1, s2  }
0x92: {  	[smem:s4], [sflag:s15] =	dma.local [hbm:s2], $0x1  }
0x93: {  	_ =	swait.eq [sflag:s15], $0x1  }
0x94: {  	[sflag:s15] =	ssyncset.done $0x0  }
0x95: {  	[sflag:s15] =	ssyncadd.s32 $0xFFFFFFFF  }
0x96: {  	s16 =	sld [smem:$0x11];
	(tm) =	ssettm $0x1  }
0x97: {  	s17 =	sld [smem:$0x3FFB];
	_ =	sdelay $0x3  }
0x98: {  	_ =	strace s17  }
0x99: {  	s3 =	sld [smem:$0x3FFC];
	_ =	sdelay $0x3  }
0x9a: {  	_ =	strace s3  }
0x9b: {  	s3 =	sld [smem:$0x3FFD];
	_ =	sdelay $0x3  }
0x9c: {  	_ =	strace s3  }
0x9d: {  	_ =	strace $0x8FFFFFFF  }
0x9e: {  	s18 =	sld [smem:$0x3FDB];
	_ =	sdelay $0x1  }
0x9f: {  	s19 =	simm.s32 $_scs_section_size  }
0xa0: {  	s5 =	simm.s32 $_size__tile_overlayer_lowered;
	s6 =	simm.s32 $_tile_overlayer_lowered  }
0xa1: {  	s22 =	simm.s32 $0x1BFF;
	s21 =	sshll.u32 s6, $0x1;
	s3 =	sadd.s32 s19, s18  }
0xa2: {  	s7 =	simm.s32 $0x0;
	s20 =	sshll.u32 s5, $0x1;
	s5 =	sadd.s32 s21, s3  }
0xa3: {  	[timem:s7], [sflag:s22] =	dma.local [hbm:s5], s20  }
0xa4: {  	_ =	swait.ge [sflag:s22], s20  }
0xa5: {  	s4 =	ssub.s32 $0x0, s20;
	[sflag:s22] =	ssyncset.done $0x0  }
0xa6: {  	[sflag:s22] =	ssyncadd.s32 s4;
	_ =	sdelay $0x1  }
0xa7: {  	s23 =	simm.s32 $0x1B8B  }
0xa8: {  	_ =	swait.ge [sflag:s23], $0x1  }
0xa9: {  	[sflag:s23] =	ssyncset.done $0x0  }
0xaa: {  	s25 =	simm.s32 $0x1B8E;
	s24 =	sld [smem:$0x3FFE];
	[sflag:s23] =	ssyncadd.s32 $0xFFFFFFFF  }
0xab: {  	s26 =	simm.s32 $execute0_lowered;
	[smem:$0x3FD2] =	sst s25  }
0xac: {  	s5 =	sshll.u32 s26, $0x1;
	_ =	strace $0x80000049;
	[dreg:$0x1] =	wrdreg $0xFFFFFFFF  }
0xad: {  	s28 =	simm.s32 $_size_execute0_lowered;
	s3 =	sadd.s32 s3, s5;
	[dreg:$0x0] =	wrdreg $0x0  }
0xae: {  	s5 =	sshll.u32 s28, $0x1;
	[dreg:$0x2] =	wrdreg s3  }
0xaf: {  	[dreg:$0x3] =	wrdreg s5  }
0xb0: {  	[dreg:$0x4] =	wrdreg $0xC0  }
0xb1: {  	_ =	task [dreg:s7], $0x5FFFF  }
0xb2: {  	[dreg:$0x1] =	wrdreg $0xFFFFFFFF  }
0xb3: {  	[dreg:$0x0] =	wrdreg $0x60  }
0xb4: {  	[dreg:$0x2] =	wrdreg s24  }
0xb5: {  	[dreg:$0x3] =	wrdreg s16  }
0xb6: {  	[dreg:$0x4] =	wrdreg $0x9  }
0xb7: {  	_ =	task.clear_ibuf [dreg:s7], $0x5FFFF;
	_ =	strace $0x90000049  }
0xb8: {  	s29 =	simm.s32 $0x9;
	_ =	strace $0x8000004B  }
0xb9: {  	_ =	swait.ge [sflag:s29], $0x1  }
0xba: {  	[sflag:s29] =	ssyncadd.s32 $0xFFFFFFFF  }
0xbb: {  	_ =	strace $0x9000004B  }
0xbc: {  	_ =	sfence  }
0xbd: {  	s30 =	sld [smem:$0x0];
	_ =	sdelay $0x2  }
0xbe: {  	s31 =	sshll.u32 s1, $0xD;
	s1 =	sshrl.u32 s1, $0x2  }
0xbf: {  	s3 =	sand.u32 $0x4000, s31;
	s1 =	sadd.s32 s1, s30  }
0xc0: {  	s0 =	sor.u32 s3, s0;
	s1 =	sshll.u32 s1, $0x11  }
0xc1: {  	s0 =	sor.u32 s1, s0  }
0xc2: {  	s0 =	sadd.s32 $0x8F2B, s0  }
0xc3: {  	[sflag:s0] =	ssyncadd.remote.s32 $0x1  }
0xc4: {  	_ =	sfence.sel $0xFFFF  }
0xc5: {  	[dreg:$0x0] =	wrdreg $0xFFFFFFFF;
	(pc) =	sbr.abs _section_cstart, $3  }
0xc6: {  	[dreg:$0x1] =	wrdreg $0xFFFFFFFF  }
0xc7: {  	_ =	task.clear_ibuf [dreg:s7], $0x2FFFF;
	_ =	strace $0x9FFFFFFF  }
0xc8: {  	(tm) =	ssettm $0x7FFFFFFF  }
0xc9: {  	_ =	shalt  }
tec
execute0_lowered:
.L_overlay_start_1:
0x0: {  	(tag) =	ssettag $0x1  }
0x1: {  	s1 =	srdreg.scid  }
0x2: {  	s11 =	rddreg [dreg:$0x0];
	s0 =	stileid.u32;
	s17 =	sand.u32 $0x1, s1  }
0x3: {  	s15 =	rddreg [dreg:$0x1];
	s3 =	sshll.u32 s0, $0xC;
	s4 =	sshll.u32 s17, $0xB  }
0x4: {  	s2 =	simm.s32 $0x0;
	s1 =	rddreg [dreg:$0x2];
	s14 =	sor.u32 s4, s3  }
0x5: {  	[smem:$0x7FF] =	sst s2;
	s3 =	sshrl.u32 s14, $0x3  }
0x6: {  	_ =	strace $0x8000004A;
	s4 =	simm.s32 $0x3;
	s3 =	sadd.s32 s15, s3  }
0x7: {  	[tilespmem:s2], [sflag:$0x3] =	stream.linear.gather [hbm4b:s3+s2], $0x200, $0x38;
	[tilespmem:$0x14400] =	vst v63  }
0x8: {  	s6 =	simm.s32 $0x200;
	_ =	swait.ge [sflag:s4], $0x200  }
0x9: {  	s7 =	simm.s32 $0x400;
	s16 =	sor.u32 $0x200, s14;
	[sflag:s4] =	ssyncset.done $0x0  }
0xa: {  	s5 =	sadd.s32 $0x8600, s11;
	s8 =	sshrl.u32 s16, $0x3;
	[sflag:s4] =	ssyncadd.s32 $0xFFFFFE00  }
0xb: {  	[tilespmem:s7], [sflag:$0x1] =	stream.indirect.gather [hbm4b:s5+s6], $0x50, s2, s6, $0xb8;
	[tilespmem:$0x14400] =	vst v63  }
0xc: {  	s8 =	sadd.s32 s15, s8  }
0xd: {  	[tilespmem:s6], [sflag:$0x3] =	stream.linear.gather [hbm4b:s8+s2], $0x200, $0x38;
	[tilespmem:$0x14400] =	vst v63  }
0xe: {  	_ =	swait.ge [sflag:s4], $0x200  }
0xf: {  	[sflag:s4] =	ssyncset.done $0x0  }
0x10: {  	s9 =	simm.s32 $0xA400;
	s10 =	simm.s32 $0x1;
	[sflag:s4] =	ssyncadd.s32 $0xFFFFFE00  }
0x11: {  	[tilespmem:s9], [sflag:$0x1] =	stream.indirect.gather [hbm4b:s5+s6], $0x50, s6, s6, $0xb8;
	[tilespmem:$0x14400] =	vst v63  }
0x12: {  	s12 =	smul.u32 $0xA, s14;
	_ =	swait.ge [sflag:s10], $0xA000  }
0x13: {  	s18 =	sadd.s32 $0x1C600, s11;
	s19 =	sor.u32 $0x400, s14;
	[sflag:s10] =	ssyncset.done $0x0  }
0x14: {  	s25 =	sshrl.u32 s19, $0x3;
	s11 =	sadd.s32 s18, s12;
	[sflag:s10] =	ssyncadd.s32 $0xFFFF6000  }
0x15: {  	[hbm4b:s11+s2] =	stream.linear.scatter [tilespmem:s7], [sflag:$0x2], $0xA000, $0x38;
	[tilespmem:$0x14400] =	vst v63  }
0x16: {  	s12 =	sadd.s32 s15, s25  }
0x17: {  	[tilespmem:s2], [sflag:$0x3] =	stream.linear.gather [hbm4b:s12+s2], $0x200, $0x38;
	[tilespmem:$0x14400] =	vst v63  }
0x18: {  	_ =	swait.ge [sflag:s4], $0x200  }
0x19: {  	[sflag:s4] =	ssyncset.done $0x0  }
0x1a: {  	s13 =	simm.s32 $0x2;
	[sflag:s4] =	ssyncadd.s32 $0xFFFFFE00  }
0x1b: {  	_ =	swait.ge [sflag:s13], $0xA000  }
0x1c: {  	[sflag:s13] =	ssyncset.done $0x0  }
0x1d: {  	[sflag:s13] =	ssyncadd.s32 $0xFFFF6000  }
0x1e: {  	[tilespmem:s7], [sflag:$0x1] =	stream.indirect.gather [hbm4b:s5+s6], $0x50, s2, s6, $0xb8;
	[tilespmem:$0x14400] =	vst v63  }
0x1f: {  	s16 =	smul.u32 $0xA, s16;
	_ =	swait.ge [sflag:s10], $0xA000  }
0x20: {  	s20 =	sor.u32 $0x600, s14;
	[sflag:s10] =	ssyncset.done $0x0  }
0x21: {  	s26 =	sshrl.u32 s20, $0x3;
	s14 =	sadd.s32 s18, s16;
	[sflag:s10] =	ssyncadd.s32 $0xFFFF6000  }
0x22: {  	[hbm4b:s14+s2] =	stream.linear.scatter [tilespmem:s9], [sflag:$0x2], $0xA000, $0x38;
	[tilespmem:$0x14400] =	vst v63  }
0x23: {  	s15 =	sadd.s32 s15, s26  }
0x24: {  	[tilespmem:s6], [sflag:$0x3] =	stream.linear.gather [hbm4b:s15+s2], $0x200, $0x38;
	[tilespmem:$0x14400] =	vst v63  }
0x25: {  	_ =	swait.ge [sflag:s4], $0x200  }
0x26: {  	[sflag:s4] =	ssyncset.done $0x0  }
0x27: {  	[sflag:s4] =	ssyncadd.s32 $0xFFFFFE00  }
0x28: {  	_ =	swait.ge [sflag:s13], $0xA000  }
0x29: {  	[sflag:s13] =	ssyncset.done $0x0  }
0x2a: {  	[sflag:s13] =	ssyncadd.s32 $0xFFFF6000  }
0x2b: {  	[tilespmem:s9], [sflag:$0x1] =	stream.indirect.gather [hbm4b:s5+s6], $0x50, s6, s6, $0xb8;
	[tilespmem:$0x14400] =	vst v63  }
0x2c: {  	s30 =	ssub.s32 $0x2, s17;
	s28 =	smul.u32 $0xA, s19;
	_ =	swait.ge [sflag:s10], $0xA000  }
0x2d: {  	s31 =	sshrl.u32 s30, $0x1;
	[sflag:s10] =	ssyncset.done $0x0  }
0x2e: {  	s29 =	smul.u32 $0xA, s20;
	s16 =	sadd.s32 s18, s28;
	[sflag:s10] =	ssyncadd.s32 $0xFFFF6000  }
0x2f: {  	[hbm4b:s16+s2] =	stream.linear.scatter [tilespmem:s7], [sflag:$0x2], $0xA000, $0x38;
	[tilespmem:$0x14400] =	vst v63  }
0x30: {  	s17 =	sadd.s32 s18, s29;
	s18 =	ssub.s32 s30, s31;
	_ =	swait.ge [sflag:s10], $0xA000  }
0x31: {  	s18 =	smax.u32 s18, $0x1;
	[sflag:s10] =	ssyncset.done $0x0  }
0x32: {  	p0 =	sne.s32 s18, $0x1;
	[sflag:s10] =	ssyncadd.s32 $0xFFFF6000  }
0x33: {  	[hbm4b:s17+s2] =	stream.linear.scatter [tilespmem:s9], [sflag:$0x2], $0xA000, $0x38;
	[tilespmem:$0x14400] =	vst v63  }
.Ltmp0:
0x34: {  	_ =	swait.ge [sflag:s13], $0xA000;
	(pc) =	sbr.rel @!p0 .LBB2_2-.Ltmp0, $4  }
0x35: {  	[sflag:s13] =	ssyncset.done $0x0  }
0x36: {  	[sflag:s13] =	ssyncadd.s32 $0xFFFF6000  }
0x37: {  	_ =	swait.ge [sflag:s13], $0xA000  }
0x38: {  	s18 =	sadd.s32 $0xFFFFFFFF, s18;
	[sflag:s13] =	ssyncset.done $0x0  }
.LBB2_1:
0x39: {  	p0 =	sne.s32 s18, $0x1;
	s18 =	sadd.s32 $0xFFFFFFFF, s18;
	[sflag:s13] =	ssyncadd.s32 $0xFFFF6000  }
0x3a: {  	[tilespmem:s2], [sflag:$0x3] =	stream.linear.gather [hbm4b:s3+s2], $0x200, $0x38;
	[tilespmem:$0x14400] =	vst v63  }
0x3b: {  	_ =	swait.ge [sflag:s4], $0x200  }
0x3c: {  	[sflag:s4] =	ssyncset.done $0x0  }
0x3d: {  	[sflag:s4] =	ssyncadd.s32 $0xFFFFFE00  }
0x3e: {  	[tilespmem:s7], [sflag:$0x1] =	stream.indirect.gather [hbm4b:s5+s6], $0x50, s2, s6, $0xb8;
	[tilespmem:$0x14400] =	vst v63  }
0x3f: {  	_ = 	snop  }
0x40: {  	[tilespmem:s6], [sflag:$0x3] =	stream.linear.gather [hbm4b:s8+s2], $0x200, $0x38;
	[tilespmem:$0x14400] =	vst v63  }
0x41: {  	_ =	swait.ge [sflag:s4], $0x200  }
0x42: {  	[sflag:s4] =	ssyncset.done $0x0  }
0x43: {  	[sflag:s4] =	ssyncadd.s32 $0xFFFFFE00  }
0x44: {  	[tilespmem:s9], [sflag:$0x1] =	stream.indirect.gather [hbm4b:s5+s6], $0x50, s6, s6, $0xb8;
	[tilespmem:$0x14400] =	vst v63  }
0x45: {  	_ =	swait.ge [sflag:s10], $0xA000  }
0x46: {  	[sflag:s10] =	ssyncset.done $0x0  }
0x47: {  	[sflag:s10] =	ssyncadd.s32 $0xFFFF6000  }
0x48: {  	[hbm4b:s11+s2] =	stream.linear.scatter [tilespmem:s7], [sflag:$0x2], $0xA000, $0x38;
	[tilespmem:$0x14400] =	vst v63  }
0x49: {  	_ = 	snop  }
0x4a: {  	[tilespmem:s2], [sflag:$0x3] =	stream.linear.gather [hbm4b:s12+s2], $0x200, $0x38;
	[tilespmem:$0x14400] =	vst v63  }
0x4b: {  	_ =	swait.ge [sflag:s4], $0x200  }
0x4c: {  	[sflag:s4] =	ssyncset.done $0x0  }
0x4d: {  	[sflag:s4] =	ssyncadd.s32 $0xFFFFFE00  }
0x4e: {  	_ =	swait.ge [sflag:s13], $0xA000  }
0x4f: {  	[sflag:s13] =	ssyncset.done $0x0  }
0x50: {  	[sflag:s13] =	ssyncadd.s32 $0xFFFF6000  }
0x51: {  	[tilespmem:s7], [sflag:$0x1] =	stream.indirect.gather [hbm4b:s5+s6], $0x50, s2, s6, $0xb8;
	[tilespmem:$0x14400] =	vst v63  }
0x52: {  	_ =	swait.ge [sflag:s10], $0xA000  }
0x53: {  	[sflag:s10] =	ssyncset.done $0x0  }
0x54: {  	[sflag:s10] =	ssyncadd.s32 $0xFFFF6000  }
0x55: {  	[hbm4b:s14+s2] =	stream.linear.scatter [tilespmem:s9], [sflag:$0x2], $0xA000, $0x38;
	[tilespmem:$0x14400] =	vst v63  }
0x56: {  	_ = 	snop  }
0x57: {  	[tilespmem:s6], [sflag:$0x3] =	stream.linear.gather [hbm4b:s15+s2], $0x200, $0x38;
	[tilespmem:$0x14400] =	vst v63  }
0x58: {  	_ =	swait.ge [sflag:s4], $0x200  }
0x59: {  	[sflag:s4] =	ssyncset.done $0x0  }
0x5a: {  	[sflag:s4] =	ssyncadd.s32 $0xFFFFFE00  }
0x5b: {  	_ =	swait.ge [sflag:s13], $0xA000  }
0x5c: {  	[sflag:s13] =	ssyncset.done $0x0  }
0x5d: {  	[sflag:s13] =	ssyncadd.s32 $0xFFFF6000  }
0x5e: {  	[tilespmem:s9], [sflag:$0x1] =	stream.indirect.gather [hbm4b:s5+s6], $0x50, s6, s6, $0xb8;
	[tilespmem:$0x14400] =	vst v63  }
0x5f: {  	_ =	swait.ge [sflag:s10], $0xA000  }
0x60: {  	[sflag:s10] =	ssyncset.done $0x0  }
0x61: {  	[sflag:s10] =	ssyncadd.s32 $0xFFFF6000  }
0x62: {  	[hbm4b:s16+s2] =	stream.linear.scatter [tilespmem:s7], [sflag:$0x2], $0xA000, $0x38;
	[tilespmem:$0x14400] =	vst v63  }
0x63: {  	_ =	swait.ge [sflag:s10], $0xA000  }
0x64: {  	[sflag:s10] =	ssyncset.done $0x0  }
0x65: {  	[sflag:s10] =	ssyncadd.s32 $0xFFFF6000  }
0x66: {  	[hbm4b:s17+s2] =	stream.linear.scatter [tilespmem:s9], [sflag:$0x2], $0xA000, $0x38;
	[tilespmem:$0x14400] =	vst v63  }
.Ltmp1:
0x67: {  	_ =	swait.ge [sflag:s13], $0xA000;
	(pc) =	sbr.rel @p0 .LBB2_1-.Ltmp1, $4  }
0x68: {  	[sflag:s13] =	ssyncset.done $0x0  }
0x69: {  	[sflag:s13] =	ssyncadd.s32 $0xFFFF6000  }
0x6a: {  	_ =	swait.ge [sflag:s13], $0xA000  }
0x6b: {  	[sflag:s13] =	ssyncset.done $0x0  }
.LBB2_2:
0x6c: {  	[sflag:s13] =	ssyncadd.s32 $0xFFFF6000  }
0x6d: {  	_ =	sfence.sel $0x180000  }
0x6e: {  	[bflag:$0x0] =	sbarrier.arrive $0xFFFF  }
0x6f: {  	p0 =	sne.s32 s0, $0x0;
	_ =	strace $0x9000004A  }
0x70: {  	s0 =	sadd.s32 @!p0 $0x100000, s1;
	[bflag:$0x2] =	sbarrier.arrive $0xFFFF  }
0x71: {  	[sflag:s0] =	ssyncadd.tile.s32 @!p0 $0x1;
	_ =	shalt  }
.Lfunc_end2:
_tile_overlayer_lowered:
.L_overlay_start_2:
0x72: {  	(tag) =	ssettag $0x2  }
0x73: {  	s0 =	rddreg [dreg:$0x0];
	s2 =	stileid.u32  }
0x74: {  	s1 =	rddreg [dreg:$0x1];
	p0 =	sne.s32 s2, $0x0  }
0x75: {  	s3 =	rddreg [dreg:$0x2];
	[bflag:$0x3] =	sbarrier.arrive $0xFFFF;
	s2 =	simm.s32 @!p0 $0x1C03  }
0x76: {  	[timem:s3], [sflag:s2] =	dma.local @!p0 [hbm:s0], s1  }
0x77: {  	s0 =	simm.s32 @!p0 $0x3  }
0x78: {  	_ =	swait.ge @!p0 [sflag:s0], s1  }
0x79: {  	s1 =	ssub.s32 @!p0 $0x0, s1;
	[sflag:s0] =	ssyncset.done @!p0 $0x0  }
0x7a: {  	[sflag:s0] =	ssyncadd.s32 @!p0 s1  }
0x7b: {  	[bflag:$0x3] =	sbarrier.arrive $0xFFFF  }
0x7c: {  	_ =	shalt  }

// kernel: kernel.24.cloned.1.call-start
scs
__scs_entry_jumppad:
0x0: {  	(pc) =	sbr.rel $0x88, $3  }
0x1: {  	(tag) =	ssettag $0x0;
	lr =	simm.s32 $0x1  }
0x2: {  	[smem:$0x3F70] =	sst lr;
	_ =	strace $0xD0000000  }
0x3: {  	_ = 	snop  }
0x4: {  	_ = 	snop  }
0x5: {  	_ = 	snop  }
0x6: {  	_ = 	snop  }
0x7: {  	_ = 	snop  }
__scs_overlays_trampoline_lowered:
0x8: {  	[smem:$0x3F7F] =	sst s0  }
0x9: {  	[smem:$0x3F80] =	sst s1  }
0xa: {  	[smem:$0x3F81] =	sst s2  }
0xb: {  	[smem:$0x3F82] =	sst s3  }
0xc: {  	[smem:$0x3F83] =	sst s4  }
0xd: {  	[smem:$0x3F84] =	sst s5  }
0xe: {  	[smem:$0x3F85] =	sst s6  }
0xf: {  	[smem:$0x3F86] =	sst s7  }
0x10: {  	[smem:$0x3F87] =	sst s8  }
0x11: {  	[smem:$0x3F88] =	sst s9;
	s0 =	simm.s32 @!p0 $0x0  }
0x12: {  	s1 =	sld [smem:$0x3F6E];
	s0 =	simm.s32 @p0 $0x1  }
0x13: {  	[smem:$0x3F89] =	sst s0;
	s0 =	simm.s32 @!p1 $0x0  }
0x14: {  	s2 =	sld [smem:$0x3F6D];
	s0 =	simm.s32 @p1 $0x1  }
0x15: {  	[smem:$0x3F8A] =	sst s0;
	s0 =	simm.s32 @!p2 $0x0  }
0x16: {  	s3 =	sld [smem:$0x3FDB];
	s0 =	simm.s32 @p2 $0x1  }
0x17: {  	s4 =	simm.s32 $0x1BF5;
	[smem:$0x3F8C] =	sst s0  }
0x18: {  	s0 =	sld [smem:$0x3F6F];
	_ =	swait.ge [sflag:s4], $0x0  }
0x19: {  	s7 =	sld [smem:$0x3F70]  }
0x1a: {  	s8 =	sadd.s32 $0xFFFFE003, lr  }
0x1b: {  	s9 =	sadd.s32 $0xFFFFFEF7, lr;
	s5 =	simm.s32 $0xFFFFFFFF;
	p2 =	slt.u32 s8, $0xFFFFF086  }
0x1c: {  	p1 =	slt.u32 s9, $0xF7A;
	s5 =	simm.s32 @!p2 $0x0  }
0x1d: {  	s5 =	simm.s32 @p1 $0x1;
	p0 =	seq.s32 s7, s2  }
0x1e: {  	s7 =	smul.u32 @!p0 $0xF7A, s2;
	p2 =	seq.s32 @!p0 s5, $0x0  }
0x1f: {  	s9 =	smul.u32 $0xF7A, s1;
	s8 =	simm.s32 @!p0 $0x1BF5;
	p2 =	por !p2, p0  }
0x20: {  	[sflag:s8] =	ssyncset.s32 @!p0 $0xFFFFF086;
	s6 =	sadd.s32 @!p0 s3, s7;
	s7 =	simm.s32 @!p0 $0x108  }
0x21: {  	s3 =	sadd.s32 s3, s9;
	s6 =	sadd.s32 @!p0 $0x88, s6;
	s7 =	simm.s32 @p2 $0x1082  }
0x22: {  	[simem:s7], [sflag:s8] =	dma.local @!p0 [hbm:s6], $0xF7A  }
0x23: {  	s9 =	sor.u32 $0xD0000000, s2;
	s6 =	simm.s32 $0x108;
	_ =	swait.ge @!p0 [sflag:s8], $0x0  }
0x24: {  	s3 =	sadd.s32 $0x88, s3;
	s6 =	simm.s32 @!p1 $0x1082;
	[sflag:s4] =	ssyncset.s32 $0xFFFFF086  }
0x25: {  	[simem:s6], [sflag:s4] =	dma.local [hbm:s3], $0xF7A  }
0x26: {  	[smem:$0x3F70] =	sst s1;
	(tag) =	ssettag s2;
	_ =	strace s9  }
0x27: {  	s1 =	sld [smem:$0x3F80]  }
0x28: {  	s2 =	sld [smem:$0x3F81]  }
0x29: {  	s4 =	sld [smem:$0x3F83]  }
0x2a: {  	p0 =	seq.s32 s5, $0x0;
	s5 =	sld [smem:$0x3F84]  }
0x2b: {  	s6 =	sld [smem:$0x3F85]  }
0x2c: {  	s7 =	sld [smem:$0x3F86]  }
0x2d: {  	s3 =	simm.s32 $0x108;
	s8 =	sld [smem:$0x3F87]  }
0x2e: {  	s3 =	simm.s32 @!p0 $0x1082;
	s9 =	sld [smem:$0x3F88]  }
0x2f: {  	lr =	sadd.s32 s0, s3;
	s0 =	sld [smem:$0x3F7F]  }
0x30: {  	s3 =	sld [smem:$0x3F82]  }
0x31: {  	[smem:$0x3F8B] =	sst s10  }
0x32: {  	s10 =	sld [smem:$0x3F89];
	_ =	sdelay $0x3  }
0x33: {  	p0 =	seq.s32 s10, $0x1;
	s10 =	sld [smem:$0x3F8B];
	_ =	sdelay $0x3  }
0x34: {  	[smem:$0x3F8B] =	sst s10  }
0x35: {  	s10 =	sld [smem:$0x3F8A];
	_ =	sdelay $0x3  }
0x36: {  	p1 =	seq.s32 s10, $0x1;
	s10 =	sld [smem:$0x3F8B];
	_ =	sdelay $0x3  }
0x37: {  	[smem:$0x3F8B] =	sst s10  }
0x38: {  	s10 =	sld [smem:$0x3F8C]  }
0x39: {  	_ = 	snop;
	(pc) =	sbr.ind lr, $3  }
0x3a: {  	_ = 	snop  }
0x3b: {  	_ = 	snop  }
0x3c: {  	p2 =	seq.s32 s10, $0x1;
	s10 =	sld [smem:$0x3F8B]  }
0x3d: {  	_ =	shalt  }
0x3e: {  	_ =	shalt  }
0x3f: {  	_ =	shalt  }
0x40: {  	_ =	shalt  }
0x41: {  	_ =	shalt  }
0x42: {  	_ =	shalt  }
0x43: {  	_ =	shalt  }
0x44: {  	_ =	shalt  }
0x45: {  	_ =	shalt  }
0x46: {  	_ =	shalt  }
0x47: {  	_ =	shalt  }
0x48: {  	_ =	shalt  }
0x49: {  	_ =	shalt  }
0x4a: {  	_ =	shalt  }
0x4b: {  	_ =	shalt  }
0x4c: {  	_ =	shalt  }
0x4d: {  	_ =	shalt  }
0x4e: {  	_ =	shalt  }
0x4f: {  	_ =	shalt  }
0x50: {  	_ =	shalt  }
0x51: {  	_ =	shalt  }
0x52: {  	_ =	shalt  }
0x53: {  	_ =	shalt  }
0x54: {  	_ =	shalt  }
0x55: {  	_ =	shalt  }
0x56: {  	_ =	shalt  }
0x57: {  	_ =	shalt  }
0x58: {  	_ =	shalt  }
0x59: {  	_ =	shalt  }
0x5a: {  	_ =	shalt  }
0x5b: {  	_ =	shalt  }
0x5c: {  	_ =	shalt  }
0x5d: {  	_ =	shalt  }
0x5e: {  	_ =	shalt  }
0x5f: {  	_ =	shalt  }
0x60: {  	_ =	shalt  }
0x61: {  	_ =	shalt  }
0x62: {  	_ =	shalt  }
0x63: {  	_ =	shalt  }
0x64: {  	_ =	shalt  }
0x65: {  	_ =	shalt  }
0x66: {  	_ =	shalt  }
0x67: {  	_ =	shalt  }
0x68: {  	_ =	shalt  }
0x69: {  	_ =	shalt  }
0x6a: {  	_ =	shalt  }
0x6b: {  	_ =	shalt  }
0x6c: {  	_ =	shalt  }
0x6d: {  	_ =	shalt  }
0x6e: {  	_ =	shalt  }
0x6f: {  	_ =	shalt  }
0x70: {  	_ =	shalt  }
0x71: {  	_ =	shalt  }
0x72: {  	_ =	shalt  }
0x73: {  	_ =	shalt  }
0x74: {  	_ =	shalt  }
0x75: {  	_ =	shalt  }
0x76: {  	_ =	shalt  }
0x77: {  	_ =	shalt  }
0x78: {  	_ =	shalt  }
0x79: {  	_ =	shalt  }
0x7a: {  	_ =	shalt  }
0x7b: {  	_ =	shalt  }
0x7c: {  	_ =	shalt  }
0x7d: {  	_ =	shalt  }
0x7e: {  	_ =	shalt  }
0x7f: {  	_ =	shalt  }
0x80: {  	_ =	shalt  }
0x81: {  	_ =	shalt  }
0x82: {  	_ =	shalt  }
0x83: {  	_ =	shalt  }
0x84: {  	_ =	shalt  }
0x85: {  	_ =	shalt  }
0x86: {  	_ =	shalt  }
0x87: {  	_ =	shalt  }
.Lfunc_end0:
.L_simem_size_0:
called_computation.2_lowered:
.L_overlay_start_0:
0x88: {  	s2 =	sld [smem:$0x3FD9]  }
0x89: {  	s3 =	sld [smem:$0x3FFE];
	_ =	sdelay $0x1  }
0x8a: {  	s1 =	srdreg.scid  }
0x8b: {  	s0 =	sand.u32 $0x1, s1  }
0x8c: {  	s14 =	sshll.u32 s0, $0xA;
	s2 =	sadd.s32 s3, s2  }
0x8d: {  	s2 =	sadd.s32 s2, s14  }
0x8e: {  	[smem:$0x3F97] =	sst s2  }
0x8f: {  	_ = 	snop  }
0x90: {  	s2 =	sld [smem:$0x3FD0];
	_ =	sdelay $0x2  }
0x91: {  	s15 =	simm.s32 $0xA;
	s4 =	simm.s32 $0x10  }
0x92: {  	[smem:s4], [sflag:s15] =	dma.local [hbm:s2], $0x1  }
0x93: {  	_ =	swait.eq [sflag:s15], $0x1  }
0x94: {  	[sflag:s15] =	ssyncset.done $0x0  }
0x95: {  	s16 =	sld [smem:$0x11];
	[sflag:s15] =	ssyncadd.s32 $0xFFFFFFFF  }
0x96: {  	s17 =	sld [smem:$0x15];
	(tm) =	ssettm $0x1  }
0x97: {  	s18 =	sld [smem:$0x3FFB];
	_ =	sdelay $0x3  }
0x98: {  	_ =	strace s18  }
0x99: {  	s4 =	sld [smem:$0x3FFC];
	_ =	sdelay $0x3  }
0x9a: {  	_ =	strace s4  }
0x9b: {  	s4 =	sld [smem:$0x3FFD];
	_ =	sdelay $0x3  }
0x9c: {  	_ =	strace s4  }
0x9d: {  	_ =	strace $0x8FFFFFFF  }
0x9e: {  	s19 =	sld [smem:$0x3FDB];
	_ =	sdelay $0x1  }
0x9f: {  	s5 =	simm.s32 $_scs_section_size  }
0xa0: {  	s6 =	simm.s32 $_size__tile_overlayer_lowered;
	s7 =	simm.s32 $_tile_overlayer_lowered  }
0xa1: {  	s22 =	simm.s32 $0x1BFF;
	s21 =	sshll.u32 s7, $0x1;
	s4 =	sadd.s32 s5, s19  }
0xa2: {  	s8 =	simm.s32 $0x0;
	s20 =	sshll.u32 s6, $0x1;
	s6 =	sadd.s32 s21, s4  }
0xa3: {  	[timem:s8], [sflag:s22] =	dma.local [hbm:s6], s20  }
0xa4: {  	_ =	swait.ge [sflag:s22], s20  }
0xa5: {  	s5 =	ssub.s32 $0x0, s20;
	[sflag:s22] =	ssyncset.done $0x0  }
0xa6: {  	[sflag:s22] =	ssyncadd.s32 s5;
	_ =	sdelay $0x1  }
0xa7: {  	s23 =	simm.s32 $0x1B8B  }
0xa8: {  	_ =	swait.ge [sflag:s23], $0x1  }
0xa9: {  	[sflag:s23] =	ssyncset.done $0x0  }
0xaa: {  	s25 =	simm.s32 $0x1B8E;
	s24 =	sld [smem:$0x3FFE];
	[sflag:s23] =	ssyncadd.s32 $0xFFFFFFFF  }
0xab: {  	s26 =	simm.s32 $execute0_lowered;
	[smem:$0x3FD2] =	sst s25  }
0xac: {  	s6 =	sshll.u32 s26, $0x1;
	_ =	strace $0x8000004C;
	[dreg:$0x1] =	wrdreg $0xFFFFFFFF  }
0xad: {  	s28 =	simm.s32 $_size_execute0_lowered;
	s4 =	sadd.s32 s4, s6;
	[dreg:$0x0] =	wrdreg $0x0  }
0xae: {  	s6 =	sshll.u32 s28, $0x1;
	[dreg:$0x2] =	wrdreg s4  }
0xaf: {  	[dreg:$0x3] =	wrdreg s6  }
0xb0: {  	[dreg:$0x4] =	wrdreg $0xC0  }
0xb1: {  	_ =	task [dreg:s8], $0x5FFFF  }
0xb2: {  	[dreg:$0x1] =	wrdreg $0xFFFFFFFF  }
0xb3: {  	[dreg:$0x0] =	wrdreg $0x60  }
0xb4: {  	[dreg:$0x2] =	wrdreg s17  }
0xb5: {  	[dreg:$0x3] =	wrdreg s16  }
0xb6: {  	[dreg:$0x4] =	wrdreg s24  }
0xb7: {  	[dreg:$0x5] =	wrdreg $0x9  }
0xb8: {  	_ =	task.clear_ibuf [dreg:s8], $0x6FFFF;
	_ =	strace $0x9000004C  }
0xb9: {  	s29 =	simm.s32 $0x9;
	_ =	strace $0x8000004E  }
0xba: {  	_ =	swait.ge [sflag:s29], $0x1  }
0xbb: {  	[sflag:s29] =	ssyncadd.s32 $0xFFFFFFFF  }
0xbc: {  	_ =	strace $0x9000004E  }
0xbd: {  	_ =	sfence  }
0xbe: {  	s30 =	sld [smem:$0x0];
	_ =	sdelay $0x2  }
0xbf: {  	s31 =	sshll.u32 s1, $0xD;
	s1 =	sshrl.u32 s1, $0x2  }
0xc0: {  	s3 =	sand.u32 $0x4000, s31;
	s1 =	sadd.s32 s1, s30  }
0xc1: {  	s0 =	sor.u32 s3, s0;
	s1 =	sshll.u32 s1, $0x11  }
0xc2: {  	s0 =	sor.u32 s1, s0  }
0xc3: {  	s0 =	sadd.s32 $0x8F2B, s0  }
0xc4: {  	[sflag:s0] =	ssyncadd.remote.s32 $0x1  }
0xc5: {  	_ =	sfence.sel $0xFFFF  }
0xc6: {  	[dreg:$0x0] =	wrdreg $0xFFFFFFFF;
	(pc) =	sbr.abs _section_cstart, $3  }
0xc7: {  	[dreg:$0x1] =	wrdreg $0xFFFFFFFF  }
0xc8: {  	_ =	task.clear_ibuf [dreg:s8], $0x2FFFF;
	_ =	strace $0x9FFFFFFF  }
0xc9: {  	(tm) =	ssettm $0x7FFFFFFF  }
tec
execute0_lowered:
.L_overlay_start_1:
0x0: {  	(tag) =	ssettag $0x1  }
0x1: {  	s1 =	rddreg [dreg:$0x0];
	s2 =	srdreg.scid  }
0x2: {  	s8 =	rddreg [dreg:$0x1];
	s0 =	stileid.u32;
	s12 =	sand.u32 $0x1, s2  }
0x3: {  	s11 =	rddreg [dreg:$0x2];
	s4 =	sshll.u32 s0, $0xA;
	s5 =	sshll.u32 s12, $0x9  }
0x4: {  	s3 =	simm.s32 $0x0;
	s2 =	rddreg [dreg:$0x3];
	s13 =	sor.u32 s5, s4  }
0x5: {  	[smem:$0x7FF] =	sst s3;
	s4 =	sshrl.u32 s13, $0x3  }
0x6: {  	_ =	strace $0x8000004D;
	s5 =	simm.s32 $0x3;
	s4 =	sadd.s32 s8, s4  }
0x7: {  	[tilespmem:s3], [sflag:$0x3] =	stream.linear.gather [hbm4b:s4+s3], $0x100, $0x38;
	[tilespmem:$0x12200] =	vst v63  }
0x8: {  	_ =	swait.ge [sflag:s5], $0x100  }
0x9: {  	s6 =	simm.s32 $0x100;
	s14 =	sor.u32 $0x100, s13;
	[sflag:s5] =	ssyncset.done $0x0  }
0xa: {  	s7 =	simm.s32 $0x200;
	s9 =	sshrl.u32 s14, $0x3;
	[sflag:s5] =	ssyncadd.s32 $0xFFFFFF00  }
0xb: {  	[tilespmem:s7], [sflag:$0x1] =	stream.indirect.gather [hbm4b:s1+s6], $0x90, s3, s6, $0xb8;
	[tilespmem:$0x12200] =	vst v63  }
0xc: {  	s8 =	sadd.s32 s8, s9  }
0xd: {  	[tilespmem:s6], [sflag:$0x3] =	stream.linear.gather [hbm4b:s8+s3], $0x100, $0x38;
	[tilespmem:$0x12200] =	vst v63  }
0xe: {  	_ =	swait.ge [sflag:s5], $0x100  }
0xf: {  	[sflag:s5] =	ssyncset.done $0x0  }
0x10: {  	s10 =	simm.s32 $0x1;
	s9 =	simm.s32 $0x9200;
	[sflag:s5] =	ssyncadd.s32 $0xFFFFFF00  }
0x11: {  	[tilespmem:s9], [sflag:$0x1] =	stream.indirect.gather [hbm4b:s1+s6], $0x90, s6, s6, $0xb8;
	[tilespmem:$0x12200] =	vst v63  }
0x12: {  	s13 =	smul.u32 $0x12, s13;
	_ =	swait.ge [sflag:s10], $0x9000  }
0x13: {  	s15 =	sadd.s32 $0x8600, s11;
	s30 =	ssub.s32 $0x2, s12;
	[sflag:s10] =	ssyncset.done $0x0  }
0x14: {  	s31 =	sshrl.u32 s30, $0x1;
	s11 =	sadd.s32 s15, s13;
	[sflag:s10] =	ssyncadd.s32 $0xFFFF7000  }
0x15: {  	[hbm4b:s11+s3] =	stream.linear.scatter [tilespmem:s7], [sflag:$0x2], $0x9000, $0x38;
	[tilespmem:$0x12200] =	vst v63  }
0x16: {  	s29 =	smul.u32 $0x12, s14;
	s14 =	ssub.s32 s30, s31;
	_ =	swait.ge [sflag:s10], $0x9000  }
0x17: {  	s12 =	simm.s32 $0x2;
	s14 =	smax.u32 s14, $0x1;
	[sflag:s10] =	ssyncset.done $0x0  }
0x18: {  	s13 =	sadd.s32 s15, s29;
	p0 =	sne.s32 s14, $0x1;
	[sflag:s10] =	ssyncadd.s32 $0xFFFF7000  }
0x19: {  	[hbm4b:s13+s3] =	stream.linear.scatter [tilespmem:s9], [sflag:$0x2], $0x9000, $0x38;
	[tilespmem:$0x12200] =	vst v63  }
.Ltmp0:
0x1a: {  	_ =	swait.ge [sflag:s12], $0x9000;
	(pc) =	sbr.rel @!p0 .LBB2_2-.Ltmp0, $4  }
0x1b: {  	[sflag:s12] =	ssyncset.done $0x0  }
0x1c: {  	[sflag:s12] =	ssyncadd.s32 $0xFFFF7000  }
0x1d: {  	_ =	swait.ge [sflag:s12], $0x9000  }
0x1e: {  	s14 =	sadd.s32 $0xFFFFFFFF, s14;
	[sflag:s12] =	ssyncset.done $0x0  }
.LBB2_1:
0x1f: {  	p0 =	sne.s32 s14, $0x1;
	s14 =	sadd.s32 $0xFFFFFFFF, s14;
	[sflag:s12] =	ssyncadd.s32 $0xFFFF7000  }
0x20: {  	[tilespmem:s3], [sflag:$0x3] =	stream.linear.gather [hbm4b:s4+s3], $0x100, $0x38;
	[tilespmem:$0x12200] =	vst v63  }
0x21: {  	_ =	swait.ge [sflag:s5], $0x100  }
0x22: {  	[sflag:s5] =	ssyncset.done $0x0  }
0x23: {  	[sflag:s5] =	ssyncadd.s32 $0xFFFFFF00  }
0x24: {  	[tilespmem:s7], [sflag:$0x1] =	stream.indirect.gather [hbm4b:s1+s6], $0x90, s3, s6, $0xb8;
	[tilespmem:$0x12200] =	vst v63  }
0x25: {  	_ = 	snop  }
0x26: {  	[tilespmem:s6], [sflag:$0x3] =	stream.linear.gather [hbm4b:s8+s3], $0x100, $0x38;
	[tilespmem:$0x12200] =	vst v63  }
0x27: {  	_ =	swait.ge [sflag:s5], $0x100  }
0x28: {  	[sflag:s5] =	ssyncset.done $0x0  }
0x29: {  	[sflag:s5] =	ssyncadd.s32 $0xFFFFFF00  }
0x2a: {  	[tilespmem:s9], [sflag:$0x1] =	stream.indirect.gather [hbm4b:s1+s6], $0x90, s6, s6, $0xb8;
	[tilespmem:$0x12200] =	vst v63  }
0x2b: {  	_ =	swait.ge [sflag:s10], $0x9000  }
0x2c: {  	[sflag:s10] =	ssyncset.done $0x0  }
0x2d: {  	[sflag:s10] =	ssyncadd.s32 $0xFFFF7000  }
0x2e: {  	[hbm4b:s11+s3] =	stream.linear.scatter [tilespmem:s7], [sflag:$0x2], $0x9000, $0x38;
	[tilespmem:$0x12200] =	vst v63  }
0x2f: {  	_ =	swait.ge [sflag:s10], $0x9000  }
0x30: {  	[sflag:s10] =	ssyncset.done $0x0  }
0x31: {  	[sflag:s10] =	ssyncadd.s32 $0xFFFF7000  }
0x32: {  	[hbm4b:s13+s3] =	stream.linear.scatter [tilespmem:s9], [sflag:$0x2], $0x9000, $0x38;
	[tilespmem:$0x12200] =	vst v63  }
.Ltmp1:
0x33: {  	_ =	swait.ge [sflag:s12], $0x9000;
	(pc) =	sbr.rel @p0 .LBB2_1-.Ltmp1, $4  }
0x34: {  	[sflag:s12] =	ssyncset.done $0x0  }
0x35: {  	[sflag:s12] =	ssyncadd.s32 $0xFFFF7000  }
0x36: {  	_ =	swait.ge [sflag:s12], $0x9000  }
0x37: {  	[sflag:s12] =	ssyncset.done $0x0  }
.LBB2_2:
0x38: {  	[sflag:s12] =	ssyncadd.s32 $0xFFFF7000  }
0x39: {  	_ =	sfence.sel $0x180000  }
0x3a: {  	[bflag:$0x0] =	sbarrier.arrive $0xFFFF  }
0x3b: {  	p0 =	sne.s32 s0, $0x0;
	_ =	strace $0x9000004D  }
0x3c: {  	s0 =	sadd.s32 @!p0 $0x100000, s2;
	[bflag:$0x2] =	sbarrier.arrive $0xFFFF  }
0x3d: {  	[sflag:s0] =	ssyncadd.tile.s32 @!p0 $0x1;
	_ =	shalt  }
.Lfunc_end2:
_tile_overlayer_lowered:
.L_overlay_start_2:
0x3e: {  	(tag) =	ssettag $0x2  }
0x3f: {  	s0 =	rddreg [dreg:$0x0];
	s2 =	stileid.u32  }
0x40: {  	s1 =	rddreg [dreg:$0x1];
	p0 =	sne.s32 s2, $0x0  }
0x41: {  	s3 =	rddreg [dreg:$0x2];
	[bflag:$0x3] =	sbarrier.arrive $0xFFFF;
	s2 =	simm.s32 @!p0 $0x1C03  }
0x42: {  	[timem:s3], [sflag:s2] =	dma.local @!p0 [hbm:s0], s1  }
0x43: {  	s0 =	simm.s32 @!p0 $0x3  }
0x44: {  	_ =	swait.ge @!p0 [sflag:s0], s1  }
0x45: {  	s1 =	ssub.s32 @!p0 $0x0, s1;
	[sflag:s0] =	ssyncset.done @!p0 $0x0  }
0x46: {  	[sflag:s0] =	ssyncadd.s32 @!p0 s1  }
0x47: {  	[bflag:$0x3] =	sbarrier.arrive $0xFFFF  }
0x48: {  	_ =	shalt  }

// kernel: kernel.27.cloned.1.call-start
scs
__scs_entry_jumppad:
0x0: {  	(pc) =	sbr.rel $0x88, $3  }
0x1: {  	(tag) =	ssettag $0x0;
	lr =	simm.s32 $0x1  }
0x2: {  	[smem:$0x3F70] =	sst lr;
	_ =	strace $0xD0000000  }
0x3: {  	_ = 	snop  }
0x4: {  	_ = 	snop  }
0x5: {  	_ = 	snop  }
0x6: {  	_ = 	snop  }
0x7: {  	_ = 	snop  }
__scs_overlays_trampoline_lowered:
0x8: {  	[smem:$0x3F7F] =	sst s0  }
0x9: {  	[smem:$0x3F80] =	sst s1  }
0xa: {  	[smem:$0x3F81] =	sst s2  }
0xb: {  	[smem:$0x3F82] =	sst s3  }
0xc: {  	[smem:$0x3F83] =	sst s4  }
0xd: {  	[smem:$0x3F84] =	sst s5  }
0xe: {  	[smem:$0x3F85] =	sst s6  }
0xf: {  	[smem:$0x3F86] =	sst s7  }
0x10: {  	[smem:$0x3F87] =	sst s8  }
0x11: {  	[smem:$0x3F88] =	sst s9;
	s0 =	simm.s32 @!p0 $0x0  }
0x12: {  	s1 =	sld [smem:$0x3F6E];
	s0 =	simm.s32 @p0 $0x1  }
0x13: {  	[smem:$0x3F89] =	sst s0;
	s0 =	simm.s32 @!p1 $0x0  }
0x14: {  	s2 =	sld [smem:$0x3F6D];
	s0 =	simm.s32 @p1 $0x1  }
0x15: {  	[smem:$0x3F8A] =	sst s0;
	s0 =	simm.s32 @!p2 $0x0  }
0x16: {  	s3 =	sld [smem:$0x3FDB];
	s0 =	simm.s32 @p2 $0x1  }
0x17: {  	s4 =	simm.s32 $0x1BF5;
	[smem:$0x3F8C] =	sst s0  }
0x18: {  	s0 =	sld [smem:$0x3F6F];
	_ =	swait.ge [sflag:s4], $0x0  }
0x19: {  	s7 =	sld [smem:$0x3F70]  }
0x1a: {  	s8 =	sadd.s32 $0xFFFFE003, lr  }
0x1b: {  	s9 =	sadd.s32 $0xFFFFFEF7, lr;
	s5 =	simm.s32 $0xFFFFFFFF;
	p2 =	slt.u32 s8, $0xFFFFF086  }
0x1c: {  	p1 =	slt.u32 s9, $0xF7A;
	s5 =	simm.s32 @!p2 $0x0  }
0x1d: {  	s5 =	simm.s32 @p1 $0x1;
	p0 =	seq.s32 s7, s2  }
0x1e: {  	s7 =	smul.u32 @!p0 $0xF7A, s2;
	p2 =	seq.s32 @!p0 s5, $0x0  }
0x1f: {  	s9 =	smul.u32 $0xF7A, s1;
	s8 =	simm.s32 @!p0 $0x1BF5;
	p2 =	por !p2, p0  }
0x20: {  	[sflag:s8] =	ssyncset.s32 @!p0 $0xFFFFF086;
	s6 =	sadd.s32 @!p0 s3, s7;
	s7 =	simm.s32 @!p0 $0x108  }
0x21: {  	s3 =	sadd.s32 s3, s9;
	s6 =	sadd.s32 @!p0 $0x88, s6;
	s7 =	simm.s32 @p2 $0x1082  }
0x22: {  	[simem:s7], [sflag:s8] =	dma.local @!p0 [hbm:s6], $0xF7A  }
0x23: {  	s9 =	sor.u32 $0xD0000000, s2;
	s6 =	simm.s32 $0x108;
	_ =	swait.ge @!p0 [sflag:s8], $0x0  }
0x24: {  	s3 =	sadd.s32 $0x88, s3;
	s6 =	simm.s32 @!p1 $0x1082;
	[sflag:s4] =	ssyncset.s32 $0xFFFFF086  }
0x25: {  	[simem:s6], [sflag:s4] =	dma.local [hbm:s3], $0xF7A  }
0x26: {  	[smem:$0x3F70] =	sst s1;
	(tag) =	ssettag s2;
	_ =	strace s9  }
0x27: {  	s1 =	sld [smem:$0x3F80]  }
0x28: {  	s2 =	sld [smem:$0x3F81]  }
0x29: {  	s4 =	sld [smem:$0x3F83]  }
0x2a: {  	p0 =	seq.s32 s5, $0x0;
	s5 =	sld [smem:$0x3F84]  }
0x2b: {  	s6 =	sld [smem:$0x3F85]  }
0x2c: {  	s7 =	sld [smem:$0x3F86]  }
0x2d: {  	s3 =	simm.s32 $0x108;
	s8 =	sld [smem:$0x3F87]  }
0x2e: {  	s3 =	simm.s32 @!p0 $0x1082;
	s9 =	sld [smem:$0x3F88]  }
0x2f: {  	lr =	sadd.s32 s0, s3;
	s0 =	sld [smem:$0x3F7F]  }
0x30: {  	s3 =	sld [smem:$0x3F82]  }
0x31: {  	[smem:$0x3F8B] =	sst s10  }
0x32: {  	s10 =	sld [smem:$0x3F89];
	_ =	sdelay $0x3  }
0x33: {  	p0 =	seq.s32 s10, $0x1;
	s10 =	sld [smem:$0x3F8B];
	_ =	sdelay $0x3  }
0x34: {  	[smem:$0x3F8B] =	sst s10  }
0x35: {  	s10 =	sld [smem:$0x3F8A];
	_ =	sdelay $0x3  }
0x36: {  	p1 =	seq.s32 s10, $0x1;
	s10 =	sld [smem:$0x3F8B];
	_ =	sdelay $0x3  }
0x37: {  	[smem:$0x3F8B] =	sst s10  }
0x38: {  	s10 =	sld [smem:$0x3F8C]  }
0x39: {  	_ = 	snop;
	(pc) =	sbr.ind lr, $3  }
0x3a: {  	_ = 	snop  }
0x3b: {  	_ = 	snop  }
0x3c: {  	p2 =	seq.s32 s10, $0x1;
	s10 =	sld [smem:$0x3F8B]  }
0x3d: {  	_ =	shalt  }
0x3e: {  	_ =	shalt  }
0x3f: {  	_ =	shalt  }
0x40: {  	_ =	shalt  }
0x41: {  	_ =	shalt  }
0x42: {  	_ =	shalt  }
0x43: {  	_ =	shalt  }
0x44: {  	_ =	shalt  }
0x45: {  	_ =	shalt  }
0x46: {  	_ =	shalt  }
0x47: {  	_ =	shalt  }
0x48: {  	_ =	shalt  }
0x49: {  	_ =	shalt  }
0x4a: {  	_ =	shalt  }
0x4b: {  	_ =	shalt  }
0x4c: {  	_ =	shalt  }
0x4d: {  	_ =	shalt  }
0x4e: {  	_ =	shalt  }
0x4f: {  	_ =	shalt  }
0x50: {  	_ =	shalt  }
0x51: {  	_ =	shalt  }
0x52: {  	_ =	shalt  }
0x53: {  	_ =	shalt  }
0x54: {  	_ =	shalt  }
0x55: {  	_ =	shalt  }
0x56: {  	_ =	shalt  }
0x57: {  	_ =	shalt  }
0x58: {  	_ =	shalt  }
0x59: {  	_ =	shalt  }
0x5a: {  	_ =	shalt  }
0x5b: {  	_ =	shalt  }
0x5c: {  	_ =	shalt  }
0x5d: {  	_ =	shalt  }
0x5e: {  	_ =	shalt  }
0x5f: {  	_ =	shalt  }
0x60: {  	_ =	shalt  }
0x61: {  	_ =	shalt  }
0x62: {  	_ =	shalt  }
0x63: {  	_ =	shalt  }
0x64: {  	_ =	shalt  }
0x65: {  	_ =	shalt  }
0x66: {  	_ =	shalt  }
0x67: {  	_ =	shalt  }
0x68: {  	_ =	shalt  }
0x69: {  	_ =	shalt  }
0x6a: {  	_ =	shalt  }
0x6b: {  	_ =	shalt  }
0x6c: {  	_ =	shalt  }
0x6d: {  	_ =	shalt  }
0x6e: {  	_ =	shalt  }
0x6f: {  	_ =	shalt  }
0x70: {  	_ =	shalt  }
0x71: {  	_ =	shalt  }
0x72: {  	_ =	shalt  }
0x73: {  	_ =	shalt  }
0x74: {  	_ =	shalt  }
0x75: {  	_ =	shalt  }
0x76: {  	_ =	shalt  }
0x77: {  	_ =	shalt  }
0x78: {  	_ =	shalt  }
0x79: {  	_ =	shalt  }
0x7a: {  	_ =	shalt  }
0x7b: {  	_ =	shalt  }
0x7c: {  	_ =	shalt  }
0x7d: {  	_ =	shalt  }
0x7e: {  	_ =	shalt  }
0x7f: {  	_ =	shalt  }
0x80: {  	_ =	shalt  }
0x81: {  	_ =	shalt  }
0x82: {  	_ =	shalt  }
0x83: {  	_ =	shalt  }
0x84: {  	_ =	shalt  }
0x85: {  	_ =	shalt  }
0x86: {  	_ =	shalt  }
0x87: {  	_ =	shalt  }
.Lfunc_end0:
.L_simem_size_0:
called_computation.3_lowered:
.L_overlay_start_0:
0x88: {  	s2 =	sld [smem:$0x3FD9]  }
0x89: {  	s3 =	sld [smem:$0x3FFE];
	_ =	sdelay $0x1  }
0x8a: {  	s1 =	srdreg.scid  }
0x8b: {  	s0 =	sand.u32 $0x1, s1  }
0x8c: {  	s14 =	sshll.u32 s0, $0xA;
	s2 =	sadd.s32 s3, s2  }
0x8d: {  	s2 =	sadd.s32 s2, s14  }
0x8e: {  	[smem:$0x3F97] =	sst s2  }
0x8f: {  	_ = 	snop  }
0x90: {  	s2 =	sld [smem:$0x3FD0];
	_ =	sdelay $0x2  }
0x91: {  	s15 =	simm.s32 $0xA;
	s4 =	simm.s32 $0x10  }
0x92: {  	[smem:s4], [sflag:s15] =	dma.local [hbm:s2], $0x1  }
0x93: {  	_ =	swait.eq [sflag:s15], $0x1  }
0x94: {  	[sflag:s15] =	ssyncset.done $0x0  }
0x95: {  	[sflag:s15] =	ssyncadd.s32 $0xFFFFFFFF  }
0x96: {  	s2 =	sadd.s32 $0x1, s2;
	s5 =	sld [smem:$0x15]  }
0x97: {  	[smem:s4], [sflag:s15] =	dma.local [hbm:s2], $0x1  }
0x98: {  	_ =	swait.eq [sflag:s15], $0x1  }
0x99: {  	[sflag:s15] =	ssyncset.done $0x0  }
0x9a: {  	[sflag:s15] =	ssyncadd.s32 $0xFFFFFFFF  }
0x9b: {  	s16 =	sld [smem:$0x11];
	(tm) =	ssettm $0x1  }
0x9c: {  	s17 =	sld [smem:$0x3FFB];
	_ =	sdelay $0x3  }
0x9d: {  	_ =	strace s17  }
0x9e: {  	s3 =	sld [smem:$0x3FFC];
	_ =	sdelay $0x3  }
0x9f: {  	_ =	strace s3  }
0xa0: {  	s3 =	sld [smem:$0x3FFD];
	_ =	sdelay $0x3  }
0xa1: {  	_ =	strace s3  }
0xa2: {  	_ =	strace $0x8FFFFFFF  }
0xa3: {  	s18 =	sld [smem:$0x3FDB];
	_ =	sdelay $0x1  }
0xa4: {  	s19 =	simm.s32 $_scs_section_size  }
0xa5: {  	s6 =	simm.s32 $_size__tile_overlayer_lowered;
	s7 =	simm.s32 $_tile_overlayer_lowered  }
0xa6: {  	s22 =	simm.s32 $0x1BFF;
	s21 =	sshll.u32 s7, $0x1;
	s3 =	sadd.s32 s19, s18  }
0xa7: {  	s8 =	simm.s32 $0x0;
	s20 =	sshll.u32 s6, $0x1;
	s6 =	sadd.s32 s21, s3  }
0xa8: {  	[timem:s8], [sflag:s22] =	dma.local [hbm:s6], s20  }
0xa9: {  	_ =	swait.ge [sflag:s22], s20  }
0xaa: {  	s4 =	ssub.s32 $0x0, s20;
	[sflag:s22] =	ssyncset.done $0x0  }
0xab: {  	[sflag:s22] =	ssyncadd.s32 s4;
	_ =	sdelay $0x1  }
0xac: {  	s23 =	simm.s32 $0x1B8B  }
0xad: {  	_ =	swait.ge [sflag:s23], $0x1  }
0xae: {  	[sflag:s23] =	ssyncset.done $0x0  }
0xaf: {  	s25 =	simm.s32 $0x1B8E;
	s24 =	sld [smem:$0x3FFE];
	[sflag:s23] =	ssyncadd.s32 $0xFFFFFFFF  }
0xb0: {  	s26 =	simm.s32 $execute0_lowered;
	[smem:$0x3FD2] =	sst s25  }
0xb1: {  	s6 =	sshll.u32 s26, $0x1;
	_ =	strace $0x8000004F;
	[dreg:$0x1] =	wrdreg $0xFFFFFFFF  }
0xb2: {  	s28 =	simm.s32 $_size_execute0_lowered;
	s3 =	sadd.s32 s3, s6;
	[dreg:$0x0] =	wrdreg $0x0  }
0xb3: {  	s6 =	sshll.u32 s28, $0x1;
	[dreg:$0x2] =	wrdreg s3  }
0xb4: {  	[dreg:$0x3] =	wrdreg s6  }
0xb5: {  	[dreg:$0x4] =	wrdreg $0xC0  }
0xb6: {  	_ =	task [dreg:s8], $0x5FFFF  }
0xb7: {  	[dreg:$0x1] =	wrdreg $0xFFFFFFFF  }
0xb8: {  	[dreg:$0x0] =	wrdreg $0x60  }
0xb9: {  	[dreg:$0x2] =	wrdreg s5  }
0xba: {  	[dreg:$0x3] =	wrdreg s16  }
0xbb: {  	[dreg:$0x4] =	wrdreg s24  }
0xbc: {  	[dreg:$0x5] =	wrdreg $0x9  }
0xbd: {  	_ =	task.clear_ibuf [dreg:s8], $0x6FFFF;
	_ =	strace $0x9000004F  }
0xbe: {  	s29 =	simm.s32 $0x9;
	_ =	strace $0x80000051  }
0xbf: {  	_ =	swait.ge [sflag:s29], $0x1  }
0xc0: {  	[sflag:s29] =	ssyncadd.s32 $0xFFFFFFFF  }
0xc1: {  	_ =	strace $0x90000051  }
0xc2: {  	_ =	sfence  }
0xc3: {  	s30 =	sld [smem:$0x0];
	_ =	sdelay $0x2  }
0xc4: {  	s31 =	sshll.u32 s1, $0xD;
	s1 =	sshrl.u32 s1, $0x2  }
0xc5: {  	s3 =	sand.u32 $0x4000, s31;
	s1 =	sadd.s32 s1, s30  }
0xc6: {  	s0 =	sor.u32 s3, s0;
	s1 =	sshll.u32 s1, $0x11  }
0xc7: {  	s0 =	sor.u32 s1, s0  }
0xc8: {  	s0 =	sadd.s32 $0x8F2B, s0  }
0xc9: {  	[sflag:s0] =	ssyncadd.remote.s32 $0x1  }
0xca: {  	_ =	sfence.sel $0xFFFF  }
0xcb: {  	[dreg:$0x0] =	wrdreg $0xFFFFFFFF;
	(pc) =	sbr.abs _section_cstart, $3  }
0xcc: {  	[dreg:$0x1] =	wrdreg $0xFFFFFFFF  }
0xcd: {  	_ =	task.clear_ibuf [dreg:s8], $0x2FFFF;
	_ =	strace $0x9FFFFFFF  }
0xce: {  	(tm) =	ssettm $0x7FFFFFFF  }
0xcf: {  	_ =	shalt  }
tec
execute0_lowered:
.L_overlay_start_1:
0x0: {  	(tag) =	ssettag $0x1  }
0x1: {  	s1 =	rddreg [dreg:$0x0];
	s2 =	srdreg.scid  }
0x2: {  	s4 =	rddreg [dreg:$0x1];
	s0 =	stileid.u32  }
0x3: {  	s9 =	rddreg [dreg:$0x2];
	s3 =	simm.s32 $0x0;
	s6 =	sand.u32 $0x1, s2  }
0x4: {  	s5 =	sshll.u32 s0, $0x8;
	s2 =	rddreg [dreg:$0x3];
	s7 =	sshll.u32 s6, $0x7  }
0x5: {  	s8 =	simm.s32 $0x1;
	[smem:$0x7FF] =	sst s3;
	s7 =	sor.u32 s7, s5  }
0x6: {  	_ =	strace $0x80000050;
	s11 =	ssub.s32 $0x2, s6;
	s5 =	sshrl.u32 s7, $0x3  }
0x7: {  	s10 =	smul.u32 $0x22, s7;
	s4 =	sadd.s32 s4, s5;
	s5 =	simm.s32 $0x3  }
0x8: {  	[tilespmem:s3], [sflag:$0x3] =	stream.linear.gather [hbm4b:s4+s3], $0x80, $0x38;
	[tilespmem:$0x11100] =	vst v63  }
0x9: {  	s6 =	simm.s32 $0x80;
	s31 =	sshrl.u32 s11, $0x1;
	_ =	swait.ge [sflag:s5], $0x80  }
0xa: {  	s9 =	sadd.s32 s10, s9;
	s10 =	ssub.s32 s11, s31;
	[sflag:s5] =	ssyncset.done $0x0  }
0xb: {  	s7 =	simm.s32 $0x100;
	s11 =	smax.u32 s10, $0x1;
	[sflag:s5] =	ssyncadd.s32 $0xFFFFFF80  }
0xc: {  	[tilespmem:s7], [sflag:$0x1] =	stream.indirect.gather [hbm4b:s1+s6], $0x110, s3, s6, $0xb8;
	[tilespmem:$0x11100] =	vst v63  }
0xd: {  	p0 =	sne.s32 s11, $0x1;
	_ =	swait.ge [sflag:s8], $0x8800  }
.Ltmp0:
0xe: {  	[sflag:s8] =	ssyncset.done $0x0;
	(pc) =	sbr.rel @!p0 .LBB2_2-.Ltmp0, $4  }
0xf: {  	s9 =	sadd.s32 $0x8600, s9;
	s10 =	simm.s32 $0x2;
	[sflag:s8] =	ssyncadd.s32 $0xFFFF7800  }
0x10: {  	[hbm4b:s9+s3] =	stream.linear.scatter [tilespmem:s7], [sflag:$0x2], $0x8800, $0x38;
	[tilespmem:$0x11100] =	vst v63  }
0x11: {  	_ =	swait.ge [sflag:s10], $0x8800  }
0x12: {  	s11 =	sadd.s32 $0xFFFFFFFF, s11;
	[sflag:s10] =	ssyncset.done $0x0  }
.LBB2_1:
0x13: {  	p0 =	sne.s32 s11, $0x1;
	s11 =	sadd.s32 $0xFFFFFFFF, s11;
	[sflag:s10] =	ssyncadd.s32 $0xFFFF7800  }
0x14: {  	[tilespmem:s3], [sflag:$0x3] =	stream.linear.gather [hbm4b:s4+s3], $0x80, $0x38;
	[tilespmem:$0x11100] =	vst v63  }
0x15: {  	_ =	swait.ge [sflag:s5], $0x80  }
0x16: {  	[sflag:s5] =	ssyncset.done $0x0  }
0x17: {  	[sflag:s5] =	ssyncadd.s32 $0xFFFFFF80  }
0x18: {  	[tilespmem:s7], [sflag:$0x1] =	stream.indirect.gather [hbm4b:s1+s6], $0x110, s3, s6, $0xb8;
	[tilespmem:$0x11100] =	vst v63  }
0x19: {  	_ =	swait.ge [sflag:s8], $0x8800  }
.Ltmp1:
0x1a: {  	[sflag:s8] =	ssyncset.done $0x0;
	(pc) =	sbr.rel @p0 .LBB2_1-.Ltmp1, $4  }
0x1b: {  	[sflag:s8] =	ssyncadd.s32 $0xFFFF7800  }
0x1c: {  	[hbm4b:s9+s3] =	stream.linear.scatter [tilespmem:s7], [sflag:$0x2], $0x8800, $0x38;
	[tilespmem:$0x11100] =	vst v63  }
0x1d: {  	_ =	swait.ge [sflag:s10], $0x8800  }
0x1e: {  	[sflag:s10] =	ssyncset.done $0x0  }
.LBB2_2:
0x1f: {  	[sflag:s10] =	ssyncadd.s32 $0xFFFF7800  }
0x20: {  	_ =	sfence.sel $0x180000  }
0x21: {  	[bflag:$0x0] =	sbarrier.arrive $0xFFFF  }
0x22: {  	p0 =	sne.s32 s0, $0x0;
	_ =	strace $0x90000050  }
0x23: {  	s0 =	sadd.s32 @!p0 $0x100000, s2;
	[bflag:$0x2] =	sbarrier.arrive $0xFFFF  }
0x24: {  	[sflag:s0] =	ssyncadd.tile.s32 @!p0 $0x1;
	_ =	shalt  }
.Lfunc_end2:
_tile_overlayer_lowered:
.L_overlay_start_2:
0x25: {  	(tag) =	ssettag $0x2  }
0x26: {  	s0 =	rddreg [dreg:$0x0];
	s2 =	stileid.u32  }
0x27: {  	s1 =	rddreg [dreg:$0x1];
	p0 =	sne.s32 s2, $0x0  }
0x28: {  	s3 =	rddreg [dreg:$0x2];
	[bflag:$0x3] =	sbarrier.arrive $0xFFFF;
	s2 =	simm.s32 @!p0 $0x1C03  }
0x29: {  	[timem:s3], [sflag:s2] =	dma.local @!p0 [hbm:s0], s1  }
0x2a: {  	s0 =	simm.s32 @!p0 $0x3  }
0x2b: {  	_ =	swait.ge @!p0 [sflag:s0], s1  }
0x2c: {  	s1 =	ssub.s32 @!p0 $0x0, s1;
	[sflag:s0] =	ssyncset.done @!p0 $0x0  }
0x2d: {  	[sflag:s0] =	ssyncadd.s32 @!p0 s1  }
0x2e: {  	[bflag:$0x3] =	sbarrier.arrive $0xFFFF  }
0x2f: {  	_ =	shalt  }

</sc_bundles>
